<compile_context>
chip_gen: v7x
topology: tpu7x:2x2x1
jax: 0.10.2.dev20260603
libtpu: 0.0.44.dev20260713+nightly
codegen_flags: <defaults>
</compile_context>

<pallas_src>
import functools

import jax
import jax.numpy as jnp
from jax import lax
from jax.experimental import pallas as pl
from jax.experimental.pallas import tpu as pltpu
from jax.experimental.pallas import tpu_sc as plsc

N_NODES = 10000
N_REL = 4
D_IN = 256
D_OUT = 256
DW = 272
E = 40000
LANES = 16
NC = 2
NS = 16
NW = NC * NS
E_WORK = 1280
E_PAD = NW * E_WORK
LCAP = E_WORK + 64
SEG = E_WORK
CHUNK = 64
KMAX = SEG // CHUNK
HALF = N_NODES // NC
ACC_ROWS = 5024
OUT_UNIT = 40
N_UNITS = HALF // OUT_UNIT


def _scalar(v16):
    return lax.reduce_max(v16, axes=(0,))


def _router_body(src_hbm, dst_hbm, rsrc_hbm, rldst_hbm, rcnt_hbm,
                 sv_all, dv_all, l0s, l0d, l1s, l1d, cbuf):
    i32 = jnp.int32
    cid = lax.axis_index("c").astype(i32)
    sid = lax.axis_index("s").astype(i32)
    w = cid * i32(NS) + sid

    for r in range(N_REL):
        r = i32(r)
        ebase = w * i32(E_WORK)
        pltpu.sync_copy(src_hbm.at[r, pl.ds(ebase, E_WORK)], sv_all)
        pltpu.sync_copy(dst_hbm.at[r, pl.ds(ebase, E_WORK)], dv_all)

        def step(i, carry):
            c0, c1 = carry
            i = i.astype(jnp.int32)
            sv = sv_all[pl.ds(i * LANES, LANES)]
            dv = dv_all[pl.ds(i * LANES, LANES)]
            m0 = dv < i32(HALF)
            m1 = (dv >= i32(HALF)) & (dv < i32(N_NODES))
            inc0 = plsc.cumsum(jnp.where(m0, i32(1), i32(0)))
            inc1 = plsc.cumsum(jnp.where(m1, i32(1), i32(0)))
            pos0 = jnp.maximum(c0 + inc0 - i32(1), i32(0))
            pos1 = jnp.maximum(c1 + inc1 - i32(1), i32(0))
            plsc.store_scatter(l0s, [pos0], sv, mask=m0)
            plsc.store_scatter(l0d, [pos0], dv, mask=m0)
            plsc.store_scatter(l1s, [pos1], sv, mask=m1)
            plsc.store_scatter(l1d, [pos1], dv - i32(HALF), mask=m1)
            n0 = _scalar(inc0)
            n1 = _scalar(inc1)
            return c0 + n0, c1 + n1

        c0, c1 = pl.loop(i32(0), i32(E_WORK // LANES),
                         init_carry=(i32(0), i32(0)))(step)

        trash = i32(HALF) + (w % i32(NS))
        for t in range(4):
            off = i32(t * LANES)
            zs = jnp.zeros((LANES,), jnp.int32)
            ts = jnp.full((LANES,), 0, jnp.int32) + trash
            l0s[pl.ds(c0 + off, LANES)] = zs
            l0d[pl.ds(c0 + off, LANES)] = ts
            l1s[pl.ds(c1 + off, LANES)] = zs
            l1d[pl.ds(c1 + off, LANES)] = ts
        c0p = ((c0 + i32(63)) // i32(64)) * i32(64)
        c1p = ((c1 + i32(63)) // i32(64)) * i32(64)

        @pl.loop(i32(0), i32(KMAX))
        def _f(k):
            k = k.astype(jnp.int32)

            @pl.when(k * i32(CHUNK) < c0p)
            def _():
                pltpu.sync_copy(l0s.at[pl.ds(k * CHUNK, CHUNK)],
                                rsrc_hbm.at[r, i32(0), w, k])
                pltpu.sync_copy(l0d.at[pl.ds(k * CHUNK, CHUNK)],
                                rldst_hbm.at[r, i32(0), w, k])

            @pl.when(k * i32(CHUNK) < c1p)
            def _():
                pltpu.sync_copy(l1s.at[pl.ds(k * CHUNK, CHUNK)],
                                rsrc_hbm.at[r, i32(1), w, k])
                pltpu.sync_copy(l1d.at[pl.ds(k * CHUNK, CHUNK)],
                                rldst_hbm.at[r, i32(1), w, k])

        cbuf[pl.ds(i32(0), LANES)] = jnp.zeros((LANES,), jnp.int32) + c0p
        pltpu.sync_copy(cbuf, rcnt_hbm.at[r, i32(0), w])
        cbuf[pl.ds(i32(0), LANES)] = jnp.zeros((LANES,), jnp.int32) + c1p
        pltpu.sync_copy(cbuf, rcnt_hbm.at[r, i32(1), w])


@jax.jit
def _route(src, dst):
    mesh = plsc.VectorSubcoreMesh(core_axis_name="c", subcore_axis_name="s")
    f = pl.kernel(
        _router_body,
        out_type=(
            jax.ShapeDtypeStruct((N_REL, NC, NW, KMAX, CHUNK), jnp.int32),
            jax.ShapeDtypeStruct((N_REL, NC, NW, KMAX, CHUNK), jnp.int32),
            jax.ShapeDtypeStruct((N_REL, NC, NW, LANES), jnp.int32),
        ),
        mesh=mesh,
        scratch_types=[
            pltpu.VMEM((E_WORK,), jnp.int32),
            pltpu.VMEM((E_WORK,), jnp.int32),
            pltpu.VMEM((LCAP,), jnp.int32),
            pltpu.VMEM((LCAP,), jnp.int32),
            pltpu.VMEM((LCAP,), jnp.int32),
            pltpu.VMEM((LCAP,), jnp.int32),
            pltpu.VMEM((LANES,), jnp.int32),
        ],
        compiler_params=pltpu.CompilerParams(use_tc_tiling_on_sc=False,
                                             needs_layout_passes=False),
    )
    return f(src, dst)


def _agg_body(xa_hbm, rsrc_hbm, rldst_hbm, rcnt_hbm, out_hbm,
              acc_sh, sidx, lidx, rows2, zrow_v, cbuf, sems):
    i32 = jnp.int32
    cid = lax.axis_index("c").astype(i32)
    sid = lax.axis_index("s").astype(i32)
    base_dst = cid * i32(HALF)

    @pl.loop(i32(0), i32(DW // LANES))
    def _zb(j):
        j = j.astype(jnp.int32)
        for i in range(8):
            zrow_v[i, pl.ds(j * LANES, LANES)] = jnp.zeros((LANES,), jnp.float32)

    for r in range(N_REL):
        r = i32(r)

        @pl.loop(i32(0), i32((ACC_ROWS // 8 + NS - 1) // NS))
        def _z(k):
            zu = sid + k.astype(jnp.int32) * i32(NS)

            @pl.when(zu < i32(ACC_ROWS // 8))
            def _():
                pltpu.sync_copy(zrow_v, acc_sh.at[pl.ds(zu * 8, 8)])

        plsc.subcore_barrier()

        for seg in range(2):
            w = sid + i32(seg * NS)
            pltpu.sync_copy(rcnt_hbm.at[r, cid, w], cbuf)
            n = _scalar(cbuf[pl.ds(i32(0), LANES)])
            nch = n // i32(CHUNK)
            pltpu.sync_copy(rsrc_hbm.at[r, cid, w], sidx)
            pltpu.sync_copy(rldst_hbm.at[r, cid, w], lidx)

            def fetch(k, b):
                pltpu.async_copy(xa_hbm.at[sidx.at[k]],
                                 rows2.at[i32(b)], sems.at[i32(b)])

            def wait_gather(b):
                pltpu.make_async_copy(
                    xa_hbm.at[pl.ds(i32(0), CHUNK)],
                    rows2.at[i32(b)], sems.at[i32(b)]).wait()

            @pl.when(i32(0) < nch)
            def _():
                fetch(i32(0), 0)

            @pl.when(i32(1) < nch)
            def _():
                fetch(i32(1), 1)

            @pl.loop(i32(0), i32(KMAX), step=i32(2))
            def _e(j):
                j = j.astype(jnp.int32)
                for b in range(2):
                    jj = j + i32(b)

                    @pl.when(jj < nch)
                    def _():
                        wait_gather(b)
                        pltpu.sync_copy(rows2.at[i32(b)],
                                        acc_sh.at[lidx.at[jj]], add=True)

                        @pl.when(jj + i32(2) < nch)
                        def _():
                            fetch(jj + i32(2), b)

        plsc.subcore_barrier()

        @pl.loop(i32(0), i32((N_UNITS + NS - 1) // NS))
        def _w(k):
            u = sid + k.astype(jnp.int32) * i32(NS)

            @pl.when(u < i32(N_UNITS))
            def _():
                pltpu.sync_copy(
                    acc_sh.at[pl.ds(u * OUT_UNIT, OUT_UNIT)],
                    out_hbm.at[r, pl.ds(base_dst + u * OUT_UNIT, OUT_UNIT)])

        plsc.subcore_barrier()


@jax.jit
def _sc_aggregate(xa, rsrc, rldst, rcnt):
    mesh = plsc.VectorSubcoreMesh(core_axis_name="c", subcore_axis_name="s")
    f = pl.kernel(
        _agg_body,
        out_type=jax.ShapeDtypeStruct((N_REL, N_NODES, DW), jnp.float32),
        mesh=mesh,
        scratch_types=[
            pltpu.VMEM_SHARED((ACC_ROWS, DW), jnp.float32),
            pltpu.VMEM((KMAX, CHUNK), jnp.int32),
            pltpu.VMEM((KMAX, CHUNK), jnp.int32),
            pltpu.VMEM((2, CHUNK, DW), jnp.float32),
            pltpu.VMEM((8, DW), jnp.float32),
            pltpu.VMEM((LANES,), jnp.int32),
            pltpu.SemaphoreType.DMA((2,)),
        ],
        compiler_params=pltpu.CompilerParams(use_tc_tiling_on_sc=False,
                                             needs_layout_passes=False),
    )
    return f(xa, rsrc, rldst, rcnt)


def _wcat_body(coeff_ref, w2d_ref, wself_ref, o_ref):
    wall = jnp.dot(coeff_ref[...], w2d_ref[...],
                   preferred_element_type=jnp.float32,
                   precision=jax.lax.Precision.HIGHEST)
    o_ref[: N_REL * D_IN, :] = wall.reshape(N_REL * D_IN, D_OUT)
    o_ref[N_REL * D_IN:, :] = wself_ref[...]


def _combine_wcat(coeff_mat, w2d, W_self):
    return pl.pallas_call(
        _wcat_body,
        out_shape=jax.ShapeDtypeStruct(((N_REL + 1) * D_IN, D_OUT), jnp.float32),
    )(coeff_mat, w2d, W_self)


def _z0(i):
    return i * 0


BM = 400


def _tc_body(s_ref, x_ref, wcat_ref, bias_ref, o_ref):
    parts = []
    for r in range(N_REL):
        cnt = s_ref[r, :, D_IN:D_IN + 1]
        sm = s_ref[r, :, :D_IN]
        parts.append(jnp.where(cnt > 0, sm / jnp.maximum(cnt, 1.0), 0.0))
    parts.append(x_ref[...])
    xin = jnp.concatenate(parts, axis=1)
    acc = jnp.dot(xin, wcat_ref[...], preferred_element_type=jnp.float32)
    o_ref[...] = jnp.maximum(acc + bias_ref[...], 0.0)


def _tc_combine(s, x, wcat, bias2d):
    grid = (N_NODES // BM,)
    return pl.pallas_call(
        _tc_body,
        grid=grid,
        in_specs=[
            pl.BlockSpec((N_REL, BM, DW), lambda i: (_z0(i), i, _z0(i))),
            pl.BlockSpec((BM, D_IN), lambda i: (i, _z0(i))),
            pl.BlockSpec(((N_REL + 1) * D_IN, D_OUT),
                         lambda i: (_z0(i), _z0(i))),
            pl.BlockSpec((1, D_OUT), lambda i: (_z0(i), _z0(i))),
        ],
        out_specs=pl.BlockSpec((BM, D_OUT), lambda i: (i, _z0(i))),
        out_shape=jax.ShapeDtypeStruct((N_NODES, D_OUT), jnp.float32),
    )(s, x, wcat, bias2d)


def kernel(x, edge_index_r0, edge_index_r1, edge_index_r2, edge_index_r3,
           w, coeff_mat, W_self, bias):
    x = x.astype(jnp.float32)
    xa = jnp.concatenate(
        [x, jnp.ones((N_NODES, 1), jnp.float32),
         jnp.zeros((N_NODES, DW - D_IN - 1), jnp.float32)], axis=1)

    srcs, dsts = [], []
    for e in (edge_index_r0, edge_index_r1, edge_index_r2, edge_index_r3):
        src = e[0].astype(jnp.int32)
        dst = e[1].astype(jnp.int32)
        srcs.append(jnp.concatenate(
            [src, jnp.zeros((E_PAD - E,), jnp.int32)]))
        dsts.append(jnp.concatenate(
            [dst, jnp.full((E_PAD - E,), N_NODES, jnp.int32)]))
    src = jnp.stack(srcs)
    dst = jnp.stack(dsts)

    rsrc, rldst, rcnt = _route(src, dst)
    s = _sc_aggregate(xa, rsrc, rldst, rcnt)

    w2d = w.astype(jnp.float32).reshape(w.shape[0], D_IN * D_OUT)
    wcat = _combine_wcat(coeff_mat.astype(jnp.float32), w2d,
                         W_self.astype(jnp.float32))
    bias2d = bias.astype(jnp.float32).reshape(1, D_OUT)
    return _tc_combine(s, x, wcat, bias2d)

# --- scband reference (transcript-rebuilt; emitter-appended) ---
"""Pipeline reference for scband-rgcn-layer-39410619908841 (READ-ONLY COPY).

The authoritative reference and input builder live on the scoring server;
editing this copy changes nothing except your own understanding.
"""

import jax, jax.numpy as jnp
import numpy as np
jax.config.update("jax_enable_x64", True)

N_NODES = 10000
N_REL = 4
D_IN = 256
D_OUT = 256
BASES = 30
E_PER_REL = 40000


def _xavier(k, shape):
    fan_in, fan_out = shape[-2], shape[-1]
    lim = float(np.sqrt(6.0 / (fan_in + fan_out)))
    return jax.random.uniform(k, shape, jnp.float32, -lim, lim)


def setup_inputs(seed: int = 0) -> dict:
    key = jax.random.key(seed)
    ks = jax.random.split(key, 10)
    inp = {}
    inp["x"] = jax.random.normal(ks[0], (N_NODES, D_IN), dtype=jnp.float32)
    for r in range(N_REL):
        inp["edge_index_r%d" % r] = jax.random.randint(ks[1 + r], (2, E_PER_REL), 0, N_NODES, dtype=jnp.int64)
    # learned parameters (Basis_linear: w [bases, in, out], coeff_mat [R, bases]; self_loop W; bias)
    inp["w"] = _xavier(ks[5], (BASES, D_IN, D_OUT))
    inp["coeff_mat"] = _xavier(ks[6], (N_REL, BASES))
    inp["W_self"] = _xavier(ks[7], (D_IN, D_OUT))
    inp["bias"] = jnp.zeros((D_OUT,), jnp.float32)
    return inp


def reference(x, edge_index_r0, edge_index_r1, edge_index_r2, edge_index_r3, w, coeff_mat, W_self, bias):
    edges = [edge_index_r0, edge_index_r1, edge_index_r2, edge_index_r3]
    n = x.shape[0]
    h = jnp.zeros((n, W_self.shape[1]), dtype=x.dtype)
    for r, e in enumerate(edges):
        # Basis_linear: weight = sum_b coeff[r, b] * w[b]
        Wr = jnp.sum(coeff_mat[r][:, None, None] * w, axis=0)
        t = jnp.matmul(x, Wr)  # g.nodes[src].data['W_etype']
        src = e[0]
        dst = e[1]
        msg = jnp.take(t, src, axis=0)  # fn.copy_u
        summed = jax.ops.segment_sum(msg, dst, num_segments=n)
        cnt = jax.ops.segment_sum(jnp.ones_like(dst, dtype=x.dtype), dst, num_segments=n)
        # fn.mean: nodes with zero in-degree keep h=0 (as initialized in the torch code)
        mean = jnp.where(cnt[:, None] > 0, summed / jnp.maximum(cnt, 1.0)[:, None], 0.0)
        h = h + mean  # multi_update_all cross-reducer 'sum'
    self_msg = jnp.matmul(x, W_self)
    return jax.nn.relu(self_msg + h + bias)

if __name__ == "__main__":
    import jax
    _d = setup_inputs()
    print(jax.jit(kernel)(*tuple(_d.values())))

</pallas_src>

<mosaic_0001>
#map = affine_map<(d0, d1) -> (0, 0)>
#map1 = affine_map<(d0, d1) -> (0, 0, 0, 0, 0)>
#map2 = affine_map<(d0, d1) -> (0, 0, 0, 0)>
module attributes {stable_mosaic.version = 14 : i64} {
  func.func @_router_body(%arg0: i32, %arg1: i32, %arg2: memref<4x40960xi32, #tpu.memory_space<hbm>>, %arg3: memref<4x40960xi32, #tpu.memory_space<hbm>>, %arg4: memref<4x2x32x20x64xi32, #tpu.memory_space<hbm>>, %arg5: memref<4x2x32x20x64xi32, #tpu.memory_space<hbm>>, %arg6: memref<4x2x32x16xi32, #tpu.memory_space<hbm>>, %arg7: memref<1280xi32, #tpu.memory_space<vmem>>, %arg8: memref<1280xi32, #tpu.memory_space<vmem>>, %arg9: memref<1344xi32, #tpu.memory_space<vmem>>, %arg10: memref<1344xi32, #tpu.memory_space<vmem>>, %arg11: memref<1344xi32, #tpu.memory_space<vmem>>, %arg12: memref<1344xi32, #tpu.memory_space<vmem>>, %arg13: memref<16xi32, #tpu.memory_space<vmem>>) attributes {dimension_semantics = [#tpu.dimension_semantics<core_parallel>, #tpu.dimension_semantics<subcore_parallel>], iteration_bounds = array<i64: 2, 16>, scalar_prefetch = 0 : i64, scratch_operands = 7 : i64, tpu.core_type = #tpu.core_type<sc_vector_subcore>, window_params = [{transform_indices = #map}, {transform_indices = #map}, {transform_indices = #map1}, {transform_indices = #map1}, {transform_indices = #map2}]} {
    %mul3A = arith.constant 16 : i32
    %mul3A_0 = arith.muli %arg0, %mul3A : i32
    %add3A = arith.addi %mul3A_0, %arg1 : i32
    %mul3A_1 = arith.constant 1280 : i32
    %mul3A_2 = arith.muli %add3A, %mul3A_1 : i32
    %run_scoped3A = arith.constant 0 : i32
    "tpu.region"() ({
      %run_scoped3A_903 = tpu.sem_alloc : memref<!tpu.dma_semaphore, #tpu.memory_space<semaphore_mem>>
      %dma_start3A = tpu.memref_slice %arg2[%run_scoped3A, %mul3A_2] : memref<4x40960xi32, #tpu.memory_space<hbm>> -> memref<1x1280xi32, #tpu.memory_space<hbm>>
      %dma_start3A_904 = tpu.memref_squeeze %dma_start3A : memref<1x1280xi32, #tpu.memory_space<hbm>> -> memref<1280xi32, #tpu.memory_space<hbm>>
      %dma_start3A_905 = tpu.memref_slice %arg2[%run_scoped3A, %mul3A_2] : memref<4x40960xi32, #tpu.memory_space<hbm>> -> memref<1x1280xi32, #tpu.memory_space<hbm>>
      %dma_start3A_906 = tpu.memref_squeeze %dma_start3A_905 : memref<1x1280xi32, #tpu.memory_space<hbm>> -> memref<1280xi32, #tpu.memory_space<hbm>>
      tpu.enqueue_dma source(%dma_start3A_906 : memref<1280xi32, #tpu.memory_space<hbm>>) target(%arg7 : memref<1280xi32, #tpu.memory_space<vmem>>) target_semaphore(%run_scoped3A_903 : memref<!tpu.dma_semaphore, #tpu.memory_space<semaphore_mem>>)
      %dma_wait3A = tpu.memref_slice %arg2[%run_scoped3A, %mul3A_2] : memref<4x40960xi32, #tpu.memory_space<hbm>> -> memref<1x1280xi32, #tpu.memory_space<hbm>>
      %dma_wait3A_907 = tpu.memref_squeeze %dma_wait3A : memref<1x1280xi32, #tpu.memory_space<hbm>> -> memref<1280xi32, #tpu.memory_space<hbm>>
      %dma_wait3A_908 = tpu.memref_slice %arg2[%run_scoped3A, %mul3A_2] : memref<4x40960xi32, #tpu.memory_space<hbm>> -> memref<1x1280xi32, #tpu.memory_space<hbm>>
      %dma_wait3A_909 = tpu.memref_squeeze %dma_wait3A_908 : memref<1x1280xi32, #tpu.memory_space<hbm>> -> memref<1280xi32, #tpu.memory_space<hbm>>
      tpu.wait_dma2 semaphore(%run_scoped3A_903 : memref<!tpu.dma_semaphore, #tpu.memory_space<semaphore_mem>>) src(%dma_wait3A_909 : memref<1280xi32, #tpu.memory_space<hbm>>) dst(%arg7 : memref<1280xi32, #tpu.memory_space<vmem>>)
      tpu.yield
    }) : () -> ()
    %run_scoped3A_3 = arith.constant 0 : i32
    "tpu.region"() ({
      %run_scoped3A_903 = tpu.sem_alloc : memref<!tpu.dma_semaphore, #tpu.memory_space<semaphore_mem>>
      %dma_start3A = tpu.memref_slice %arg3[%run_scoped3A_3, %mul3A_2] : memref<4x40960xi32, #tpu.memory_space<hbm>> -> memref<1x1280xi32, #tpu.memory_space<hbm>>
      %dma_start3A_904 = tpu.memref_squeeze %dma_start3A : memref<1x1280xi32, #tpu.memory_space<hbm>> -> memref<1280xi32, #tpu.memory_space<hbm>>
      %dma_start3A_905 = tpu.memref_slice %arg3[%run_scoped3A_3, %mul3A_2] : memref<4x40960xi32, #tpu.memory_space<hbm>> -> memref<1x1280xi32, #tpu.memory_space<hbm>>
      %dma_start3A_906 = tpu.memref_squeeze %dma_start3A_905 : memref<1x1280xi32, #tpu.memory_space<hbm>> -> memref<1280xi32, #tpu.memory_space<hbm>>
      tpu.enqueue_dma source(%dma_start3A_906 : memref<1280xi32, #tpu.memory_space<hbm>>) target(%arg8 : memref<1280xi32, #tpu.memory_space<vmem>>) target_semaphore(%run_scoped3A_903 : memref<!tpu.dma_semaphore, #tpu.memory_space<semaphore_mem>>)
      %dma_wait3A = tpu.memref_slice %arg3[%run_scoped3A_3, %mul3A_2] : memref<4x40960xi32, #tpu.memory_space<hbm>> -> memref<1x1280xi32, #tpu.memory_space<hbm>>
      %dma_wait3A_907 = tpu.memref_squeeze %dma_wait3A : memref<1x1280xi32, #tpu.memory_space<hbm>> -> memref<1280xi32, #tpu.memory_space<hbm>>
      %dma_wait3A_908 = tpu.memref_slice %arg3[%run_scoped3A_3, %mul3A_2] : memref<4x40960xi32, #tpu.memory_space<hbm>> -> memref<1x1280xi32, #tpu.memory_space<hbm>>
      %dma_wait3A_909 = tpu.memref_squeeze %dma_wait3A_908 : memref<1x1280xi32, #tpu.memory_space<hbm>> -> memref<1280xi32, #tpu.memory_space<hbm>>
      tpu.wait_dma2 semaphore(%run_scoped3A_903 : memref<!tpu.dma_semaphore, #tpu.memory_space<semaphore_mem>>) src(%dma_wait3A_909 : memref<1280xi32, #tpu.memory_space<hbm>>) dst(%arg8 : memref<1280xi32, #tpu.memory_space<vmem>>)
      tpu.yield
    }) : () -> ()
    %sub3A = arith.constant 80 : i32
    %sub3A_4 = arith.constant 0 : i32
    %sub3A_5 = arith.subi %sub3A, %sub3A_4 : i32
    %sub3A_6 = arith.constant 1 : i32
    %sub3A_7 = arith.constant 1 : i32
    %sub3A_8 = arith.subi %sub3A_6, %sub3A_7 : i32
    %add3A_9 = arith.addi %sub3A_5, %sub3A_8 : i32
    %div3A = arith.constant 1 : i32
    %div3A_10 = arith.divsi %add3A_9, %div3A : i32
    %while3A = arith.constant 1 : i32
    %while3A_11 = arith.constant 0 : i32
    %while3A_12 = arith.constant 0 : i32
    %while3A_13 = arith.constant 0 : i32
    %while3A_14 = arith.constant 0 : i32
    %while3A_15 = arith.subi %div3A_10, %while3A_12 : i32
    %while3A_16 = arith.addi %while3A_12, %while3A_15 : i32
    %while3A_17 = arith.constant 1 : i32
    %while3A_18 = arith.divsi %while3A_15, %while3A_17 : i32
    %while3A_19 = arith.muli %while3A_18, %while3A_17 : i32
    %while3A_20 = arith.addi %while3A_12, %while3A_19 : i32
    %while3A_21 = arith.constant 1 : i32
    %while3A_22:2 = scf.for %while3A_903 = %while3A_12 to %while3A_20 step %while3A_21 iter_args(%while3A_904 = %while3A_13, %while3A_905 = %while3A_14) -> (i32, i32)  : i32 {
      %mul3A_906 = arith.muli %while3A_903, %while3A : i32
      %add3A_907 = arith.addi %while3A_11, %mul3A_906 : i32
      %mul3A_908 = arith.constant 16 : i32
      %mul3A_909 = arith.muli %add3A_907, %mul3A_908 : i32
      %get3A = arith.index_cast %mul3A_909 : i32 to index
      %get3A_910 = tpu.vector_load %arg7[%get3A] {strides = array<i32>} : memref<1280xi32, #tpu.memory_space<vmem>>, vector<16xi32>,
      %mul3A_911 = arith.constant 16 : i32
      %mul3A_912 = arith.muli %add3A_907, %mul3A_911 : i32
      %get3A_913 = arith.index_cast %mul3A_912 : i32 to index
      %get3A_914 = tpu.vector_load %arg8[%get3A_913] {strides = array<i32>} : memref<1280xi32, #tpu.memory_space<vmem>>, vector<16xi32>,
      %lt3A_915 = arith.constant 5000 : i32
      %lt3A_916 = vector.broadcast %lt3A_915 : i32 to vector<16xi32>
      %lt3A_917 = arith.cmpi slt, %get3A_914, %lt3A_916 : vector<16xi32>
      %ge3A = arith.constant 5000 : i32
      %ge3A_918 = vector.broadcast %ge3A : i32 to vector<16xi32>
      %ge3A_919 = arith.cmpi sge, %get3A_914, %ge3A_918 : vector<16xi32>
      %lt3A_920 = arith.constant 10000 : i32
      %lt3A_921 = vector.broadcast %lt3A_920 : i32 to vector<16xi32>
      %lt3A_922 = arith.cmpi slt, %get3A_914, %lt3A_921 : vector<16xi32>
      %and3A_923 = arith.andi %ge3A_919, %lt3A_922 : vector<16xi1>
      %jit3A_924 = arith.constant 1 : i32
      %jit3A_925 = arith.constant 0 : i32
      %broadcast_in_dim3A_926 = vector.broadcast %jit3A_924 : i32 to vector<16xi32>
      %broadcast_in_dim3A_927 = vector.broadcast %jit3A_925 : i32 to vector<16xi32>
      %select_n3A_928 = arith.select %lt3A_917, %broadcast_in_dim3A_926, %broadcast_in_dim3A_927 : vector<16xi1>, vector<16xi32>
      %broadcast_in_dim3A_929 = arith.constant true
      %broadcast_in_dim3A_930 = vector.broadcast %broadcast_in_dim3A_929 : i1 to vector<16xi1>
      %masked_cumsum3A = tpu.scan <sum>, %select_n3A_928 masked %broadcast_in_dim3A_930 : vector<16xi32>, vector<16xi1> -> vector<16xi32>
      %jit3A_931 = arith.constant 1 : i32
      %jit3A_932 = arith.constant 0 : i32
      %broadcast_in_dim3A_933 = vector.broadcast %jit3A_931 : i32 to vector<16xi32>
      %broadcast_in_dim3A_934 = vector.broadcast %jit3A_932 : i32 to vector<16xi32>
      %select_n3A_935 = arith.select %and3A_923, %broadcast_in_dim3A_933, %broadcast_in_dim3A_934 : vector<16xi1>, vector<16xi32>
      %broadcast_in_dim3A_936 = arith.constant true
      %broadcast_in_dim3A_937 = vector.broadcast %broadcast_in_dim3A_936 : i1 to vector<16xi1>
      %masked_cumsum3A_938 = tpu.scan <sum>, %select_n3A_935 masked %broadcast_in_dim3A_937 : vector<16xi32>, vector<16xi1> -> vector<16xi32>
      %add3A_939 = vector.broadcast %while3A_904 : i32 to vector<16xi32>
      %add3A_940 = arith.addi %add3A_939, %masked_cumsum3A : vector<16xi32>
      %sub3A_941 = arith.constant 1 : i32
      %sub3A_942 = vector.broadcast %sub3A_941 : i32 to vector<16xi32>
      %sub3A_943 = arith.subi %add3A_940, %sub3A_942 : vector<16xi32>
      %max3A = arith.constant 0 : i32
      %max3A_944 = vector.broadcast %max3A : i32 to vector<16xi32>
      %max3A_945 = arith.maxsi %sub3A_943, %max3A_944 : vector<16xi32>
      %add3A_946 = vector.broadcast %while3A_905 : i32 to vector<16xi32>
      %add3A_947 = arith.addi %add3A_946, %masked_cumsum3A_938 : vector<16xi32>
      %sub3A_948 = arith.constant 1 : i32
      %sub3A_949 = vector.broadcast %sub3A_948 : i32 to vector<16xi32>
      %sub3A_950 = arith.subi %add3A_947, %sub3A_949 : vector<16xi32>
      %max3A_951 = arith.constant 0 : i32
      %max3A_952 = vector.broadcast %max3A_951 : i32 to vector<16xi32>
      %max3A_953 = arith.maxsi %sub3A_950, %max3A_952 : vector<16xi32>
      tpu.vector_store_idx %arg9[%max3A_945], %get3A_910 masked %lt3A_917 : memref<1344xi32, #tpu.memory_space<vmem>>[vector<16xi32>], vector<16xi32>, vector<16xi1>
      tpu.vector_store_idx %arg10[%max3A_945], %get3A_914 masked %lt3A_917 : memref<1344xi32, #tpu.memory_space<vmem>>[vector<16xi32>], vector<16xi32>, vector<16xi1>
      tpu.vector_store_idx %arg11[%max3A_953], %get3A_910 masked %and3A_923 : memref<1344xi32, #tpu.memory_space<vmem>>[vector<16xi32>], vector<16xi32>, vector<16xi1>
      %sub3A_954 = arith.constant 5000 : i32
      %sub3A_955 = vector.broadcast %sub3A_954 : i32 to vector<16xi32>
      %sub3A_956 = arith.subi %get3A_914, %sub3A_955 : vector<16xi32>
      tpu.vector_store_idx %arg12[%max3A_953], %sub3A_956 masked %and3A_923 : memref<1344xi32, #tpu.memory_space<vmem>>[vector<16xi32>], vector<16xi32>, vector<16xi1>
      %reduce_max3A = arith.constant true
      %reduce_max3A_957 = vector.broadcast %reduce_max3A : i1 to vector<16xi1>
      %reduce_max3A_958 = arith.constant -2147483648 : i32
      %reduce_max3A_959 = vector.broadcast %reduce_max3A_958 : i32 to vector<16xi32>
      %reduce_max3A_960 = arith.xori %masked_cumsum3A, %reduce_max3A_959 : vector<16xi32>
      %reduce_max3A_961 = tpu.scan <max>, %reduce_max3A_960 masked %reduce_max3A_957 : vector<16xi32>, vector<16xi1> -> vector<16xi32>
      %reduce_max3A_962 = arith.xori %reduce_max3A_961, %reduce_max3A_959 : vector<16xi32>
      %reduce_max3A_963 = vector.extract %reduce_max3A_962[15] : i32 from vector<16xi32>
      %reduce_max3A_964 = arith.constant true
      %reduce_max3A_965 = vector.broadcast %reduce_max3A_964 : i1 to vector<16xi1>
      %reduce_max3A_966 = arith.constant -2147483648 : i32
      %reduce_max3A_967 = vector.broadcast %reduce_max3A_966 : i32 to vector<16xi32>
      %reduce_max3A_968 = arith.xori %masked_cumsum3A_938, %reduce_max3A_967 : vector<16xi32>
      %reduce_max3A_969 = tpu.scan <max>, %reduce_max3A_968 masked %reduce_max3A_965 : vector<16xi32>, vector<16xi1> -> vector<16xi32>
      %reduce_max3A_970 = arith.xori %reduce_max3A_969, %reduce_max3A_967 : vector<16xi32>
      %reduce_max3A_971 = vector.extract %reduce_max3A_970[15] : i32 from vector<16xi32>
      %add3A_972 = arith.addi %while3A_904, %reduce_max3A_963 : i32
      %add3A_973 = arith.addi %while3A_905, %reduce_max3A_971 : i32
      scf.yield %add3A_972, %add3A_973 : i32, i32
    }
    %while3A_23 = arith.constant 1 : i32
    %while3A_24:2 = scf.for %while3A_903 = %while3A_20 to %while3A_16 step %while3A_23 iter_args(%while3A_904 = %while3A_22#0, %while3A_905 = %while3A_22#1) -> (i32, i32)  : i32 {
      %mul3A_906 = arith.muli %while3A_903, %while3A : i32
      %add3A_907 = arith.addi %while3A_11, %mul3A_906 : i32
      %mul3A_908 = arith.constant 16 : i32
      %mul3A_909 = arith.muli %add3A_907, %mul3A_908 : i32
      %get3A = arith.index_cast %mul3A_909 : i32 to index
      %get3A_910 = tpu.vector_load %arg7[%get3A] {strides = array<i32>} : memref<1280xi32, #tpu.memory_space<vmem>>, vector<16xi32>,
      %mul3A_911 = arith.constant 16 : i32
      %mul3A_912 = arith.muli %add3A_907, %mul3A_911 : i32
      %get3A_913 = arith.index_cast %mul3A_912 : i32 to index
      %get3A_914 = tpu.vector_load %arg8[%get3A_913] {strides = array<i32>} : memref<1280xi32, #tpu.memory_space<vmem>>, vector<16xi32>,
      %lt3A_915 = arith.constant 5000 : i32
      %lt3A_916 = vector.broadcast %lt3A_915 : i32 to vector<16xi32>
      %lt3A_917 = arith.cmpi slt, %get3A_914, %lt3A_916 : vector<16xi32>
      %ge3A = arith.constant 5000 : i32
      %ge3A_918 = vector.broadcast %ge3A : i32 to vector<16xi32>
      %ge3A_919 = arith.cmpi sge, %get3A_914, %ge3A_918 : vector<16xi32>
      %lt3A_920 = arith.constant 10000 : i32
      %lt3A_921 = vector.broadcast %lt3A_920 : i32 to vector<16xi32>
      %lt3A_922 = arith.cmpi slt, %get3A_914, %lt3A_921 : vector<16xi32>
      %and3A_923 = arith.andi %ge3A_919, %lt3A_922 : vector<16xi1>
      %jit3A_924 = arith.constant 1 : i32
      %jit3A_925 = arith.constant 0 : i32
      %broadcast_in_dim3A_926 = vector.broadcast %jit3A_924 : i32 to vector<16xi32>
      %broadcast_in_dim3A_927 = vector.broadcast %jit3A_925 : i32 to vector<16xi32>
      %select_n3A_928 = arith.select %lt3A_917, %broadcast_in_dim3A_926, %broadcast_in_dim3A_927 : vector<16xi1>, vector<16xi32>
      %broadcast_in_dim3A_929 = arith.constant true
      %broadcast_in_dim3A_930 = vector.broadcast %broadcast_in_dim3A_929 : i1 to vector<16xi1>
      %masked_cumsum3A = tpu.scan <sum>, %select_n3A_928 masked %broadcast_in_dim3A_930 : vector<16xi32>, vector<16xi1> -> vector<16xi32>
      %jit3A_931 = arith.constant 1 : i32
      %jit3A_932 = arith.constant 0 : i32
      %broadcast_in_dim3A_933 = vector.broadcast %jit3A_931 : i32 to vector<16xi32>
      %broadcast_in_dim3A_934 = vector.broadcast %jit3A_932 : i32 to vector<16xi32>
      %select_n3A_935 = arith.select %and3A_923, %broadcast_in_dim3A_933, %broadcast_in_dim3A_934 : vector<16xi1>, vector<16xi32>
      %broadcast_in_dim3A_936 = arith.constant true
      %broadcast_in_dim3A_937 = vector.broadcast %broadcast_in_dim3A_936 : i1 to vector<16xi1>
      %masked_cumsum3A_938 = tpu.scan <sum>, %select_n3A_935 masked %broadcast_in_dim3A_937 : vector<16xi32>, vector<16xi1> -> vector<16xi32>
      %add3A_939 = vector.broadcast %while3A_904 : i32 to vector<16xi32>
      %add3A_940 = arith.addi %add3A_939, %masked_cumsum3A : vector<16xi32>
      %sub3A_941 = arith.constant 1 : i32
      %sub3A_942 = vector.broadcast %sub3A_941 : i32 to vector<16xi32>
      %sub3A_943 = arith.subi %add3A_940, %sub3A_942 : vector<16xi32>
      %max3A = arith.constant 0 : i32
      %max3A_944 = vector.broadcast %max3A : i32 to vector<16xi32>
      %max3A_945 = arith.maxsi %sub3A_943, %max3A_944 : vector<16xi32>
      %add3A_946 = vector.broadcast %while3A_905 : i32 to vector<16xi32>
      %add3A_947 = arith.addi %add3A_946, %masked_cumsum3A_938 : vector<16xi32>
      %sub3A_948 = arith.constant 1 : i32
      %sub3A_949 = vector.broadcast %sub3A_948 : i32 to vector<16xi32>
      %sub3A_950 = arith.subi %add3A_947, %sub3A_949 : vector<16xi32>
      %max3A_951 = arith.constant 0 : i32
      %max3A_952 = vector.broadcast %max3A_951 : i32 to vector<16xi32>
      %max3A_953 = arith.maxsi %sub3A_950, %max3A_952 : vector<16xi32>
      tpu.vector_store_idx %arg9[%max3A_945], %get3A_910 masked %lt3A_917 : memref<1344xi32, #tpu.memory_space<vmem>>[vector<16xi32>], vector<16xi32>, vector<16xi1>
      tpu.vector_store_idx %arg10[%max3A_945], %get3A_914 masked %lt3A_917 : memref<1344xi32, #tpu.memory_space<vmem>>[vector<16xi32>], vector<16xi32>, vector<16xi1>
      tpu.vector_store_idx %arg11[%max3A_953], %get3A_910 masked %and3A_923 : memref<1344xi32, #tpu.memory_space<vmem>>[vector<16xi32>], vector<16xi32>, vector<16xi1>
      %sub3A_954 = arith.constant 5000 : i32
      %sub3A_955 = vector.broadcast %sub3A_954 : i32 to vector<16xi32>
      %sub3A_956 = arith.subi %get3A_914, %sub3A_955 : vector<16xi32>
      tpu.vector_store_idx %arg12[%max3A_953], %sub3A_956 masked %and3A_923 : memref<1344xi32, #tpu.memory_space<vmem>>[vector<16xi32>], vector<16xi32>, vector<16xi1>
      %reduce_max3A = arith.constant true
      %reduce_max3A_957 = vector.broadcast %reduce_max3A : i1 to vector<16xi1>
      %reduce_max3A_958 = arith.constant -2147483648 : i32
      %reduce_max3A_959 = vector.broadcast %reduce_max3A_958 : i32 to vector<16xi32>
      %reduce_max3A_960 = arith.xori %masked_cumsum3A, %reduce_max3A_959 : vector<16xi32>
      %reduce_max3A_961 = tpu.scan <max>, %reduce_max3A_960 masked %reduce_max3A_957 : vector<16xi32>, vector<16xi1> -> vector<16xi32>
      %reduce_max3A_962 = arith.xori %reduce_max3A_961, %reduce_max3A_959 : vector<16xi32>
      %reduce_max3A_963 = vector.extract %reduce_max3A_962[15] : i32 from vector<16xi32>
      %reduce_max3A_964 = arith.constant true
      %reduce_max3A_965 = vector.broadcast %reduce_max3A_964 : i1 to vector<16xi1>
      %reduce_max3A_966 = arith.constant -2147483648 : i32
      %reduce_max3A_967 = vector.broadcast %reduce_max3A_966 : i32 to vector<16xi32>
      %reduce_max3A_968 = arith.xori %masked_cumsum3A_938, %reduce_max3A_967 : vector<16xi32>
      %reduce_max3A_969 = tpu.scan <max>, %reduce_max3A_968 masked %reduce_max3A_965 : vector<16xi32>, vector<16xi1> -> vector<16xi32>
      %reduce_max3A_970 = arith.xori %reduce_max3A_969, %reduce_max3A_967 : vector<16xi32>
      %reduce_max3A_971 = vector.extract %reduce_max3A_970[15] : i32 from vector<16xi32>
      %add3A_972 = arith.addi %while3A_904, %reduce_max3A_963 : i32
      %add3A_973 = arith.addi %while3A_905, %reduce_max3A_971 : i32
      scf.yield %add3A_972, %add3A_973 : i32, i32
    }
    %jit3A = arith.constant 16 : i32
    %eq3A = arith.constant 0 : i32
    %eq3A_25 = arith.cmpi eq, %jit3A, %eq3A : i32
    %jit3A_26 = arith.constant 1 : i32
    %select_n3A = arith.select %eq3A_25, %jit3A_26, %jit3A : i32
    %rem3A = arith.remsi %add3A, %select_n3A : i32
    %ne3A = arith.constant 0 : i32
    %ne3A_27 = arith.cmpi ne, %rem3A, %ne3A : i32
    %lt3A = arith.constant 0 : i32
    %lt3A_28 = arith.cmpi slt, %rem3A, %lt3A : i32
    %lt3A_29 = arith.constant 0 : i32
    %lt3A_30 = arith.cmpi slt, %select_n3A, %lt3A_29 : i32
    %ne3A_31 = arith.xori %lt3A_28, %lt3A_30 : i1
    %and3A = arith.andi %ne3A_31, %ne3A_27 : i1
    %add3A_32 = arith.addi %rem3A, %select_n3A : i32
    %select_n3A_33 = arith.select %and3A, %add3A_32, %rem3A : i32
    %add3A_34 = arith.constant 5000 : i32
    %add3A_35 = arith.addi %add3A_34, %select_n3A_33 : i32
    %broadcast_in_dim3A = arith.constant 0 : i32
    %broadcast_in_dim3A_36 = vector.broadcast %broadcast_in_dim3A : i32 to vector<16xi32>
    %broadcast_in_dim3A_37 = arith.constant 0 : i32
    %broadcast_in_dim3A_38 = vector.broadcast %broadcast_in_dim3A_37 : i32 to vector<16xi32>
    %add3A_39 = vector.broadcast %add3A_35 : i32 to vector<16xi32>
    %add3A_40 = arith.addi %broadcast_in_dim3A_38, %add3A_39 : vector<16xi32>
    %add3A_41 = arith.constant 0 : i32
    %add3A_42 = arith.addi %while3A_24#0, %add3A_41 : i32
    %swap3A = arith.index_cast %add3A_42 : i32 to index
    %swap3A_43 = tpu.vector_load %arg9[%swap3A] {strides = array<i32>} : memref<1344xi32, #tpu.memory_space<vmem>>, vector<16xi32>,
    tpu.vector_store %arg9[%swap3A], %broadcast_in_dim3A_36 {strides = array<i32>} : memref<1344xi32, #tpu.memory_space<vmem>>, vector<16xi32>,
    %add3A_44 = arith.constant 0 : i32
    %add3A_45 = arith.addi %while3A_24#0, %add3A_44 : i32
    %swap3A_46 = arith.index_cast %add3A_45 : i32 to index
    %swap3A_47 = tpu.vector_load %arg10[%swap3A_46] {strides = array<i32>} : memref<1344xi32, #tpu.memory_space<vmem>>, vector<16xi32>,
    tpu.vector_store %arg10[%swap3A_46], %add3A_40 {strides = array<i32>} : memref<1344xi32, #tpu.memory_space<vmem>>, vector<16xi32>,
    %add3A_48 = arith.constant 0 : i32
    %add3A_49 = arith.addi %while3A_24#1, %add3A_48 : i32
    %swap3A_50 = arith.index_cast %add3A_49 : i32 to index
    %swap3A_51 = tpu.vector_load %arg11[%swap3A_50] {strides = array<i32>} : memref<1344xi32, #tpu.memory_space<vmem>>, vector<16xi32>,
    tpu.vector_store %arg11[%swap3A_50], %broadcast_in_dim3A_36 {strides = array<i32>} : memref<1344xi32, #tpu.memory_space<vmem>>, vector<16xi32>,
    %add3A_52 = arith.constant 0 : i32
    %add3A_53 = arith.addi %while3A_24#1, %add3A_52 : i32
    %swap3A_54 = arith.index_cast %add3A_53 : i32 to index
    %swap3A_55 = tpu.vector_load %arg12[%swap3A_54] {strides = array<i32>} : memref<1344xi32, #tpu.memory_space<vmem>>, vector<16xi32>,
    tpu.vector_store %arg12[%swap3A_54], %add3A_40 {strides = array<i32>} : memref<1344xi32, #tpu.memory_space<vmem>>, vector<16xi32>,
    %broadcast_in_dim3A_56 = arith.constant 0 : i32
    %broadcast_in_dim3A_57 = vector.broadcast %broadcast_in_dim3A_56 : i32 to vector<16xi32>
    %broadcast_in_dim3A_58 = arith.constant 0 : i32
    %broadcast_in_dim3A_59 = vector.broadcast %broadcast_in_dim3A_58 : i32 to vector<16xi32>
    %add3A_60 = vector.broadcast %add3A_35 : i32 to vector<16xi32>
    %add3A_61 = arith.addi %broadcast_in_dim3A_59, %add3A_60 : vector<16xi32>
    %add3A_62 = arith.constant 16 : i32
    %add3A_63 = arith.addi %while3A_24#0, %add3A_62 : i32
    %swap3A_64 = arith.index_cast %add3A_63 : i32 to index
    %swap3A_65 = tpu.vector_load %arg9[%swap3A_64] {strides = array<i32>} : memref<1344xi32, #tpu.memory_space<vmem>>, vector<16xi32>,
    tpu.vector_store %arg9[%swap3A_64], %broadcast_in_dim3A_57 {strides = array<i32>} : memref<1344xi32, #tpu.memory_space<vmem>>, vector<16xi32>,
    %add3A_66 = arith.constant 16 : i32
    %add3A_67 = arith.addi %while3A_24#0, %add3A_66 : i32
    %swap3A_68 = arith.index_cast %add3A_67 : i32 to index
    %swap3A_69 = tpu.vector_load %arg10[%swap3A_68] {strides = array<i32>} : memref<1344xi32, #tpu.memory_space<vmem>>, vector<16xi32>,
    tpu.vector_store %arg10[%swap3A_68], %add3A_61 {strides = array<i32>} : memref<1344xi32, #tpu.memory_space<vmem>>, vector<16xi32>,
    %add3A_70 = arith.constant 16 : i32
    %add3A_71 = arith.addi %while3A_24#1, %add3A_70 : i32
    %swap3A_72 = arith.index_cast %add3A_71 : i32 to index
    %swap3A_73 = tpu.vector_load %arg11[%swap3A_72] {strides = array<i32>} : memref<1344xi32, #tpu.memory_space<vmem>>, vector<16xi32>,
    tpu.vector_store %arg11[%swap3A_72], %broadcast_in_dim3A_57 {strides = array<i32>} : memref<1344xi32, #tpu.memory_space<vmem>>, vector<16xi32>,
    %add3A_74 = arith.constant 16 : i32
    %add3A_75 = arith.addi %while3A_24#1, %add3A_74 : i32
    %swap3A_76 = arith.index_cast %add3A_75 : i32 to index
    %swap3A_77 = tpu.vector_load %arg12[%swap3A_76] {strides = array<i32>} : memref<1344xi32, #tpu.memory_space<vmem>>, vector<16xi32>,
    tpu.vector_store %arg12[%swap3A_76], %add3A_61 {strides = array<i32>} : memref<1344xi32, #tpu.memory_space<vmem>>, vector<16xi32>,
    %broadcast_in_dim3A_78 = arith.constant 0 : i32
    %broadcast_in_dim3A_79 = vector.broadcast %broadcast_in_dim3A_78 : i32 to vector<16xi32>
    %broadcast_in_dim3A_80 = arith.constant 0 : i32
    %broadcast_in_dim3A_81 = vector.broadcast %broadcast_in_dim3A_80 : i32 to vector<16xi32>
    %add3A_82 = vector.broadcast %add3A_35 : i32 to vector<16xi32>
    %add3A_83 = arith.addi %broadcast_in_dim3A_81, %add3A_82 : vector<16xi32>
    %add3A_84 = arith.constant 32 : i32
    %add3A_85 = arith.addi %while3A_24#0, %add3A_84 : i32
    %swap3A_86 = arith.index_cast %add3A_85 : i32 to index
    %swap3A_87 = tpu.vector_load %arg9[%swap3A_86] {strides = array<i32>} : memref<1344xi32, #tpu.memory_space<vmem>>, vector<16xi32>,
    tpu.vector_store %arg9[%swap3A_86], %broadcast_in_dim3A_79 {strides = array<i32>} : memref<1344xi32, #tpu.memory_space<vmem>>, vector<16xi32>,
    %add3A_88 = arith.constant 32 : i32
    %add3A_89 = arith.addi %while3A_24#0, %add3A_88 : i32
    %swap3A_90 = arith.index_cast %add3A_89 : i32 to index
    %swap3A_91 = tpu.vector_load %arg10[%swap3A_90] {strides = array<i32>} : memref<1344xi32, #tpu.memory_space<vmem>>, vector<16xi32>,
    tpu.vector_store %arg10[%swap3A_90], %add3A_83 {strides = array<i32>} : memref<1344xi32, #tpu.memory_space<vmem>>, vector<16xi32>,
    %add3A_92 = arith.constant 32 : i32
    %add3A_93 = arith.addi %while3A_24#1, %add3A_92 : i32
    %swap3A_94 = arith.index_cast %add3A_93 : i32 to index
    %swap3A_95 = tpu.vector_load %arg11[%swap3A_94] {strides = array<i32>} : memref<1344xi32, #tpu.memory_space<vmem>>, vector<16xi32>,
    tpu.vector_store %arg11[%swap3A_94], %broadcast_in_dim3A_79 {strides = array<i32>} : memref<1344xi32, #tpu.memory_space<vmem>>, vector<16xi32>,
    %add3A_96 = arith.constant 32 : i32
    %add3A_97 = arith.addi %while3A_24#1, %add3A_96 : i32
    %swap3A_98 = arith.index_cast %add3A_97 : i32 to index
    %swap3A_99 = tpu.vector_load %arg12[%swap3A_98] {strides = array<i32>} : memref<1344xi32, #tpu.memory_space<vmem>>, vector<16xi32>,
    tpu.vector_store %arg12[%swap3A_98], %add3A_83 {strides = array<i32>} : memref<1344xi32, #tpu.memory_space<vmem>>, vector<16xi32>,
    %broadcast_in_dim3A_100 = arith.constant 0 : i32
    %broadcast_in_dim3A_101 = vector.broadcast %broadcast_in_dim3A_100 : i32 to vector<16xi32>
    %broadcast_in_dim3A_102 = arith.constant 0 : i32
    %broadcast_in_dim3A_103 = vector.broadcast %broadcast_in_dim3A_102 : i32 to vector<16xi32>
    %add3A_104 = vector.broadcast %add3A_35 : i32 to vector<16xi32>
    %add3A_105 = arith.addi %broadcast_in_dim3A_103, %add3A_104 : vector<16xi32>
    %add3A_106 = arith.constant 48 : i32
    %add3A_107 = arith.addi %while3A_24#0, %add3A_106 : i32
    %swap3A_108 = arith.index_cast %add3A_107 : i32 to index
    %swap3A_109 = tpu.vector_load %arg9[%swap3A_108] {strides = array<i32>} : memref<1344xi32, #tpu.memory_space<vmem>>, vector<16xi32>,
    tpu.vector_store %arg9[%swap3A_108], %broadcast_in_dim3A_101 {strides = array<i32>} : memref<1344xi32, #tpu.memory_space<vmem>>, vector<16xi32>,
    %add3A_110 = arith.constant 48 : i32
    %add3A_111 = arith.addi %while3A_24#0, %add3A_110 : i32
    %swap3A_112 = arith.index_cast %add3A_111 : i32 to index
    %swap3A_113 = tpu.vector_load %arg10[%swap3A_112] {strides = array<i32>} : memref<1344xi32, #tpu.memory_space<vmem>>, vector<16xi32>,
    tpu.vector_store %arg10[%swap3A_112], %add3A_105 {strides = array<i32>} : memref<1344xi32, #tpu.memory_space<vmem>>, vector<16xi32>,
    %add3A_114 = arith.constant 48 : i32
    %add3A_115 = arith.addi %while3A_24#1, %add3A_114 : i32
    %swap3A_116 = arith.index_cast %add3A_115 : i32 to index
    %swap3A_117 = tpu.vector_load %arg11[%swap3A_116] {strides = array<i32>} : memref<1344xi32, #tpu.memory_space<vmem>>, vector<16xi32>,
    tpu.vector_store %arg11[%swap3A_116], %broadcast_in_dim3A_101 {strides = array<i32>} : memref<1344xi32, #tpu.memory_space<vmem>>, vector<16xi32>,
    %add3A_118 = arith.constant 48 : i32
    %add3A_119 = arith.addi %while3A_24#1, %add3A_118 : i32
    %swap3A_120 = arith.index_cast %add3A_119 : i32 to index
    %swap3A_121 = tpu.vector_load %arg12[%swap3A_120] {strides = array<i32>} : memref<1344xi32, #tpu.memory_space<vmem>>, vector<16xi32>,
    tpu.vector_store %arg12[%swap3A_120], %add3A_105 {strides = array<i32>} : memref<1344xi32, #tpu.memory_space<vmem>>, vector<16xi32>,
    %add3A_122 = arith.constant 63 : i32
    %add3A_123 = arith.addi %while3A_24#0, %add3A_122 : i32
    %jit3A_124 = arith.constant 64 : i32
    %div3A_125 = arith.divsi %add3A_123, %jit3A_124 : i32
    %sign3A = arith.constant 0 : i32
    %sign3A_126 = arith.cmpi sgt, %add3A_123, %sign3A : i32
    %sign3A_127 = arith.extui %sign3A_126 : i1 to i32
    %sign3A_128 = arith.constant 0 : i32
    %sign3A_129 = arith.cmpi slt, %add3A_123, %sign3A_128 : i32
    %sign3A_130 = arith.extui %sign3A_129 : i1 to i32
    %sign3A_131 = arith.subi %sign3A_127, %sign3A_130 : i32
    %sign3A_132 = arith.constant 0 : i32
    %sign3A_133 = arith.cmpi sgt, %jit3A_124, %sign3A_132 : i32
    %sign3A_134 = arith.extui %sign3A_133 : i1 to i32
    %sign3A_135 = arith.constant 0 : i32
    %sign3A_136 = arith.cmpi slt, %jit3A_124, %sign3A_135 : i32
    %sign3A_137 = arith.extui %sign3A_136 : i1 to i32
    %sign3A_138 = arith.subi %sign3A_134, %sign3A_137 : i32
    %ne3A_139 = arith.cmpi ne, %sign3A_131, %sign3A_138 : i32
    %rem3A_140 = arith.remsi %add3A_123, %jit3A_124 : i32
    %ne3A_141 = arith.constant 0 : i32
    %ne3A_142 = arith.cmpi ne, %rem3A_140, %ne3A_141 : i32
    %and3A_143 = arith.andi %ne3A_139, %ne3A_142 : i1
    %sub3A_144 = arith.constant 1 : i32
    %sub3A_145 = arith.subi %div3A_125, %sub3A_144 : i32
    %select_n3A_146 = arith.select %and3A_143, %sub3A_145, %div3A_125 : i32
    %mul3A_147 = arith.constant 64 : i32
    %mul3A_148 = arith.muli %select_n3A_146, %mul3A_147 : i32
    %add3A_149 = arith.constant 63 : i32
    %add3A_150 = arith.addi %while3A_24#1, %add3A_149 : i32
    %jit3A_151 = arith.constant 64 : i32
    %div3A_152 = arith.divsi %add3A_150, %jit3A_151 : i32
    %sign3A_153 = arith.constant 0 : i32
    %sign3A_154 = arith.cmpi sgt, %add3A_150, %sign3A_153 : i32
    %sign3A_155 = arith.extui %sign3A_154 : i1 to i32
    %sign3A_156 = arith.constant 0 : i32
    %sign3A_157 = arith.cmpi slt, %add3A_150, %sign3A_156 : i32
    %sign3A_158 = arith.extui %sign3A_157 : i1 to i32
    %sign3A_159 = arith.subi %sign3A_155, %sign3A_158 : i32
    %sign3A_160 = arith.constant 0 : i32
    %sign3A_161 = arith.cmpi sgt, %jit3A_151, %sign3A_160 : i32
    %sign3A_162 = arith.extui %sign3A_161 : i1 to i32
    %sign3A_163 = arith.constant 0 : i32
    %sign3A_164 = arith.cmpi slt, %jit3A_151, %sign3A_163 : i32
    %sign3A_165 = arith.extui %sign3A_164 : i1 to i32
    %sign3A_166 = arith.subi %sign3A_162, %sign3A_165 : i32
    %ne3A_167 = arith.cmpi ne, %sign3A_159, %sign3A_166 : i32
    %rem3A_168 = arith.remsi %add3A_150, %jit3A_151 : i32
    %ne3A_169 = arith.constant 0 : i32
    %ne3A_170 = arith.cmpi ne, %rem3A_168, %ne3A_169 : i32
    %and3A_171 = arith.andi %ne3A_167, %ne3A_170 : i1
    %sub3A_172 = arith.constant 1 : i32
    %sub3A_173 = arith.subi %div3A_152, %sub3A_172 : i32
    %select_n3A_174 = arith.select %and3A_171, %sub3A_173, %div3A_152 : i32
    %mul3A_175 = arith.constant 64 : i32
    %mul3A_176 = arith.muli %select_n3A_174, %mul3A_175 : i32
    %sub3A_177 = arith.constant 20 : i32
    %sub3A_178 = arith.constant 0 : i32
    %sub3A_179 = arith.subi %sub3A_177, %sub3A_178 : i32
    %sub3A_180 = arith.constant 1 : i32
    %sub3A_181 = arith.constant 1 : i32
    %sub3A_182 = arith.subi %sub3A_180, %sub3A_181 : i32
    %add3A_183 = arith.addi %sub3A_179, %sub3A_182 : i32
    %div3A_184 = arith.constant 1 : i32
    %div3A_185 = arith.divsi %add3A_183, %div3A_184 : i32
    %while3A_186 = arith.constant 1 : i32
    %while3A_187 = arith.constant 0 : i32
    %while3A_188 = arith.constant 0 : i32
    %while3A_189 = arith.constant 0 : i32
    %while3A_190 = arith.subi %div3A_185, %while3A_189 : i32
    %while3A_191 = arith.addi %while3A_189, %while3A_190 : i32
    %while3A_192 = arith.constant 1 : i32
    %while3A_193 = arith.divsi %while3A_190, %while3A_192 : i32
    %while3A_194 = arith.muli %while3A_193, %while3A_192 : i32
    %while3A_195 = arith.addi %while3A_189, %while3A_194 : i32
    %while3A_196 = arith.constant 1 : i32
    scf.for %while3A_903 = %while3A_189 to %while3A_195 step %while3A_196  : i32 {
      %mul3A_904 = arith.muli %while3A_903, %while3A_186 : i32
      %add3A_905 = arith.addi %while3A_187, %mul3A_904 : i32
      %mul3A_906 = arith.constant 64 : i32
      %mul3A_907 = arith.muli %add3A_905, %mul3A_906 : i32
      %lt3A_908 = arith.cmpi slt, %mul3A_907, %mul3A_148 : i32
      %convert_element_type3A = arith.extui %lt3A_908 : i1 to i32
      %cond3A = arith.constant 0 : i32
      %cond3A_909 = arith.cmpi ne, %convert_element_type3A, %cond3A : i32
      scf.if %cond3A_909 {
        %mul3A_916 = arith.constant 64 : i32
        %mul3A_917 = arith.muli %add3A_905, %mul3A_916 : i32
        %run_scoped3A_918 = arith.constant 0 : i32
        "tpu.region"() ({
          %run_scoped3A_922 = tpu.sem_alloc : memref<!tpu.dma_semaphore, #tpu.memory_space<semaphore_mem>>
          %dma_start3A = tpu.memref_slice %arg9[%mul3A_917] : memref<1344xi32, #tpu.memory_space<vmem>> -> memref<64xi32, #tpu.memory_space<vmem>>
          %dma_start3A_923 = arith.constant 0 : i32
          %dma_start3A_924 = tpu.memref_slice %arg4[%while3A_188, %run_scoped3A_918, %add3A, %add3A_905, %dma_start3A_923] : memref<4x2x32x20x64xi32, #tpu.memory_space<hbm>> -> memref<1x1x1x1x64xi32, #tpu.memory_space<hbm>>
          %dma_start3A_925 = tpu.memref_squeeze %dma_start3A_924 : memref<1x1x1x1x64xi32, #tpu.memory_space<hbm>> -> memref<64xi32, #tpu.memory_space<hbm>>
          %dma_start3A_926 = arith.constant 0 : i32
          %dma_start3A_927 = tpu.memref_slice %arg4[%while3A_188, %run_scoped3A_918, %add3A, %add3A_905, %dma_start3A_926] : memref<4x2x32x20x64xi32, #tpu.memory_space<hbm>> -> memref<1x1x1x1x64xi32, #tpu.memory_space<hbm>>
          %dma_start3A_928 = tpu.memref_squeeze %dma_start3A_927 : memref<1x1x1x1x64xi32, #tpu.memory_space<hbm>> -> memref<64xi32, #tpu.memory_space<hbm>>
          %dma_start3A_929 = tpu.memref_slice %arg9[%mul3A_917] : memref<1344xi32, #tpu.memory_space<vmem>> -> memref<64xi32, #tpu.memory_space<vmem>>
          tpu.enqueue_dma source(%dma_start3A_929 : memref<64xi32, #tpu.memory_space<vmem>>) target(%dma_start3A_928 : memref<64xi32, #tpu.memory_space<hbm>>) target_semaphore(%run_scoped3A_922 : memref<!tpu.dma_semaphore, #tpu.memory_space<semaphore_mem>>)
          %dma_wait3A = tpu.memref_slice %arg9[%mul3A_917] : memref<1344xi32, #tpu.memory_space<vmem>> -> memref<64xi32, #tpu.memory_space<vmem>>
          %dma_wait3A_930 = arith.constant 0 : i32
          %dma_wait3A_931 = tpu.memref_slice %arg4[%while3A_188, %run_scoped3A_918, %add3A, %add3A_905, %dma_wait3A_930] : memref<4x2x32x20x64xi32, #tpu.memory_space<hbm>> -> memref<1x1x1x1x64xi32, #tpu.memory_space<hbm>>
          %dma_wait3A_932 = tpu.memref_squeeze %dma_wait3A_931 : memref<1x1x1x1x64xi32, #tpu.memory_space<hbm>> -> memref<64xi32, #tpu.memory_space<hbm>>
          %dma_wait3A_933 = arith.constant 0 : i32
          %dma_wait3A_934 = tpu.memref_slice %arg4[%while3A_188, %run_scoped3A_918, %add3A, %add3A_905, %dma_wait3A_933] : memref<4x2x32x20x64xi32, #tpu.memory_space<hbm>> -> memref<1x1x1x1x64xi32, #tpu.memory_space<hbm>>
          %dma_wait3A_935 = tpu.memref_squeeze %dma_wait3A_934 : memref<1x1x1x1x64xi32, #tpu.memory_space<hbm>> -> memref<64xi32, #tpu.memory_space<hbm>>
          %dma_wait3A_936 = tpu.memref_slice %arg9[%mul3A_917] : memref<1344xi32, #tpu.memory_space<vmem>> -> memref<64xi32, #tpu.memory_space<vmem>>
          tpu.wait_dma2 semaphore(%run_scoped3A_922 : memref<!tpu.dma_semaphore, #tpu.memory_space<semaphore_mem>>) src(%dma_wait3A_936 : memref<64xi32, #tpu.memory_space<vmem>>) dst(%dma_wait3A_935 : memref<64xi32, #tpu.memory_space<hbm>>)
          tpu.yield
        }) : () -> ()
        %mul3A_919 = arith.constant 64 : i32
        %mul3A_920 = arith.muli %add3A_905, %mul3A_919 : i32
        %run_scoped3A_921 = arith.constant 0 : i32
        "tpu.region"() ({
          %run_scoped3A_922 = tpu.sem_alloc : memref<!tpu.dma_semaphore, #tpu.memory_space<semaphore_mem>>
          %dma_start3A = tpu.memref_slice %arg10[%mul3A_920] : memref<1344xi32, #tpu.memory_space<vmem>> -> memref<64xi32, #tpu.memory_space<vmem>>
          %dma_start3A_923 = arith.constant 0 : i32
          %dma_start3A_924 = tpu.memref_slice %arg5[%while3A_188, %run_scoped3A_921, %add3A, %add3A_905, %dma_start3A_923] : memref<4x2x32x20x64xi32, #tpu.memory_space<hbm>> -> memref<1x1x1x1x64xi32, #tpu.memory_space<hbm>>
          %dma_start3A_925 = tpu.memref_squeeze %dma_start3A_924 : memref<1x1x1x1x64xi32, #tpu.memory_space<hbm>> -> memref<64xi32, #tpu.memory_space<hbm>>
          %dma_start3A_926 = arith.constant 0 : i32
          %dma_start3A_927 = tpu.memref_slice %arg5[%while3A_188, %run_scoped3A_921, %add3A, %add3A_905, %dma_start3A_926] : memref<4x2x32x20x64xi32, #tpu.memory_space<hbm>> -> memref<1x1x1x1x64xi32, #tpu.memory_space<hbm>>
          %dma_start3A_928 = tpu.memref_squeeze %dma_start3A_927 : memref<1x1x1x1x64xi32, #tpu.memory_space<hbm>> -> memref<64xi32, #tpu.memory_space<hbm>>
          %dma_start3A_929 = tpu.memref_slice %arg10[%mul3A_920] : memref<1344xi32, #tpu.memory_space<vmem>> -> memref<64xi32, #tpu.memory_space<vmem>>
          tpu.enqueue_dma source(%dma_start3A_929 : memref<64xi32, #tpu.memory_space<vmem>>) target(%dma_start3A_928 : memref<64xi32, #tpu.memory_space<hbm>>) target_semaphore(%run_scoped3A_922 : memref<!tpu.dma_semaphore, #tpu.memory_space<semaphore_mem>>)
          %dma_wait3A = tpu.memref_slice %arg10[%mul3A_920] : memref<1344xi32, #tpu.memory_space<vmem>> -> memref<64xi32, #tpu.memory_space<vmem>>
          %dma_wait3A_930 = arith.constant 0 : i32
          %dma_wait3A_931 = tpu.memref_slice %arg5[%while3A_188, %run_scoped3A_921, %add3A, %add3A_905, %dma_wait3A_930] : memref<4x2x32x20x64xi32, #tpu.memory_space<hbm>> -> memref<1x1x1x1x64xi32, #tpu.memory_space<hbm>>
          %dma_wait3A_932 = tpu.memref_squeeze %dma_wait3A_931 : memref<1x1x1x1x64xi32, #tpu.memory_space<hbm>> -> memref<64xi32, #tpu.memory_space<hbm>>
          %dma_wait3A_933 = arith.constant 0 : i32
          %dma_wait3A_934 = tpu.memref_slice %arg5[%while3A_188, %run_scoped3A_921, %add3A, %add3A_905, %dma_wait3A_933] : memref<4x2x32x20x64xi32, #tpu.memory_space<hbm>> -> memref<1x1x1x1x64xi32, #tpu.memory_space<hbm>>
          %dma_wait3A_935 = tpu.memref_squeeze %dma_wait3A_934 : memref<1x1x1x1x64xi32, #tpu.memory_space<hbm>> -> memref<64xi32, #tpu.memory_space<hbm>>
          %dma_wait3A_936 = tpu.memref_slice %arg10[%mul3A_920] : memref<1344xi32, #tpu.memory_space<vmem>> -> memref<64xi32, #tpu.memory_space<vmem>>
          tpu.wait_dma2 semaphore(%run_scoped3A_922 : memref<!tpu.dma_semaphore, #tpu.memory_space<semaphore_mem>>) src(%dma_wait3A_936 : memref<64xi32, #tpu.memory_space<vmem>>) dst(%dma_wait3A_935 : memref<64xi32, #tpu.memory_space<hbm>>)
          tpu.yield
        }) : () -> ()
      } else {
      }
      %mul3A_910 = arith.constant 64 : i32
      %mul3A_911 = arith.muli %add3A_905, %mul3A_910 : i32
      %lt3A_912 = arith.cmpi slt, %mul3A_911, %mul3A_176 : i32
      %convert_element_type3A_913 = arith.extui %lt3A_912 : i1 to i32
      %cond3A_914 = arith.constant 0 : i32
      %cond3A_915 = arith.cmpi ne, %convert_element_type3A_913, %cond3A_914 : i32
      scf.if %cond3A_915 {
        %mul3A_916 = arith.constant 64 : i32
        %mul3A_917 = arith.muli %add3A_905, %mul3A_916 : i32
        %run_scoped3A_918 = arith.constant 1 : i32
        "tpu.region"() ({
          %run_scoped3A_922 = tpu.sem_alloc : memref<!tpu.dma_semaphore, #tpu.memory_space<semaphore_mem>>
          %dma_start3A = tpu.memref_slice %arg11[%mul3A_917] : memref<1344xi32, #tpu.memory_space<vmem>> -> memref<64xi32, #tpu.memory_space<vmem>>
          %dma_start3A_923 = arith.constant 0 : i32
          %dma_start3A_924 = tpu.memref_slice %arg4[%while3A_188, %run_scoped3A_918, %add3A, %add3A_905, %dma_start3A_923] : memref<4x2x32x20x64xi32, #tpu.memory_space<hbm>> -> memref<1x1x1x1x64xi32, #tpu.memory_space<hbm>>
          %dma_start3A_925 = tpu.memref_squeeze %dma_start3A_924 : memref<1x1x1x1x64xi32, #tpu.memory_space<hbm>> -> memref<64xi32, #tpu.memory_space<hbm>>
          %dma_start3A_926 = arith.constant 0 : i32
          %dma_start3A_927 = tpu.memref_slice %arg4[%while3A_188, %run_scoped3A_918, %add3A, %add3A_905, %dma_start3A_926] : memref<4x2x32x20x64xi32, #tpu.memory_space<hbm>> -> memref<1x1x1x1x64xi32, #tpu.memory_space<hbm>>
          %dma_start3A_928 = tpu.memref_squeeze %dma_start3A_927 : memref<1x1x1x1x64xi32, #tpu.memory_space<hbm>> -> memref<64xi32, #tpu.memory_space<hbm>>
          %dma_start3A_929 = tpu.memref_slice %arg11[%mul3A_917] : memref<1344xi32, #tpu.memory_space<vmem>> -> memref<64xi32, #tpu.memory_space<vmem>>
          tpu.enqueue_dma source(%dma_start3A_929 : memref<64xi32, #tpu.memory_space<vmem>>) target(%dma_start3A_928 : memref<64xi32, #tpu.memory_space<hbm>>) target_semaphore(%run_scoped3A_922 : memref<!tpu.dma_semaphore, #tpu.memory_space<semaphore_mem>>)
          %dma_wait3A = tpu.memref_slice %arg11[%mul3A_917] : memref<1344xi32, #tpu.memory_space<vmem>> -> memref<64xi32, #tpu.memory_space<vmem>>
          %dma_wait3A_930 = arith.constant 0 : i32
          %dma_wait3A_931 = tpu.memref_slice %arg4[%while3A_188, %run_scoped3A_918, %add3A, %add3A_905, %dma_wait3A_930] : memref<4x2x32x20x64xi32, #tpu.memory_space<hbm>> -> memref<1x1x1x1x64xi32, #tpu.memory_space<hbm>>
          %dma_wait3A_932 = tpu.memref_squeeze %dma_wait3A_931 : memref<1x1x1x1x64xi32, #tpu.memory_space<hbm>> -> memref<64xi32, #tpu.memory_space<hbm>>
          %dma_wait3A_933 = arith.constant 0 : i32
          %dma_wait3A_934 = tpu.memref_slice %arg4[%while3A_188, %run_scoped3A_918, %add3A, %add3A_905, %dma_wait3A_933] : memref<4x2x32x20x64xi32, #tpu.memory_space<hbm>> -> memref<1x1x1x1x64xi32, #tpu.memory_space<hbm>>
          %dma_wait3A_935 = tpu.memref_squeeze %dma_wait3A_934 : memref<1x1x1x1x64xi32, #tpu.memory_space<hbm>> -> memref<64xi32, #tpu.memory_space<hbm>>
          %dma_wait3A_936 = tpu.memref_slice %arg11[%mul3A_917] : memref<1344xi32, #tpu.memory_space<vmem>> -> memref<64xi32, #tpu.memory_space<vmem>>
          tpu.wait_dma2 semaphore(%run_scoped3A_922 : memref<!tpu.dma_semaphore, #tpu.memory_space<semaphore_mem>>) src(%dma_wait3A_936 : memref<64xi32, #tpu.memory_space<vmem>>) dst(%dma_wait3A_935 : memref<64xi32, #tpu.memory_space<hbm>>)
          tpu.yield
        }) : () -> ()
        %mul3A_919 = arith.constant 64 : i32
        %mul3A_920 = arith.muli %add3A_905, %mul3A_919 : i32
        %run_scoped3A_921 = arith.constant 1 : i32
        "tpu.region"() ({
          %run_scoped3A_922 = tpu.sem_alloc : memref<!tpu.dma_semaphore, #tpu.memory_space<semaphore_mem>>
          %dma_start3A = tpu.memref_slice %arg12[%mul3A_920] : memref<1344xi32, #tpu.memory_space<vmem>> -> memref<64xi32, #tpu.memory_space<vmem>>
          %dma_start3A_923 = arith.constant 0 : i32
          %dma_start3A_924 = tpu.memref_slice %arg5[%while3A_188, %run_scoped3A_921, %add3A, %add3A_905, %dma_start3A_923] : memref<4x2x32x20x64xi32, #tpu.memory_space<hbm>> -> memref<1x1x1x1x64xi32, #tpu.memory_space<hbm>>
          %dma_start3A_925 = tpu.memref_squeeze %dma_start3A_924 : memref<1x1x1x1x64xi32, #tpu.memory_space<hbm>> -> memref<64xi32, #tpu.memory_space<hbm>>
          %dma_start3A_926 = arith.constant 0 : i32
          %dma_start3A_927 = tpu.memref_slice %arg5[%while3A_188, %run_scoped3A_921, %add3A, %add3A_905, %dma_start3A_926] : memref<4x2x32x20x64xi32, #tpu.memory_space<hbm>> -> memref<1x1x1x1x64xi32, #tpu.memory_space<hbm>>
          %dma_start3A_928 = tpu.memref_squeeze %dma_start3A_927 : memref<1x1x1x1x64xi32, #tpu.memory_space<hbm>> -> memref<64xi32, #tpu.memory_space<hbm>>
          %dma_start3A_929 = tpu.memref_slice %arg12[%mul3A_920] : memref<1344xi32, #tpu.memory_space<vmem>> -> memref<64xi32, #tpu.memory_space<vmem>>
          tpu.enqueue_dma source(%dma_start3A_929 : memref<64xi32, #tpu.memory_space<vmem>>) target(%dma_start3A_928 : memref<64xi32, #tpu.memory_space<hbm>>) target_semaphore(%run_scoped3A_922 : memref<!tpu.dma_semaphore, #tpu.memory_space<semaphore_mem>>)
          %dma_wait3A = tpu.memref_slice %arg12[%mul3A_920] : memref<1344xi32, #tpu.memory_space<vmem>> -> memref<64xi32, #tpu.memory_space<vmem>>
          %dma_wait3A_930 = arith.constant 0 : i32
          %dma_wait3A_931 = tpu.memref_slice %arg5[%while3A_188, %run_scoped3A_921, %add3A, %add3A_905, %dma_wait3A_930] : memref<4x2x32x20x64xi32, #tpu.memory_space<hbm>> -> memref<1x1x1x1x64xi32, #tpu.memory_space<hbm>>
          %dma_wait3A_932 = tpu.memref_squeeze %dma_wait3A_931 : memref<1x1x1x1x64xi32, #tpu.memory_space<hbm>> -> memref<64xi32, #tpu.memory_space<hbm>>
          %dma_wait3A_933 = arith.constant 0 : i32
          %dma_wait3A_934 = tpu.memref_slice %arg5[%while3A_188, %run_scoped3A_921, %add3A, %add3A_905, %dma_wait3A_933] : memref<4x2x32x20x64xi32, #tpu.memory_space<hbm>> -> memref<1x1x1x1x64xi32, #tpu.memory_space<hbm>>
          %dma_wait3A_935 = tpu.memref_squeeze %dma_wait3A_934 : memref<1x1x1x1x64xi32, #tpu.memory_space<hbm>> -> memref<64xi32, #tpu.memory_space<hbm>>
          %dma_wait3A_936 = tpu.memref_slice %arg12[%mul3A_920] : memref<1344xi32, #tpu.memory_space<vmem>> -> memref<64xi32, #tpu.memory_space<vmem>>
          tpu.wait_dma2 semaphore(%run_scoped3A_922 : memref<!tpu.dma_semaphore, #tpu.memory_space<semaphore_mem>>) src(%dma_wait3A_936 : memref<64xi32, #tpu.memory_space<vmem>>) dst(%dma_wait3A_935 : memref<64xi32, #tpu.memory_space<hbm>>)
          tpu.yield
        }) : () -> ()
      } else {
      }
    }
    %while3A_197 = arith.constant 1 : i32
    scf.for %while3A_903 = %while3A_195 to %while3A_191 step %while3A_197  : i32 {
      %mul3A_904 = arith.muli %while3A_903, %while3A_186 : i32
      %add3A_905 = arith.addi %while3A_187, %mul3A_904 : i32
      %mul3A_906 = arith.constant 64 : i32
      %mul3A_907 = arith.muli %add3A_905, %mul3A_906 : i32
      %lt3A_908 = arith.cmpi slt, %mul3A_907, %mul3A_148 : i32
      %convert_element_type3A = arith.extui %lt3A_908 : i1 to i32
      %cond3A = arith.constant 0 : i32
      %cond3A_909 = arith.cmpi ne, %convert_element_type3A, %cond3A : i32
      scf.if %cond3A_909 {
        %mul3A_916 = arith.constant 64 : i32
        %mul3A_917 = arith.muli %add3A_905, %mul3A_916 : i32
        %run_scoped3A_918 = arith.constant 0 : i32
        "tpu.region"() ({
          %run_scoped3A_922 = tpu.sem_alloc : memref<!tpu.dma_semaphore, #tpu.memory_space<semaphore_mem>>
          %dma_start3A = tpu.memref_slice %arg9[%mul3A_917] : memref<1344xi32, #tpu.memory_space<vmem>> -> memref<64xi32, #tpu.memory_space<vmem>>
          %dma_start3A_923 = arith.constant 0 : i32
          %dma_start3A_924 = tpu.memref_slice %arg4[%while3A_188, %run_scoped3A_918, %add3A, %add3A_905, %dma_start3A_923] : memref<4x2x32x20x64xi32, #tpu.memory_space<hbm>> -> memref<1x1x1x1x64xi32, #tpu.memory_space<hbm>>
          %dma_start3A_925 = tpu.memref_squeeze %dma_start3A_924 : memref<1x1x1x1x64xi32, #tpu.memory_space<hbm>> -> memref<64xi32, #tpu.memory_space<hbm>>
          %dma_start3A_926 = arith.constant 0 : i32
          %dma_start3A_927 = tpu.memref_slice %arg4[%while3A_188, %run_scoped3A_918, %add3A, %add3A_905, %dma_start3A_926] : memref<4x2x32x20x64xi32, #tpu.memory_space<hbm>> -> memref<1x1x1x1x64xi32, #tpu.memory_space<hbm>>
          %dma_start3A_928 = tpu.memref_squeeze %dma_start3A_927 : memref<1x1x1x1x64xi32, #tpu.memory_space<hbm>> -> memref<64xi32, #tpu.memory_space<hbm>>
          %dma_start3A_929 = tpu.memref_slice %arg9[%mul3A_917] : memref<1344xi32, #tpu.memory_space<vmem>> -> memref<64xi32, #tpu.memory_space<vmem>>
          tpu.enqueue_dma source(%dma_start3A_929 : memref<64xi32, #tpu.memory_space<vmem>>) target(%dma_start3A_928 : memref<64xi32, #tpu.memory_space<hbm>>) target_semaphore(%run_scoped3A_922 : memref<!tpu.dma_semaphore, #tpu.memory_space<semaphore_mem>>)
          %dma_wait3A = tpu.memref_slice %arg9[%mul3A_917] : memref<1344xi32, #tpu.memory_space<vmem>> -> memref<64xi32, #tpu.memory_space<vmem>>
          %dma_wait3A_930 = arith.constant 0 : i32
          %dma_wait3A_931 = tpu.memref_slice %arg4[%while3A_188, %run_scoped3A_918, %add3A, %add3A_905, %dma_wait3A_930] : memref<4x2x32x20x64xi32, #tpu.memory_space<hbm>> -> memref<1x1x1x1x64xi32, #tpu.memory_space<hbm>>
          %dma_wait3A_932 = tpu.memref_squeeze %dma_wait3A_931 : memref<1x1x1x1x64xi32, #tpu.memory_space<hbm>> -> memref<64xi32, #tpu.memory_space<hbm>>
          %dma_wait3A_933 = arith.constant 0 : i32
          %dma_wait3A_934 = tpu.memref_slice %arg4[%while3A_188, %run_scoped3A_918, %add3A, %add3A_905, %dma_wait3A_933] : memref<4x2x32x20x64xi32, #tpu.memory_space<hbm>> -> memref<1x1x1x1x64xi32, #tpu.memory_space<hbm>>
          %dma_wait3A_935 = tpu.memref_squeeze %dma_wait3A_934 : memref<1x1x1x1x64xi32, #tpu.memory_space<hbm>> -> memref<64xi32, #tpu.memory_space<hbm>>
          %dma_wait3A_936 = tpu.memref_slice %arg9[%mul3A_917] : memref<1344xi32, #tpu.memory_space<vmem>> -> memref<64xi32, #tpu.memory_space<vmem>>
          tpu.wait_dma2 semaphore(%run_scoped3A_922 : memref<!tpu.dma_semaphore, #tpu.memory_space<semaphore_mem>>) src(%dma_wait3A_936 : memref<64xi32, #tpu.memory_space<vmem>>) dst(%dma_wait3A_935 : memref<64xi32, #tpu.memory_space<hbm>>)
          tpu.yield
        }) : () -> ()
        %mul3A_919 = arith.constant 64 : i32
        %mul3A_920 = arith.muli %add3A_905, %mul3A_919 : i32
        %run_scoped3A_921 = arith.constant 0 : i32
        "tpu.region"() ({
          %run_scoped3A_922 = tpu.sem_alloc : memref<!tpu.dma_semaphore, #tpu.memory_space<semaphore_mem>>
          %dma_start3A = tpu.memref_slice %arg10[%mul3A_920] : memref<1344xi32, #tpu.memory_space<vmem>> -> memref<64xi32, #tpu.memory_space<vmem>>
          %dma_start3A_923 = arith.constant 0 : i32
          %dma_start3A_924 = tpu.memref_slice %arg5[%while3A_188, %run_scoped3A_921, %add3A, %add3A_905, %dma_start3A_923] : memref<4x2x32x20x64xi32, #tpu.memory_space<hbm>> -> memref<1x1x1x1x64xi32, #tpu.memory_space<hbm>>
          %dma_start3A_925 = tpu.memref_squeeze %dma_start3A_924 : memref<1x1x1x1x64xi32, #tpu.memory_space<hbm>> -> memref<64xi32, #tpu.memory_space<hbm>>
          %dma_start3A_926 = arith.constant 0 : i32
          %dma_start3A_927 = tpu.memref_slice %arg5[%while3A_188, %run_scoped3A_921, %add3A, %add3A_905, %dma_start3A_926] : memref<4x2x32x20x64xi32, #tpu.memory_space<hbm>> -> memref<1x1x1x1x64xi32, #tpu.memory_space<hbm>>
          %dma_start3A_928 = tpu.memref_squeeze %dma_start3A_927 : memref<1x1x1x1x64xi32, #tpu.memory_space<hbm>> -> memref<64xi32, #tpu.memory_space<hbm>>
          %dma_start3A_929 = tpu.memref_slice %arg10[%mul3A_920] : memref<1344xi32, #tpu.memory_space<vmem>> -> memref<64xi32, #tpu.memory_space<vmem>>
          tpu.enqueue_dma source(%dma_start3A_929 : memref<64xi32, #tpu.memory_space<vmem>>) target(%dma_start3A_928 : memref<64xi32, #tpu.memory_space<hbm>>) target_semaphore(%run_scoped3A_922 : memref<!tpu.dma_semaphore, #tpu.memory_space<semaphore_mem>>)
          %dma_wait3A = tpu.memref_slice %arg10[%mul3A_920] : memref<1344xi32, #tpu.memory_space<vmem>> -> memref<64xi32, #tpu.memory_space<vmem>>
          %dma_wait3A_930 = arith.constant 0 : i32
          %dma_wait3A_931 = tpu.memref_slice %arg5[%while3A_188, %run_scoped3A_921, %add3A, %add3A_905, %dma_wait3A_930] : memref<4x2x32x20x64xi32, #tpu.memory_space<hbm>> -> memref<1x1x1x1x64xi32, #tpu.memory_space<hbm>>
          %dma_wait3A_932 = tpu.memref_squeeze %dma_wait3A_931 : memref<1x1x1x1x64xi32, #tpu.memory_space<hbm>> -> memref<64xi32, #tpu.memory_space<hbm>>
          %dma_wait3A_933 = arith.constant 0 : i32
          %dma_wait3A_934 = tpu.memref_slice %arg5[%while3A_188, %run_scoped3A_921, %add3A, %add3A_905, %dma_wait3A_933] : memref<4x2x32x20x64xi32, #tpu.memory_space<hbm>> -> memref<1x1x1x1x64xi32, #tpu.memory_space<hbm>>
          %dma_wait3A_935 = tpu.memref_squeeze %dma_wait3A_934 : memref<1x1x1x1x64xi32, #tpu.memory_space<hbm>> -> memref<64xi32, #tpu.memory_space<hbm>>
          %dma_wait3A_936 = tpu.memref_slice %arg10[%mul3A_920] : memref<1344xi32, #tpu.memory_space<vmem>> -> memref<64xi32, #tpu.memory_space<vmem>>
          tpu.wait_dma2 semaphore(%run_scoped3A_922 : memref<!tpu.dma_semaphore, #tpu.memory_space<semaphore_mem>>) src(%dma_wait3A_936 : memref<64xi32, #tpu.memory_space<vmem>>) dst(%dma_wait3A_935 : memref<64xi32, #tpu.memory_space<hbm>>)
          tpu.yield
        }) : () -> ()
      } else {
      }
      %mul3A_910 = arith.constant 64 : i32
      %mul3A_911 = arith.muli %add3A_905, %mul3A_910 : i32
      %lt3A_912 = arith.cmpi slt, %mul3A_911, %mul3A_176 : i32
      %convert_element_type3A_913 = arith.extui %lt3A_912 : i1 to i32
      %cond3A_914 = arith.constant 0 : i32
      %cond3A_915 = arith.cmpi ne, %convert_element_type3A_913, %cond3A_914 : i32
      scf.if %cond3A_915 {
        %mul3A_916 = arith.constant 64 : i32
        %mul3A_917 = arith.muli %add3A_905, %mul3A_916 : i32
        %run_scoped3A_918 = arith.constant 1 : i32
        "tpu.region"() ({
          %run_scoped3A_922 = tpu.sem_alloc : memref<!tpu.dma_semaphore, #tpu.memory_space<semaphore_mem>>
          %dma_start3A = tpu.memref_slice %arg11[%mul3A_917] : memref<1344xi32, #tpu.memory_space<vmem>> -> memref<64xi32, #tpu.memory_space<vmem>>
          %dma_start3A_923 = arith.constant 0 : i32
          %dma_start3A_924 = tpu.memref_slice %arg4[%while3A_188, %run_scoped3A_918, %add3A, %add3A_905, %dma_start3A_923] : memref<4x2x32x20x64xi32, #tpu.memory_space<hbm>> -> memref<1x1x1x1x64xi32, #tpu.memory_space<hbm>>
          %dma_start3A_925 = tpu.memref_squeeze %dma_start3A_924 : memref<1x1x1x1x64xi32, #tpu.memory_space<hbm>> -> memref<64xi32, #tpu.memory_space<hbm>>
          %dma_start3A_926 = arith.constant 0 : i32
          %dma_start3A_927 = tpu.memref_slice %arg4[%while3A_188, %run_scoped3A_918, %add3A, %add3A_905, %dma_start3A_926] : memref<4x2x32x20x64xi32, #tpu.memory_space<hbm>> -> memref<1x1x1x1x64xi32, #tpu.memory_space<hbm>>
          %dma_start3A_928 = tpu.memref_squeeze %dma_start3A_927 : memref<1x1x1x1x64xi32, #tpu.memory_space<hbm>> -> memref<64xi32, #tpu.memory_space<hbm>>
          %dma_start3A_929 = tpu.memref_slice %arg11[%mul3A_917] : memref<1344xi32, #tpu.memory_space<vmem>> -> memref<64xi32, #tpu.memory_space<vmem>>
          tpu.enqueue_dma source(%dma_start3A_929 : memref<64xi32, #tpu.memory_space<vmem>>) target(%dma_start3A_928 : memref<64xi32, #tpu.memory_space<hbm>>) target_semaphore(%run_scoped3A_922 : memref<!tpu.dma_semaphore, #tpu.memory_space<semaphore_mem>>)
          %dma_wait3A = tpu.memref_slice %arg11[%mul3A_917] : memref<1344xi32, #tpu.memory_space<vmem>> -> memref<64xi32, #tpu.memory_space<vmem>>
          %dma_wait3A_930 = arith.constant 0 : i32
          %dma_wait3A_931 = tpu.memref_slice %arg4[%while3A_188, %run_scoped3A_918, %add3A, %add3A_905, %dma_wait3A_930] : memref<4x2x32x20x64xi32, #tpu.memory_space<hbm>> -> memref<1x1x1x1x64xi32, #tpu.memory_space<hbm>>
          %dma_wait3A_932 = tpu.memref_squeeze %dma_wait3A_931 : memref<1x1x1x1x64xi32, #tpu.memory_space<hbm>> -> memref<64xi32, #tpu.memory_space<hbm>>
          %dma_wait3A_933 = arith.constant 0 : i32
          %dma_wait3A_934 = tpu.memref_slice %arg4[%while3A_188, %run_scoped3A_918, %add3A, %add3A_905, %dma_wait3A_933] : memref<4x2x32x20x64xi32, #tpu.memory_space<hbm>> -> memref<1x1x1x1x64xi32, #tpu.memory_space<hbm>>
          %dma_wait3A_935 = tpu.memref_squeeze %dma_wait3A_934 : memref<1x1x1x1x64xi32, #tpu.memory_space<hbm>> -> memref<64xi32, #tpu.memory_space<hbm>>
          %dma_wait3A_936 = tpu.memref_slice %arg11[%mul3A_917] : memref<1344xi32, #tpu.memory_space<vmem>> -> memref<64xi32, #tpu.memory_space<vmem>>
          tpu.wait_dma2 semaphore(%run_scoped3A_922 : memref<!tpu.dma_semaphore, #tpu.memory_space<semaphore_mem>>) src(%dma_wait3A_936 : memref<64xi32, #tpu.memory_space<vmem>>) dst(%dma_wait3A_935 : memref<64xi32, #tpu.memory_space<hbm>>)
          tpu.yield
        }) : () -> ()
        %mul3A_919 = arith.constant 64 : i32
        %mul3A_920 = arith.muli %add3A_905, %mul3A_919 : i32
        %run_scoped3A_921 = arith.constant 1 : i32
        "tpu.region"() ({
          %run_scoped3A_922 = tpu.sem_alloc : memref<!tpu.dma_semaphore, #tpu.memory_space<semaphore_mem>>
          %dma_start3A = tpu.memref_slice %arg12[%mul3A_920] : memref<1344xi32, #tpu.memory_space<vmem>> -> memref<64xi32, #tpu.memory_space<vmem>>
          %dma_start3A_923 = arith.constant 0 : i32
          %dma_start3A_924 = tpu.memref_slice %arg5[%while3A_188, %run_scoped3A_921, %add3A, %add3A_905, %dma_start3A_923] : memref<4x2x32x20x64xi32, #tpu.memory_space<hbm>> -> memref<1x1x1x1x64xi32, #tpu.memory_space<hbm>>
          %dma_start3A_925 = tpu.memref_squeeze %dma_start3A_924 : memref<1x1x1x1x64xi32, #tpu.memory_space<hbm>> -> memref<64xi32, #tpu.memory_space<hbm>>
          %dma_start3A_926 = arith.constant 0 : i32
          %dma_start3A_927 = tpu.memref_slice %arg5[%while3A_188, %run_scoped3A_921, %add3A, %add3A_905, %dma_start3A_926] : memref<4x2x32x20x64xi32, #tpu.memory_space<hbm>> -> memref<1x1x1x1x64xi32, #tpu.memory_space<hbm>>
          %dma_start3A_928 = tpu.memref_squeeze %dma_start3A_927 : memref<1x1x1x1x64xi32, #tpu.memory_space<hbm>> -> memref<64xi32, #tpu.memory_space<hbm>>
          %dma_start3A_929 = tpu.memref_slice %arg12[%mul3A_920] : memref<1344xi32, #tpu.memory_space<vmem>> -> memref<64xi32, #tpu.memory_space<vmem>>
          tpu.enqueue_dma source(%dma_start3A_929 : memref<64xi32, #tpu.memory_space<vmem>>) target(%dma_start3A_928 : memref<64xi32, #tpu.memory_space<hbm>>) target_semaphore(%run_scoped3A_922 : memref<!tpu.dma_semaphore, #tpu.memory_space<semaphore_mem>>)
          %dma_wait3A = tpu.memref_slice %arg12[%mul3A_920] : memref<1344xi32, #tpu.memory_space<vmem>> -> memref<64xi32, #tpu.memory_space<vmem>>
          %dma_wait3A_930 = arith.constant 0 : i32
          %dma_wait3A_931 = tpu.memref_slice %arg5[%while3A_188, %run_scoped3A_921, %add3A, %add3A_905, %dma_wait3A_930] : memref<4x2x32x20x64xi32, #tpu.memory_space<hbm>> -> memref<1x1x1x1x64xi32, #tpu.memory_space<hbm>>
          %dma_wait3A_932 = tpu.memref_squeeze %dma_wait3A_931 : memref<1x1x1x1x64xi32, #tpu.memory_space<hbm>> -> memref<64xi32, #tpu.memory_space<hbm>>
          %dma_wait3A_933 = arith.constant 0 : i32
          %dma_wait3A_934 = tpu.memref_slice %arg5[%while3A_188, %run_scoped3A_921, %add3A, %add3A_905, %dma_wait3A_933] : memref<4x2x32x20x64xi32, #tpu.memory_space<hbm>> -> memref<1x1x1x1x64xi32, #tpu.memory_space<hbm>>
          %dma_wait3A_935 = tpu.memref_squeeze %dma_wait3A_934 : memref<1x1x1x1x64xi32, #tpu.memory_space<hbm>> -> memref<64xi32, #tpu.memory_space<hbm>>
          %dma_wait3A_936 = tpu.memref_slice %arg12[%mul3A_920] : memref<1344xi32, #tpu.memory_space<vmem>> -> memref<64xi32, #tpu.memory_space<vmem>>
          tpu.wait_dma2 semaphore(%run_scoped3A_922 : memref<!tpu.dma_semaphore, #tpu.memory_space<semaphore_mem>>) src(%dma_wait3A_936 : memref<64xi32, #tpu.memory_space<vmem>>) dst(%dma_wait3A_935 : memref<64xi32, #tpu.memory_space<hbm>>)
          tpu.yield
        }) : () -> ()
      } else {
      }
    }
    %broadcast_in_dim3A_198 = arith.constant 0 : i32
    %broadcast_in_dim3A_199 = vector.broadcast %broadcast_in_dim3A_198 : i32 to vector<16xi32>
    %add3A_200 = vector.broadcast %mul3A_148 : i32 to vector<16xi32>
    %add3A_201 = arith.addi %broadcast_in_dim3A_199, %add3A_200 : vector<16xi32>
    %swap3A_202 = arith.constant 0 : i32
    %swap3A_203 = arith.index_cast %swap3A_202 : i32 to index
    %swap3A_204 = tpu.vector_load %arg13[%swap3A_203] {strides = array<i32>} : memref<16xi32, #tpu.memory_space<vmem>>, vector<16xi32>,
    tpu.vector_store %arg13[%swap3A_203], %add3A_201 {strides = array<i32>} : memref<16xi32, #tpu.memory_space<vmem>>, vector<16xi32>,
    %run_scoped3A_205 = arith.constant 0 : i32
    %run_scoped3A_206 = arith.constant 0 : i32
    "tpu.region"() ({
      %run_scoped3A_903 = tpu.sem_alloc : memref<!tpu.dma_semaphore, #tpu.memory_space<semaphore_mem>>
      %dma_start3A = arith.constant 0 : i32
      %dma_start3A_904 = tpu.memref_slice %arg6[%run_scoped3A_205, %run_scoped3A_206, %add3A, %dma_start3A] : memref<4x2x32x16xi32, #tpu.memory_space<hbm>> -> memref<1x1x1x16xi32, #tpu.memory_space<hbm>>
      %dma_start3A_905 = tpu.memref_squeeze %dma_start3A_904 : memref<1x1x1x16xi32, #tpu.memory_space<hbm>> -> memref<16xi32, #tpu.memory_space<hbm>>
      %dma_start3A_906 = arith.constant 0 : i32
      %dma_start3A_907 = tpu.memref_slice %arg6[%run_scoped3A_205, %run_scoped3A_206, %add3A, %dma_start3A_906] : memref<4x2x32x16xi32, #tpu.memory_space<hbm>> -> memref<1x1x1x16xi32, #tpu.memory_space<hbm>>
      %dma_start3A_908 = tpu.memref_squeeze %dma_start3A_907 : memref<1x1x1x16xi32, #tpu.memory_space<hbm>> -> memref<16xi32, #tpu.memory_space<hbm>>
      tpu.enqueue_dma source(%arg13 : memref<16xi32, #tpu.memory_space<vmem>>) target(%dma_start3A_908 : memref<16xi32, #tpu.memory_space<hbm>>) target_semaphore(%run_scoped3A_903 : memref<!tpu.dma_semaphore, #tpu.memory_space<semaphore_mem>>)
      %dma_wait3A = arith.constant 0 : i32
      %dma_wait3A_909 = tpu.memref_slice %arg6[%run_scoped3A_205, %run_scoped3A_206, %add3A, %dma_wait3A] : memref<4x2x32x16xi32, #tpu.memory_space<hbm>> -> memref<1x1x1x16xi32, #tpu.memory_space<hbm>>
      %dma_wait3A_910 = tpu.memref_squeeze %dma_wait3A_909 : memref<1x1x1x16xi32, #tpu.memory_space<hbm>> -> memref<16xi32, #tpu.memory_space<hbm>>
      %dma_wait3A_911 = arith.constant 0 : i32
      %dma_wait3A_912 = tpu.memref_slice %arg6[%run_scoped3A_205, %run_scoped3A_206, %add3A, %dma_wait3A_911] : memref<4x2x32x16xi32, #tpu.memory_space<hbm>> -> memref<1x1x1x16xi32, #tpu.memory_space<hbm>>
      %dma_wait3A_913 = tpu.memref_squeeze %dma_wait3A_912 : memref<1x1x1x16xi32, #tpu.memory_space<hbm>> -> memref<16xi32, #tpu.memory_space<hbm>>
      tpu.wait_dma2 semaphore(%run_scoped3A_903 : memref<!tpu.dma_semaphore, #tpu.memory_space<semaphore_mem>>) src(%arg13 : memref<16xi32, #tpu.memory_space<vmem>>) dst(%dma_wait3A_913 : memref<16xi32, #tpu.memory_space<hbm>>)
      tpu.yield
    }) : () -> ()
    %broadcast_in_dim3A_207 = arith.constant 0 : i32
    %broadcast_in_dim3A_208 = vector.broadcast %broadcast_in_dim3A_207 : i32 to vector<16xi32>
    %add3A_209 = vector.broadcast %mul3A_176 : i32 to vector<16xi32>
    %add3A_210 = arith.addi %broadcast_in_dim3A_208, %add3A_209 : vector<16xi32>
    %swap3A_211 = arith.constant 0 : i32
    %swap3A_212 = arith.index_cast %swap3A_211 : i32 to index
    %swap3A_213 = tpu.vector_load %arg13[%swap3A_212] {strides = array<i32>} : memref<16xi32, #tpu.memory_space<vmem>>, vector<16xi32>,
    tpu.vector_store %arg13[%swap3A_212], %add3A_210 {strides = array<i32>} : memref<16xi32, #tpu.memory_space<vmem>>, vector<16xi32>,
    %run_scoped3A_214 = arith.constant 0 : i32
    %run_scoped3A_215 = arith.constant 1 : i32
    "tpu.region"() ({
      %run_scoped3A_903 = tpu.sem_alloc : memref<!tpu.dma_semaphore, #tpu.memory_space<semaphore_mem>>
      %dma_start3A = arith.constant 0 : i32
      %dma_start3A_904 = tpu.memref_slice %arg6[%run_scoped3A_214, %run_scoped3A_215, %add3A, %dma_start3A] : memref<4x2x32x16xi32, #tpu.memory_space<hbm>> -> memref<1x1x1x16xi32, #tpu.memory_space<hbm>>
      %dma_start3A_905 = tpu.memref_squeeze %dma_start3A_904 : memref<1x1x1x16xi32, #tpu.memory_space<hbm>> -> memref<16xi32, #tpu.memory_space<hbm>>
      %dma_start3A_906 = arith.constant 0 : i32
      %dma_start3A_907 = tpu.memref_slice %arg6[%run_scoped3A_214, %run_scoped3A_215, %add3A, %dma_start3A_906] : memref<4x2x32x16xi32, #tpu.memory_space<hbm>> -> memref<1x1x1x16xi32, #tpu.memory_space<hbm>>
      %dma_start3A_908 = tpu.memref_squeeze %dma_start3A_907 : memref<1x1x1x16xi32, #tpu.memory_space<hbm>> -> memref<16xi32, #tpu.memory_space<hbm>>
      tpu.enqueue_dma source(%arg13 : memref<16xi32, #tpu.memory_space<vmem>>) target(%dma_start3A_908 : memref<16xi32, #tpu.memory_space<hbm>>) target_semaphore(%run_scoped3A_903 : memref<!tpu.dma_semaphore, #tpu.memory_space<semaphore_mem>>)
      %dma_wait3A = arith.constant 0 : i32
      %dma_wait3A_909 = tpu.memref_slice %arg6[%run_scoped3A_214, %run_scoped3A_215, %add3A, %dma_wait3A] : memref<4x2x32x16xi32, #tpu.memory_space<hbm>> -> memref<1x1x1x16xi32, #tpu.memory_space<hbm>>
      %dma_wait3A_910 = tpu.memref_squeeze %dma_wait3A_909 : memref<1x1x1x16xi32, #tpu.memory_space<hbm>> -> memref<16xi32, #tpu.memory_space<hbm>>
      %dma_wait3A_911 = arith.constant 0 : i32
      %dma_wait3A_912 = tpu.memref_slice %arg6[%run_scoped3A_214, %run_scoped3A_215, %add3A, %dma_wait3A_911] : memref<4x2x32x16xi32, #tpu.memory_space<hbm>> -> memref<1x1x1x16xi32, #tpu.memory_space<hbm>>
      %dma_wait3A_913 = tpu.memref_squeeze %dma_wait3A_912 : memref<1x1x1x16xi32, #tpu.memory_space<hbm>> -> memref<16xi32, #tpu.memory_space<hbm>>
      tpu.wait_dma2 semaphore(%run_scoped3A_903 : memref<!tpu.dma_semaphore, #tpu.memory_space<semaphore_mem>>) src(%arg13 : memref<16xi32, #tpu.memory_space<vmem>>) dst(%dma_wait3A_913 : memref<16xi32, #tpu.memory_space<hbm>>)
      tpu.yield
    }) : () -> ()
    %mul3A_216 = arith.constant 1280 : i32
    %mul3A_217 = arith.muli %add3A, %mul3A_216 : i32
    %run_scoped3A_218 = arith.constant 1 : i32
    "tpu.region"() ({
      %run_scoped3A_903 = tpu.sem_alloc : memref<!tpu.dma_semaphore, #tpu.memory_space<semaphore_mem>>
      %dma_start3A = tpu.memref_slice %arg2[%run_scoped3A_218, %mul3A_217] : memref<4x40960xi32, #tpu.memory_space<hbm>> -> memref<1x1280xi32, #tpu.memory_space<hbm>>
      %dma_start3A_904 = tpu.memref_squeeze %dma_start3A : memref<1x1280xi32, #tpu.memory_space<hbm>> -> memref<1280xi32, #tpu.memory_space<hbm>>
      %dma_start3A_905 = tpu.memref_slice %arg2[%run_scoped3A_218, %mul3A_217] : memref<4x40960xi32, #tpu.memory_space<hbm>> -> memref<1x1280xi32, #tpu.memory_space<hbm>>
      %dma_start3A_906 = tpu.memref_squeeze %dma_start3A_905 : memref<1x1280xi32, #tpu.memory_space<hbm>> -> memref<1280xi32, #tpu.memory_space<hbm>>
      tpu.enqueue_dma source(%dma_start3A_906 : memref<1280xi32, #tpu.memory_space<hbm>>) target(%arg7 : memref<1280xi32, #tpu.memory_space<vmem>>) target_semaphore(%run_scoped3A_903 : memref<!tpu.dma_semaphore, #tpu.memory_space<semaphore_mem>>)
      %dma_wait3A = tpu.memref_slice %arg2[%run_scoped3A_218, %mul3A_217] : memref<4x40960xi32, #tpu.memory_space<hbm>> -> memref<1x1280xi32, #tpu.memory_space<hbm>>
      %dma_wait3A_907 = tpu.memref_squeeze %dma_wait3A : memref<1x1280xi32, #tpu.memory_space<hbm>> -> memref<1280xi32, #tpu.memory_space<hbm>>
      %dma_wait3A_908 = tpu.memref_slice %arg2[%run_scoped3A_218, %mul3A_217] : memref<4x40960xi32, #tpu.memory_space<hbm>> -> memref<1x1280xi32, #tpu.memory_space<hbm>>
      %dma_wait3A_909 = tpu.memref_squeeze %dma_wait3A_908 : memref<1x1280xi32, #tpu.memory_space<hbm>> -> memref<1280xi32, #tpu.memory_space<hbm>>
      tpu.wait_dma2 semaphore(%run_scoped3A_903 : memref<!tpu.dma_semaphore, #tpu.memory_space<semaphore_mem>>) src(%dma_wait3A_909 : memref<1280xi32, #tpu.memory_space<hbm>>) dst(%arg7 : memref<1280xi32, #tpu.memory_space<vmem>>)
      tpu.yield
    }) : () -> ()
    %run_scoped3A_219 = arith.constant 1 : i32
    "tpu.region"() ({
      %run_scoped3A_903 = tpu.sem_alloc : memref<!tpu.dma_semaphore, #tpu.memory_space<semaphore_mem>>
      %dma_start3A = tpu.memref_slice %arg3[%run_scoped3A_219, %mul3A_217] : memref<4x40960xi32, #tpu.memory_space<hbm>> -> memref<1x1280xi32, #tpu.memory_space<hbm>>
      %dma_start3A_904 = tpu.memref_squeeze %dma_start3A : memref<1x1280xi32, #tpu.memory_space<hbm>> -> memref<1280xi32, #tpu.memory_space<hbm>>
      %dma_start3A_905 = tpu.memref_slice %arg3[%run_scoped3A_219, %mul3A_217] : memref<4x40960xi32, #tpu.memory_space<hbm>> -> memref<1x1280xi32, #tpu.memory_space<hbm>>
      %dma_start3A_906 = tpu.memref_squeeze %dma_start3A_905 : memref<1x1280xi32, #tpu.memory_space<hbm>> -> memref<1280xi32, #tpu.memory_space<hbm>>
      tpu.enqueue_dma source(%dma_start3A_906 : memref<1280xi32, #tpu.memory_space<hbm>>) target(%arg8 : memref<1280xi32, #tpu.memory_space<vmem>>) target_semaphore(%run_scoped3A_903 : memref<!tpu.dma_semaphore, #tpu.memory_space<semaphore_mem>>)
      %dma_wait3A = tpu.memref_slice %arg3[%run_scoped3A_219, %mul3A_217] : memref<4x40960xi32, #tpu.memory_space<hbm>> -> memref<1x1280xi32, #tpu.memory_space<hbm>>
      %dma_wait3A_907 = tpu.memref_squeeze %dma_wait3A : memref<1x1280xi32, #tpu.memory_space<hbm>> -> memref<1280xi32, #tpu.memory_space<hbm>>
      %dma_wait3A_908 = tpu.memref_slice %arg3[%run_scoped3A_219, %mul3A_217] : memref<4x40960xi32, #tpu.memory_space<hbm>> -> memref<1x1280xi32, #tpu.memory_space<hbm>>
      %dma_wait3A_909 = tpu.memref_squeeze %dma_wait3A_908 : memref<1x1280xi32, #tpu.memory_space<hbm>> -> memref<1280xi32, #tpu.memory_space<hbm>>
      tpu.wait_dma2 semaphore(%run_scoped3A_903 : memref<!tpu.dma_semaphore, #tpu.memory_space<semaphore_mem>>) src(%dma_wait3A_909 : memref<1280xi32, #tpu.memory_space<hbm>>) dst(%arg8 : memref<1280xi32, #tpu.memory_space<vmem>>)
      tpu.yield
    }) : () -> ()
    %sub3A_220 = arith.constant 80 : i32
    %sub3A_221 = arith.constant 0 : i32
    %sub3A_222 = arith.subi %sub3A_220, %sub3A_221 : i32
    %sub3A_223 = arith.constant 1 : i32
    %sub3A_224 = arith.constant 1 : i32
    %sub3A_225 = arith.subi %sub3A_223, %sub3A_224 : i32
    %add3A_226 = arith.addi %sub3A_222, %sub3A_225 : i32
    %div3A_227 = arith.constant 1 : i32
    %div3A_228 = arith.divsi %add3A_226, %div3A_227 : i32
    %while3A_229 = arith.constant 1 : i32
    %while3A_230 = arith.constant 0 : i32
    %while3A_231 = arith.constant 0 : i32
    %while3A_232 = arith.constant 0 : i32
    %while3A_233 = arith.constant 0 : i32
    %while3A_234 = arith.subi %div3A_228, %while3A_231 : i32
    %while3A_235 = arith.addi %while3A_231, %while3A_234 : i32
    %while3A_236 = arith.constant 1 : i32
    %while3A_237 = arith.divsi %while3A_234, %while3A_236 : i32
    %while3A_238 = arith.muli %while3A_237, %while3A_236 : i32
    %while3A_239 = arith.addi %while3A_231, %while3A_238 : i32
    %while3A_240 = arith.constant 1 : i32
    %while3A_241:2 = scf.for %while3A_903 = %while3A_231 to %while3A_239 step %while3A_240 iter_args(%while3A_904 = %while3A_232, %while3A_905 = %while3A_233) -> (i32, i32)  : i32 {
      %mul3A_906 = arith.muli %while3A_903, %while3A_229 : i32
      %add3A_907 = arith.addi %while3A_230, %mul3A_906 : i32
      %mul3A_908 = arith.constant 16 : i32
      %mul3A_909 = arith.muli %add3A_907, %mul3A_908 : i32
      %get3A = arith.index_cast %mul3A_909 : i32 to index
      %get3A_910 = tpu.vector_load %arg7[%get3A] {strides = array<i32>} : memref<1280xi32, #tpu.memory_space<vmem>>, vector<16xi32>,
      %mul3A_911 = arith.constant 16 : i32
      %mul3A_912 = arith.muli %add3A_907, %mul3A_911 : i32
      %get3A_913 = arith.index_cast %mul3A_912 : i32 to index
      %get3A_914 = tpu.vector_load %arg8[%get3A_913] {strides = array<i32>} : memref<1280xi32, #tpu.memory_space<vmem>>, vector<16xi32>,
      %lt3A_915 = arith.constant 5000 : i32
      %lt3A_916 = vector.broadcast %lt3A_915 : i32 to vector<16xi32>
      %lt3A_917 = arith.cmpi slt, %get3A_914, %lt3A_916 : vector<16xi32>
      %ge3A = arith.constant 5000 : i32
      %ge3A_918 = vector.broadcast %ge3A : i32 to vector<16xi32>
      %ge3A_919 = arith.cmpi sge, %get3A_914, %ge3A_918 : vector<16xi32>
      %lt3A_920 = arith.constant 10000 : i32
      %lt3A_921 = vector.broadcast %lt3A_920 : i32 to vector<16xi32>
      %lt3A_922 = arith.cmpi slt, %get3A_914, %lt3A_921 : vector<16xi32>
      %and3A_923 = arith.andi %ge3A_919, %lt3A_922 : vector<16xi1>
      %jit3A_924 = arith.constant 1 : i32
      %jit3A_925 = arith.constant 0 : i32
      %broadcast_in_dim3A_926 = vector.broadcast %jit3A_924 : i32 to vector<16xi32>
      %broadcast_in_dim3A_927 = vector.broadcast %jit3A_925 : i32 to vector<16xi32>
      %select_n3A_928 = arith.select %lt3A_917, %broadcast_in_dim3A_926, %broadcast_in_dim3A_927 : vector<16xi1>, vector<16xi32>
      %broadcast_in_dim3A_929 = arith.constant true
      %broadcast_in_dim3A_930 = vector.broadcast %broadcast_in_dim3A_929 : i1 to vector<16xi1>
      %masked_cumsum3A = tpu.scan <sum>, %select_n3A_928 masked %broadcast_in_dim3A_930 : vector<16xi32>, vector<16xi1> -> vector<16xi32>
      %jit3A_931 = arith.constant 1 : i32
      %jit3A_932 = arith.constant 0 : i32
      %broadcast_in_dim3A_933 = vector.broadcast %jit3A_931 : i32 to vector<16xi32>
      %broadcast_in_dim3A_934 = vector.broadcast %jit3A_932 : i32 to vector<16xi32>
      %select_n3A_935 = arith.select %and3A_923, %broadcast_in_dim3A_933, %broadcast_in_dim3A_934 : vector<16xi1>, vector<16xi32>
      %broadcast_in_dim3A_936 = arith.constant true
      %broadcast_in_dim3A_937 = vector.broadcast %broadcast_in_dim3A_936 : i1 to vector<16xi1>
      %masked_cumsum3A_938 = tpu.scan <sum>, %select_n3A_935 masked %broadcast_in_dim3A_937 : vector<16xi32>, vector<16xi1> -> vector<16xi32>
      %add3A_939 = vector.broadcast %while3A_904 : i32 to vector<16xi32>
      %add3A_940 = arith.addi %add3A_939, %masked_cumsum3A : vector<16xi32>
      %sub3A_941 = arith.constant 1 : i32
      %sub3A_942 = vector.broadcast %sub3A_941 : i32 to vector<16xi32>
      %sub3A_943 = arith.subi %add3A_940, %sub3A_942 : vector<16xi32>
      %max3A = arith.constant 0 : i32
      %max3A_944 = vector.broadcast %max3A : i32 to vector<16xi32>
      %max3A_945 = arith.maxsi %sub3A_943, %max3A_944 : vector<16xi32>
      %add3A_946 = vector.broadcast %while3A_905 : i32 to vector<16xi32>
      %add3A_947 = arith.addi %add3A_946, %masked_cumsum3A_938 : vector<16xi32>
      %sub3A_948 = arith.constant 1 : i32
      %sub3A_949 = vector.broadcast %sub3A_948 : i32 to vector<16xi32>
      %sub3A_950 = arith.subi %add3A_947, %sub3A_949 : vector<16xi32>
      %max3A_951 = arith.constant 0 : i32
      %max3A_952 = vector.broadcast %max3A_951 : i32 to vector<16xi32>
      %max3A_953 = arith.maxsi %sub3A_950, %max3A_952 : vector<16xi32>
      tpu.vector_store_idx %arg9[%max3A_945], %get3A_910 masked %lt3A_917 : memref<1344xi32, #tpu.memory_space<vmem>>[vector<16xi32>], vector<16xi32>, vector<16xi1>
      tpu.vector_store_idx %arg10[%max3A_945], %get3A_914 masked %lt3A_917 : memref<1344xi32, #tpu.memory_space<vmem>>[vector<16xi32>], vector<16xi32>, vector<16xi1>
      tpu.vector_store_idx %arg11[%max3A_953], %get3A_910 masked %and3A_923 : memref<1344xi32, #tpu.memory_space<vmem>>[vector<16xi32>], vector<16xi32>, vector<16xi1>
      %sub3A_954 = arith.constant 5000 : i32
      %sub3A_955 = vector.broadcast %sub3A_954 : i32 to vector<16xi32>
      %sub3A_956 = arith.subi %get3A_914, %sub3A_955 : vector<16xi32>
      tpu.vector_store_idx %arg12[%max3A_953], %sub3A_956 masked %and3A_923 : memref<1344xi32, #tpu.memory_space<vmem>>[vector<16xi32>], vector<16xi32>, vector<16xi1>
      %reduce_max3A = arith.constant true
      %reduce_max3A_957 = vector.broadcast %reduce_max3A : i1 to vector<16xi1>
      %reduce_max3A_958 = arith.constant -2147483648 : i32
      %reduce_max3A_959 = vector.broadcast %reduce_max3A_958 : i32 to vector<16xi32>
      %reduce_max3A_960 = arith.xori %masked_cumsum3A, %reduce_max3A_959 : vector<16xi32>
      %reduce_max3A_961 = tpu.scan <max>, %reduce_max3A_960 masked %reduce_max3A_957 : vector<16xi32>, vector<16xi1> -> vector<16xi32>
      %reduce_max3A_962 = arith.xori %reduce_max3A_961, %reduce_max3A_959 : vector<16xi32>
      %reduce_max3A_963 = vector.extract %reduce_max3A_962[15] : i32 from vector<16xi32>
      %reduce_max3A_964 = arith.constant true
      %reduce_max3A_965 = vector.broadcast %reduce_max3A_964 : i1 to vector<16xi1>
      %reduce_max3A_966 = arith.constant -2147483648 : i32
      %reduce_max3A_967 = vector.broadcast %reduce_max3A_966 : i32 to vector<16xi32>
      %reduce_max3A_968 = arith.xori %masked_cumsum3A_938, %reduce_max3A_967 : vector<16xi32>
      %reduce_max3A_969 = tpu.scan <max>, %reduce_max3A_968 masked %reduce_max3A_965 : vector<16xi32>, vector<16xi1> -> vector<16xi32>
      %reduce_max3A_970 = arith.xori %reduce_max3A_969, %reduce_max3A_967 : vector<16xi32>
      %reduce_max3A_971 = vector.extract %reduce_max3A_970[15] : i32 from vector<16xi32>
      %add3A_972 = arith.addi %while3A_904, %reduce_max3A_963 : i32
      %add3A_973 = arith.addi %while3A_905, %reduce_max3A_971 : i32
      scf.yield %add3A_972, %add3A_973 : i32, i32
    }
    %while3A_242 = arith.constant 1 : i32
    %while3A_243:2 = scf.for %while3A_903 = %while3A_239 to %while3A_235 step %while3A_242 iter_args(%while3A_904 = %while3A_241#0, %while3A_905 = %while3A_241#1) -> (i32, i32)  : i32 {
      %mul3A_906 = arith.muli %while3A_903, %while3A_229 : i32
      %add3A_907 = arith.addi %while3A_230, %mul3A_906 : i32
      %mul3A_908 = arith.constant 16 : i32
      %mul3A_909 = arith.muli %add3A_907, %mul3A_908 : i32
      %get3A = arith.index_cast %mul3A_909 : i32 to index
      %get3A_910 = tpu.vector_load %arg7[%get3A] {strides = array<i32>} : memref<1280xi32, #tpu.memory_space<vmem>>, vector<16xi32>,
      %mul3A_911 = arith.constant 16 : i32
      %mul3A_912 = arith.muli %add3A_907, %mul3A_911 : i32
      %get3A_913 = arith.index_cast %mul3A_912 : i32 to index
      %get3A_914 = tpu.vector_load %arg8[%get3A_913] {strides = array<i32>} : memref<1280xi32, #tpu.memory_space<vmem>>, vector<16xi32>,
      %lt3A_915 = arith.constant 5000 : i32
      %lt3A_916 = vector.broadcast %lt3A_915 : i32 to vector<16xi32>
      %lt3A_917 = arith.cmpi slt, %get3A_914, %lt3A_916 : vector<16xi32>
      %ge3A = arith.constant 5000 : i32
      %ge3A_918 = vector.broadcast %ge3A : i32 to vector<16xi32>
      %ge3A_919 = arith.cmpi sge, %get3A_914, %ge3A_918 : vector<16xi32>
      %lt3A_920 = arith.constant 10000 : i32
      %lt3A_921 = vector.broadcast %lt3A_920 : i32 to vector<16xi32>
      %lt3A_922 = arith.cmpi slt, %get3A_914, %lt3A_921 : vector<16xi32>
      %and3A_923 = arith.andi %ge3A_919, %lt3A_922 : vector<16xi1>
      %jit3A_924 = arith.constant 1 : i32
      %jit3A_925 = arith.constant 0 : i32
      %broadcast_in_dim3A_926 = vector.broadcast %jit3A_924 : i32 to vector<16xi32>
      %broadcast_in_dim3A_927 = vector.broadcast %jit3A_925 : i32 to vector<16xi32>
      %select_n3A_928 = arith.select %lt3A_917, %broadcast_in_dim3A_926, %broadcast_in_dim3A_927 : vector<16xi1>, vector<16xi32>
      %broadcast_in_dim3A_929 = arith.constant true
      %broadcast_in_dim3A_930 = vector.broadcast %broadcast_in_dim3A_929 : i1 to vector<16xi1>
      %masked_cumsum3A = tpu.scan <sum>, %select_n3A_928 masked %broadcast_in_dim3A_930 : vector<16xi32>, vector<16xi1> -> vector<16xi32>
      %jit3A_931 = arith.constant 1 : i32
      %jit3A_932 = arith.constant 0 : i32
      %broadcast_in_dim3A_933 = vector.broadcast %jit3A_931 : i32 to vector<16xi32>
      %broadcast_in_dim3A_934 = vector.broadcast %jit3A_932 : i32 to vector<16xi32>
      %select_n3A_935 = arith.select %and3A_923, %broadcast_in_dim3A_933, %broadcast_in_dim3A_934 : vector<16xi1>, vector<16xi32>
      %broadcast_in_dim3A_936 = arith.constant true
      %broadcast_in_dim3A_937 = vector.broadcast %broadcast_in_dim3A_936 : i1 to vector<16xi1>
      %masked_cumsum3A_938 = tpu.scan <sum>, %select_n3A_935 masked %broadcast_in_dim3A_937 : vector<16xi32>, vector<16xi1> -> vector<16xi32>
      %add3A_939 = vector.broadcast %while3A_904 : i32 to vector<16xi32>
      %add3A_940 = arith.addi %add3A_939, %masked_cumsum3A : vector<16xi32>
      %sub3A_941 = arith.constant 1 : i32
      %sub3A_942 = vector.broadcast %sub3A_941 : i32 to vector<16xi32>
      %sub3A_943 = arith.subi %add3A_940, %sub3A_942 : vector<16xi32>
      %max3A = arith.constant 0 : i32
      %max3A_944 = vector.broadcast %max3A : i32 to vector<16xi32>
      %max3A_945 = arith.maxsi %sub3A_943, %max3A_944 : vector<16xi32>
      %add3A_946 = vector.broadcast %while3A_905 : i32 to vector<16xi32>
      %add3A_947 = arith.addi %add3A_946, %masked_cumsum3A_938 : vector<16xi32>
      %sub3A_948 = arith.constant 1 : i32
      %sub3A_949 = vector.broadcast %sub3A_948 : i32 to vector<16xi32>
      %sub3A_950 = arith.subi %add3A_947, %sub3A_949 : vector<16xi32>
      %max3A_951 = arith.constant 0 : i32
      %max3A_952 = vector.broadcast %max3A_951 : i32 to vector<16xi32>
      %max3A_953 = arith.maxsi %sub3A_950, %max3A_952 : vector<16xi32>
      tpu.vector_store_idx %arg9[%max3A_945], %get3A_910 masked %lt3A_917 : memref<1344xi32, #tpu.memory_space<vmem>>[vector<16xi32>], vector<16xi32>, vector<16xi1>
      tpu.vector_store_idx %arg10[%max3A_945], %get3A_914 masked %lt3A_917 : memref<1344xi32, #tpu.memory_space<vmem>>[vector<16xi32>], vector<16xi32>, vector<16xi1>
      tpu.vector_store_idx %arg11[%max3A_953], %get3A_910 masked %and3A_923 : memref<1344xi32, #tpu.memory_space<vmem>>[vector<16xi32>], vector<16xi32>, vector<16xi1>
      %sub3A_954 = arith.constant 5000 : i32
      %sub3A_955 = vector.broadcast %sub3A_954 : i32 to vector<16xi32>
      %sub3A_956 = arith.subi %get3A_914, %sub3A_955 : vector<16xi32>
      tpu.vector_store_idx %arg12[%max3A_953], %sub3A_956 masked %and3A_923 : memref<1344xi32, #tpu.memory_space<vmem>>[vector<16xi32>], vector<16xi32>, vector<16xi1>
      %reduce_max3A = arith.constant true
      %reduce_max3A_957 = vector.broadcast %reduce_max3A : i1 to vector<16xi1>
      %reduce_max3A_958 = arith.constant -2147483648 : i32
      %reduce_max3A_959 = vector.broadcast %reduce_max3A_958 : i32 to vector<16xi32>
      %reduce_max3A_960 = arith.xori %masked_cumsum3A, %reduce_max3A_959 : vector<16xi32>
      %reduce_max3A_961 = tpu.scan <max>, %reduce_max3A_960 masked %reduce_max3A_957 : vector<16xi32>, vector<16xi1> -> vector<16xi32>
      %reduce_max3A_962 = arith.xori %reduce_max3A_961, %reduce_max3A_959 : vector<16xi32>
      %reduce_max3A_963 = vector.extract %reduce_max3A_962[15] : i32 from vector<16xi32>
      %reduce_max3A_964 = arith.constant true
      %reduce_max3A_965 = vector.broadcast %reduce_max3A_964 : i1 to vector<16xi1>
      %reduce_max3A_966 = arith.constant -2147483648 : i32
      %reduce_max3A_967 = vector.broadcast %reduce_max3A_966 : i32 to vector<16xi32>
      %reduce_max3A_968 = arith.xori %masked_cumsum3A_938, %reduce_max3A_967 : vector<16xi32>
      %reduce_max3A_969 = tpu.scan <max>, %reduce_max3A_968 masked %reduce_max3A_965 : vector<16xi32>, vector<16xi1> -> vector<16xi32>
      %reduce_max3A_970 = arith.xori %reduce_max3A_969, %reduce_max3A_967 : vector<16xi32>
      %reduce_max3A_971 = vector.extract %reduce_max3A_970[15] : i32 from vector<16xi32>
      %add3A_972 = arith.addi %while3A_904, %reduce_max3A_963 : i32
      %add3A_973 = arith.addi %while3A_905, %reduce_max3A_971 : i32
      scf.yield %add3A_972, %add3A_973 : i32, i32
    }
    %jit3A_244 = arith.constant 16 : i32
    %eq3A_245 = arith.constant 0 : i32
    %eq3A_246 = arith.cmpi eq, %jit3A_244, %eq3A_245 : i32
    %jit3A_247 = arith.constant 1 : i32
    %select_n3A_248 = arith.select %eq3A_246, %jit3A_247, %jit3A_244 : i32
    %rem3A_249 = arith.remsi %add3A, %select_n3A_248 : i32
    %ne3A_250 = arith.constant 0 : i32
    %ne3A_251 = arith.cmpi ne, %rem3A_249, %ne3A_250 : i32
    %lt3A_252 = arith.constant 0 : i32
    %lt3A_253 = arith.cmpi slt, %rem3A_249, %lt3A_252 : i32
    %lt3A_254 = arith.constant 0 : i32
    %lt3A_255 = arith.cmpi slt, %select_n3A_248, %lt3A_254 : i32
    %ne3A_256 = arith.xori %lt3A_253, %lt3A_255 : i1
    %and3A_257 = arith.andi %ne3A_256, %ne3A_251 : i1
    %add3A_258 = arith.addi %rem3A_249, %select_n3A_248 : i32
    %select_n3A_259 = arith.select %and3A_257, %add3A_258, %rem3A_249 : i32
    %add3A_260 = arith.constant 5000 : i32
    %add3A_261 = arith.addi %add3A_260, %select_n3A_259 : i32
    %broadcast_in_dim3A_262 = arith.constant 0 : i32
    %broadcast_in_dim3A_263 = vector.broadcast %broadcast_in_dim3A_262 : i32 to vector<16xi32>
    %broadcast_in_dim3A_264 = arith.constant 0 : i32
    %broadcast_in_dim3A_265 = vector.broadcast %broadcast_in_dim3A_264 : i32 to vector<16xi32>
    %add3A_266 = vector.broadcast %add3A_261 : i32 to vector<16xi32>
    %add3A_267 = arith.addi %broadcast_in_dim3A_265, %add3A_266 : vector<16xi32>
    %add3A_268 = arith.constant 0 : i32
    %add3A_269 = arith.addi %while3A_243#0, %add3A_268 : i32
    %swap3A_270 = arith.index_cast %add3A_269 : i32 to index
    %swap3A_271 = tpu.vector_load %arg9[%swap3A_270] {strides = array<i32>} : memref<1344xi32, #tpu.memory_space<vmem>>, vector<16xi32>,
    tpu.vector_store %arg9[%swap3A_270], %broadcast_in_dim3A_263 {strides = array<i32>} : memref<1344xi32, #tpu.memory_space<vmem>>, vector<16xi32>,
    %add3A_272 = arith.constant 0 : i32
    %add3A_273 = arith.addi %while3A_243#0, %add3A_272 : i32
    %swap3A_274 = arith.index_cast %add3A_273 : i32 to index
    %swap3A_275 = tpu.vector_load %arg10[%swap3A_274] {strides = array<i32>} : memref<1344xi32, #tpu.memory_space<vmem>>, vector<16xi32>,
    tpu.vector_store %arg10[%swap3A_274], %add3A_267 {strides = array<i32>} : memref<1344xi32, #tpu.memory_space<vmem>>, vector<16xi32>,
    %add3A_276 = arith.constant 0 : i32
    %add3A_277 = arith.addi %while3A_243#1, %add3A_276 : i32
    %swap3A_278 = arith.index_cast %add3A_277 : i32 to index
    %swap3A_279 = tpu.vector_load %arg11[%swap3A_278] {strides = array<i32>} : memref<1344xi32, #tpu.memory_space<vmem>>, vector<16xi32>,
    tpu.vector_store %arg11[%swap3A_278], %broadcast_in_dim3A_263 {strides = array<i32>} : memref<1344xi32, #tpu.memory_space<vmem>>, vector<16xi32>,
    %add3A_280 = arith.constant 0 : i32
    %add3A_281 = arith.addi %while3A_243#1, %add3A_280 : i32
    %swap3A_282 = arith.index_cast %add3A_281 : i32 to index
    %swap3A_283 = tpu.vector_load %arg12[%swap3A_282] {strides = array<i32>} : memref<1344xi32, #tpu.memory_space<vmem>>, vector<16xi32>,
    tpu.vector_store %arg12[%swap3A_282], %add3A_267 {strides = array<i32>} : memref<1344xi32, #tpu.memory_space<vmem>>, vector<16xi32>,
    %broadcast_in_dim3A_284 = arith.constant 0 : i32
    %broadcast_in_dim3A_285 = vector.broadcast %broadcast_in_dim3A_284 : i32 to vector<16xi32>
    %broadcast_in_dim3A_286 = arith.constant 0 : i32
    %broadcast_in_dim3A_287 = vector.broadcast %broadcast_in_dim3A_286 : i32 to vector<16xi32>
    %add3A_288 = vector.broadcast %add3A_261 : i32 to vector<16xi32>
    %add3A_289 = arith.addi %broadcast_in_dim3A_287, %add3A_288 : vector<16xi32>
    %add3A_290 = arith.constant 16 : i32
    %add3A_291 = arith.addi %while3A_243#0, %add3A_290 : i32
    %swap3A_292 = arith.index_cast %add3A_291 : i32 to index
    %swap3A_293 = tpu.vector_load %arg9[%swap3A_292] {strides = array<i32>} : memref<1344xi32, #tpu.memory_space<vmem>>, vector<16xi32>,
    tpu.vector_store %arg9[%swap3A_292], %broadcast_in_dim3A_285 {strides = array<i32>} : memref<1344xi32, #tpu.memory_space<vmem>>, vector<16xi32>,
    %add3A_294 = arith.constant 16 : i32
    %add3A_295 = arith.addi %while3A_243#0, %add3A_294 : i32
    %swap3A_296 = arith.index_cast %add3A_295 : i32 to index
    %swap3A_297 = tpu.vector_load %arg10[%swap3A_296] {strides = array<i32>} : memref<1344xi32, #tpu.memory_space<vmem>>, vector<16xi32>,
    tpu.vector_store %arg10[%swap3A_296], %add3A_289 {strides = array<i32>} : memref<1344xi32, #tpu.memory_space<vmem>>, vector<16xi32>,
    %add3A_298 = arith.constant 16 : i32
    %add3A_299 = arith.addi %while3A_243#1, %add3A_298 : i32
    %swap3A_300 = arith.index_cast %add3A_299 : i32 to index
    %swap3A_301 = tpu.vector_load %arg11[%swap3A_300] {strides = array<i32>} : memref<1344xi32, #tpu.memory_space<vmem>>, vector<16xi32>,
    tpu.vector_store %arg11[%swap3A_300], %broadcast_in_dim3A_285 {strides = array<i32>} : memref<1344xi32, #tpu.memory_space<vmem>>, vector<16xi32>,
    %add3A_302 = arith.constant 16 : i32
    %add3A_303 = arith.addi %while3A_243#1, %add3A_302 : i32
    %swap3A_304 = arith.index_cast %add3A_303 : i32 to index
    %swap3A_305 = tpu.vector_load %arg12[%swap3A_304] {strides = array<i32>} : memref<1344xi32, #tpu.memory_space<vmem>>, vector<16xi32>,
    tpu.vector_store %arg12[%swap3A_304], %add3A_289 {strides = array<i32>} : memref<1344xi32, #tpu.memory_space<vmem>>, vector<16xi32>,
    %broadcast_in_dim3A_306 = arith.constant 0 : i32
    %broadcast_in_dim3A_307 = vector.broadcast %broadcast_in_dim3A_306 : i32 to vector<16xi32>
    %broadcast_in_dim3A_308 = arith.constant 0 : i32
    %broadcast_in_dim3A_309 = vector.broadcast %broadcast_in_dim3A_308 : i32 to vector<16xi32>
    %add3A_310 = vector.broadcast %add3A_261 : i32 to vector<16xi32>
    %add3A_311 = arith.addi %broadcast_in_dim3A_309, %add3A_310 : vector<16xi32>
    %add3A_312 = arith.constant 32 : i32
    %add3A_313 = arith.addi %while3A_243#0, %add3A_312 : i32
    %swap3A_314 = arith.index_cast %add3A_313 : i32 to index
    %swap3A_315 = tpu.vector_load %arg9[%swap3A_314] {strides = array<i32>} : memref<1344xi32, #tpu.memory_space<vmem>>, vector<16xi32>,
    tpu.vector_store %arg9[%swap3A_314], %broadcast_in_dim3A_307 {strides = array<i32>} : memref<1344xi32, #tpu.memory_space<vmem>>, vector<16xi32>,
    %add3A_316 = arith.constant 32 : i32
    %add3A_317 = arith.addi %while3A_243#0, %add3A_316 : i32
    %swap3A_318 = arith.index_cast %add3A_317 : i32 to index
    %swap3A_319 = tpu.vector_load %arg10[%swap3A_318] {strides = array<i32>} : memref<1344xi32, #tpu.memory_space<vmem>>, vector<16xi32>,
    tpu.vector_store %arg10[%swap3A_318], %add3A_311 {strides = array<i32>} : memref<1344xi32, #tpu.memory_space<vmem>>, vector<16xi32>,
    %add3A_320 = arith.constant 32 : i32
    %add3A_321 = arith.addi %while3A_243#1, %add3A_320 : i32
    %swap3A_322 = arith.index_cast %add3A_321 : i32 to index
    %swap3A_323 = tpu.vector_load %arg11[%swap3A_322] {strides = array<i32>} : memref<1344xi32, #tpu.memory_space<vmem>>, vector<16xi32>,
    tpu.vector_store %arg11[%swap3A_322], %broadcast_in_dim3A_307 {strides = array<i32>} : memref<1344xi32, #tpu.memory_space<vmem>>, vector<16xi32>,
    %add3A_324 = arith.constant 32 : i32
    %add3A_325 = arith.addi %while3A_243#1, %add3A_324 : i32
    %swap3A_326 = arith.index_cast %add3A_325 : i32 to index
    %swap3A_327 = tpu.vector_load %arg12[%swap3A_326] {strides = array<i32>} : memref<1344xi32, #tpu.memory_space<vmem>>, vector<16xi32>,
    tpu.vector_store %arg12[%swap3A_326], %add3A_311 {strides = array<i32>} : memref<1344xi32, #tpu.memory_space<vmem>>, vector<16xi32>,
    %broadcast_in_dim3A_328 = arith.constant 0 : i32
    %broadcast_in_dim3A_329 = vector.broadcast %broadcast_in_dim3A_328 : i32 to vector<16xi32>
    %broadcast_in_dim3A_330 = arith.constant 0 : i32
    %broadcast_in_dim3A_331 = vector.broadcast %broadcast_in_dim3A_330 : i32 to vector<16xi32>
    %add3A_332 = vector.broadcast %add3A_261 : i32 to vector<16xi32>
    %add3A_333 = arith.addi %broadcast_in_dim3A_331, %add3A_332 : vector<16xi32>
    %add3A_334 = arith.constant 48 : i32
    %add3A_335 = arith.addi %while3A_243#0, %add3A_334 : i32
    %swap3A_336 = arith.index_cast %add3A_335 : i32 to index
    %swap3A_337 = tpu.vector_load %arg9[%swap3A_336] {strides = array<i32>} : memref<1344xi32, #tpu.memory_space<vmem>>, vector<16xi32>,
    tpu.vector_store %arg9[%swap3A_336], %broadcast_in_dim3A_329 {strides = array<i32>} : memref<1344xi32, #tpu.memory_space<vmem>>, vector<16xi32>,
    %add3A_338 = arith.constant 48 : i32
    %add3A_339 = arith.addi %while3A_243#0, %add3A_338 : i32
    %swap3A_340 = arith.index_cast %add3A_339 : i32 to index
    %swap3A_341 = tpu.vector_load %arg10[%swap3A_340] {strides = array<i32>} : memref<1344xi32, #tpu.memory_space<vmem>>, vector<16xi32>,
    tpu.vector_store %arg10[%swap3A_340], %add3A_333 {strides = array<i32>} : memref<1344xi32, #tpu.memory_space<vmem>>, vector<16xi32>,
    %add3A_342 = arith.constant 48 : i32
    %add3A_343 = arith.addi %while3A_243#1, %add3A_342 : i32
    %swap3A_344 = arith.index_cast %add3A_343 : i32 to index
    %swap3A_345 = tpu.vector_load %arg11[%swap3A_344] {strides = array<i32>} : memref<1344xi32, #tpu.memory_space<vmem>>, vector<16xi32>,
    tpu.vector_store %arg11[%swap3A_344], %broadcast_in_dim3A_329 {strides = array<i32>} : memref<1344xi32, #tpu.memory_space<vmem>>, vector<16xi32>,
    %add3A_346 = arith.constant 48 : i32
    %add3A_347 = arith.addi %while3A_243#1, %add3A_346 : i32
    %swap3A_348 = arith.index_cast %add3A_347 : i32 to index
    %swap3A_349 = tpu.vector_load %arg12[%swap3A_348] {strides = array<i32>} : memref<1344xi32, #tpu.memory_space<vmem>>, vector<16xi32>,
    tpu.vector_store %arg12[%swap3A_348], %add3A_333 {strides = array<i32>} : memref<1344xi32, #tpu.memory_space<vmem>>, vector<16xi32>,
    %add3A_350 = arith.constant 63 : i32
    %add3A_351 = arith.addi %while3A_243#0, %add3A_350 : i32
    %jit3A_352 = arith.constant 64 : i32
    %div3A_353 = arith.divsi %add3A_351, %jit3A_352 : i32
    %sign3A_354 = arith.constant 0 : i32
    %sign3A_355 = arith.cmpi sgt, %add3A_351, %sign3A_354 : i32
    %sign3A_356 = arith.extui %sign3A_355 : i1 to i32
    %sign3A_357 = arith.constant 0 : i32
    %sign3A_358 = arith.cmpi slt, %add3A_351, %sign3A_357 : i32
    %sign3A_359 = arith.extui %sign3A_358 : i1 to i32
    %sign3A_360 = arith.subi %sign3A_356, %sign3A_359 : i32
    %sign3A_361 = arith.constant 0 : i32
    %sign3A_362 = arith.cmpi sgt, %jit3A_352, %sign3A_361 : i32
    %sign3A_363 = arith.extui %sign3A_362 : i1 to i32
    %sign3A_364 = arith.constant 0 : i32
    %sign3A_365 = arith.cmpi slt, %jit3A_352, %sign3A_364 : i32
    %sign3A_366 = arith.extui %sign3A_365 : i1 to i32
    %sign3A_367 = arith.subi %sign3A_363, %sign3A_366 : i32
    %ne3A_368 = arith.cmpi ne, %sign3A_360, %sign3A_367 : i32
    %rem3A_369 = arith.remsi %add3A_351, %jit3A_352 : i32
    %ne3A_370 = arith.constant 0 : i32
    %ne3A_371 = arith.cmpi ne, %rem3A_369, %ne3A_370 : i32
    %and3A_372 = arith.andi %ne3A_368, %ne3A_371 : i1
    %sub3A_373 = arith.constant 1 : i32
    %sub3A_374 = arith.subi %div3A_353, %sub3A_373 : i32
    %select_n3A_375 = arith.select %and3A_372, %sub3A_374, %div3A_353 : i32
    %mul3A_376 = arith.constant 64 : i32
    %mul3A_377 = arith.muli %select_n3A_375, %mul3A_376 : i32
    %add3A_378 = arith.constant 63 : i32
    %add3A_379 = arith.addi %while3A_243#1, %add3A_378 : i32
    %jit3A_380 = arith.constant 64 : i32
    %div3A_381 = arith.divsi %add3A_379, %jit3A_380 : i32
    %sign3A_382 = arith.constant 0 : i32
    %sign3A_383 = arith.cmpi sgt, %add3A_379, %sign3A_382 : i32
    %sign3A_384 = arith.extui %sign3A_383 : i1 to i32
    %sign3A_385 = arith.constant 0 : i32
    %sign3A_386 = arith.cmpi slt, %add3A_379, %sign3A_385 : i32
    %sign3A_387 = arith.extui %sign3A_386 : i1 to i32
    %sign3A_388 = arith.subi %sign3A_384, %sign3A_387 : i32
    %sign3A_389 = arith.constant 0 : i32
    %sign3A_390 = arith.cmpi sgt, %jit3A_380, %sign3A_389 : i32
    %sign3A_391 = arith.extui %sign3A_390 : i1 to i32
    %sign3A_392 = arith.constant 0 : i32
    %sign3A_393 = arith.cmpi slt, %jit3A_380, %sign3A_392 : i32
    %sign3A_394 = arith.extui %sign3A_393 : i1 to i32
    %sign3A_395 = arith.subi %sign3A_391, %sign3A_394 : i32
    %ne3A_396 = arith.cmpi ne, %sign3A_388, %sign3A_395 : i32
    %rem3A_397 = arith.remsi %add3A_379, %jit3A_380 : i32
    %ne3A_398 = arith.constant 0 : i32
    %ne3A_399 = arith.cmpi ne, %rem3A_397, %ne3A_398 : i32
    %and3A_400 = arith.andi %ne3A_396, %ne3A_399 : i1
    %sub3A_401 = arith.constant 1 : i32
    %sub3A_402 = arith.subi %div3A_381, %sub3A_401 : i32
    %select_n3A_403 = arith.select %and3A_400, %sub3A_402, %div3A_381 : i32
    %mul3A_404 = arith.constant 64 : i32
    %mul3A_405 = arith.muli %select_n3A_403, %mul3A_404 : i32
    %sub3A_406 = arith.constant 20 : i32
    %sub3A_407 = arith.constant 0 : i32
    %sub3A_408 = arith.subi %sub3A_406, %sub3A_407 : i32
    %sub3A_409 = arith.constant 1 : i32
    %sub3A_410 = arith.constant 1 : i32
    %sub3A_411 = arith.subi %sub3A_409, %sub3A_410 : i32
    %add3A_412 = arith.addi %sub3A_408, %sub3A_411 : i32
    %div3A_413 = arith.constant 1 : i32
    %div3A_414 = arith.divsi %add3A_412, %div3A_413 : i32
    %while3A_415 = arith.constant 1 : i32
    %while3A_416 = arith.constant 0 : i32
    %while3A_417 = arith.constant 1 : i32
    %while3A_418 = arith.constant 0 : i32
    %while3A_419 = arith.subi %div3A_414, %while3A_418 : i32
    %while3A_420 = arith.addi %while3A_418, %while3A_419 : i32
    %while3A_421 = arith.constant 1 : i32
    %while3A_422 = arith.divsi %while3A_419, %while3A_421 : i32
    %while3A_423 = arith.muli %while3A_422, %while3A_421 : i32
    %while3A_424 = arith.addi %while3A_418, %while3A_423 : i32
    %while3A_425 = arith.constant 1 : i32
    scf.for %while3A_903 = %while3A_418 to %while3A_424 step %while3A_425  : i32 {
      %mul3A_904 = arith.muli %while3A_903, %while3A_415 : i32
      %add3A_905 = arith.addi %while3A_416, %mul3A_904 : i32
      %mul3A_906 = arith.constant 64 : i32
      %mul3A_907 = arith.muli %add3A_905, %mul3A_906 : i32
      %lt3A_908 = arith.cmpi slt, %mul3A_907, %mul3A_377 : i32
      %convert_element_type3A = arith.extui %lt3A_908 : i1 to i32
      %cond3A = arith.constant 0 : i32
      %cond3A_909 = arith.cmpi ne, %convert_element_type3A, %cond3A : i32
      scf.if %cond3A_909 {
        %mul3A_916 = arith.constant 64 : i32
        %mul3A_917 = arith.muli %add3A_905, %mul3A_916 : i32
        %run_scoped3A_918 = arith.constant 0 : i32
        "tpu.region"() ({
          %run_scoped3A_922 = tpu.sem_alloc : memref<!tpu.dma_semaphore, #tpu.memory_space<semaphore_mem>>
          %dma_start3A = tpu.memref_slice %arg9[%mul3A_917] : memref<1344xi32, #tpu.memory_space<vmem>> -> memref<64xi32, #tpu.memory_space<vmem>>
          %dma_start3A_923 = arith.constant 0 : i32
          %dma_start3A_924 = tpu.memref_slice %arg4[%while3A_417, %run_scoped3A_918, %add3A, %add3A_905, %dma_start3A_923] : memref<4x2x32x20x64xi32, #tpu.memory_space<hbm>> -> memref<1x1x1x1x64xi32, #tpu.memory_space<hbm>>
          %dma_start3A_925 = tpu.memref_squeeze %dma_start3A_924 : memref<1x1x1x1x64xi32, #tpu.memory_space<hbm>> -> memref<64xi32, #tpu.memory_space<hbm>>
          %dma_start3A_926 = arith.constant 0 : i32
          %dma_start3A_927 = tpu.memref_slice %arg4[%while3A_417, %run_scoped3A_918, %add3A, %add3A_905, %dma_start3A_926] : memref<4x2x32x20x64xi32, #tpu.memory_space<hbm>> -> memref<1x1x1x1x64xi32, #tpu.memory_space<hbm>>
          %dma_start3A_928 = tpu.memref_squeeze %dma_start3A_927 : memref<1x1x1x1x64xi32, #tpu.memory_space<hbm>> -> memref<64xi32, #tpu.memory_space<hbm>>
          %dma_start3A_929 = tpu.memref_slice %arg9[%mul3A_917] : memref<1344xi32, #tpu.memory_space<vmem>> -> memref<64xi32, #tpu.memory_space<vmem>>
          tpu.enqueue_dma source(%dma_start3A_929 : memref<64xi32, #tpu.memory_space<vmem>>) target(%dma_start3A_928 : memref<64xi32, #tpu.memory_space<hbm>>) target_semaphore(%run_scoped3A_922 : memref<!tpu.dma_semaphore, #tpu.memory_space<semaphore_mem>>)
          %dma_wait3A = tpu.memref_slice %arg9[%mul3A_917] : memref<1344xi32, #tpu.memory_space<vmem>> -> memref<64xi32, #tpu.memory_space<vmem>>
          %dma_wait3A_930 = arith.constant 0 : i32
          %dma_wait3A_931 = tpu.memref_slice %arg4[%while3A_417, %run_scoped3A_918, %add3A, %add3A_905, %dma_wait3A_930] : memref<4x2x32x20x64xi32, #tpu.memory_space<hbm>> -> memref<1x1x1x1x64xi32, #tpu.memory_space<hbm>>
          %dma_wait3A_932 = tpu.memref_squeeze %dma_wait3A_931 : memref<1x1x1x1x64xi32, #tpu.memory_space<hbm>> -> memref<64xi32, #tpu.memory_space<hbm>>
          %dma_wait3A_933 = arith.constant 0 : i32
          %dma_wait3A_934 = tpu.memref_slice %arg4[%while3A_417, %run_scoped3A_918, %add3A, %add3A_905, %dma_wait3A_933] : memref<4x2x32x20x64xi32, #tpu.memory_space<hbm>> -> memref<1x1x1x1x64xi32, #tpu.memory_space<hbm>>
          %dma_wait3A_935 = tpu.memref_squeeze %dma_wait3A_934 : memref<1x1x1x1x64xi32, #tpu.memory_space<hbm>> -> memref<64xi32, #tpu.memory_space<hbm>>
          %dma_wait3A_936 = tpu.memref_slice %arg9[%mul3A_917] : memref<1344xi32, #tpu.memory_space<vmem>> -> memref<64xi32, #tpu.memory_space<vmem>>
          tpu.wait_dma2 semaphore(%run_scoped3A_922 : memref<!tpu.dma_semaphore, #tpu.memory_space<semaphore_mem>>) src(%dma_wait3A_936 : memref<64xi32, #tpu.memory_space<vmem>>) dst(%dma_wait3A_935 : memref<64xi32, #tpu.memory_space<hbm>>)
          tpu.yield
        }) : () -> ()
        %mul3A_919 = arith.constant 64 : i32
        %mul3A_920 = arith.muli %add3A_905, %mul3A_919 : i32
        %run_scoped3A_921 = arith.constant 0 : i32
        "tpu.region"() ({
          %run_scoped3A_922 = tpu.sem_alloc : memref<!tpu.dma_semaphore, #tpu.memory_space<semaphore_mem>>
          %dma_start3A = tpu.memref_slice %arg10[%mul3A_920] : memref<1344xi32, #tpu.memory_space<vmem>> -> memref<64xi32, #tpu.memory_space<vmem>>
          %dma_start3A_923 = arith.constant 0 : i32
          %dma_start3A_924 = tpu.memref_slice %arg5[%while3A_417, %run_scoped3A_921, %add3A, %add3A_905, %dma_start3A_923] : memref<4x2x32x20x64xi32, #tpu.memory_space<hbm>> -> memref<1x1x1x1x64xi32, #tpu.memory_space<hbm>>
          %dma_start3A_925 = tpu.memref_squeeze %dma_start3A_924 : memref<1x1x1x1x64xi32, #tpu.memory_space<hbm>> -> memref<64xi32, #tpu.memory_space<hbm>>
          %dma_start3A_926 = arith.constant 0 : i32
          %dma_start3A_927 = tpu.memref_slice %arg5[%while3A_417, %run_scoped3A_921, %add3A, %add3A_905, %dma_start3A_926] : memref<4x2x32x20x64xi32, #tpu.memory_space<hbm>> -> memref<1x1x1x1x64xi32, #tpu.memory_space<hbm>>
          %dma_start3A_928 = tpu.memref_squeeze %dma_start3A_927 : memref<1x1x1x1x64xi32, #tpu.memory_space<hbm>> -> memref<64xi32, #tpu.memory_space<hbm>>
          %dma_start3A_929 = tpu.memref_slice %arg10[%mul3A_920] : memref<1344xi32, #tpu.memory_space<vmem>> -> memref<64xi32, #tpu.memory_space<vmem>>
          tpu.enqueue_dma source(%dma_start3A_929 : memref<64xi32, #tpu.memory_space<vmem>>) target(%dma_start3A_928 : memref<64xi32, #tpu.memory_space<hbm>>) target_semaphore(%run_scoped3A_922 : memref<!tpu.dma_semaphore, #tpu.memory_space<semaphore_mem>>)
          %dma_wait3A = tpu.memref_slice %arg10[%mul3A_920] : memref<1344xi32, #tpu.memory_space<vmem>> -> memref<64xi32, #tpu.memory_space<vmem>>
          %dma_wait3A_930 = arith.constant 0 : i32
          %dma_wait3A_931 = tpu.memref_slice %arg5[%while3A_417, %run_scoped3A_921, %add3A, %add3A_905, %dma_wait3A_930] : memref<4x2x32x20x64xi32, #tpu.memory_space<hbm>> -> memref<1x1x1x1x64xi32, #tpu.memory_space<hbm>>
          %dma_wait3A_932 = tpu.memref_squeeze %dma_wait3A_931 : memref<1x1x1x1x64xi32, #tpu.memory_space<hbm>> -> memref<64xi32, #tpu.memory_space<hbm>>
          %dma_wait3A_933 = arith.constant 0 : i32
          %dma_wait3A_934 = tpu.memref_slice %arg5[%while3A_417, %run_scoped3A_921, %add3A, %add3A_905, %dma_wait3A_933] : memref<4x2x32x20x64xi32, #tpu.memory_space<hbm>> -> memref<1x1x1x1x64xi32, #tpu.memory_space<hbm>>
          %dma_wait3A_935 = tpu.memref_squeeze %dma_wait3A_934 : memref<1x1x1x1x64xi32, #tpu.memory_space<hbm>> -> memref<64xi32, #tpu.memory_space<hbm>>
          %dma_wait3A_936 = tpu.memref_slice %arg10[%mul3A_920] : memref<1344xi32, #tpu.memory_space<vmem>> -> memref<64xi32, #tpu.memory_space<vmem>>
          tpu.wait_dma2 semaphore(%run_scoped3A_922 : memref<!tpu.dma_semaphore, #tpu.memory_space<semaphore_mem>>) src(%dma_wait3A_936 : memref<64xi32, #tpu.memory_space<vmem>>) dst(%dma_wait3A_935 : memref<64xi32, #tpu.memory_space<hbm>>)
          tpu.yield
        }) : () -> ()
      } else {
      }
      %mul3A_910 = arith.constant 64 : i32
      %mul3A_911 = arith.muli %add3A_905, %mul3A_910 : i32
      %lt3A_912 = arith.cmpi slt, %mul3A_911, %mul3A_405 : i32
      %convert_element_type3A_913 = arith.extui %lt3A_912 : i1 to i32
      %cond3A_914 = arith.constant 0 : i32
      %cond3A_915 = arith.cmpi ne, %convert_element_type3A_913, %cond3A_914 : i32
      scf.if %cond3A_915 {
        %mul3A_916 = arith.constant 64 : i32
        %mul3A_917 = arith.muli %add3A_905, %mul3A_916 : i32
        %run_scoped3A_918 = arith.constant 1 : i32
        "tpu.region"() ({
          %run_scoped3A_922 = tpu.sem_alloc : memref<!tpu.dma_semaphore, #tpu.memory_space<semaphore_mem>>
          %dma_start3A = tpu.memref_slice %arg11[%mul3A_917] : memref<1344xi32, #tpu.memory_space<vmem>> -> memref<64xi32, #tpu.memory_space<vmem>>
          %dma_start3A_923 = arith.constant 0 : i32
          %dma_start3A_924 = tpu.memref_slice %arg4[%while3A_417, %run_scoped3A_918, %add3A, %add3A_905, %dma_start3A_923] : memref<4x2x32x20x64xi32, #tpu.memory_space<hbm>> -> memref<1x1x1x1x64xi32, #tpu.memory_space<hbm>>
          %dma_start3A_925 = tpu.memref_squeeze %dma_start3A_924 : memref<1x1x1x1x64xi32, #tpu.memory_space<hbm>> -> memref<64xi32, #tpu.memory_space<hbm>>
          %dma_start3A_926 = arith.constant 0 : i32
          %dma_start3A_927 = tpu.memref_slice %arg4[%while3A_417, %run_scoped3A_918, %add3A, %add3A_905, %dma_start3A_926] : memref<4x2x32x20x64xi32, #tpu.memory_space<hbm>> -> memref<1x1x1x1x64xi32, #tpu.memory_space<hbm>>
          %dma_start3A_928 = tpu.memref_squeeze %dma_start3A_927 : memref<1x1x1x1x64xi32, #tpu.memory_space<hbm>> -> memref<64xi32, #tpu.memory_space<hbm>>
          %dma_start3A_929 = tpu.memref_slice %arg11[%mul3A_917] : memref<1344xi32, #tpu.memory_space<vmem>> -> memref<64xi32, #tpu.memory_space<vmem>>
          tpu.enqueue_dma source(%dma_start3A_929 : memref<64xi32, #tpu.memory_space<vmem>>) target(%dma_start3A_928 : memref<64xi32, #tpu.memory_space<hbm>>) target_semaphore(%run_scoped3A_922 : memref<!tpu.dma_semaphore, #tpu.memory_space<semaphore_mem>>)
          %dma_wait3A = tpu.memref_slice %arg11[%mul3A_917] : memref<1344xi32, #tpu.memory_space<vmem>> -> memref<64xi32, #tpu.memory_space<vmem>>
          %dma_wait3A_930 = arith.constant 0 : i32
          %dma_wait3A_931 = tpu.memref_slice %arg4[%while3A_417, %run_scoped3A_918, %add3A, %add3A_905, %dma_wait3A_930] : memref<4x2x32x20x64xi32, #tpu.memory_space<hbm>> -> memref<1x1x1x1x64xi32, #tpu.memory_space<hbm>>
          %dma_wait3A_932 = tpu.memref_squeeze %dma_wait3A_931 : memref<1x1x1x1x64xi32, #tpu.memory_space<hbm>> -> memref<64xi32, #tpu.memory_space<hbm>>
          %dma_wait3A_933 = arith.constant 0 : i32
          %dma_wait3A_934 = tpu.memref_slice %arg4[%while3A_417, %run_scoped3A_918, %add3A, %add3A_905, %dma_wait3A_933] : memref<4x2x32x20x64xi32, #tpu.memory_space<hbm>> -> memref<1x1x1x1x64xi32, #tpu.memory_space<hbm>>
          %dma_wait3A_935 = tpu.memref_squeeze %dma_wait3A_934 : memref<1x1x1x1x64xi32, #tpu.memory_space<hbm>> -> memref<64xi32, #tpu.memory_space<hbm>>
          %dma_wait3A_936 = tpu.memref_slice %arg11[%mul3A_917] : memref<1344xi32, #tpu.memory_space<vmem>> -> memref<64xi32, #tpu.memory_space<vmem>>
          tpu.wait_dma2 semaphore(%run_scoped3A_922 : memref<!tpu.dma_semaphore, #tpu.memory_space<semaphore_mem>>) src(%dma_wait3A_936 : memref<64xi32, #tpu.memory_space<vmem>>) dst(%dma_wait3A_935 : memref<64xi32, #tpu.memory_space<hbm>>)
          tpu.yield
        }) : () -> ()
        %mul3A_919 = arith.constant 64 : i32
        %mul3A_920 = arith.muli %add3A_905, %mul3A_919 : i32
        %run_scoped3A_921 = arith.constant 1 : i32
        "tpu.region"() ({
          %run_scoped3A_922 = tpu.sem_alloc : memref<!tpu.dma_semaphore, #tpu.memory_space<semaphore_mem>>
          %dma_start3A = tpu.memref_slice %arg12[%mul3A_920] : memref<1344xi32, #tpu.memory_space<vmem>> -> memref<64xi32, #tpu.memory_space<vmem>>
          %dma_start3A_923 = arith.constant 0 : i32
          %dma_start3A_924 = tpu.memref_slice %arg5[%while3A_417, %run_scoped3A_921, %add3A, %add3A_905, %dma_start3A_923] : memref<4x2x32x20x64xi32, #tpu.memory_space<hbm>> -> memref<1x1x1x1x64xi32, #tpu.memory_space<hbm>>
          %dma_start3A_925 = tpu.memref_squeeze %dma_start3A_924 : memref<1x1x1x1x64xi32, #tpu.memory_space<hbm>> -> memref<64xi32, #tpu.memory_space<hbm>>
          %dma_start3A_926 = arith.constant 0 : i32
          %dma_start3A_927 = tpu.memref_slice %arg5[%while3A_417, %run_scoped3A_921, %add3A, %add3A_905, %dma_start3A_926] : memref<4x2x32x20x64xi32, #tpu.memory_space<hbm>> -> memref<1x1x1x1x64xi32, #tpu.memory_space<hbm>>
          %dma_start3A_928 = tpu.memref_squeeze %dma_start3A_927 : memref<1x1x1x1x64xi32, #tpu.memory_space<hbm>> -> memref<64xi32, #tpu.memory_space<hbm>>
          %dma_start3A_929 = tpu.memref_slice %arg12[%mul3A_920] : memref<1344xi32, #tpu.memory_space<vmem>> -> memref<64xi32, #tpu.memory_space<vmem>>
          tpu.enqueue_dma source(%dma_start3A_929 : memref<64xi32, #tpu.memory_space<vmem>>) target(%dma_start3A_928 : memref<64xi32, #tpu.memory_space<hbm>>) target_semaphore(%run_scoped3A_922 : memref<!tpu.dma_semaphore, #tpu.memory_space<semaphore_mem>>)
          %dma_wait3A = tpu.memref_slice %arg12[%mul3A_920] : memref<1344xi32, #tpu.memory_space<vmem>> -> memref<64xi32, #tpu.memory_space<vmem>>
          %dma_wait3A_930 = arith.constant 0 : i32
          %dma_wait3A_931 = tpu.memref_slice %arg5[%while3A_417, %run_scoped3A_921, %add3A, %add3A_905, %dma_wait3A_930] : memref<4x2x32x20x64xi32, #tpu.memory_space<hbm>> -> memref<1x1x1x1x64xi32, #tpu.memory_space<hbm>>
          %dma_wait3A_932 = tpu.memref_squeeze %dma_wait3A_931 : memref<1x1x1x1x64xi32, #tpu.memory_space<hbm>> -> memref<64xi32, #tpu.memory_space<hbm>>
          %dma_wait3A_933 = arith.constant 0 : i32
          %dma_wait3A_934 = tpu.memref_slice %arg5[%while3A_417, %run_scoped3A_921, %add3A, %add3A_905, %dma_wait3A_933] : memref<4x2x32x20x64xi32, #tpu.memory_space<hbm>> -> memref<1x1x1x1x64xi32, #tpu.memory_space<hbm>>
          %dma_wait3A_935 = tpu.memref_squeeze %dma_wait3A_934 : memref<1x1x1x1x64xi32, #tpu.memory_space<hbm>> -> memref<64xi32, #tpu.memory_space<hbm>>
          %dma_wait3A_936 = tpu.memref_slice %arg12[%mul3A_920] : memref<1344xi32, #tpu.memory_space<vmem>> -> memref<64xi32, #tpu.memory_space<vmem>>
          tpu.wait_dma2 semaphore(%run_scoped3A_922 : memref<!tpu.dma_semaphore, #tpu.memory_space<semaphore_mem>>) src(%dma_wait3A_936 : memref<64xi32, #tpu.memory_space<vmem>>) dst(%dma_wait3A_935 : memref<64xi32, #tpu.memory_space<hbm>>)
          tpu.yield
        }) : () -> ()
      } else {
      }
    }
    %while3A_426 = arith.constant 1 : i32
    scf.for %while3A_903 = %while3A_424 to %while3A_420 step %while3A_426  : i32 {
      %mul3A_904 = arith.muli %while3A_903, %while3A_415 : i32
      %add3A_905 = arith.addi %while3A_416, %mul3A_904 : i32
      %mul3A_906 = arith.constant 64 : i32
      %mul3A_907 = arith.muli %add3A_905, %mul3A_906 : i32
      %lt3A_908 = arith.cmpi slt, %mul3A_907, %mul3A_377 : i32
      %convert_element_type3A = arith.extui %lt3A_908 : i1 to i32
      %cond3A = arith.constant 0 : i32
      %cond3A_909 = arith.cmpi ne, %convert_element_type3A, %cond3A : i32
      scf.if %cond3A_909 {
        %mul3A_916 = arith.constant 64 : i32
        %mul3A_917 = arith.muli %add3A_905, %mul3A_916 : i32
        %run_scoped3A_918 = arith.constant 0 : i32
        "tpu.region"() ({
          %run_scoped3A_922 = tpu.sem_alloc : memref<!tpu.dma_semaphore, #tpu.memory_space<semaphore_mem>>
          %dma_start3A = tpu.memref_slice %arg9[%mul3A_917] : memref<1344xi32, #tpu.memory_space<vmem>> -> memref<64xi32, #tpu.memory_space<vmem>>
          %dma_start3A_923 = arith.constant 0 : i32
          %dma_start3A_924 = tpu.memref_slice %arg4[%while3A_417, %run_scoped3A_918, %add3A, %add3A_905, %dma_start3A_923] : memref<4x2x32x20x64xi32, #tpu.memory_space<hbm>> -> memref<1x1x1x1x64xi32, #tpu.memory_space<hbm>>
          %dma_start3A_925 = tpu.memref_squeeze %dma_start3A_924 : memref<1x1x1x1x64xi32, #tpu.memory_space<hbm>> -> memref<64xi32, #tpu.memory_space<hbm>>
          %dma_start3A_926 = arith.constant 0 : i32
          %dma_start3A_927 = tpu.memref_slice %arg4[%while3A_417, %run_scoped3A_918, %add3A, %add3A_905, %dma_start3A_926] : memref<4x2x32x20x64xi32, #tpu.memory_space<hbm>> -> memref<1x1x1x1x64xi32, #tpu.memory_space<hbm>>
          %dma_start3A_928 = tpu.memref_squeeze %dma_start3A_927 : memref<1x1x1x1x64xi32, #tpu.memory_space<hbm>> -> memref<64xi32, #tpu.memory_space<hbm>>
          %dma_start3A_929 = tpu.memref_slice %arg9[%mul3A_917] : memref<1344xi32, #tpu.memory_space<vmem>> -> memref<64xi32, #tpu.memory_space<vmem>>
          tpu.enqueue_dma source(%dma_start3A_929 : memref<64xi32, #tpu.memory_space<vmem>>) target(%dma_start3A_928 : memref<64xi32, #tpu.memory_space<hbm>>) target_semaphore(%run_scoped3A_922 : memref<!tpu.dma_semaphore, #tpu.memory_space<semaphore_mem>>)
          %dma_wait3A = tpu.memref_slice %arg9[%mul3A_917] : memref<1344xi32, #tpu.memory_space<vmem>> -> memref<64xi32, #tpu.memory_space<vmem>>
          %dma_wait3A_930 = arith.constant 0 : i32
          %dma_wait3A_931 = tpu.memref_slice %arg4[%while3A_417, %run_scoped3A_918, %add3A, %add3A_905, %dma_wait3A_930] : memref<4x2x32x20x64xi32, #tpu.memory_space<hbm>> -> memref<1x1x1x1x64xi32, #tpu.memory_space<hbm>>
          %dma_wait3A_932 = tpu.memref_squeeze %dma_wait3A_931 : memref<1x1x1x1x64xi32, #tpu.memory_space<hbm>> -> memref<64xi32, #tpu.memory_space<hbm>>
          %dma_wait3A_933 = arith.constant 0 : i32
          %dma_wait3A_934 = tpu.memref_slice %arg4[%while3A_417, %run_scoped3A_918, %add3A, %add3A_905, %dma_wait3A_933] : memref<4x2x32x20x64xi32, #tpu.memory_space<hbm>> -> memref<1x1x1x1x64xi32, #tpu.memory_space<hbm>>
          %dma_wait3A_935 = tpu.memref_squeeze %dma_wait3A_934 : memref<1x1x1x1x64xi32, #tpu.memory_space<hbm>> -> memref<64xi32, #tpu.memory_space<hbm>>
          %dma_wait3A_936 = tpu.memref_slice %arg9[%mul3A_917] : memref<1344xi32, #tpu.memory_space<vmem>> -> memref<64xi32, #tpu.memory_space<vmem>>
          tpu.wait_dma2 semaphore(%run_scoped3A_922 : memref<!tpu.dma_semaphore, #tpu.memory_space<semaphore_mem>>) src(%dma_wait3A_936 : memref<64xi32, #tpu.memory_space<vmem>>) dst(%dma_wait3A_935 : memref<64xi32, #tpu.memory_space<hbm>>)
          tpu.yield
        }) : () -> ()
        %mul3A_919 = arith.constant 64 : i32
        %mul3A_920 = arith.muli %add3A_905, %mul3A_919 : i32
        %run_scoped3A_921 = arith.constant 0 : i32
        "tpu.region"() ({
          %run_scoped3A_922 = tpu.sem_alloc : memref<!tpu.dma_semaphore, #tpu.memory_space<semaphore_mem>>
          %dma_start3A = tpu.memref_slice %arg10[%mul3A_920] : memref<1344xi32, #tpu.memory_space<vmem>> -> memref<64xi32, #tpu.memory_space<vmem>>
          %dma_start3A_923 = arith.constant 0 : i32
          %dma_start3A_924 = tpu.memref_slice %arg5[%while3A_417, %run_scoped3A_921, %add3A, %add3A_905, %dma_start3A_923] : memref<4x2x32x20x64xi32, #tpu.memory_space<hbm>> -> memref<1x1x1x1x64xi32, #tpu.memory_space<hbm>>
          %dma_start3A_925 = tpu.memref_squeeze %dma_start3A_924 : memref<1x1x1x1x64xi32, #tpu.memory_space<hbm>> -> memref<64xi32, #tpu.memory_space<hbm>>
          %dma_start3A_926 = arith.constant 0 : i32
          %dma_start3A_927 = tpu.memref_slice %arg5[%while3A_417, %run_scoped3A_921, %add3A, %add3A_905, %dma_start3A_926] : memref<4x2x32x20x64xi32, #tpu.memory_space<hbm>> -> memref<1x1x1x1x64xi32, #tpu.memory_space<hbm>>
          %dma_start3A_928 = tpu.memref_squeeze %dma_start3A_927 : memref<1x1x1x1x64xi32, #tpu.memory_space<hbm>> -> memref<64xi32, #tpu.memory_space<hbm>>
          %dma_start3A_929 = tpu.memref_slice %arg10[%mul3A_920] : memref<1344xi32, #tpu.memory_space<vmem>> -> memref<64xi32, #tpu.memory_space<vmem>>
          tpu.enqueue_dma source(%dma_start3A_929 : memref<64xi32, #tpu.memory_space<vmem>>) target(%dma_start3A_928 : memref<64xi32, #tpu.memory_space<hbm>>) target_semaphore(%run_scoped3A_922 : memref<!tpu.dma_semaphore, #tpu.memory_space<semaphore_mem>>)
          %dma_wait3A = tpu.memref_slice %arg10[%mul3A_920] : memref<1344xi32, #tpu.memory_space<vmem>> -> memref<64xi32, #tpu.memory_space<vmem>>
          %dma_wait3A_930 = arith.constant 0 : i32
          %dma_wait3A_931 = tpu.memref_slice %arg5[%while3A_417, %run_scoped3A_921, %add3A, %add3A_905, %dma_wait3A_930] : memref<4x2x32x20x64xi32, #tpu.memory_space<hbm>> -> memref<1x1x1x1x64xi32, #tpu.memory_space<hbm>>
          %dma_wait3A_932 = tpu.memref_squeeze %dma_wait3A_931 : memref<1x1x1x1x64xi32, #tpu.memory_space<hbm>> -> memref<64xi32, #tpu.memory_space<hbm>>
          %dma_wait3A_933 = arith.constant 0 : i32
          %dma_wait3A_934 = tpu.memref_slice %arg5[%while3A_417, %run_scoped3A_921, %add3A, %add3A_905, %dma_wait3A_933] : memref<4x2x32x20x64xi32, #tpu.memory_space<hbm>> -> memref<1x1x1x1x64xi32, #tpu.memory_space<hbm>>
          %dma_wait3A_935 = tpu.memref_squeeze %dma_wait3A_934 : memref<1x1x1x1x64xi32, #tpu.memory_space<hbm>> -> memref<64xi32, #tpu.memory_space<hbm>>
          %dma_wait3A_936 = tpu.memref_slice %arg10[%mul3A_920] : memref<1344xi32, #tpu.memory_space<vmem>> -> memref<64xi32, #tpu.memory_space<vmem>>
          tpu.wait_dma2 semaphore(%run_scoped3A_922 : memref<!tpu.dma_semaphore, #tpu.memory_space<semaphore_mem>>) src(%dma_wait3A_936 : memref<64xi32, #tpu.memory_space<vmem>>) dst(%dma_wait3A_935 : memref<64xi32, #tpu.memory_space<hbm>>)
          tpu.yield
        }) : () -> ()
      } else {
      }
      %mul3A_910 = arith.constant 64 : i32
      %mul3A_911 = arith.muli %add3A_905, %mul3A_910 : i32
      %lt3A_912 = arith.cmpi slt, %mul3A_911, %mul3A_405 : i32
      %convert_element_type3A_913 = arith.extui %lt3A_912 : i1 to i32
      %cond3A_914 = arith.constant 0 : i32
      %cond3A_915 = arith.cmpi ne, %convert_element_type3A_913, %cond3A_914 : i32
      scf.if %cond3A_915 {
        %mul3A_916 = arith.constant 64 : i32
        %mul3A_917 = arith.muli %add3A_905, %mul3A_916 : i32
        %run_scoped3A_918 = arith.constant 1 : i32
        "tpu.region"() ({
          %run_scoped3A_922 = tpu.sem_alloc : memref<!tpu.dma_semaphore, #tpu.memory_space<semaphore_mem>>
          %dma_start3A = tpu.memref_slice %arg11[%mul3A_917] : memref<1344xi32, #tpu.memory_space<vmem>> -> memref<64xi32, #tpu.memory_space<vmem>>
          %dma_start3A_923 = arith.constant 0 : i32
          %dma_start3A_924 = tpu.memref_slice %arg4[%while3A_417, %run_scoped3A_918, %add3A, %add3A_905, %dma_start3A_923] : memref<4x2x32x20x64xi32, #tpu.memory_space<hbm>> -> memref<1x1x1x1x64xi32, #tpu.memory_space<hbm>>
          %dma_start3A_925 = tpu.memref_squeeze %dma_start3A_924 : memref<1x1x1x1x64xi32, #tpu.memory_space<hbm>> -> memref<64xi32, #tpu.memory_space<hbm>>
          %dma_start3A_926 = arith.constant 0 : i32
          %dma_start3A_927 = tpu.memref_slice %arg4[%while3A_417, %run_scoped3A_918, %add3A, %add3A_905, %dma_start3A_926] : memref<4x2x32x20x64xi32, #tpu.memory_space<hbm>> -> memref<1x1x1x1x64xi32, #tpu.memory_space<hbm>>
          %dma_start3A_928 = tpu.memref_squeeze %dma_start3A_927 : memref<1x1x1x1x64xi32, #tpu.memory_space<hbm>> -> memref<64xi32, #tpu.memory_space<hbm>>
          %dma_start3A_929 = tpu.memref_slice %arg11[%mul3A_917] : memref<1344xi32, #tpu.memory_space<vmem>> -> memref<64xi32, #tpu.memory_space<vmem>>
          tpu.enqueue_dma source(%dma_start3A_929 : memref<64xi32, #tpu.memory_space<vmem>>) target(%dma_start3A_928 : memref<64xi32, #tpu.memory_space<hbm>>) target_semaphore(%run_scoped3A_922 : memref<!tpu.dma_semaphore, #tpu.memory_space<semaphore_mem>>)
          %dma_wait3A = tpu.memref_slice %arg11[%mul3A_917] : memref<1344xi32, #tpu.memory_space<vmem>> -> memref<64xi32, #tpu.memory_space<vmem>>
          %dma_wait3A_930 = arith.constant 0 : i32
          %dma_wait3A_931 = tpu.memref_slice %arg4[%while3A_417, %run_scoped3A_918, %add3A, %add3A_905, %dma_wait3A_930] : memref<4x2x32x20x64xi32, #tpu.memory_space<hbm>> -> memref<1x1x1x1x64xi32, #tpu.memory_space<hbm>>
          %dma_wait3A_932 = tpu.memref_squeeze %dma_wait3A_931 : memref<1x1x1x1x64xi32, #tpu.memory_space<hbm>> -> memref<64xi32, #tpu.memory_space<hbm>>
          %dma_wait3A_933 = arith.constant 0 : i32
          %dma_wait3A_934 = tpu.memref_slice %arg4[%while3A_417, %run_scoped3A_918, %add3A, %add3A_905, %dma_wait3A_933] : memref<4x2x32x20x64xi32, #tpu.memory_space<hbm>> -> memref<1x1x1x1x64xi32, #tpu.memory_space<hbm>>
          %dma_wait3A_935 = tpu.memref_squeeze %dma_wait3A_934 : memref<1x1x1x1x64xi32, #tpu.memory_space<hbm>> -> memref<64xi32, #tpu.memory_space<hbm>>
          %dma_wait3A_936 = tpu.memref_slice %arg11[%mul3A_917] : memref<1344xi32, #tpu.memory_space<vmem>> -> memref<64xi32, #tpu.memory_space<vmem>>
          tpu.wait_dma2 semaphore(%run_scoped3A_922 : memref<!tpu.dma_semaphore, #tpu.memory_space<semaphore_mem>>) src(%dma_wait3A_936 : memref<64xi32, #tpu.memory_space<vmem>>) dst(%dma_wait3A_935 : memref<64xi32, #tpu.memory_space<hbm>>)
          tpu.yield
        }) : () -> ()
        %mul3A_919 = arith.constant 64 : i32
        %mul3A_920 = arith.muli %add3A_905, %mul3A_919 : i32
        %run_scoped3A_921 = arith.constant 1 : i32
        "tpu.region"() ({
          %run_scoped3A_922 = tpu.sem_alloc : memref<!tpu.dma_semaphore, #tpu.memory_space<semaphore_mem>>
          %dma_start3A = tpu.memref_slice %arg12[%mul3A_920] : memref<1344xi32, #tpu.memory_space<vmem>> -> memref<64xi32, #tpu.memory_space<vmem>>
          %dma_start3A_923 = arith.constant 0 : i32
          %dma_start3A_924 = tpu.memref_slice %arg5[%while3A_417, %run_scoped3A_921, %add3A, %add3A_905, %dma_start3A_923] : memref<4x2x32x20x64xi32, #tpu.memory_space<hbm>> -> memref<1x1x1x1x64xi32, #tpu.memory_space<hbm>>
          %dma_start3A_925 = tpu.memref_squeeze %dma_start3A_924 : memref<1x1x1x1x64xi32, #tpu.memory_space<hbm>> -> memref<64xi32, #tpu.memory_space<hbm>>
          %dma_start3A_926 = arith.constant 0 : i32
          %dma_start3A_927 = tpu.memref_slice %arg5[%while3A_417, %run_scoped3A_921, %add3A, %add3A_905, %dma_start3A_926] : memref<4x2x32x20x64xi32, #tpu.memory_space<hbm>> -> memref<1x1x1x1x64xi32, #tpu.memory_space<hbm>>
          %dma_start3A_928 = tpu.memref_squeeze %dma_start3A_927 : memref<1x1x1x1x64xi32, #tpu.memory_space<hbm>> -> memref<64xi32, #tpu.memory_space<hbm>>
          %dma_start3A_929 = tpu.memref_slice %arg12[%mul3A_920] : memref<1344xi32, #tpu.memory_space<vmem>> -> memref<64xi32, #tpu.memory_space<vmem>>
          tpu.enqueue_dma source(%dma_start3A_929 : memref<64xi32, #tpu.memory_space<vmem>>) target(%dma_start3A_928 : memref<64xi32, #tpu.memory_space<hbm>>) target_semaphore(%run_scoped3A_922 : memref<!tpu.dma_semaphore, #tpu.memory_space<semaphore_mem>>)
          %dma_wait3A = tpu.memref_slice %arg12[%mul3A_920] : memref<1344xi32, #tpu.memory_space<vmem>> -> memref<64xi32, #tpu.memory_space<vmem>>
          %dma_wait3A_930 = arith.constant 0 : i32
          %dma_wait3A_931 = tpu.memref_slice %arg5[%while3A_417, %run_scoped3A_921, %add3A, %add3A_905, %dma_wait3A_930] : memref<4x2x32x20x64xi32, #tpu.memory_space<hbm>> -> memref<1x1x1x1x64xi32, #tpu.memory_space<hbm>>
          %dma_wait3A_932 = tpu.memref_squeeze %dma_wait3A_931 : memref<1x1x1x1x64xi32, #tpu.memory_space<hbm>> -> memref<64xi32, #tpu.memory_space<hbm>>
          %dma_wait3A_933 = arith.constant 0 : i32
          %dma_wait3A_934 = tpu.memref_slice %arg5[%while3A_417, %run_scoped3A_921, %add3A, %add3A_905, %dma_wait3A_933] : memref<4x2x32x20x64xi32, #tpu.memory_space<hbm>> -> memref<1x1x1x1x64xi32, #tpu.memory_space<hbm>>
          %dma_wait3A_935 = tpu.memref_squeeze %dma_wait3A_934 : memref<1x1x1x1x64xi32, #tpu.memory_space<hbm>> -> memref<64xi32, #tpu.memory_space<hbm>>
          %dma_wait3A_936 = tpu.memref_slice %arg12[%mul3A_920] : memref<1344xi32, #tpu.memory_space<vmem>> -> memref<64xi32, #tpu.memory_space<vmem>>
          tpu.wait_dma2 semaphore(%run_scoped3A_922 : memref<!tpu.dma_semaphore, #tpu.memory_space<semaphore_mem>>) src(%dma_wait3A_936 : memref<64xi32, #tpu.memory_space<vmem>>) dst(%dma_wait3A_935 : memref<64xi32, #tpu.memory_space<hbm>>)
          tpu.yield
        }) : () -> ()
      } else {
      }
    }
    %broadcast_in_dim3A_427 = arith.constant 0 : i32
    %broadcast_in_dim3A_428 = vector.broadcast %broadcast_in_dim3A_427 : i32 to vector<16xi32>
    %add3A_429 = vector.broadcast %mul3A_377 : i32 to vector<16xi32>
    %add3A_430 = arith.addi %broadcast_in_dim3A_428, %add3A_429 : vector<16xi32>
    %swap3A_431 = arith.constant 0 : i32
    %swap3A_432 = arith.index_cast %swap3A_431 : i32 to index
    %swap3A_433 = tpu.vector_load %arg13[%swap3A_432] {strides = array<i32>} : memref<16xi32, #tpu.memory_space<vmem>>, vector<16xi32>,
    tpu.vector_store %arg13[%swap3A_432], %add3A_430 {strides = array<i32>} : memref<16xi32, #tpu.memory_space<vmem>>, vector<16xi32>,
    %run_scoped3A_434 = arith.constant 1 : i32
    %run_scoped3A_435 = arith.constant 0 : i32
    "tpu.region"() ({
      %run_scoped3A_903 = tpu.sem_alloc : memref<!tpu.dma_semaphore, #tpu.memory_space<semaphore_mem>>
      %dma_start3A = arith.constant 0 : i32
      %dma_start3A_904 = tpu.memref_slice %arg6[%run_scoped3A_434, %run_scoped3A_435, %add3A, %dma_start3A] : memref<4x2x32x16xi32, #tpu.memory_space<hbm>> -> memref<1x1x1x16xi32, #tpu.memory_space<hbm>>
      %dma_start3A_905 = tpu.memref_squeeze %dma_start3A_904 : memref<1x1x1x16xi32, #tpu.memory_space<hbm>> -> memref<16xi32, #tpu.memory_space<hbm>>
      %dma_start3A_906 = arith.constant 0 : i32
      %dma_start3A_907 = tpu.memref_slice %arg6[%run_scoped3A_434, %run_scoped3A_435, %add3A, %dma_start3A_906] : memref<4x2x32x16xi32, #tpu.memory_space<hbm>> -> memref<1x1x1x16xi32, #tpu.memory_space<hbm>>
      %dma_start3A_908 = tpu.memref_squeeze %dma_start3A_907 : memref<1x1x1x16xi32, #tpu.memory_space<hbm>> -> memref<16xi32, #tpu.memory_space<hbm>>
      tpu.enqueue_dma source(%arg13 : memref<16xi32, #tpu.memory_space<vmem>>) target(%dma_start3A_908 : memref<16xi32, #tpu.memory_space<hbm>>) target_semaphore(%run_scoped3A_903 : memref<!tpu.dma_semaphore, #tpu.memory_space<semaphore_mem>>)
      %dma_wait3A = arith.constant 0 : i32
      %dma_wait3A_909 = tpu.memref_slice %arg6[%run_scoped3A_434, %run_scoped3A_435, %add3A, %dma_wait3A] : memref<4x2x32x16xi32, #tpu.memory_space<hbm>> -> memref<1x1x1x16xi32, #tpu.memory_space<hbm>>
      %dma_wait3A_910 = tpu.memref_squeeze %dma_wait3A_909 : memref<1x1x1x16xi32, #tpu.memory_space<hbm>> -> memref<16xi32, #tpu.memory_space<hbm>>
      %dma_wait3A_911 = arith.constant 0 : i32
      %dma_wait3A_912 = tpu.memref_slice %arg6[%run_scoped3A_434, %run_scoped3A_435, %add3A, %dma_wait3A_911] : memref<4x2x32x16xi32, #tpu.memory_space<hbm>> -> memref<1x1x1x16xi32, #tpu.memory_space<hbm>>
      %dma_wait3A_913 = tpu.memref_squeeze %dma_wait3A_912 : memref<1x1x1x16xi32, #tpu.memory_space<hbm>> -> memref<16xi32, #tpu.memory_space<hbm>>
      tpu.wait_dma2 semaphore(%run_scoped3A_903 : memref<!tpu.dma_semaphore, #tpu.memory_space<semaphore_mem>>) src(%arg13 : memref<16xi32, #tpu.memory_space<vmem>>) dst(%dma_wait3A_913 : memref<16xi32, #tpu.memory_space<hbm>>)
      tpu.yield
    }) : () -> ()
    %broadcast_in_dim3A_436 = arith.constant 0 : i32
    %broadcast_in_dim3A_437 = vector.broadcast %broadcast_in_dim3A_436 : i32 to vector<16xi32>
    %add3A_438 = vector.broadcast %mul3A_405 : i32 to vector<16xi32>
    %add3A_439 = arith.addi %broadcast_in_dim3A_437, %add3A_438 : vector<16xi32>
    %swap3A_440 = arith.constant 0 : i32
    %swap3A_441 = arith.index_cast %swap3A_440 : i32 to index
    %swap3A_442 = tpu.vector_load %arg13[%swap3A_441] {strides = array<i32>} : memref<16xi32, #tpu.memory_space<vmem>>, vector<16xi32>,
    tpu.vector_store %arg13[%swap3A_441], %add3A_439 {strides = array<i32>} : memref<16xi32, #tpu.memory_space<vmem>>, vector<16xi32>,
    %run_scoped3A_443 = arith.constant 1 : i32
    %run_scoped3A_444 = arith.constant 1 : i32
    "tpu.region"() ({
      %run_scoped3A_903 = tpu.sem_alloc : memref<!tpu.dma_semaphore, #tpu.memory_space<semaphore_mem>>
      %dma_start3A = arith.constant 0 : i32
      %dma_start3A_904 = tpu.memref_slice %arg6[%run_scoped3A_443, %run_scoped3A_444, %add3A, %dma_start3A] : memref<4x2x32x16xi32, #tpu.memory_space<hbm>> -> memref<1x1x1x16xi32, #tpu.memory_space<hbm>>
      %dma_start3A_905 = tpu.memref_squeeze %dma_start3A_904 : memref<1x1x1x16xi32, #tpu.memory_space<hbm>> -> memref<16xi32, #tpu.memory_space<hbm>>
      %dma_start3A_906 = arith.constant 0 : i32
      %dma_start3A_907 = tpu.memref_slice %arg6[%run_scoped3A_443, %run_scoped3A_444, %add3A, %dma_start3A_906] : memref<4x2x32x16xi32, #tpu.memory_space<hbm>> -> memref<1x1x1x16xi32, #tpu.memory_space<hbm>>
      %dma_start3A_908 = tpu.memref_squeeze %dma_start3A_907 : memref<1x1x1x16xi32, #tpu.memory_space<hbm>> -> memref<16xi32, #tpu.memory_space<hbm>>
      tpu.enqueue_dma source(%arg13 : memref<16xi32, #tpu.memory_space<vmem>>) target(%dma_start3A_908 : memref<16xi32, #tpu.memory_space<hbm>>) target_semaphore(%run_scoped3A_903 : memref<!tpu.dma_semaphore, #tpu.memory_space<semaphore_mem>>)
      %dma_wait3A = arith.constant 0 : i32
      %dma_wait3A_909 = tpu.memref_slice %arg6[%run_scoped3A_443, %run_scoped3A_444, %add3A, %dma_wait3A] : memref<4x2x32x16xi32, #tpu.memory_space<hbm>> -> memref<1x1x1x16xi32, #tpu.memory_space<hbm>>
      %dma_wait3A_910 = tpu.memref_squeeze %dma_wait3A_909 : memref<1x1x1x16xi32, #tpu.memory_space<hbm>> -> memref<16xi32, #tpu.memory_space<hbm>>
      %dma_wait3A_911 = arith.constant 0 : i32
      %dma_wait3A_912 = tpu.memref_slice %arg6[%run_scoped3A_443, %run_scoped3A_444, %add3A, %dma_wait3A_911] : memref<4x2x32x16xi32, #tpu.memory_space<hbm>> -> memref<1x1x1x16xi32, #tpu.memory_space<hbm>>
      %dma_wait3A_913 = tpu.memref_squeeze %dma_wait3A_912 : memref<1x1x1x16xi32, #tpu.memory_space<hbm>> -> memref<16xi32, #tpu.memory_space<hbm>>
      tpu.wait_dma2 semaphore(%run_scoped3A_903 : memref<!tpu.dma_semaphore, #tpu.memory_space<semaphore_mem>>) src(%arg13 : memref<16xi32, #tpu.memory_space<vmem>>) dst(%dma_wait3A_913 : memref<16xi32, #tpu.memory_space<hbm>>)
      tpu.yield
    }) : () -> ()
    %mul3A_445 = arith.constant 1280 : i32
    %mul3A_446 = arith.muli %add3A, %mul3A_445 : i32
    %run_scoped3A_447 = arith.constant 2 : i32
    "tpu.region"() ({
      %run_scoped3A_903 = tpu.sem_alloc : memref<!tpu.dma_semaphore, #tpu.memory_space<semaphore_mem>>
      %dma_start3A = tpu.memref_slice %arg2[%run_scoped3A_447, %mul3A_446] : memref<4x40960xi32, #tpu.memory_space<hbm>> -> memref<1x1280xi32, #tpu.memory_space<hbm>>
      %dma_start3A_904 = tpu.memref_squeeze %dma_start3A : memref<1x1280xi32, #tpu.memory_space<hbm>> -> memref<1280xi32, #tpu.memory_space<hbm>>
      %dma_start3A_905 = tpu.memref_slice %arg2[%run_scoped3A_447, %mul3A_446] : memref<4x40960xi32, #tpu.memory_space<hbm>> -> memref<1x1280xi32, #tpu.memory_space<hbm>>
      %dma_start3A_906 = tpu.memref_squeeze %dma_start3A_905 : memref<1x1280xi32, #tpu.memory_space<hbm>> -> memref<1280xi32, #tpu.memory_space<hbm>>
      tpu.enqueue_dma source(%dma_start3A_906 : memref<1280xi32, #tpu.memory_space<hbm>>) target(%arg7 : memref<1280xi32, #tpu.memory_space<vmem>>) target_semaphore(%run_scoped3A_903 : memref<!tpu.dma_semaphore, #tpu.memory_space<semaphore_mem>>)
      %dma_wait3A = tpu.memref_slice %arg2[%run_scoped3A_447, %mul3A_446] : memref<4x40960xi32, #tpu.memory_space<hbm>> -> memref<1x1280xi32, #tpu.memory_space<hbm>>
      %dma_wait3A_907 = tpu.memref_squeeze %dma_wait3A : memref<1x1280xi32, #tpu.memory_space<hbm>> -> memref<1280xi32, #tpu.memory_space<hbm>>
      %dma_wait3A_908 = tpu.memref_slice %arg2[%run_scoped3A_447, %mul3A_446] : memref<4x40960xi32, #tpu.memory_space<hbm>> -> memref<1x1280xi32, #tpu.memory_space<hbm>>
      %dma_wait3A_909 = tpu.memref_squeeze %dma_wait3A_908 : memref<1x1280xi32, #tpu.memory_space<hbm>> -> memref<1280xi32, #tpu.memory_space<hbm>>
      tpu.wait_dma2 semaphore(%run_scoped3A_903 : memref<!tpu.dma_semaphore, #tpu.memory_space<semaphore_mem>>) src(%dma_wait3A_909 : memref<1280xi32, #tpu.memory_space<hbm>>) dst(%arg7 : memref<1280xi32, #tpu.memory_space<vmem>>)
      tpu.yield
    }) : () -> ()
    %run_scoped3A_448 = arith.constant 2 : i32
    "tpu.region"() ({
      %run_scoped3A_903 = tpu.sem_alloc : memref<!tpu.dma_semaphore, #tpu.memory_space<semaphore_mem>>
      %dma_start3A = tpu.memref_slice %arg3[%run_scoped3A_448, %mul3A_446] : memref<4x40960xi32, #tpu.memory_space<hbm>> -> memref<1x1280xi32, #tpu.memory_space<hbm>>
      %dma_start3A_904 = tpu.memref_squeeze %dma_start3A : memref<1x1280xi32, #tpu.memory_space<hbm>> -> memref<1280xi32, #tpu.memory_space<hbm>>
      %dma_start3A_905 = tpu.memref_slice %arg3[%run_scoped3A_448, %mul3A_446] : memref<4x40960xi32, #tpu.memory_space<hbm>> -> memref<1x1280xi32, #tpu.memory_space<hbm>>
      %dma_start3A_906 = tpu.memref_squeeze %dma_start3A_905 : memref<1x1280xi32, #tpu.memory_space<hbm>> -> memref<1280xi32, #tpu.memory_space<hbm>>
      tpu.enqueue_dma source(%dma_start3A_906 : memref<1280xi32, #tpu.memory_space<hbm>>) target(%arg8 : memref<1280xi32, #tpu.memory_space<vmem>>) target_semaphore(%run_scoped3A_903 : memref<!tpu.dma_semaphore, #tpu.memory_space<semaphore_mem>>)
      %dma_wait3A = tpu.memref_slice %arg3[%run_scoped3A_448, %mul3A_446] : memref<4x40960xi32, #tpu.memory_space<hbm>> -> memref<1x1280xi32, #tpu.memory_space<hbm>>
      %dma_wait3A_907 = tpu.memref_squeeze %dma_wait3A : memref<1x1280xi32, #tpu.memory_space<hbm>> -> memref<1280xi32, #tpu.memory_space<hbm>>
      %dma_wait3A_908 = tpu.memref_slice %arg3[%run_scoped3A_448, %mul3A_446] : memref<4x40960xi32, #tpu.memory_space<hbm>> -> memref<1x1280xi32, #tpu.memory_space<hbm>>
      %dma_wait3A_909 = tpu.memref_squeeze %dma_wait3A_908 : memref<1x1280xi32, #tpu.memory_space<hbm>> -> memref<1280xi32, #tpu.memory_space<hbm>>
      tpu.wait_dma2 semaphore(%run_scoped3A_903 : memref<!tpu.dma_semaphore, #tpu.memory_space<semaphore_mem>>) src(%dma_wait3A_909 : memref<1280xi32, #tpu.memory_space<hbm>>) dst(%arg8 : memref<1280xi32, #tpu.memory_space<vmem>>)
      tpu.yield
    }) : () -> ()
    %sub3A_449 = arith.constant 80 : i32
    %sub3A_450 = arith.constant 0 : i32
    %sub3A_451 = arith.subi %sub3A_449, %sub3A_450 : i32
    %sub3A_452 = arith.constant 1 : i32
    %sub3A_453 = arith.constant 1 : i32
    %sub3A_454 = arith.subi %sub3A_452, %sub3A_453 : i32
    %add3A_455 = arith.addi %sub3A_451, %sub3A_454 : i32
    %div3A_456 = arith.constant 1 : i32
    %div3A_457 = arith.divsi %add3A_455, %div3A_456 : i32
    %while3A_458 = arith.constant 1 : i32
    %while3A_459 = arith.constant 0 : i32
    %while3A_460 = arith.constant 0 : i32
    %while3A_461 = arith.constant 0 : i32
    %while3A_462 = arith.constant 0 : i32
    %while3A_463 = arith.subi %div3A_457, %while3A_460 : i32
    %while3A_464 = arith.addi %while3A_460, %while3A_463 : i32
    %while3A_465 = arith.constant 1 : i32
    %while3A_466 = arith.divsi %while3A_463, %while3A_465 : i32
    %while3A_467 = arith.muli %while3A_466, %while3A_465 : i32
    %while3A_468 = arith.addi %while3A_460, %while3A_467 : i32
    %while3A_469 = arith.constant 1 : i32
    %while3A_470:2 = scf.for %while3A_903 = %while3A_460 to %while3A_468 step %while3A_469 iter_args(%while3A_904 = %while3A_461, %while3A_905 = %while3A_462) -> (i32, i32)  : i32 {
      %mul3A_906 = arith.muli %while3A_903, %while3A_458 : i32
      %add3A_907 = arith.addi %while3A_459, %mul3A_906 : i32
      %mul3A_908 = arith.constant 16 : i32
      %mul3A_909 = arith.muli %add3A_907, %mul3A_908 : i32
      %get3A = arith.index_cast %mul3A_909 : i32 to index
      %get3A_910 = tpu.vector_load %arg7[%get3A] {strides = array<i32>} : memref<1280xi32, #tpu.memory_space<vmem>>, vector<16xi32>,
      %mul3A_911 = arith.constant 16 : i32
      %mul3A_912 = arith.muli %add3A_907, %mul3A_911 : i32
      %get3A_913 = arith.index_cast %mul3A_912 : i32 to index
      %get3A_914 = tpu.vector_load %arg8[%get3A_913] {strides = array<i32>} : memref<1280xi32, #tpu.memory_space<vmem>>, vector<16xi32>,
      %lt3A_915 = arith.constant 5000 : i32
      %lt3A_916 = vector.broadcast %lt3A_915 : i32 to vector<16xi32>
      %lt3A_917 = arith.cmpi slt, %get3A_914, %lt3A_916 : vector<16xi32>
      %ge3A = arith.constant 5000 : i32
      %ge3A_918 = vector.broadcast %ge3A : i32 to vector<16xi32>
      %ge3A_919 = arith.cmpi sge, %get3A_914, %ge3A_918 : vector<16xi32>
      %lt3A_920 = arith.constant 10000 : i32
      %lt3A_921 = vector.broadcast %lt3A_920 : i32 to vector<16xi32>
      %lt3A_922 = arith.cmpi slt, %get3A_914, %lt3A_921 : vector<16xi32>
      %and3A_923 = arith.andi %ge3A_919, %lt3A_922 : vector<16xi1>
      %jit3A_924 = arith.constant 1 : i32
      %jit3A_925 = arith.constant 0 : i32
      %broadcast_in_dim3A_926 = vector.broadcast %jit3A_924 : i32 to vector<16xi32>
      %broadcast_in_dim3A_927 = vector.broadcast %jit3A_925 : i32 to vector<16xi32>
      %select_n3A_928 = arith.select %lt3A_917, %broadcast_in_dim3A_926, %broadcast_in_dim3A_927 : vector<16xi1>, vector<16xi32>
      %broadcast_in_dim3A_929 = arith.constant true
      %broadcast_in_dim3A_930 = vector.broadcast %broadcast_in_dim3A_929 : i1 to vector<16xi1>
      %masked_cumsum3A = tpu.scan <sum>, %select_n3A_928 masked %broadcast_in_dim3A_930 : vector<16xi32>, vector<16xi1> -> vector<16xi32>
      %jit3A_931 = arith.constant 1 : i32
      %jit3A_932 = arith.constant 0 : i32
      %broadcast_in_dim3A_933 = vector.broadcast %jit3A_931 : i32 to vector<16xi32>
      %broadcast_in_dim3A_934 = vector.broadcast %jit3A_932 : i32 to vector<16xi32>
      %select_n3A_935 = arith.select %and3A_923, %broadcast_in_dim3A_933, %broadcast_in_dim3A_934 : vector<16xi1>, vector<16xi32>
      %broadcast_in_dim3A_936 = arith.constant true
      %broadcast_in_dim3A_937 = vector.broadcast %broadcast_in_dim3A_936 : i1 to vector<16xi1>
      %masked_cumsum3A_938 = tpu.scan <sum>, %select_n3A_935 masked %broadcast_in_dim3A_937 : vector<16xi32>, vector<16xi1> -> vector<16xi32>
      %add3A_939 = vector.broadcast %while3A_904 : i32 to vector<16xi32>
      %add3A_940 = arith.addi %add3A_939, %masked_cumsum3A : vector<16xi32>
      %sub3A_941 = arith.constant 1 : i32
      %sub3A_942 = vector.broadcast %sub3A_941 : i32 to vector<16xi32>
      %sub3A_943 = arith.subi %add3A_940, %sub3A_942 : vector<16xi32>
      %max3A = arith.constant 0 : i32
      %max3A_944 = vector.broadcast %max3A : i32 to vector<16xi32>
      %max3A_945 = arith.maxsi %sub3A_943, %max3A_944 : vector<16xi32>
      %add3A_946 = vector.broadcast %while3A_905 : i32 to vector<16xi32>
      %add3A_947 = arith.addi %add3A_946, %masked_cumsum3A_938 : vector<16xi32>
      %sub3A_948 = arith.constant 1 : i32
      %sub3A_949 = vector.broadcast %sub3A_948 : i32 to vector<16xi32>
      %sub3A_950 = arith.subi %add3A_947, %sub3A_949 : vector<16xi32>
      %max3A_951 = arith.constant 0 : i32
      %max3A_952 = vector.broadcast %max3A_951 : i32 to vector<16xi32>
      %max3A_953 = arith.maxsi %sub3A_950, %max3A_952 : vector<16xi32>
      tpu.vector_store_idx %arg9[%max3A_945], %get3A_910 masked %lt3A_917 : memref<1344xi32, #tpu.memory_space<vmem>>[vector<16xi32>], vector<16xi32>, vector<16xi1>
      tpu.vector_store_idx %arg10[%max3A_945], %get3A_914 masked %lt3A_917 : memref<1344xi32, #tpu.memory_space<vmem>>[vector<16xi32>], vector<16xi32>, vector<16xi1>
      tpu.vector_store_idx %arg11[%max3A_953], %get3A_910 masked %and3A_923 : memref<1344xi32, #tpu.memory_space<vmem>>[vector<16xi32>], vector<16xi32>, vector<16xi1>
      %sub3A_954 = arith.constant 5000 : i32
      %sub3A_955 = vector.broadcast %sub3A_954 : i32 to vector<16xi32>
      %sub3A_956 = arith.subi %get3A_914, %sub3A_955 : vector<16xi32>
      tpu.vector_store_idx %arg12[%max3A_953], %sub3A_956 masked %and3A_923 : memref<1344xi32, #tpu.memory_space<vmem>>[vector<16xi32>], vector<16xi32>, vector<16xi1>
      %reduce_max3A = arith.constant true
      %reduce_max3A_957 = vector.broadcast %reduce_max3A : i1 to vector<16xi1>
      %reduce_max3A_958 = arith.constant -2147483648 : i32
      %reduce_max3A_959 = vector.broadcast %reduce_max3A_958 : i32 to vector<16xi32>
      %reduce_max3A_960 = arith.xori %masked_cumsum3A, %reduce_max3A_959 : vector<16xi32>
      %reduce_max3A_961 = tpu.scan <max>, %reduce_max3A_960 masked %reduce_max3A_957 : vector<16xi32>, vector<16xi1> -> vector<16xi32>
      %reduce_max3A_962 = arith.xori %reduce_max3A_961, %reduce_max3A_959 : vector<16xi32>
      %reduce_max3A_963 = vector.extract %reduce_max3A_962[15] : i32 from vector<16xi32>
      %reduce_max3A_964 = arith.constant true
      %reduce_max3A_965 = vector.broadcast %reduce_max3A_964 : i1 to vector<16xi1>
      %reduce_max3A_966 = arith.constant -2147483648 : i32
      %reduce_max3A_967 = vector.broadcast %reduce_max3A_966 : i32 to vector<16xi32>
      %reduce_max3A_968 = arith.xori %masked_cumsum3A_938, %reduce_max3A_967 : vector<16xi32>
      %reduce_max3A_969 = tpu.scan <max>, %reduce_max3A_968 masked %reduce_max3A_965 : vector<16xi32>, vector<16xi1> -> vector<16xi32>
      %reduce_max3A_970 = arith.xori %reduce_max3A_969, %reduce_max3A_967 : vector<16xi32>
      %reduce_max3A_971 = vector.extract %reduce_max3A_970[15] : i32 from vector<16xi32>
      %add3A_972 = arith.addi %while3A_904, %reduce_max3A_963 : i32
      %add3A_973 = arith.addi %while3A_905, %reduce_max3A_971 : i32
      scf.yield %add3A_972, %add3A_973 : i32, i32
    }
    %while3A_471 = arith.constant 1 : i32
    %while3A_472:2 = scf.for %while3A_903 = %while3A_468 to %while3A_464 step %while3A_471 iter_args(%while3A_904 = %while3A_470#0, %while3A_905 = %while3A_470#1) -> (i32, i32)  : i32 {
      %mul3A_906 = arith.muli %while3A_903, %while3A_458 : i32
      %add3A_907 = arith.addi %while3A_459, %mul3A_906 : i32
      %mul3A_908 = arith.constant 16 : i32
      %mul3A_909 = arith.muli %add3A_907, %mul3A_908 : i32
      %get3A = arith.index_cast %mul3A_909 : i32 to index
      %get3A_910 = tpu.vector_load %arg7[%get3A] {strides = array<i32>} : memref<1280xi32, #tpu.memory_space<vmem>>, vector<16xi32>,
      %mul3A_911 = arith.constant 16 : i32
      %mul3A_912 = arith.muli %add3A_907, %mul3A_911 : i32
      %get3A_913 = arith.index_cast %mul3A_912 : i32 to index
      %get3A_914 = tpu.vector_load %arg8[%get3A_913] {strides = array<i32>} : memref<1280xi32, #tpu.memory_space<vmem>>, vector<16xi32>,
      %lt3A_915 = arith.constant 5000 : i32
      %lt3A_916 = vector.broadcast %lt3A_915 : i32 to vector<16xi32>
      %lt3A_917 = arith.cmpi slt, %get3A_914, %lt3A_916 : vector<16xi32>
      %ge3A = arith.constant 5000 : i32
      %ge3A_918 = vector.broadcast %ge3A : i32 to vector<16xi32>
      %ge3A_919 = arith.cmpi sge, %get3A_914, %ge3A_918 : vector<16xi32>
      %lt3A_920 = arith.constant 10000 : i32
      %lt3A_921 = vector.broadcast %lt3A_920 : i32 to vector<16xi32>
      %lt3A_922 = arith.cmpi slt, %get3A_914, %lt3A_921 : vector<16xi32>
      %and3A_923 = arith.andi %ge3A_919, %lt3A_922 : vector<16xi1>
      %jit3A_924 = arith.constant 1 : i32
      %jit3A_925 = arith.constant 0 : i32
      %broadcast_in_dim3A_926 = vector.broadcast %jit3A_924 : i32 to vector<16xi32>
      %broadcast_in_dim3A_927 = vector.broadcast %jit3A_925 : i32 to vector<16xi32>
      %select_n3A_928 = arith.select %lt3A_917, %broadcast_in_dim3A_926, %broadcast_in_dim3A_927 : vector<16xi1>, vector<16xi32>
      %broadcast_in_dim3A_929 = arith.constant true
      %broadcast_in_dim3A_930 = vector.broadcast %broadcast_in_dim3A_929 : i1 to vector<16xi1>
      %masked_cumsum3A = tpu.scan <sum>, %select_n3A_928 masked %broadcast_in_dim3A_930 : vector<16xi32>, vector<16xi1> -> vector<16xi32>
      %jit3A_931 = arith.constant 1 : i32
      %jit3A_932 = arith.constant 0 : i32
      %broadcast_in_dim3A_933 = vector.broadcast %jit3A_931 : i32 to vector<16xi32>
      %broadcast_in_dim3A_934 = vector.broadcast %jit3A_932 : i32 to vector<16xi32>
      %select_n3A_935 = arith.select %and3A_923, %broadcast_in_dim3A_933, %broadcast_in_dim3A_934 : vector<16xi1>, vector<16xi32>
      %broadcast_in_dim3A_936 = arith.constant true
      %broadcast_in_dim3A_937 = vector.broadcast %broadcast_in_dim3A_936 : i1 to vector<16xi1>
      %masked_cumsum3A_938 = tpu.scan <sum>, %select_n3A_935 masked %broadcast_in_dim3A_937 : vector<16xi32>, vector<16xi1> -> vector<16xi32>
      %add3A_939 = vector.broadcast %while3A_904 : i32 to vector<16xi32>
      %add3A_940 = arith.addi %add3A_939, %masked_cumsum3A : vector<16xi32>
      %sub3A_941 = arith.constant 1 : i32
      %sub3A_942 = vector.broadcast %sub3A_941 : i32 to vector<16xi32>
      %sub3A_943 = arith.subi %add3A_940, %sub3A_942 : vector<16xi32>
      %max3A = arith.constant 0 : i32
      %max3A_944 = vector.broadcast %max3A : i32 to vector<16xi32>
      %max3A_945 = arith.maxsi %sub3A_943, %max3A_944 : vector<16xi32>
      %add3A_946 = vector.broadcast %while3A_905 : i32 to vector<16xi32>
      %add3A_947 = arith.addi %add3A_946, %masked_cumsum3A_938 : vector<16xi32>
      %sub3A_948 = arith.constant 1 : i32
      %sub3A_949 = vector.broadcast %sub3A_948 : i32 to vector<16xi32>
      %sub3A_950 = arith.subi %add3A_947, %sub3A_949 : vector<16xi32>
      %max3A_951 = arith.constant 0 : i32
      %max3A_952 = vector.broadcast %max3A_951 : i32 to vector<16xi32>
      %max3A_953 = arith.maxsi %sub3A_950, %max3A_952 : vector<16xi32>
      tpu.vector_store_idx %arg9[%max3A_945], %get3A_910 masked %lt3A_917 : memref<1344xi32, #tpu.memory_space<vmem>>[vector<16xi32>], vector<16xi32>, vector<16xi1>
      tpu.vector_store_idx %arg10[%max3A_945], %get3A_914 masked %lt3A_917 : memref<1344xi32, #tpu.memory_space<vmem>>[vector<16xi32>], vector<16xi32>, vector<16xi1>
      tpu.vector_store_idx %arg11[%max3A_953], %get3A_910 masked %and3A_923 : memref<1344xi32, #tpu.memory_space<vmem>>[vector<16xi32>], vector<16xi32>, vector<16xi1>
      %sub3A_954 = arith.constant 5000 : i32
      %sub3A_955 = vector.broadcast %sub3A_954 : i32 to vector<16xi32>
      %sub3A_956 = arith.subi %get3A_914, %sub3A_955 : vector<16xi32>
      tpu.vector_store_idx %arg12[%max3A_953], %sub3A_956 masked %and3A_923 : memref<1344xi32, #tpu.memory_space<vmem>>[vector<16xi32>], vector<16xi32>, vector<16xi1>
      %reduce_max3A = arith.constant true
      %reduce_max3A_957 = vector.broadcast %reduce_max3A : i1 to vector<16xi1>
      %reduce_max3A_958 = arith.constant -2147483648 : i32
      %reduce_max3A_959 = vector.broadcast %reduce_max3A_958 : i32 to vector<16xi32>
      %reduce_max3A_960 = arith.xori %masked_cumsum3A, %reduce_max3A_959 : vector<16xi32>
      %reduce_max3A_961 = tpu.scan <max>, %reduce_max3A_960 masked %reduce_max3A_957 : vector<16xi32>, vector<16xi1> -> vector<16xi32>
      %reduce_max3A_962 = arith.xori %reduce_max3A_961, %reduce_max3A_959 : vector<16xi32>
      %reduce_max3A_963 = vector.extract %reduce_max3A_962[15] : i32 from vector<16xi32>
      %reduce_max3A_964 = arith.constant true
      %reduce_max3A_965 = vector.broadcast %reduce_max3A_964 : i1 to vector<16xi1>
      %reduce_max3A_966 = arith.constant -2147483648 : i32
      %reduce_max3A_967 = vector.broadcast %reduce_max3A_966 : i32 to vector<16xi32>
      %reduce_max3A_968 = arith.xori %masked_cumsum3A_938, %reduce_max3A_967 : vector<16xi32>
      %reduce_max3A_969 = tpu.scan <max>, %reduce_max3A_968 masked %reduce_max3A_965 : vector<16xi32>, vector<16xi1> -> vector<16xi32>
      %reduce_max3A_970 = arith.xori %reduce_max3A_969, %reduce_max3A_967 : vector<16xi32>
      %reduce_max3A_971 = vector.extract %reduce_max3A_970[15] : i32 from vector<16xi32>
      %add3A_972 = arith.addi %while3A_904, %reduce_max3A_963 : i32
      %add3A_973 = arith.addi %while3A_905, %reduce_max3A_971 : i32
      scf.yield %add3A_972, %add3A_973 : i32, i32
    }
    %jit3A_473 = arith.constant 16 : i32
    %eq3A_474 = arith.constant 0 : i32
    %eq3A_475 = arith.cmpi eq, %jit3A_473, %eq3A_474 : i32
    %jit3A_476 = arith.constant 1 : i32
    %select_n3A_477 = arith.select %eq3A_475, %jit3A_476, %jit3A_473 : i32
    %rem3A_478 = arith.remsi %add3A, %select_n3A_477 : i32
    %ne3A_479 = arith.constant 0 : i32
    %ne3A_480 = arith.cmpi ne, %rem3A_478, %ne3A_479 : i32
    %lt3A_481 = arith.constant 0 : i32
    %lt3A_482 = arith.cmpi slt, %rem3A_478, %lt3A_481 : i32
    %lt3A_483 = arith.constant 0 : i32
    %lt3A_484 = arith.cmpi slt, %select_n3A_477, %lt3A_483 : i32
    %ne3A_485 = arith.xori %lt3A_482, %lt3A_484 : i1
    %and3A_486 = arith.andi %ne3A_485, %ne3A_480 : i1
    %add3A_487 = arith.addi %rem3A_478, %select_n3A_477 : i32
    %select_n3A_488 = arith.select %and3A_486, %add3A_487, %rem3A_478 : i32
    %add3A_489 = arith.constant 5000 : i32
    %add3A_490 = arith.addi %add3A_489, %select_n3A_488 : i32
    %broadcast_in_dim3A_491 = arith.constant 0 : i32
    %broadcast_in_dim3A_492 = vector.broadcast %broadcast_in_dim3A_491 : i32 to vector<16xi32>
    %broadcast_in_dim3A_493 = arith.constant 0 : i32
    %broadcast_in_dim3A_494 = vector.broadcast %broadcast_in_dim3A_493 : i32 to vector<16xi32>
    %add3A_495 = vector.broadcast %add3A_490 : i32 to vector<16xi32>
    %add3A_496 = arith.addi %broadcast_in_dim3A_494, %add3A_495 : vector<16xi32>
    %add3A_497 = arith.constant 0 : i32
    %add3A_498 = arith.addi %while3A_472#0, %add3A_497 : i32
    %swap3A_499 = arith.index_cast %add3A_498 : i32 to index
    %swap3A_500 = tpu.vector_load %arg9[%swap3A_499] {strides = array<i32>} : memref<1344xi32, #tpu.memory_space<vmem>>, vector<16xi32>,
    tpu.vector_store %arg9[%swap3A_499], %broadcast_in_dim3A_492 {strides = array<i32>} : memref<1344xi32, #tpu.memory_space<vmem>>, vector<16xi32>,
    %add3A_501 = arith.constant 0 : i32
    %add3A_502 = arith.addi %while3A_472#0, %add3A_501 : i32
    %swap3A_503 = arith.index_cast %add3A_502 : i32 to index
    %swap3A_504 = tpu.vector_load %arg10[%swap3A_503] {strides = array<i32>} : memref<1344xi32, #tpu.memory_space<vmem>>, vector<16xi32>,
    tpu.vector_store %arg10[%swap3A_503], %add3A_496 {strides = array<i32>} : memref<1344xi32, #tpu.memory_space<vmem>>, vector<16xi32>,
    %add3A_505 = arith.constant 0 : i32
    %add3A_506 = arith.addi %while3A_472#1, %add3A_505 : i32
    %swap3A_507 = arith.index_cast %add3A_506 : i32 to index
    %swap3A_508 = tpu.vector_load %arg11[%swap3A_507] {strides = array<i32>} : memref<1344xi32, #tpu.memory_space<vmem>>, vector<16xi32>,
    tpu.vector_store %arg11[%swap3A_507], %broadcast_in_dim3A_492 {strides = array<i32>} : memref<1344xi32, #tpu.memory_space<vmem>>, vector<16xi32>,
    %add3A_509 = arith.constant 0 : i32
    %add3A_510 = arith.addi %while3A_472#1, %add3A_509 : i32
    %swap3A_511 = arith.index_cast %add3A_510 : i32 to index
    %swap3A_512 = tpu.vector_load %arg12[%swap3A_511] {strides = array<i32>} : memref<1344xi32, #tpu.memory_space<vmem>>, vector<16xi32>,
    tpu.vector_store %arg12[%swap3A_511], %add3A_496 {strides = array<i32>} : memref<1344xi32, #tpu.memory_space<vmem>>, vector<16xi32>,
    %broadcast_in_dim3A_513 = arith.constant 0 : i32
    %broadcast_in_dim3A_514 = vector.broadcast %broadcast_in_dim3A_513 : i32 to vector<16xi32>
    %broadcast_in_dim3A_515 = arith.constant 0 : i32
    %broadcast_in_dim3A_516 = vector.broadcast %broadcast_in_dim3A_515 : i32 to vector<16xi32>
    %add3A_517 = vector.broadcast %add3A_490 : i32 to vector<16xi32>
    %add3A_518 = arith.addi %broadcast_in_dim3A_516, %add3A_517 : vector<16xi32>
    %add3A_519 = arith.constant 16 : i32
    %add3A_520 = arith.addi %while3A_472#0, %add3A_519 : i32
    %swap3A_521 = arith.index_cast %add3A_520 : i32 to index
    %swap3A_522 = tpu.vector_load %arg9[%swap3A_521] {strides = array<i32>} : memref<1344xi32, #tpu.memory_space<vmem>>, vector<16xi32>,
    tpu.vector_store %arg9[%swap3A_521], %broadcast_in_dim3A_514 {strides = array<i32>} : memref<1344xi32, #tpu.memory_space<vmem>>, vector<16xi32>,
    %add3A_523 = arith.constant 16 : i32
    %add3A_524 = arith.addi %while3A_472#0, %add3A_523 : i32
    %swap3A_525 = arith.index_cast %add3A_524 : i32 to index
    %swap3A_526 = tpu.vector_load %arg10[%swap3A_525] {strides = array<i32>} : memref<1344xi32, #tpu.memory_space<vmem>>, vector<16xi32>,
    tpu.vector_store %arg10[%swap3A_525], %add3A_518 {strides = array<i32>} : memref<1344xi32, #tpu.memory_space<vmem>>, vector<16xi32>,
    %add3A_527 = arith.constant 16 : i32
    %add3A_528 = arith.addi %while3A_472#1, %add3A_527 : i32
    %swap3A_529 = arith.index_cast %add3A_528 : i32 to index
    %swap3A_530 = tpu.vector_load %arg11[%swap3A_529] {strides = array<i32>} : memref<1344xi32, #tpu.memory_space<vmem>>, vector<16xi32>,
    tpu.vector_store %arg11[%swap3A_529], %broadcast_in_dim3A_514 {strides = array<i32>} : memref<1344xi32, #tpu.memory_space<vmem>>, vector<16xi32>,
    %add3A_531 = arith.constant 16 : i32
    %add3A_532 = arith.addi %while3A_472#1, %add3A_531 : i32
    %swap3A_533 = arith.index_cast %add3A_532 : i32 to index
    %swap3A_534 = tpu.vector_load %arg12[%swap3A_533] {strides = array<i32>} : memref<1344xi32, #tpu.memory_space<vmem>>, vector<16xi32>,
    tpu.vector_store %arg12[%swap3A_533], %add3A_518 {strides = array<i32>} : memref<1344xi32, #tpu.memory_space<vmem>>, vector<16xi32>,
    %broadcast_in_dim3A_535 = arith.constant 0 : i32
    %broadcast_in_dim3A_536 = vector.broadcast %broadcast_in_dim3A_535 : i32 to vector<16xi32>
    %broadcast_in_dim3A_537 = arith.constant 0 : i32
    %broadcast_in_dim3A_538 = vector.broadcast %broadcast_in_dim3A_537 : i32 to vector<16xi32>
    %add3A_539 = vector.broadcast %add3A_490 : i32 to vector<16xi32>
    %add3A_540 = arith.addi %broadcast_in_dim3A_538, %add3A_539 : vector<16xi32>
    %add3A_541 = arith.constant 32 : i32
    %add3A_542 = arith.addi %while3A_472#0, %add3A_541 : i32
    %swap3A_543 = arith.index_cast %add3A_542 : i32 to index
    %swap3A_544 = tpu.vector_load %arg9[%swap3A_543] {strides = array<i32>} : memref<1344xi32, #tpu.memory_space<vmem>>, vector<16xi32>,
    tpu.vector_store %arg9[%swap3A_543], %broadcast_in_dim3A_536 {strides = array<i32>} : memref<1344xi32, #tpu.memory_space<vmem>>, vector<16xi32>,
    %add3A_545 = arith.constant 32 : i32
    %add3A_546 = arith.addi %while3A_472#0, %add3A_545 : i32
    %swap3A_547 = arith.index_cast %add3A_546 : i32 to index
    %swap3A_548 = tpu.vector_load %arg10[%swap3A_547] {strides = array<i32>} : memref<1344xi32, #tpu.memory_space<vmem>>, vector<16xi32>,
    tpu.vector_store %arg10[%swap3A_547], %add3A_540 {strides = array<i32>} : memref<1344xi32, #tpu.memory_space<vmem>>, vector<16xi32>,
    %add3A_549 = arith.constant 32 : i32
    %add3A_550 = arith.addi %while3A_472#1, %add3A_549 : i32
    %swap3A_551 = arith.index_cast %add3A_550 : i32 to index
    %swap3A_552 = tpu.vector_load %arg11[%swap3A_551] {strides = array<i32>} : memref<1344xi32, #tpu.memory_space<vmem>>, vector<16xi32>,
    tpu.vector_store %arg11[%swap3A_551], %broadcast_in_dim3A_536 {strides = array<i32>} : memref<1344xi32, #tpu.memory_space<vmem>>, vector<16xi32>,
    %add3A_553 = arith.constant 32 : i32
    %add3A_554 = arith.addi %while3A_472#1, %add3A_553 : i32
    %swap3A_555 = arith.index_cast %add3A_554 : i32 to index
    %swap3A_556 = tpu.vector_load %arg12[%swap3A_555] {strides = array<i32>} : memref<1344xi32, #tpu.memory_space<vmem>>, vector<16xi32>,
    tpu.vector_store %arg12[%swap3A_555], %add3A_540 {strides = array<i32>} : memref<1344xi32, #tpu.memory_space<vmem>>, vector<16xi32>,
    %broadcast_in_dim3A_557 = arith.constant 0 : i32
    %broadcast_in_dim3A_558 = vector.broadcast %broadcast_in_dim3A_557 : i32 to vector<16xi32>
    %broadcast_in_dim3A_559 = arith.constant 0 : i32
    %broadcast_in_dim3A_560 = vector.broadcast %broadcast_in_dim3A_559 : i32 to vector<16xi32>
    %add3A_561 = vector.broadcast %add3A_490 : i32 to vector<16xi32>
    %add3A_562 = arith.addi %broadcast_in_dim3A_560, %add3A_561 : vector<16xi32>
    %add3A_563 = arith.constant 48 : i32
    %add3A_564 = arith.addi %while3A_472#0, %add3A_563 : i32
    %swap3A_565 = arith.index_cast %add3A_564 : i32 to index
    %swap3A_566 = tpu.vector_load %arg9[%swap3A_565] {strides = array<i32>} : memref<1344xi32, #tpu.memory_space<vmem>>, vector<16xi32>,
    tpu.vector_store %arg9[%swap3A_565], %broadcast_in_dim3A_558 {strides = array<i32>} : memref<1344xi32, #tpu.memory_space<vmem>>, vector<16xi32>,
    %add3A_567 = arith.constant 48 : i32
    %add3A_568 = arith.addi %while3A_472#0, %add3A_567 : i32
    %swap3A_569 = arith.index_cast %add3A_568 : i32 to index
    %swap3A_570 = tpu.vector_load %arg10[%swap3A_569] {strides = array<i32>} : memref<1344xi32, #tpu.memory_space<vmem>>, vector<16xi32>,
    tpu.vector_store %arg10[%swap3A_569], %add3A_562 {strides = array<i32>} : memref<1344xi32, #tpu.memory_space<vmem>>, vector<16xi32>,
    %add3A_571 = arith.constant 48 : i32
    %add3A_572 = arith.addi %while3A_472#1, %add3A_571 : i32
    %swap3A_573 = arith.index_cast %add3A_572 : i32 to index
    %swap3A_574 = tpu.vector_load %arg11[%swap3A_573] {strides = array<i32>} : memref<1344xi32, #tpu.memory_space<vmem>>, vector<16xi32>,
    tpu.vector_store %arg11[%swap3A_573], %broadcast_in_dim3A_558 {strides = array<i32>} : memref<1344xi32, #tpu.memory_space<vmem>>, vector<16xi32>,
    %add3A_575 = arith.constant 48 : i32
    %add3A_576 = arith.addi %while3A_472#1, %add3A_575 : i32
    %swap3A_577 = arith.index_cast %add3A_576 : i32 to index
    %swap3A_578 = tpu.vector_load %arg12[%swap3A_577] {strides = array<i32>} : memref<1344xi32, #tpu.memory_space<vmem>>, vector<16xi32>,
    tpu.vector_store %arg12[%swap3A_577], %add3A_562 {strides = array<i32>} : memref<1344xi32, #tpu.memory_space<vmem>>, vector<16xi32>,
    %add3A_579 = arith.constant 63 : i32
    %add3A_580 = arith.addi %while3A_472#0, %add3A_579 : i32
    %jit3A_581 = arith.constant 64 : i32
    %div3A_582 = arith.divsi %add3A_580, %jit3A_581 : i32
    %sign3A_583 = arith.constant 0 : i32
    %sign3A_584 = arith.cmpi sgt, %add3A_580, %sign3A_583 : i32
    %sign3A_585 = arith.extui %sign3A_584 : i1 to i32
    %sign3A_586 = arith.constant 0 : i32
    %sign3A_587 = arith.cmpi slt, %add3A_580, %sign3A_586 : i32
    %sign3A_588 = arith.extui %sign3A_587 : i1 to i32
    %sign3A_589 = arith.subi %sign3A_585, %sign3A_588 : i32
    %sign3A_590 = arith.constant 0 : i32
    %sign3A_591 = arith.cmpi sgt, %jit3A_581, %sign3A_590 : i32
    %sign3A_592 = arith.extui %sign3A_591 : i1 to i32
    %sign3A_593 = arith.constant 0 : i32
    %sign3A_594 = arith.cmpi slt, %jit3A_581, %sign3A_593 : i32
    %sign3A_595 = arith.extui %sign3A_594 : i1 to i32
    %sign3A_596 = arith.subi %sign3A_592, %sign3A_595 : i32
    %ne3A_597 = arith.cmpi ne, %sign3A_589, %sign3A_596 : i32
    %rem3A_598 = arith.remsi %add3A_580, %jit3A_581 : i32
    %ne3A_599 = arith.constant 0 : i32
    %ne3A_600 = arith.cmpi ne, %rem3A_598, %ne3A_599 : i32
    %and3A_601 = arith.andi %ne3A_597, %ne3A_600 : i1
    %sub3A_602 = arith.constant 1 : i32
    %sub3A_603 = arith.subi %div3A_582, %sub3A_602 : i32
    %select_n3A_604 = arith.select %and3A_601, %sub3A_603, %div3A_582 : i32
    %mul3A_605 = arith.constant 64 : i32
    %mul3A_606 = arith.muli %select_n3A_604, %mul3A_605 : i32
    %add3A_607 = arith.constant 63 : i32
    %add3A_608 = arith.addi %while3A_472#1, %add3A_607 : i32
    %jit3A_609 = arith.constant 64 : i32
    %div3A_610 = arith.divsi %add3A_608, %jit3A_609 : i32
    %sign3A_611 = arith.constant 0 : i32
    %sign3A_612 = arith.cmpi sgt, %add3A_608, %sign3A_611 : i32
    %sign3A_613 = arith.extui %sign3A_612 : i1 to i32
    %sign3A_614 = arith.constant 0 : i32
    %sign3A_615 = arith.cmpi slt, %add3A_608, %sign3A_614 : i32
    %sign3A_616 = arith.extui %sign3A_615 : i1 to i32
    %sign3A_617 = arith.subi %sign3A_613, %sign3A_616 : i32
    %sign3A_618 = arith.constant 0 : i32
    %sign3A_619 = arith.cmpi sgt, %jit3A_609, %sign3A_618 : i32
    %sign3A_620 = arith.extui %sign3A_619 : i1 to i32
    %sign3A_621 = arith.constant 0 : i32
    %sign3A_622 = arith.cmpi slt, %jit3A_609, %sign3A_621 : i32
    %sign3A_623 = arith.extui %sign3A_622 : i1 to i32
    %sign3A_624 = arith.subi %sign3A_620, %sign3A_623 : i32
    %ne3A_625 = arith.cmpi ne, %sign3A_617, %sign3A_624 : i32
    %rem3A_626 = arith.remsi %add3A_608, %jit3A_609 : i32
    %ne3A_627 = arith.constant 0 : i32
    %ne3A_628 = arith.cmpi ne, %rem3A_626, %ne3A_627 : i32
    %and3A_629 = arith.andi %ne3A_625, %ne3A_628 : i1
    %sub3A_630 = arith.constant 1 : i32
    %sub3A_631 = arith.subi %div3A_610, %sub3A_630 : i32
    %select_n3A_632 = arith.select %and3A_629, %sub3A_631, %div3A_610 : i32
    %mul3A_633 = arith.constant 64 : i32
    %mul3A_634 = arith.muli %select_n3A_632, %mul3A_633 : i32
    %sub3A_635 = arith.constant 20 : i32
    %sub3A_636 = arith.constant 0 : i32
    %sub3A_637 = arith.subi %sub3A_635, %sub3A_636 : i32
    %sub3A_638 = arith.constant 1 : i32
    %sub3A_639 = arith.constant 1 : i32
    %sub3A_640 = arith.subi %sub3A_638, %sub3A_639 : i32
    %add3A_641 = arith.addi %sub3A_637, %sub3A_640 : i32
    %div3A_642 = arith.constant 1 : i32
    %div3A_643 = arith.divsi %add3A_641, %div3A_642 : i32
    %while3A_644 = arith.constant 1 : i32
    %while3A_645 = arith.constant 0 : i32
    %while3A_646 = arith.constant 2 : i32
    %while3A_647 = arith.constant 0 : i32
    %while3A_648 = arith.subi %div3A_643, %while3A_647 : i32
    %while3A_649 = arith.addi %while3A_647, %while3A_648 : i32
    %while3A_650 = arith.constant 1 : i32
    %while3A_651 = arith.divsi %while3A_648, %while3A_650 : i32
    %while3A_652 = arith.muli %while3A_651, %while3A_650 : i32
    %while3A_653 = arith.addi %while3A_647, %while3A_652 : i32
    %while3A_654 = arith.constant 1 : i32
    scf.for %while3A_903 = %while3A_647 to %while3A_653 step %while3A_654  : i32 {
      %mul3A_904 = arith.muli %while3A_903, %while3A_644 : i32
      %add3A_905 = arith.addi %while3A_645, %mul3A_904 : i32
      %mul3A_906 = arith.constant 64 : i32
      %mul3A_907 = arith.muli %add3A_905, %mul3A_906 : i32
      %lt3A_908 = arith.cmpi slt, %mul3A_907, %mul3A_606 : i32
      %convert_element_type3A = arith.extui %lt3A_908 : i1 to i32
      %cond3A = arith.constant 0 : i32
      %cond3A_909 = arith.cmpi ne, %convert_element_type3A, %cond3A : i32
      scf.if %cond3A_909 {
        %mul3A_916 = arith.constant 64 : i32
        %mul3A_917 = arith.muli %add3A_905, %mul3A_916 : i32
        %run_scoped3A_918 = arith.constant 0 : i32
        "tpu.region"() ({
          %run_scoped3A_922 = tpu.sem_alloc : memref<!tpu.dma_semaphore, #tpu.memory_space<semaphore_mem>>
          %dma_start3A = tpu.memref_slice %arg9[%mul3A_917] : memref<1344xi32, #tpu.memory_space<vmem>> -> memref<64xi32, #tpu.memory_space<vmem>>
          %dma_start3A_923 = arith.constant 0 : i32
          %dma_start3A_924 = tpu.memref_slice %arg4[%while3A_646, %run_scoped3A_918, %add3A, %add3A_905, %dma_start3A_923] : memref<4x2x32x20x64xi32, #tpu.memory_space<hbm>> -> memref<1x1x1x1x64xi32, #tpu.memory_space<hbm>>
          %dma_start3A_925 = tpu.memref_squeeze %dma_start3A_924 : memref<1x1x1x1x64xi32, #tpu.memory_space<hbm>> -> memref<64xi32, #tpu.memory_space<hbm>>
          %dma_start3A_926 = arith.constant 0 : i32
          %dma_start3A_927 = tpu.memref_slice %arg4[%while3A_646, %run_scoped3A_918, %add3A, %add3A_905, %dma_start3A_926] : memref<4x2x32x20x64xi32, #tpu.memory_space<hbm>> -> memref<1x1x1x1x64xi32, #tpu.memory_space<hbm>>
          %dma_start3A_928 = tpu.memref_squeeze %dma_start3A_927 : memref<1x1x1x1x64xi32, #tpu.memory_space<hbm>> -> memref<64xi32, #tpu.memory_space<hbm>>
          %dma_start3A_929 = tpu.memref_slice %arg9[%mul3A_917] : memref<1344xi32, #tpu.memory_space<vmem>> -> memref<64xi32, #tpu.memory_space<vmem>>
          tpu.enqueue_dma source(%dma_start3A_929 : memref<64xi32, #tpu.memory_space<vmem>>) target(%dma_start3A_928 : memref<64xi32, #tpu.memory_space<hbm>>) target_semaphore(%run_scoped3A_922 : memref<!tpu.dma_semaphore, #tpu.memory_space<semaphore_mem>>)
          %dma_wait3A = tpu.memref_slice %arg9[%mul3A_917] : memref<1344xi32, #tpu.memory_space<vmem>> -> memref<64xi32, #tpu.memory_space<vmem>>
          %dma_wait3A_930 = arith.constant 0 : i32
          %dma_wait3A_931 = tpu.memref_slice %arg4[%while3A_646, %run_scoped3A_918, %add3A, %add3A_905, %dma_wait3A_930] : memref<4x2x32x20x64xi32, #tpu.memory_space<hbm>> -> memref<1x1x1x1x64xi32, #tpu.memory_space<hbm>>
          %dma_wait3A_932 = tpu.memref_squeeze %dma_wait3A_931 : memref<1x1x1x1x64xi32, #tpu.memory_space<hbm>> -> memref<64xi32, #tpu.memory_space<hbm>>
          %dma_wait3A_933 = arith.constant 0 : i32
          %dma_wait3A_934 = tpu.memref_slice %arg4[%while3A_646, %run_scoped3A_918, %add3A, %add3A_905, %dma_wait3A_933] : memref<4x2x32x20x64xi32, #tpu.memory_space<hbm>> -> memref<1x1x1x1x64xi32, #tpu.memory_space<hbm>>
          %dma_wait3A_935 = tpu.memref_squeeze %dma_wait3A_934 : memref<1x1x1x1x64xi32, #tpu.memory_space<hbm>> -> memref<64xi32, #tpu.memory_space<hbm>>
          %dma_wait3A_936 = tpu.memref_slice %arg9[%mul3A_917] : memref<1344xi32, #tpu.memory_space<vmem>> -> memref<64xi32, #tpu.memory_space<vmem>>
          tpu.wait_dma2 semaphore(%run_scoped3A_922 : memref<!tpu.dma_semaphore, #tpu.memory_space<semaphore_mem>>) src(%dma_wait3A_936 : memref<64xi32, #tpu.memory_space<vmem>>) dst(%dma_wait3A_935 : memref<64xi32, #tpu.memory_space<hbm>>)
          tpu.yield
        }) : () -> ()
        %mul3A_919 = arith.constant 64 : i32
        %mul3A_920 = arith.muli %add3A_905, %mul3A_919 : i32
        %run_scoped3A_921 = arith.constant 0 : i32
        "tpu.region"() ({
          %run_scoped3A_922 = tpu.sem_alloc : memref<!tpu.dma_semaphore, #tpu.memory_space<semaphore_mem>>
          %dma_start3A = tpu.memref_slice %arg10[%mul3A_920] : memref<1344xi32, #tpu.memory_space<vmem>> -> memref<64xi32, #tpu.memory_space<vmem>>
          %dma_start3A_923 = arith.constant 0 : i32
          %dma_start3A_924 = tpu.memref_slice %arg5[%while3A_646, %run_scoped3A_921, %add3A, %add3A_905, %dma_start3A_923] : memref<4x2x32x20x64xi32, #tpu.memory_space<hbm>> -> memref<1x1x1x1x64xi32, #tpu.memory_space<hbm>>
          %dma_start3A_925 = tpu.memref_squeeze %dma_start3A_924 : memref<1x1x1x1x64xi32, #tpu.memory_space<hbm>> -> memref<64xi32, #tpu.memory_space<hbm>>
          %dma_start3A_926 = arith.constant 0 : i32
          %dma_start3A_927 = tpu.memref_slice %arg5[%while3A_646, %run_scoped3A_921, %add3A, %add3A_905, %dma_start3A_926] : memref<4x2x32x20x64xi32, #tpu.memory_space<hbm>> -> memref<1x1x1x1x64xi32, #tpu.memory_space<hbm>>
          %dma_start3A_928 = tpu.memref_squeeze %dma_start3A_927 : memref<1x1x1x1x64xi32, #tpu.memory_space<hbm>> -> memref<64xi32, #tpu.memory_space<hbm>>
          %dma_start3A_929 = tpu.memref_slice %arg10[%mul3A_920] : memref<1344xi32, #tpu.memory_space<vmem>> -> memref<64xi32, #tpu.memory_space<vmem>>
          tpu.enqueue_dma source(%dma_start3A_929 : memref<64xi32, #tpu.memory_space<vmem>>) target(%dma_start3A_928 : memref<64xi32, #tpu.memory_space<hbm>>) target_semaphore(%run_scoped3A_922 : memref<!tpu.dma_semaphore, #tpu.memory_space<semaphore_mem>>)
          %dma_wait3A = tpu.memref_slice %arg10[%mul3A_920] : memref<1344xi32, #tpu.memory_space<vmem>> -> memref<64xi32, #tpu.memory_space<vmem>>
          %dma_wait3A_930 = arith.constant 0 : i32
          %dma_wait3A_931 = tpu.memref_slice %arg5[%while3A_646, %run_scoped3A_921, %add3A, %add3A_905, %dma_wait3A_930] : memref<4x2x32x20x64xi32, #tpu.memory_space<hbm>> -> memref<1x1x1x1x64xi32, #tpu.memory_space<hbm>>
          %dma_wait3A_932 = tpu.memref_squeeze %dma_wait3A_931 : memref<1x1x1x1x64xi32, #tpu.memory_space<hbm>> -> memref<64xi32, #tpu.memory_space<hbm>>
          %dma_wait3A_933 = arith.constant 0 : i32
          %dma_wait3A_934 = tpu.memref_slice %arg5[%while3A_646, %run_scoped3A_921, %add3A, %add3A_905, %dma_wait3A_933] : memref<4x2x32x20x64xi32, #tpu.memory_space<hbm>> -> memref<1x1x1x1x64xi32, #tpu.memory_space<hbm>>
          %dma_wait3A_935 = tpu.memref_squeeze %dma_wait3A_934 : memref<1x1x1x1x64xi32, #tpu.memory_space<hbm>> -> memref<64xi32, #tpu.memory_space<hbm>>
          %dma_wait3A_936 = tpu.memref_slice %arg10[%mul3A_920] : memref<1344xi32, #tpu.memory_space<vmem>> -> memref<64xi32, #tpu.memory_space<vmem>>
          tpu.wait_dma2 semaphore(%run_scoped3A_922 : memref<!tpu.dma_semaphore, #tpu.memory_space<semaphore_mem>>) src(%dma_wait3A_936 : memref<64xi32, #tpu.memory_space<vmem>>) dst(%dma_wait3A_935 : memref<64xi32, #tpu.memory_space<hbm>>)
          tpu.yield
        }) : () -> ()
      } else {
      }
      %mul3A_910 = arith.constant 64 : i32
      %mul3A_911 = arith.muli %add3A_905, %mul3A_910 : i32
      %lt3A_912 = arith.cmpi slt, %mul3A_911, %mul3A_634 : i32
      %convert_element_type3A_913 = arith.extui %lt3A_912 : i1 to i32
      %cond3A_914 = arith.constant 0 : i32
      %cond3A_915 = arith.cmpi ne, %convert_element_type3A_913, %cond3A_914 : i32
      scf.if %cond3A_915 {
        %mul3A_916 = arith.constant 64 : i32
        %mul3A_917 = arith.muli %add3A_905, %mul3A_916 : i32
        %run_scoped3A_918 = arith.constant 1 : i32
        "tpu.region"() ({
          %run_scoped3A_922 = tpu.sem_alloc : memref<!tpu.dma_semaphore, #tpu.memory_space<semaphore_mem>>
          %dma_start3A = tpu.memref_slice %arg11[%mul3A_917] : memref<1344xi32, #tpu.memory_space<vmem>> -> memref<64xi32, #tpu.memory_space<vmem>>
          %dma_start3A_923 = arith.constant 0 : i32
          %dma_start3A_924 = tpu.memref_slice %arg4[%while3A_646, %run_scoped3A_918, %add3A, %add3A_905, %dma_start3A_923] : memref<4x2x32x20x64xi32, #tpu.memory_space<hbm>> -> memref<1x1x1x1x64xi32, #tpu.memory_space<hbm>>
          %dma_start3A_925 = tpu.memref_squeeze %dma_start3A_924 : memref<1x1x1x1x64xi32, #tpu.memory_space<hbm>> -> memref<64xi32, #tpu.memory_space<hbm>>
          %dma_start3A_926 = arith.constant 0 : i32
          %dma_start3A_927 = tpu.memref_slice %arg4[%while3A_646, %run_scoped3A_918, %add3A, %add3A_905, %dma_start3A_926] : memref<4x2x32x20x64xi32, #tpu.memory_space<hbm>> -> memref<1x1x1x1x64xi32, #tpu.memory_space<hbm>>
          %dma_start3A_928 = tpu.memref_squeeze %dma_start3A_927 : memref<1x1x1x1x64xi32, #tpu.memory_space<hbm>> -> memref<64xi32, #tpu.memory_space<hbm>>
          %dma_start3A_929 = tpu.memref_slice %arg11[%mul3A_917] : memref<1344xi32, #tpu.memory_space<vmem>> -> memref<64xi32, #tpu.memory_space<vmem>>
          tpu.enqueue_dma source(%dma_start3A_929 : memref<64xi32, #tpu.memory_space<vmem>>) target(%dma_start3A_928 : memref<64xi32, #tpu.memory_space<hbm>>) target_semaphore(%run_scoped3A_922 : memref<!tpu.dma_semaphore, #tpu.memory_space<semaphore_mem>>)
          %dma_wait3A = tpu.memref_slice %arg11[%mul3A_917] : memref<1344xi32, #tpu.memory_space<vmem>> -> memref<64xi32, #tpu.memory_space<vmem>>
          %dma_wait3A_930 = arith.constant 0 : i32
          %dma_wait3A_931 = tpu.memref_slice %arg4[%while3A_646, %run_scoped3A_918, %add3A, %add3A_905, %dma_wait3A_930] : memref<4x2x32x20x64xi32, #tpu.memory_space<hbm>> -> memref<1x1x1x1x64xi32, #tpu.memory_space<hbm>>
          %dma_wait3A_932 = tpu.memref_squeeze %dma_wait3A_931 : memref<1x1x1x1x64xi32, #tpu.memory_space<hbm>> -> memref<64xi32, #tpu.memory_space<hbm>>
          %dma_wait3A_933 = arith.constant 0 : i32
          %dma_wait3A_934 = tpu.memref_slice %arg4[%while3A_646, %run_scoped3A_918, %add3A, %add3A_905, %dma_wait3A_933] : memref<4x2x32x20x64xi32, #tpu.memory_space<hbm>> -> memref<1x1x1x1x64xi32, #tpu.memory_space<hbm>>
          %dma_wait3A_935 = tpu.memref_squeeze %dma_wait3A_934 : memref<1x1x1x1x64xi32, #tpu.memory_space<hbm>> -> memref<64xi32, #tpu.memory_space<hbm>>
          %dma_wait3A_936 = tpu.memref_slice %arg11[%mul3A_917] : memref<1344xi32, #tpu.memory_space<vmem>> -> memref<64xi32, #tpu.memory_space<vmem>>
          tpu.wait_dma2 semaphore(%run_scoped3A_922 : memref<!tpu.dma_semaphore, #tpu.memory_space<semaphore_mem>>) src(%dma_wait3A_936 : memref<64xi32, #tpu.memory_space<vmem>>) dst(%dma_wait3A_935 : memref<64xi32, #tpu.memory_space<hbm>>)
          tpu.yield
        }) : () -> ()
        %mul3A_919 = arith.constant 64 : i32
        %mul3A_920 = arith.muli %add3A_905, %mul3A_919 : i32
        %run_scoped3A_921 = arith.constant 1 : i32
        "tpu.region"() ({
          %run_scoped3A_922 = tpu.sem_alloc : memref<!tpu.dma_semaphore, #tpu.memory_space<semaphore_mem>>
          %dma_start3A = tpu.memref_slice %arg12[%mul3A_920] : memref<1344xi32, #tpu.memory_space<vmem>> -> memref<64xi32, #tpu.memory_space<vmem>>
          %dma_start3A_923 = arith.constant 0 : i32
          %dma_start3A_924 = tpu.memref_slice %arg5[%while3A_646, %run_scoped3A_921, %add3A, %add3A_905, %dma_start3A_923] : memref<4x2x32x20x64xi32, #tpu.memory_space<hbm>> -> memref<1x1x1x1x64xi32, #tpu.memory_space<hbm>>
          %dma_start3A_925 = tpu.memref_squeeze %dma_start3A_924 : memref<1x1x1x1x64xi32, #tpu.memory_space<hbm>> -> memref<64xi32, #tpu.memory_space<hbm>>
          %dma_start3A_926 = arith.constant 0 : i32
          %dma_start3A_927 = tpu.memref_slice %arg5[%while3A_646, %run_scoped3A_921, %add3A, %add3A_905, %dma_start3A_926] : memref<4x2x32x20x64xi32, #tpu.memory_space<hbm>> -> memref<1x1x1x1x64xi32, #tpu.memory_space<hbm>>
          %dma_start3A_928 = tpu.memref_squeeze %dma_start3A_927 : memref<1x1x1x1x64xi32, #tpu.memory_space<hbm>> -> memref<64xi32, #tpu.memory_space<hbm>>
          %dma_start3A_929 = tpu.memref_slice %arg12[%mul3A_920] : memref<1344xi32, #tpu.memory_space<vmem>> -> memref<64xi32, #tpu.memory_space<vmem>>
          tpu.enqueue_dma source(%dma_start3A_929 : memref<64xi32, #tpu.memory_space<vmem>>) target(%dma_start3A_928 : memref<64xi32, #tpu.memory_space<hbm>>) target_semaphore(%run_scoped3A_922 : memref<!tpu.dma_semaphore, #tpu.memory_space<semaphore_mem>>)
          %dma_wait3A = tpu.memref_slice %arg12[%mul3A_920] : memref<1344xi32, #tpu.memory_space<vmem>> -> memref<64xi32, #tpu.memory_space<vmem>>
          %dma_wait3A_930 = arith.constant 0 : i32
          %dma_wait3A_931 = tpu.memref_slice %arg5[%while3A_646, %run_scoped3A_921, %add3A, %add3A_905, %dma_wait3A_930] : memref<4x2x32x20x64xi32, #tpu.memory_space<hbm>> -> memref<1x1x1x1x64xi32, #tpu.memory_space<hbm>>
          %dma_wait3A_932 = tpu.memref_squeeze %dma_wait3A_931 : memref<1x1x1x1x64xi32, #tpu.memory_space<hbm>> -> memref<64xi32, #tpu.memory_space<hbm>>
          %dma_wait3A_933 = arith.constant 0 : i32
          %dma_wait3A_934 = tpu.memref_slice %arg5[%while3A_646, %run_scoped3A_921, %add3A, %add3A_905, %dma_wait3A_933] : memref<4x2x32x20x64xi32, #tpu.memory_space<hbm>> -> memref<1x1x1x1x64xi32, #tpu.memory_space<hbm>>
          %dma_wait3A_935 = tpu.memref_squeeze %dma_wait3A_934 : memref<1x1x1x1x64xi32, #tpu.memory_space<hbm>> -> memref<64xi32, #tpu.memory_space<hbm>>
          %dma_wait3A_936 = tpu.memref_slice %arg12[%mul3A_920] : memref<1344xi32, #tpu.memory_space<vmem>> -> memref<64xi32, #tpu.memory_space<vmem>>
          tpu.wait_dma2 semaphore(%run_scoped3A_922 : memref<!tpu.dma_semaphore, #tpu.memory_space<semaphore_mem>>) src(%dma_wait3A_936 : memref<64xi32, #tpu.memory_space<vmem>>) dst(%dma_wait3A_935 : memref<64xi32, #tpu.memory_space<hbm>>)
          tpu.yield
        }) : () -> ()
      } else {
      }
    }
    %while3A_655 = arith.constant 1 : i32
    scf.for %while3A_903 = %while3A_653 to %while3A_649 step %while3A_655  : i32 {
      %mul3A_904 = arith.muli %while3A_903, %while3A_644 : i32
      %add3A_905 = arith.addi %while3A_645, %mul3A_904 : i32
      %mul3A_906 = arith.constant 64 : i32
      %mul3A_907 = arith.muli %add3A_905, %mul3A_906 : i32
      %lt3A_908 = arith.cmpi slt, %mul3A_907, %mul3A_606 : i32
      %convert_element_type3A = arith.extui %lt3A_908 : i1 to i32
      %cond3A = arith.constant 0 : i32
      %cond3A_909 = arith.cmpi ne, %convert_element_type3A, %cond3A : i32
      scf.if %cond3A_909 {
        %mul3A_916 = arith.constant 64 : i32
        %mul3A_917 = arith.muli %add3A_905, %mul3A_916 : i32
        %run_scoped3A_918 = arith.constant 0 : i32
        "tpu.region"() ({
          %run_scoped3A_922 = tpu.sem_alloc : memref<!tpu.dma_semaphore, #tpu.memory_space<semaphore_mem>>
          %dma_start3A = tpu.memref_slice %arg9[%mul3A_917] : memref<1344xi32, #tpu.memory_space<vmem>> -> memref<64xi32, #tpu.memory_space<vmem>>
          %dma_start3A_923 = arith.constant 0 : i32
          %dma_start3A_924 = tpu.memref_slice %arg4[%while3A_646, %run_scoped3A_918, %add3A, %add3A_905, %dma_start3A_923] : memref<4x2x32x20x64xi32, #tpu.memory_space<hbm>> -> memref<1x1x1x1x64xi32, #tpu.memory_space<hbm>>
          %dma_start3A_925 = tpu.memref_squeeze %dma_start3A_924 : memref<1x1x1x1x64xi32, #tpu.memory_space<hbm>> -> memref<64xi32, #tpu.memory_space<hbm>>
          %dma_start3A_926 = arith.constant 0 : i32
          %dma_start3A_927 = tpu.memref_slice %arg4[%while3A_646, %run_scoped3A_918, %add3A, %add3A_905, %dma_start3A_926] : memref<4x2x32x20x64xi32, #tpu.memory_space<hbm>> -> memref<1x1x1x1x64xi32, #tpu.memory_space<hbm>>
          %dma_start3A_928 = tpu.memref_squeeze %dma_start3A_927 : memref<1x1x1x1x64xi32, #tpu.memory_space<hbm>> -> memref<64xi32, #tpu.memory_space<hbm>>
          %dma_start3A_929 = tpu.memref_slice %arg9[%mul3A_917] : memref<1344xi32, #tpu.memory_space<vmem>> -> memref<64xi32, #tpu.memory_space<vmem>>
          tpu.enqueue_dma source(%dma_start3A_929 : memref<64xi32, #tpu.memory_space<vmem>>) target(%dma_start3A_928 : memref<64xi32, #tpu.memory_space<hbm>>) target_semaphore(%run_scoped3A_922 : memref<!tpu.dma_semaphore, #tpu.memory_space<semaphore_mem>>)
          %dma_wait3A = tpu.memref_slice %arg9[%mul3A_917] : memref<1344xi32, #tpu.memory_space<vmem>> -> memref<64xi32, #tpu.memory_space<vmem>>
          %dma_wait3A_930 = arith.constant 0 : i32
          %dma_wait3A_931 = tpu.memref_slice %arg4[%while3A_646, %run_scoped3A_918, %add3A, %add3A_905, %dma_wait3A_930] : memref<4x2x32x20x64xi32, #tpu.memory_space<hbm>> -> memref<1x1x1x1x64xi32, #tpu.memory_space<hbm>>
          %dma_wait3A_932 = tpu.memref_squeeze %dma_wait3A_931 : memref<1x1x1x1x64xi32, #tpu.memory_space<hbm>> -> memref<64xi32, #tpu.memory_space<hbm>>
          %dma_wait3A_933 = arith.constant 0 : i32
          %dma_wait3A_934 = tpu.memref_slice %arg4[%while3A_646, %run_scoped3A_918, %add3A, %add3A_905, %dma_wait3A_933] : memref<4x2x32x20x64xi32, #tpu.memory_space<hbm>> -> memref<1x1x1x1x64xi32, #tpu.memory_space<hbm>>
          %dma_wait3A_935 = tpu.memref_squeeze %dma_wait3A_934 : memref<1x1x1x1x64xi32, #tpu.memory_space<hbm>> -> memref<64xi32, #tpu.memory_space<hbm>>
          %dma_wait3A_936 = tpu.memref_slice %arg9[%mul3A_917] : memref<1344xi32, #tpu.memory_space<vmem>> -> memref<64xi32, #tpu.memory_space<vmem>>
          tpu.wait_dma2 semaphore(%run_scoped3A_922 : memref<!tpu.dma_semaphore, #tpu.memory_space<semaphore_mem>>) src(%dma_wait3A_936 : memref<64xi32, #tpu.memory_space<vmem>>) dst(%dma_wait3A_935 : memref<64xi32, #tpu.memory_space<hbm>>)
          tpu.yield
        }) : () -> ()
        %mul3A_919 = arith.constant 64 : i32
        %mul3A_920 = arith.muli %add3A_905, %mul3A_919 : i32
        %run_scoped3A_921 = arith.constant 0 : i32
        "tpu.region"() ({
          %run_scoped3A_922 = tpu.sem_alloc : memref<!tpu.dma_semaphore, #tpu.memory_space<semaphore_mem>>
          %dma_start3A = tpu.memref_slice %arg10[%mul3A_920] : memref<1344xi32, #tpu.memory_space<vmem>> -> memref<64xi32, #tpu.memory_space<vmem>>
          %dma_start3A_923 = arith.constant 0 : i32
          %dma_start3A_924 = tpu.memref_slice %arg5[%while3A_646, %run_scoped3A_921, %add3A, %add3A_905, %dma_start3A_923] : memref<4x2x32x20x64xi32, #tpu.memory_space<hbm>> -> memref<1x1x1x1x64xi32, #tpu.memory_space<hbm>>
          %dma_start3A_925 = tpu.memref_squeeze %dma_start3A_924 : memref<1x1x1x1x64xi32, #tpu.memory_space<hbm>> -> memref<64xi32, #tpu.memory_space<hbm>>
          %dma_start3A_926 = arith.constant 0 : i32
          %dma_start3A_927 = tpu.memref_slice %arg5[%while3A_646, %run_scoped3A_921, %add3A, %add3A_905, %dma_start3A_926] : memref<4x2x32x20x64xi32, #tpu.memory_space<hbm>> -> memref<1x1x1x1x64xi32, #tpu.memory_space<hbm>>
          %dma_start3A_928 = tpu.memref_squeeze %dma_start3A_927 : memref<1x1x1x1x64xi32, #tpu.memory_space<hbm>> -> memref<64xi32, #tpu.memory_space<hbm>>
          %dma_start3A_929 = tpu.memref_slice %arg10[%mul3A_920] : memref<1344xi32, #tpu.memory_space<vmem>> -> memref<64xi32, #tpu.memory_space<vmem>>
          tpu.enqueue_dma source(%dma_start3A_929 : memref<64xi32, #tpu.memory_space<vmem>>) target(%dma_start3A_928 : memref<64xi32, #tpu.memory_space<hbm>>) target_semaphore(%run_scoped3A_922 : memref<!tpu.dma_semaphore, #tpu.memory_space<semaphore_mem>>)
          %dma_wait3A = tpu.memref_slice %arg10[%mul3A_920] : memref<1344xi32, #tpu.memory_space<vmem>> -> memref<64xi32, #tpu.memory_space<vmem>>
          %dma_wait3A_930 = arith.constant 0 : i32
          %dma_wait3A_931 = tpu.memref_slice %arg5[%while3A_646, %run_scoped3A_921, %add3A, %add3A_905, %dma_wait3A_930] : memref<4x2x32x20x64xi32, #tpu.memory_space<hbm>> -> memref<1x1x1x1x64xi32, #tpu.memory_space<hbm>>
          %dma_wait3A_932 = tpu.memref_squeeze %dma_wait3A_931 : memref<1x1x1x1x64xi32, #tpu.memory_space<hbm>> -> memref<64xi32, #tpu.memory_space<hbm>>
          %dma_wait3A_933 = arith.constant 0 : i32
          %dma_wait3A_934 = tpu.memref_slice %arg5[%while3A_646, %run_scoped3A_921, %add3A, %add3A_905, %dma_wait3A_933] : memref<4x2x32x20x64xi32, #tpu.memory_space<hbm>> -> memref<1x1x1x1x64xi32, #tpu.memory_space<hbm>>
          %dma_wait3A_935 = tpu.memref_squeeze %dma_wait3A_934 : memref<1x1x1x1x64xi32, #tpu.memory_space<hbm>> -> memref<64xi32, #tpu.memory_space<hbm>>
          %dma_wait3A_936 = tpu.memref_slice %arg10[%mul3A_920] : memref<1344xi32, #tpu.memory_space<vmem>> -> memref<64xi32, #tpu.memory_space<vmem>>
          tpu.wait_dma2 semaphore(%run_scoped3A_922 : memref<!tpu.dma_semaphore, #tpu.memory_space<semaphore_mem>>) src(%dma_wait3A_936 : memref<64xi32, #tpu.memory_space<vmem>>) dst(%dma_wait3A_935 : memref<64xi32, #tpu.memory_space<hbm>>)
          tpu.yield
        }) : () -> ()
      } else {
      }
      %mul3A_910 = arith.constant 64 : i32
      %mul3A_911 = arith.muli %add3A_905, %mul3A_910 : i32
      %lt3A_912 = arith.cmpi slt, %mul3A_911, %mul3A_634 : i32
      %convert_element_type3A_913 = arith.extui %lt3A_912 : i1 to i32
      %cond3A_914 = arith.constant 0 : i32
      %cond3A_915 = arith.cmpi ne, %convert_element_type3A_913, %cond3A_914 : i32
      scf.if %cond3A_915 {
        %mul3A_916 = arith.constant 64 : i32
        %mul3A_917 = arith.muli %add3A_905, %mul3A_916 : i32
        %run_scoped3A_918 = arith.constant 1 : i32
        "tpu.region"() ({
          %run_scoped3A_922 = tpu.sem_alloc : memref<!tpu.dma_semaphore, #tpu.memory_space<semaphore_mem>>
          %dma_start3A = tpu.memref_slice %arg11[%mul3A_917] : memref<1344xi32, #tpu.memory_space<vmem>> -> memref<64xi32, #tpu.memory_space<vmem>>
          %dma_start3A_923 = arith.constant 0 : i32
          %dma_start3A_924 = tpu.memref_slice %arg4[%while3A_646, %run_scoped3A_918, %add3A, %add3A_905, %dma_start3A_923] : memref<4x2x32x20x64xi32, #tpu.memory_space<hbm>> -> memref<1x1x1x1x64xi32, #tpu.memory_space<hbm>>
          %dma_start3A_925 = tpu.memref_squeeze %dma_start3A_924 : memref<1x1x1x1x64xi32, #tpu.memory_space<hbm>> -> memref<64xi32, #tpu.memory_space<hbm>>
          %dma_start3A_926 = arith.constant 0 : i32
          %dma_start3A_927 = tpu.memref_slice %arg4[%while3A_646, %run_scoped3A_918, %add3A, %add3A_905, %dma_start3A_926] : memref<4x2x32x20x64xi32, #tpu.memory_space<hbm>> -> memref<1x1x1x1x64xi32, #tpu.memory_space<hbm>>
          %dma_start3A_928 = tpu.memref_squeeze %dma_start3A_927 : memref<1x1x1x1x64xi32, #tpu.memory_space<hbm>> -> memref<64xi32, #tpu.memory_space<hbm>>
          %dma_start3A_929 = tpu.memref_slice %arg11[%mul3A_917] : memref<1344xi32, #tpu.memory_space<vmem>> -> memref<64xi32, #tpu.memory_space<vmem>>
          tpu.enqueue_dma source(%dma_start3A_929 : memref<64xi32, #tpu.memory_space<vmem>>) target(%dma_start3A_928 : memref<64xi32, #tpu.memory_space<hbm>>) target_semaphore(%run_scoped3A_922 : memref<!tpu.dma_semaphore, #tpu.memory_space<semaphore_mem>>)
          %dma_wait3A = tpu.memref_slice %arg11[%mul3A_917] : memref<1344xi32, #tpu.memory_space<vmem>> -> memref<64xi32, #tpu.memory_space<vmem>>
          %dma_wait3A_930 = arith.constant 0 : i32
          %dma_wait3A_931 = tpu.memref_slice %arg4[%while3A_646, %run_scoped3A_918, %add3A, %add3A_905, %dma_wait3A_930] : memref<4x2x32x20x64xi32, #tpu.memory_space<hbm>> -> memref<1x1x1x1x64xi32, #tpu.memory_space<hbm>>
          %dma_wait3A_932 = tpu.memref_squeeze %dma_wait3A_931 : memref<1x1x1x1x64xi32, #tpu.memory_space<hbm>> -> memref<64xi32, #tpu.memory_space<hbm>>
          %dma_wait3A_933 = arith.constant 0 : i32
          %dma_wait3A_934 = tpu.memref_slice %arg4[%while3A_646, %run_scoped3A_918, %add3A, %add3A_905, %dma_wait3A_933] : memref<4x2x32x20x64xi32, #tpu.memory_space<hbm>> -> memref<1x1x1x1x64xi32, #tpu.memory_space<hbm>>
          %dma_wait3A_935 = tpu.memref_squeeze %dma_wait3A_934 : memref<1x1x1x1x64xi32, #tpu.memory_space<hbm>> -> memref<64xi32, #tpu.memory_space<hbm>>
          %dma_wait3A_936 = tpu.memref_slice %arg11[%mul3A_917] : memref<1344xi32, #tpu.memory_space<vmem>> -> memref<64xi32, #tpu.memory_space<vmem>>
          tpu.wait_dma2 semaphore(%run_scoped3A_922 : memref<!tpu.dma_semaphore, #tpu.memory_space<semaphore_mem>>) src(%dma_wait3A_936 : memref<64xi32, #tpu.memory_space<vmem>>) dst(%dma_wait3A_935 : memref<64xi32, #tpu.memory_space<hbm>>)
          tpu.yield
        }) : () -> ()
        %mul3A_919 = arith.constant 64 : i32
        %mul3A_920 = arith.muli %add3A_905, %mul3A_919 : i32
        %run_scoped3A_921 = arith.constant 1 : i32
        "tpu.region"() ({
          %run_scoped3A_922 = tpu.sem_alloc : memref<!tpu.dma_semaphore, #tpu.memory_space<semaphore_mem>>
          %dma_start3A = tpu.memref_slice %arg12[%mul3A_920] : memref<1344xi32, #tpu.memory_space<vmem>> -> memref<64xi32, #tpu.memory_space<vmem>>
          %dma_start3A_923 = arith.constant 0 : i32
          %dma_start3A_924 = tpu.memref_slice %arg5[%while3A_646, %run_scoped3A_921, %add3A, %add3A_905, %dma_start3A_923] : memref<4x2x32x20x64xi32, #tpu.memory_space<hbm>> -> memref<1x1x1x1x64xi32, #tpu.memory_space<hbm>>
          %dma_start3A_925 = tpu.memref_squeeze %dma_start3A_924 : memref<1x1x1x1x64xi32, #tpu.memory_space<hbm>> -> memref<64xi32, #tpu.memory_space<hbm>>
          %dma_start3A_926 = arith.constant 0 : i32
          %dma_start3A_927 = tpu.memref_slice %arg5[%while3A_646, %run_scoped3A_921, %add3A, %add3A_905, %dma_start3A_926] : memref<4x2x32x20x64xi32, #tpu.memory_space<hbm>> -> memref<1x1x1x1x64xi32, #tpu.memory_space<hbm>>
          %dma_start3A_928 = tpu.memref_squeeze %dma_start3A_927 : memref<1x1x1x1x64xi32, #tpu.memory_space<hbm>> -> memref<64xi32, #tpu.memory_space<hbm>>
          %dma_start3A_929 = tpu.memref_slice %arg12[%mul3A_920] : memref<1344xi32, #tpu.memory_space<vmem>> -> memref<64xi32, #tpu.memory_space<vmem>>
          tpu.enqueue_dma source(%dma_start3A_929 : memref<64xi32, #tpu.memory_space<vmem>>) target(%dma_start3A_928 : memref<64xi32, #tpu.memory_space<hbm>>) target_semaphore(%run_scoped3A_922 : memref<!tpu.dma_semaphore, #tpu.memory_space<semaphore_mem>>)
          %dma_wait3A = tpu.memref_slice %arg12[%mul3A_920] : memref<1344xi32, #tpu.memory_space<vmem>> -> memref<64xi32, #tpu.memory_space<vmem>>
          %dma_wait3A_930 = arith.constant 0 : i32
          %dma_wait3A_931 = tpu.memref_slice %arg5[%while3A_646, %run_scoped3A_921, %add3A, %add3A_905, %dma_wait3A_930] : memref<4x2x32x20x64xi32, #tpu.memory_space<hbm>> -> memref<1x1x1x1x64xi32, #tpu.memory_space<hbm>>
          %dma_wait3A_932 = tpu.memref_squeeze %dma_wait3A_931 : memref<1x1x1x1x64xi32, #tpu.memory_space<hbm>> -> memref<64xi32, #tpu.memory_space<hbm>>
          %dma_wait3A_933 = arith.constant 0 : i32
          %dma_wait3A_934 = tpu.memref_slice %arg5[%while3A_646, %run_scoped3A_921, %add3A, %add3A_905, %dma_wait3A_933] : memref<4x2x32x20x64xi32, #tpu.memory_space<hbm>> -> memref<1x1x1x1x64xi32, #tpu.memory_space<hbm>>
          %dma_wait3A_935 = tpu.memref_squeeze %dma_wait3A_934 : memref<1x1x1x1x64xi32, #tpu.memory_space<hbm>> -> memref<64xi32, #tpu.memory_space<hbm>>
          %dma_wait3A_936 = tpu.memref_slice %arg12[%mul3A_920] : memref<1344xi32, #tpu.memory_space<vmem>> -> memref<64xi32, #tpu.memory_space<vmem>>
          tpu.wait_dma2 semaphore(%run_scoped3A_922 : memref<!tpu.dma_semaphore, #tpu.memory_space<semaphore_mem>>) src(%dma_wait3A_936 : memref<64xi32, #tpu.memory_space<vmem>>) dst(%dma_wait3A_935 : memref<64xi32, #tpu.memory_space<hbm>>)
          tpu.yield
        }) : () -> ()
      } else {
      }
    }
    %broadcast_in_dim3A_656 = arith.constant 0 : i32
    %broadcast_in_dim3A_657 = vector.broadcast %broadcast_in_dim3A_656 : i32 to vector<16xi32>
    %add3A_658 = vector.broadcast %mul3A_606 : i32 to vector<16xi32>
    %add3A_659 = arith.addi %broadcast_in_dim3A_657, %add3A_658 : vector<16xi32>
    %swap3A_660 = arith.constant 0 : i32
    %swap3A_661 = arith.index_cast %swap3A_660 : i32 to index
    %swap3A_662 = tpu.vector_load %arg13[%swap3A_661] {strides = array<i32>} : memref<16xi32, #tpu.memory_space<vmem>>, vector<16xi32>,
    tpu.vector_store %arg13[%swap3A_661], %add3A_659 {strides = array<i32>} : memref<16xi32, #tpu.memory_space<vmem>>, vector<16xi32>,
    %run_scoped3A_663 = arith.constant 2 : i32
    %run_scoped3A_664 = arith.constant 0 : i32
    "tpu.region"() ({
      %run_scoped3A_903 = tpu.sem_alloc : memref<!tpu.dma_semaphore, #tpu.memory_space<semaphore_mem>>
      %dma_start3A = arith.constant 0 : i32
      %dma_start3A_904 = tpu.memref_slice %arg6[%run_scoped3A_663, %run_scoped3A_664, %add3A, %dma_start3A] : memref<4x2x32x16xi32, #tpu.memory_space<hbm>> -> memref<1x1x1x16xi32, #tpu.memory_space<hbm>>
      %dma_start3A_905 = tpu.memref_squeeze %dma_start3A_904 : memref<1x1x1x16xi32, #tpu.memory_space<hbm>> -> memref<16xi32, #tpu.memory_space<hbm>>
      %dma_start3A_906 = arith.constant 0 : i32
      %dma_start3A_907 = tpu.memref_slice %arg6[%run_scoped3A_663, %run_scoped3A_664, %add3A, %dma_start3A_906] : memref<4x2x32x16xi32, #tpu.memory_space<hbm>> -> memref<1x1x1x16xi32, #tpu.memory_space<hbm>>
      %dma_start3A_908 = tpu.memref_squeeze %dma_start3A_907 : memref<1x1x1x16xi32, #tpu.memory_space<hbm>> -> memref<16xi32, #tpu.memory_space<hbm>>
      tpu.enqueue_dma source(%arg13 : memref<16xi32, #tpu.memory_space<vmem>>) target(%dma_start3A_908 : memref<16xi32, #tpu.memory_space<hbm>>) target_semaphore(%run_scoped3A_903 : memref<!tpu.dma_semaphore, #tpu.memory_space<semaphore_mem>>)
      %dma_wait3A = arith.constant 0 : i32
      %dma_wait3A_909 = tpu.memref_slice %arg6[%run_scoped3A_663, %run_scoped3A_664, %add3A, %dma_wait3A] : memref<4x2x32x16xi32, #tpu.memory_space<hbm>> -> memref<1x1x1x16xi32, #tpu.memory_space<hbm>>
      %dma_wait3A_910 = tpu.memref_squeeze %dma_wait3A_909 : memref<1x1x1x16xi32, #tpu.memory_space<hbm>> -> memref<16xi32, #tpu.memory_space<hbm>>
      %dma_wait3A_911 = arith.constant 0 : i32
      %dma_wait3A_912 = tpu.memref_slice %arg6[%run_scoped3A_663, %run_scoped3A_664, %add3A, %dma_wait3A_911] : memref<4x2x32x16xi32, #tpu.memory_space<hbm>> -> memref<1x1x1x16xi32, #tpu.memory_space<hbm>>
      %dma_wait3A_913 = tpu.memref_squeeze %dma_wait3A_912 : memref<1x1x1x16xi32, #tpu.memory_space<hbm>> -> memref<16xi32, #tpu.memory_space<hbm>>
      tpu.wait_dma2 semaphore(%run_scoped3A_903 : memref<!tpu.dma_semaphore, #tpu.memory_space<semaphore_mem>>) src(%arg13 : memref<16xi32, #tpu.memory_space<vmem>>) dst(%dma_wait3A_913 : memref<16xi32, #tpu.memory_space<hbm>>)
      tpu.yield
    }) : () -> ()
    %broadcast_in_dim3A_665 = arith.constant 0 : i32
    %broadcast_in_dim3A_666 = vector.broadcast %broadcast_in_dim3A_665 : i32 to vector<16xi32>
    %add3A_667 = vector.broadcast %mul3A_634 : i32 to vector<16xi32>
    %add3A_668 = arith.addi %broadcast_in_dim3A_666, %add3A_667 : vector<16xi32>
    %swap3A_669 = arith.constant 0 : i32
    %swap3A_670 = arith.index_cast %swap3A_669 : i32 to index
    %swap3A_671 = tpu.vector_load %arg13[%swap3A_670] {strides = array<i32>} : memref<16xi32, #tpu.memory_space<vmem>>, vector<16xi32>,
    tpu.vector_store %arg13[%swap3A_670], %add3A_668 {strides = array<i32>} : memref<16xi32, #tpu.memory_space<vmem>>, vector<16xi32>,
    %run_scoped3A_672 = arith.constant 2 : i32
    %run_scoped3A_673 = arith.constant 1 : i32
    "tpu.region"() ({
      %run_scoped3A_903 = tpu.sem_alloc : memref<!tpu.dma_semaphore, #tpu.memory_space<semaphore_mem>>
      %dma_start3A = arith.constant 0 : i32
      %dma_start3A_904 = tpu.memref_slice %arg6[%run_scoped3A_672, %run_scoped3A_673, %add3A, %dma_start3A] : memref<4x2x32x16xi32, #tpu.memory_space<hbm>> -> memref<1x1x1x16xi32, #tpu.memory_space<hbm>>
      %dma_start3A_905 = tpu.memref_squeeze %dma_start3A_904 : memref<1x1x1x16xi32, #tpu.memory_space<hbm>> -> memref<16xi32, #tpu.memory_space<hbm>>
      %dma_start3A_906 = arith.constant 0 : i32
      %dma_start3A_907 = tpu.memref_slice %arg6[%run_scoped3A_672, %run_scoped3A_673, %add3A, %dma_start3A_906] : memref<4x2x32x16xi32, #tpu.memory_space<hbm>> -> memref<1x1x1x16xi32, #tpu.memory_space<hbm>>
      %dma_start3A_908 = tpu.memref_squeeze %dma_start3A_907 : memref<1x1x1x16xi32, #tpu.memory_space<hbm>> -> memref<16xi32, #tpu.memory_space<hbm>>
      tpu.enqueue_dma source(%arg13 : memref<16xi32, #tpu.memory_space<vmem>>) target(%dma_start3A_908 : memref<16xi32, #tpu.memory_space<hbm>>) target_semaphore(%run_scoped3A_903 : memref<!tpu.dma_semaphore, #tpu.memory_space<semaphore_mem>>)
      %dma_wait3A = arith.constant 0 : i32
      %dma_wait3A_909 = tpu.memref_slice %arg6[%run_scoped3A_672, %run_scoped3A_673, %add3A, %dma_wait3A] : memref<4x2x32x16xi32, #tpu.memory_space<hbm>> -> memref<1x1x1x16xi32, #tpu.memory_space<hbm>>
      %dma_wait3A_910 = tpu.memref_squeeze %dma_wait3A_909 : memref<1x1x1x16xi32, #tpu.memory_space<hbm>> -> memref<16xi32, #tpu.memory_space<hbm>>
      %dma_wait3A_911 = arith.constant 0 : i32
      %dma_wait3A_912 = tpu.memref_slice %arg6[%run_scoped3A_672, %run_scoped3A_673, %add3A, %dma_wait3A_911] : memref<4x2x32x16xi32, #tpu.memory_space<hbm>> -> memref<1x1x1x16xi32, #tpu.memory_space<hbm>>
      %dma_wait3A_913 = tpu.memref_squeeze %dma_wait3A_912 : memref<1x1x1x16xi32, #tpu.memory_space<hbm>> -> memref<16xi32, #tpu.memory_space<hbm>>
      tpu.wait_dma2 semaphore(%run_scoped3A_903 : memref<!tpu.dma_semaphore, #tpu.memory_space<semaphore_mem>>) src(%arg13 : memref<16xi32, #tpu.memory_space<vmem>>) dst(%dma_wait3A_913 : memref<16xi32, #tpu.memory_space<hbm>>)
      tpu.yield
    }) : () -> ()
    %mul3A_674 = arith.constant 1280 : i32
    %mul3A_675 = arith.muli %add3A, %mul3A_674 : i32
    %run_scoped3A_676 = arith.constant 3 : i32
    "tpu.region"() ({
      %run_scoped3A_903 = tpu.sem_alloc : memref<!tpu.dma_semaphore, #tpu.memory_space<semaphore_mem>>
      %dma_start3A = tpu.memref_slice %arg2[%run_scoped3A_676, %mul3A_675] : memref<4x40960xi32, #tpu.memory_space<hbm>> -> memref<1x1280xi32, #tpu.memory_space<hbm>>
      %dma_start3A_904 = tpu.memref_squeeze %dma_start3A : memref<1x1280xi32, #tpu.memory_space<hbm>> -> memref<1280xi32, #tpu.memory_space<hbm>>
      %dma_start3A_905 = tpu.memref_slice %arg2[%run_scoped3A_676, %mul3A_675] : memref<4x40960xi32, #tpu.memory_space<hbm>> -> memref<1x1280xi32, #tpu.memory_space<hbm>>
      %dma_start3A_906 = tpu.memref_squeeze %dma_start3A_905 : memref<1x1280xi32, #tpu.memory_space<hbm>> -> memref<1280xi32, #tpu.memory_space<hbm>>
      tpu.enqueue_dma source(%dma_start3A_906 : memref<1280xi32, #tpu.memory_space<hbm>>) target(%arg7 : memref<1280xi32, #tpu.memory_space<vmem>>) target_semaphore(%run_scoped3A_903 : memref<!tpu.dma_semaphore, #tpu.memory_space<semaphore_mem>>)
      %dma_wait3A = tpu.memref_slice %arg2[%run_scoped3A_676, %mul3A_675] : memref<4x40960xi32, #tpu.memory_space<hbm>> -> memref<1x1280xi32, #tpu.memory_space<hbm>>
      %dma_wait3A_907 = tpu.memref_squeeze %dma_wait3A : memref<1x1280xi32, #tpu.memory_space<hbm>> -> memref<1280xi32, #tpu.memory_space<hbm>>
      %dma_wait3A_908 = tpu.memref_slice %arg2[%run_scoped3A_676, %mul3A_675] : memref<4x40960xi32, #tpu.memory_space<hbm>> -> memref<1x1280xi32, #tpu.memory_space<hbm>>
      %dma_wait3A_909 = tpu.memref_squeeze %dma_wait3A_908 : memref<1x1280xi32, #tpu.memory_space<hbm>> -> memref<1280xi32, #tpu.memory_space<hbm>>
      tpu.wait_dma2 semaphore(%run_scoped3A_903 : memref<!tpu.dma_semaphore, #tpu.memory_space<semaphore_mem>>) src(%dma_wait3A_909 : memref<1280xi32, #tpu.memory_space<hbm>>) dst(%arg7 : memref<1280xi32, #tpu.memory_space<vmem>>)
      tpu.yield
    }) : () -> ()
    %run_scoped3A_677 = arith.constant 3 : i32
    "tpu.region"() ({
      %run_scoped3A_903 = tpu.sem_alloc : memref<!tpu.dma_semaphore, #tpu.memory_space<semaphore_mem>>
      %dma_start3A = tpu.memref_slice %arg3[%run_scoped3A_677, %mul3A_675] : memref<4x40960xi32, #tpu.memory_space<hbm>> -> memref<1x1280xi32, #tpu.memory_space<hbm>>
      %dma_start3A_904 = tpu.memref_squeeze %dma_start3A : memref<1x1280xi32, #tpu.memory_space<hbm>> -> memref<1280xi32, #tpu.memory_space<hbm>>
      %dma_start3A_905 = tpu.memref_slice %arg3[%run_scoped3A_677, %mul3A_675] : memref<4x40960xi32, #tpu.memory_space<hbm>> -> memref<1x1280xi32, #tpu.memory_space<hbm>>
      %dma_start3A_906 = tpu.memref_squeeze %dma_start3A_905 : memref<1x1280xi32, #tpu.memory_space<hbm>> -> memref<1280xi32, #tpu.memory_space<hbm>>
      tpu.enqueue_dma source(%dma_start3A_906 : memref<1280xi32, #tpu.memory_space<hbm>>) target(%arg8 : memref<1280xi32, #tpu.memory_space<vmem>>) target_semaphore(%run_scoped3A_903 : memref<!tpu.dma_semaphore, #tpu.memory_space<semaphore_mem>>)
      %dma_wait3A = tpu.memref_slice %arg3[%run_scoped3A_677, %mul3A_675] : memref<4x40960xi32, #tpu.memory_space<hbm>> -> memref<1x1280xi32, #tpu.memory_space<hbm>>
      %dma_wait3A_907 = tpu.memref_squeeze %dma_wait3A : memref<1x1280xi32, #tpu.memory_space<hbm>> -> memref<1280xi32, #tpu.memory_space<hbm>>
      %dma_wait3A_908 = tpu.memref_slice %arg3[%run_scoped3A_677, %mul3A_675] : memref<4x40960xi32, #tpu.memory_space<hbm>> -> memref<1x1280xi32, #tpu.memory_space<hbm>>
      %dma_wait3A_909 = tpu.memref_squeeze %dma_wait3A_908 : memref<1x1280xi32, #tpu.memory_space<hbm>> -> memref<1280xi32, #tpu.memory_space<hbm>>
      tpu.wait_dma2 semaphore(%run_scoped3A_903 : memref<!tpu.dma_semaphore, #tpu.memory_space<semaphore_mem>>) src(%dma_wait3A_909 : memref<1280xi32, #tpu.memory_space<hbm>>) dst(%arg8 : memref<1280xi32, #tpu.memory_space<vmem>>)
      tpu.yield
    }) : () -> ()
    %sub3A_678 = arith.constant 80 : i32
    %sub3A_679 = arith.constant 0 : i32
    %sub3A_680 = arith.subi %sub3A_678, %sub3A_679 : i32
    %sub3A_681 = arith.constant 1 : i32
    %sub3A_682 = arith.constant 1 : i32
    %sub3A_683 = arith.subi %sub3A_681, %sub3A_682 : i32
    %add3A_684 = arith.addi %sub3A_680, %sub3A_683 : i32
    %div3A_685 = arith.constant 1 : i32
    %div3A_686 = arith.divsi %add3A_684, %div3A_685 : i32
    %while3A_687 = arith.constant 1 : i32
    %while3A_688 = arith.constant 0 : i32
    %while3A_689 = arith.constant 0 : i32
    %while3A_690 = arith.constant 0 : i32
    %while3A_691 = arith.constant 0 : i32
    %while3A_692 = arith.subi %div3A_686, %while3A_689 : i32
    %while3A_693 = arith.addi %while3A_689, %while3A_692 : i32
    %while3A_694 = arith.constant 1 : i32
    %while3A_695 = arith.divsi %while3A_692, %while3A_694 : i32
    %while3A_696 = arith.muli %while3A_695, %while3A_694 : i32
    %while3A_697 = arith.addi %while3A_689, %while3A_696 : i32
    %while3A_698 = arith.constant 1 : i32
    %while3A_699:2 = scf.for %while3A_903 = %while3A_689 to %while3A_697 step %while3A_698 iter_args(%while3A_904 = %while3A_690, %while3A_905 = %while3A_691) -> (i32, i32)  : i32 {
      %mul3A_906 = arith.muli %while3A_903, %while3A_687 : i32
      %add3A_907 = arith.addi %while3A_688, %mul3A_906 : i32
      %mul3A_908 = arith.constant 16 : i32
      %mul3A_909 = arith.muli %add3A_907, %mul3A_908 : i32
      %get3A = arith.index_cast %mul3A_909 : i32 to index
      %get3A_910 = tpu.vector_load %arg7[%get3A] {strides = array<i32>} : memref<1280xi32, #tpu.memory_space<vmem>>, vector<16xi32>,
      %mul3A_911 = arith.constant 16 : i32
      %mul3A_912 = arith.muli %add3A_907, %mul3A_911 : i32
      %get3A_913 = arith.index_cast %mul3A_912 : i32 to index
      %get3A_914 = tpu.vector_load %arg8[%get3A_913] {strides = array<i32>} : memref<1280xi32, #tpu.memory_space<vmem>>, vector<16xi32>,
      %lt3A_915 = arith.constant 5000 : i32
      %lt3A_916 = vector.broadcast %lt3A_915 : i32 to vector<16xi32>
      %lt3A_917 = arith.cmpi slt, %get3A_914, %lt3A_916 : vector<16xi32>
      %ge3A = arith.constant 5000 : i32
      %ge3A_918 = vector.broadcast %ge3A : i32 to vector<16xi32>
      %ge3A_919 = arith.cmpi sge, %get3A_914, %ge3A_918 : vector<16xi32>
      %lt3A_920 = arith.constant 10000 : i32
      %lt3A_921 = vector.broadcast %lt3A_920 : i32 to vector<16xi32>
      %lt3A_922 = arith.cmpi slt, %get3A_914, %lt3A_921 : vector<16xi32>
      %and3A_923 = arith.andi %ge3A_919, %lt3A_922 : vector<16xi1>
      %jit3A_924 = arith.constant 1 : i32
      %jit3A_925 = arith.constant 0 : i32
      %broadcast_in_dim3A_926 = vector.broadcast %jit3A_924 : i32 to vector<16xi32>
      %broadcast_in_dim3A_927 = vector.broadcast %jit3A_925 : i32 to vector<16xi32>
      %select_n3A_928 = arith.select %lt3A_917, %broadcast_in_dim3A_926, %broadcast_in_dim3A_927 : vector<16xi1>, vector<16xi32>
      %broadcast_in_dim3A_929 = arith.constant true
      %broadcast_in_dim3A_930 = vector.broadcast %broadcast_in_dim3A_929 : i1 to vector<16xi1>
      %masked_cumsum3A = tpu.scan <sum>, %select_n3A_928 masked %broadcast_in_dim3A_930 : vector<16xi32>, vector<16xi1> -> vector<16xi32>
      %jit3A_931 = arith.constant 1 : i32
      %jit3A_932 = arith.constant 0 : i32
      %broadcast_in_dim3A_933 = vector.broadcast %jit3A_931 : i32 to vector<16xi32>
      %broadcast_in_dim3A_934 = vector.broadcast %jit3A_932 : i32 to vector<16xi32>
      %select_n3A_935 = arith.select %and3A_923, %broadcast_in_dim3A_933, %broadcast_in_dim3A_934 : vector<16xi1>, vector<16xi32>
      %broadcast_in_dim3A_936 = arith.constant true
      %broadcast_in_dim3A_937 = vector.broadcast %broadcast_in_dim3A_936 : i1 to vector<16xi1>
      %masked_cumsum3A_938 = tpu.scan <sum>, %select_n3A_935 masked %broadcast_in_dim3A_937 : vector<16xi32>, vector<16xi1> -> vector<16xi32>
      %add3A_939 = vector.broadcast %while3A_904 : i32 to vector<16xi32>
      %add3A_940 = arith.addi %add3A_939, %masked_cumsum3A : vector<16xi32>
      %sub3A_941 = arith.constant 1 : i32
      %sub3A_942 = vector.broadcast %sub3A_941 : i32 to vector<16xi32>
      %sub3A_943 = arith.subi %add3A_940, %sub3A_942 : vector<16xi32>
      %max3A = arith.constant 0 : i32
      %max3A_944 = vector.broadcast %max3A : i32 to vector<16xi32>
      %max3A_945 = arith.maxsi %sub3A_943, %max3A_944 : vector<16xi32>
      %add3A_946 = vector.broadcast %while3A_905 : i32 to vector<16xi32>
      %add3A_947 = arith.addi %add3A_946, %masked_cumsum3A_938 : vector<16xi32>
      %sub3A_948 = arith.constant 1 : i32
      %sub3A_949 = vector.broadcast %sub3A_948 : i32 to vector<16xi32>
      %sub3A_950 = arith.subi %add3A_947, %sub3A_949 : vector<16xi32>
      %max3A_951 = arith.constant 0 : i32
      %max3A_952 = vector.broadcast %max3A_951 : i32 to vector<16xi32>
      %max3A_953 = arith.maxsi %sub3A_950, %max3A_952 : vector<16xi32>
      tpu.vector_store_idx %arg9[%max3A_945], %get3A_910 masked %lt3A_917 : memref<1344xi32, #tpu.memory_space<vmem>>[vector<16xi32>], vector<16xi32>, vector<16xi1>
      tpu.vector_store_idx %arg10[%max3A_945], %get3A_914 masked %lt3A_917 : memref<1344xi32, #tpu.memory_space<vmem>>[vector<16xi32>], vector<16xi32>, vector<16xi1>
      tpu.vector_store_idx %arg11[%max3A_953], %get3A_910 masked %and3A_923 : memref<1344xi32, #tpu.memory_space<vmem>>[vector<16xi32>], vector<16xi32>, vector<16xi1>
      %sub3A_954 = arith.constant 5000 : i32
      %sub3A_955 = vector.broadcast %sub3A_954 : i32 to vector<16xi32>
      %sub3A_956 = arith.subi %get3A_914, %sub3A_955 : vector<16xi32>
      tpu.vector_store_idx %arg12[%max3A_953], %sub3A_956 masked %and3A_923 : memref<1344xi32, #tpu.memory_space<vmem>>[vector<16xi32>], vector<16xi32>, vector<16xi1>
      %reduce_max3A = arith.constant true
      %reduce_max3A_957 = vector.broadcast %reduce_max3A : i1 to vector<16xi1>
      %reduce_max3A_958 = arith.constant -2147483648 : i32
      %reduce_max3A_959 = vector.broadcast %reduce_max3A_958 : i32 to vector<16xi32>
      %reduce_max3A_960 = arith.xori %masked_cumsum3A, %reduce_max3A_959 : vector<16xi32>
      %reduce_max3A_961 = tpu.scan <max>, %reduce_max3A_960 masked %reduce_max3A_957 : vector<16xi32>, vector<16xi1> -> vector<16xi32>
      %reduce_max3A_962 = arith.xori %reduce_max3A_961, %reduce_max3A_959 : vector<16xi32>
      %reduce_max3A_963 = vector.extract %reduce_max3A_962[15] : i32 from vector<16xi32>
      %reduce_max3A_964 = arith.constant true
      %reduce_max3A_965 = vector.broadcast %reduce_max3A_964 : i1 to vector<16xi1>
      %reduce_max3A_966 = arith.constant -2147483648 : i32
      %reduce_max3A_967 = vector.broadcast %reduce_max3A_966 : i32 to vector<16xi32>
      %reduce_max3A_968 = arith.xori %masked_cumsum3A_938, %reduce_max3A_967 : vector<16xi32>
      %reduce_max3A_969 = tpu.scan <max>, %reduce_max3A_968 masked %reduce_max3A_965 : vector<16xi32>, vector<16xi1> -> vector<16xi32>
      %reduce_max3A_970 = arith.xori %reduce_max3A_969, %reduce_max3A_967 : vector<16xi32>
      %reduce_max3A_971 = vector.extract %reduce_max3A_970[15] : i32 from vector<16xi32>
      %add3A_972 = arith.addi %while3A_904, %reduce_max3A_963 : i32
      %add3A_973 = arith.addi %while3A_905, %reduce_max3A_971 : i32
      scf.yield %add3A_972, %add3A_973 : i32, i32
    }
    %while3A_700 = arith.constant 1 : i32
    %while3A_701:2 = scf.for %while3A_903 = %while3A_697 to %while3A_693 step %while3A_700 iter_args(%while3A_904 = %while3A_699#0, %while3A_905 = %while3A_699#1) -> (i32, i32)  : i32 {
      %mul3A_906 = arith.muli %while3A_903, %while3A_687 : i32
      %add3A_907 = arith.addi %while3A_688, %mul3A_906 : i32
      %mul3A_908 = arith.constant 16 : i32
      %mul3A_909 = arith.muli %add3A_907, %mul3A_908 : i32
      %get3A = arith.index_cast %mul3A_909 : i32 to index
      %get3A_910 = tpu.vector_load %arg7[%get3A] {strides = array<i32>} : memref<1280xi32, #tpu.memory_space<vmem>>, vector<16xi32>,
      %mul3A_911 = arith.constant 16 : i32
      %mul3A_912 = arith.muli %add3A_907, %mul3A_911 : i32
      %get3A_913 = arith.index_cast %mul3A_912 : i32 to index
      %get3A_914 = tpu.vector_load %arg8[%get3A_913] {strides = array<i32>} : memref<1280xi32, #tpu.memory_space<vmem>>, vector<16xi32>,
      %lt3A_915 = arith.constant 5000 : i32
      %lt3A_916 = vector.broadcast %lt3A_915 : i32 to vector<16xi32>
      %lt3A_917 = arith.cmpi slt, %get3A_914, %lt3A_916 : vector<16xi32>
      %ge3A = arith.constant 5000 : i32
      %ge3A_918 = vector.broadcast %ge3A : i32 to vector<16xi32>
      %ge3A_919 = arith.cmpi sge, %get3A_914, %ge3A_918 : vector<16xi32>
      %lt3A_920 = arith.constant 10000 : i32
      %lt3A_921 = vector.broadcast %lt3A_920 : i32 to vector<16xi32>
      %lt3A_922 = arith.cmpi slt, %get3A_914, %lt3A_921 : vector<16xi32>
      %and3A_923 = arith.andi %ge3A_919, %lt3A_922 : vector<16xi1>
      %jit3A_924 = arith.constant 1 : i32
      %jit3A_925 = arith.constant 0 : i32
      %broadcast_in_dim3A_926 = vector.broadcast %jit3A_924 : i32 to vector<16xi32>
      %broadcast_in_dim3A_927 = vector.broadcast %jit3A_925 : i32 to vector<16xi32>
      %select_n3A_928 = arith.select %lt3A_917, %broadcast_in_dim3A_926, %broadcast_in_dim3A_927 : vector<16xi1>, vector<16xi32>
      %broadcast_in_dim3A_929 = arith.constant true
      %broadcast_in_dim3A_930 = vector.broadcast %broadcast_in_dim3A_929 : i1 to vector<16xi1>
      %masked_cumsum3A = tpu.scan <sum>, %select_n3A_928 masked %broadcast_in_dim3A_930 : vector<16xi32>, vector<16xi1> -> vector<16xi32>
      %jit3A_931 = arith.constant 1 : i32
      %jit3A_932 = arith.constant 0 : i32
      %broadcast_in_dim3A_933 = vector.broadcast %jit3A_931 : i32 to vector<16xi32>
      %broadcast_in_dim3A_934 = vector.broadcast %jit3A_932 : i32 to vector<16xi32>
      %select_n3A_935 = arith.select %and3A_923, %broadcast_in_dim3A_933, %broadcast_in_dim3A_934 : vector<16xi1>, vector<16xi32>
      %broadcast_in_dim3A_936 = arith.constant true
      %broadcast_in_dim3A_937 = vector.broadcast %broadcast_in_dim3A_936 : i1 to vector<16xi1>
      %masked_cumsum3A_938 = tpu.scan <sum>, %select_n3A_935 masked %broadcast_in_dim3A_937 : vector<16xi32>, vector<16xi1> -> vector<16xi32>
      %add3A_939 = vector.broadcast %while3A_904 : i32 to vector<16xi32>
      %add3A_940 = arith.addi %add3A_939, %masked_cumsum3A : vector<16xi32>
      %sub3A_941 = arith.constant 1 : i32
      %sub3A_942 = vector.broadcast %sub3A_941 : i32 to vector<16xi32>
      %sub3A_943 = arith.subi %add3A_940, %sub3A_942 : vector<16xi32>
      %max3A = arith.constant 0 : i32
      %max3A_944 = vector.broadcast %max3A : i32 to vector<16xi32>
      %max3A_945 = arith.maxsi %sub3A_943, %max3A_944 : vector<16xi32>
      %add3A_946 = vector.broadcast %while3A_905 : i32 to vector<16xi32>
      %add3A_947 = arith.addi %add3A_946, %masked_cumsum3A_938 : vector<16xi32>
      %sub3A_948 = arith.constant 1 : i32
      %sub3A_949 = vector.broadcast %sub3A_948 : i32 to vector<16xi32>
      %sub3A_950 = arith.subi %add3A_947, %sub3A_949 : vector<16xi32>
      %max3A_951 = arith.constant 0 : i32
      %max3A_952 = vector.broadcast %max3A_951 : i32 to vector<16xi32>
      %max3A_953 = arith.maxsi %sub3A_950, %max3A_952 : vector<16xi32>
      tpu.vector_store_idx %arg9[%max3A_945], %get3A_910 masked %lt3A_917 : memref<1344xi32, #tpu.memory_space<vmem>>[vector<16xi32>], vector<16xi32>, vector<16xi1>
      tpu.vector_store_idx %arg10[%max3A_945], %get3A_914 masked %lt3A_917 : memref<1344xi32, #tpu.memory_space<vmem>>[vector<16xi32>], vector<16xi32>, vector<16xi1>
      tpu.vector_store_idx %arg11[%max3A_953], %get3A_910 masked %and3A_923 : memref<1344xi32, #tpu.memory_space<vmem>>[vector<16xi32>], vector<16xi32>, vector<16xi1>
      %sub3A_954 = arith.constant 5000 : i32
      %sub3A_955 = vector.broadcast %sub3A_954 : i32 to vector<16xi32>
      %sub3A_956 = arith.subi %get3A_914, %sub3A_955 : vector<16xi32>
      tpu.vector_store_idx %arg12[%max3A_953], %sub3A_956 masked %and3A_923 : memref<1344xi32, #tpu.memory_space<vmem>>[vector<16xi32>], vector<16xi32>, vector<16xi1>
      %reduce_max3A = arith.constant true
      %reduce_max3A_957 = vector.broadcast %reduce_max3A : i1 to vector<16xi1>
      %reduce_max3A_958 = arith.constant -2147483648 : i32
      %reduce_max3A_959 = vector.broadcast %reduce_max3A_958 : i32 to vector<16xi32>
      %reduce_max3A_960 = arith.xori %masked_cumsum3A, %reduce_max3A_959 : vector<16xi32>
      %reduce_max3A_961 = tpu.scan <max>, %reduce_max3A_960 masked %reduce_max3A_957 : vector<16xi32>, vector<16xi1> -> vector<16xi32>
      %reduce_max3A_962 = arith.xori %reduce_max3A_961, %reduce_max3A_959 : vector<16xi32>
      %reduce_max3A_963 = vector.extract %reduce_max3A_962[15] : i32 from vector<16xi32>
      %reduce_max3A_964 = arith.constant true
      %reduce_max3A_965 = vector.broadcast %reduce_max3A_964 : i1 to vector<16xi1>
      %reduce_max3A_966 = arith.constant -2147483648 : i32
      %reduce_max3A_967 = vector.broadcast %reduce_max3A_966 : i32 to vector<16xi32>
      %reduce_max3A_968 = arith.xori %masked_cumsum3A_938, %reduce_max3A_967 : vector<16xi32>
      %reduce_max3A_969 = tpu.scan <max>, %reduce_max3A_968 masked %reduce_max3A_965 : vector<16xi32>, vector<16xi1> -> vector<16xi32>
      %reduce_max3A_970 = arith.xori %reduce_max3A_969, %reduce_max3A_967 : vector<16xi32>
      %reduce_max3A_971 = vector.extract %reduce_max3A_970[15] : i32 from vector<16xi32>
      %add3A_972 = arith.addi %while3A_904, %reduce_max3A_963 : i32
      %add3A_973 = arith.addi %while3A_905, %reduce_max3A_971 : i32
      scf.yield %add3A_972, %add3A_973 : i32, i32
    }
    %jit3A_702 = arith.constant 16 : i32
    %eq3A_703 = arith.constant 0 : i32
    %eq3A_704 = arith.cmpi eq, %jit3A_702, %eq3A_703 : i32
    %jit3A_705 = arith.constant 1 : i32
    %select_n3A_706 = arith.select %eq3A_704, %jit3A_705, %jit3A_702 : i32
    %rem3A_707 = arith.remsi %add3A, %select_n3A_706 : i32
    %ne3A_708 = arith.constant 0 : i32
    %ne3A_709 = arith.cmpi ne, %rem3A_707, %ne3A_708 : i32
    %lt3A_710 = arith.constant 0 : i32
    %lt3A_711 = arith.cmpi slt, %rem3A_707, %lt3A_710 : i32
    %lt3A_712 = arith.constant 0 : i32
    %lt3A_713 = arith.cmpi slt, %select_n3A_706, %lt3A_712 : i32
    %ne3A_714 = arith.xori %lt3A_711, %lt3A_713 : i1
    %and3A_715 = arith.andi %ne3A_714, %ne3A_709 : i1
    %add3A_716 = arith.addi %rem3A_707, %select_n3A_706 : i32
    %select_n3A_717 = arith.select %and3A_715, %add3A_716, %rem3A_707 : i32
    %add3A_718 = arith.constant 5000 : i32
    %add3A_719 = arith.addi %add3A_718, %select_n3A_717 : i32
    %broadcast_in_dim3A_720 = arith.constant 0 : i32
    %broadcast_in_dim3A_721 = vector.broadcast %broadcast_in_dim3A_720 : i32 to vector<16xi32>
    %broadcast_in_dim3A_722 = arith.constant 0 : i32
    %broadcast_in_dim3A_723 = vector.broadcast %broadcast_in_dim3A_722 : i32 to vector<16xi32>
    %add3A_724 = vector.broadcast %add3A_719 : i32 to vector<16xi32>
    %add3A_725 = arith.addi %broadcast_in_dim3A_723, %add3A_724 : vector<16xi32>
    %add3A_726 = arith.constant 0 : i32
    %add3A_727 = arith.addi %while3A_701#0, %add3A_726 : i32
    %swap3A_728 = arith.index_cast %add3A_727 : i32 to index
    %swap3A_729 = tpu.vector_load %arg9[%swap3A_728] {strides = array<i32>} : memref<1344xi32, #tpu.memory_space<vmem>>, vector<16xi32>,
    tpu.vector_store %arg9[%swap3A_728], %broadcast_in_dim3A_721 {strides = array<i32>} : memref<1344xi32, #tpu.memory_space<vmem>>, vector<16xi32>,
    %add3A_730 = arith.constant 0 : i32
    %add3A_731 = arith.addi %while3A_701#0, %add3A_730 : i32
    %swap3A_732 = arith.index_cast %add3A_731 : i32 to index
    %swap3A_733 = tpu.vector_load %arg10[%swap3A_732] {strides = array<i32>} : memref<1344xi32, #tpu.memory_space<vmem>>, vector<16xi32>,
    tpu.vector_store %arg10[%swap3A_732], %add3A_725 {strides = array<i32>} : memref<1344xi32, #tpu.memory_space<vmem>>, vector<16xi32>,
    %add3A_734 = arith.constant 0 : i32
    %add3A_735 = arith.addi %while3A_701#1, %add3A_734 : i32
    %swap3A_736 = arith.index_cast %add3A_735 : i32 to index
    %swap3A_737 = tpu.vector_load %arg11[%swap3A_736] {strides = array<i32>} : memref<1344xi32, #tpu.memory_space<vmem>>, vector<16xi32>,
    tpu.vector_store %arg11[%swap3A_736], %broadcast_in_dim3A_721 {strides = array<i32>} : memref<1344xi32, #tpu.memory_space<vmem>>, vector<16xi32>,
    %add3A_738 = arith.constant 0 : i32
    %add3A_739 = arith.addi %while3A_701#1, %add3A_738 : i32
    %swap3A_740 = arith.index_cast %add3A_739 : i32 to index
    %swap3A_741 = tpu.vector_load %arg12[%swap3A_740] {strides = array<i32>} : memref<1344xi32, #tpu.memory_space<vmem>>, vector<16xi32>,
    tpu.vector_store %arg12[%swap3A_740], %add3A_725 {strides = array<i32>} : memref<1344xi32, #tpu.memory_space<vmem>>, vector<16xi32>,
    %broadcast_in_dim3A_742 = arith.constant 0 : i32
    %broadcast_in_dim3A_743 = vector.broadcast %broadcast_in_dim3A_742 : i32 to vector<16xi32>
    %broadcast_in_dim3A_744 = arith.constant 0 : i32
    %broadcast_in_dim3A_745 = vector.broadcast %broadcast_in_dim3A_744 : i32 to vector<16xi32>
    %add3A_746 = vector.broadcast %add3A_719 : i32 to vector<16xi32>
    %add3A_747 = arith.addi %broadcast_in_dim3A_745, %add3A_746 : vector<16xi32>
    %add3A_748 = arith.constant 16 : i32
    %add3A_749 = arith.addi %while3A_701#0, %add3A_748 : i32
    %swap3A_750 = arith.index_cast %add3A_749 : i32 to index
    %swap3A_751 = tpu.vector_load %arg9[%swap3A_750] {strides = array<i32>} : memref<1344xi32, #tpu.memory_space<vmem>>, vector<16xi32>,
    tpu.vector_store %arg9[%swap3A_750], %broadcast_in_dim3A_743 {strides = array<i32>} : memref<1344xi32, #tpu.memory_space<vmem>>, vector<16xi32>,
    %add3A_752 = arith.constant 16 : i32
    %add3A_753 = arith.addi %while3A_701#0, %add3A_752 : i32
    %swap3A_754 = arith.index_cast %add3A_753 : i32 to index
    %swap3A_755 = tpu.vector_load %arg10[%swap3A_754] {strides = array<i32>} : memref<1344xi32, #tpu.memory_space<vmem>>, vector<16xi32>,
    tpu.vector_store %arg10[%swap3A_754], %add3A_747 {strides = array<i32>} : memref<1344xi32, #tpu.memory_space<vmem>>, vector<16xi32>,
    %add3A_756 = arith.constant 16 : i32
    %add3A_757 = arith.addi %while3A_701#1, %add3A_756 : i32
    %swap3A_758 = arith.index_cast %add3A_757 : i32 to index
    %swap3A_759 = tpu.vector_load %arg11[%swap3A_758] {strides = array<i32>} : memref<1344xi32, #tpu.memory_space<vmem>>, vector<16xi32>,
    tpu.vector_store %arg11[%swap3A_758], %broadcast_in_dim3A_743 {strides = array<i32>} : memref<1344xi32, #tpu.memory_space<vmem>>, vector<16xi32>,
    %add3A_760 = arith.constant 16 : i32
    %add3A_761 = arith.addi %while3A_701#1, %add3A_760 : i32
    %swap3A_762 = arith.index_cast %add3A_761 : i32 to index
    %swap3A_763 = tpu.vector_load %arg12[%swap3A_762] {strides = array<i32>} : memref<1344xi32, #tpu.memory_space<vmem>>, vector<16xi32>,
    tpu.vector_store %arg12[%swap3A_762], %add3A_747 {strides = array<i32>} : memref<1344xi32, #tpu.memory_space<vmem>>, vector<16xi32>,
    %broadcast_in_dim3A_764 = arith.constant 0 : i32
    %broadcast_in_dim3A_765 = vector.broadcast %broadcast_in_dim3A_764 : i32 to vector<16xi32>
    %broadcast_in_dim3A_766 = arith.constant 0 : i32
    %broadcast_in_dim3A_767 = vector.broadcast %broadcast_in_dim3A_766 : i32 to vector<16xi32>
    %add3A_768 = vector.broadcast %add3A_719 : i32 to vector<16xi32>
    %add3A_769 = arith.addi %broadcast_in_dim3A_767, %add3A_768 : vector<16xi32>
    %add3A_770 = arith.constant 32 : i32
    %add3A_771 = arith.addi %while3A_701#0, %add3A_770 : i32
    %swap3A_772 = arith.index_cast %add3A_771 : i32 to index
    %swap3A_773 = tpu.vector_load %arg9[%swap3A_772] {strides = array<i32>} : memref<1344xi32, #tpu.memory_space<vmem>>, vector<16xi32>,
    tpu.vector_store %arg9[%swap3A_772], %broadcast_in_dim3A_765 {strides = array<i32>} : memref<1344xi32, #tpu.memory_space<vmem>>, vector<16xi32>,
    %add3A_774 = arith.constant 32 : i32
    %add3A_775 = arith.addi %while3A_701#0, %add3A_774 : i32
    %swap3A_776 = arith.index_cast %add3A_775 : i32 to index
    %swap3A_777 = tpu.vector_load %arg10[%swap3A_776] {strides = array<i32>} : memref<1344xi32, #tpu.memory_space<vmem>>, vector<16xi32>,
    tpu.vector_store %arg10[%swap3A_776], %add3A_769 {strides = array<i32>} : memref<1344xi32, #tpu.memory_space<vmem>>, vector<16xi32>,
    %add3A_778 = arith.constant 32 : i32
    %add3A_779 = arith.addi %while3A_701#1, %add3A_778 : i32
    %swap3A_780 = arith.index_cast %add3A_779 : i32 to index
    %swap3A_781 = tpu.vector_load %arg11[%swap3A_780] {strides = array<i32>} : memref<1344xi32, #tpu.memory_space<vmem>>, vector<16xi32>,
    tpu.vector_store %arg11[%swap3A_780], %broadcast_in_dim3A_765 {strides = array<i32>} : memref<1344xi32, #tpu.memory_space<vmem>>, vector<16xi32>,
    %add3A_782 = arith.constant 32 : i32
    %add3A_783 = arith.addi %while3A_701#1, %add3A_782 : i32
    %swap3A_784 = arith.index_cast %add3A_783 : i32 to index
    %swap3A_785 = tpu.vector_load %arg12[%swap3A_784] {strides = array<i32>} : memref<1344xi32, #tpu.memory_space<vmem>>, vector<16xi32>,
    tpu.vector_store %arg12[%swap3A_784], %add3A_769 {strides = array<i32>} : memref<1344xi32, #tpu.memory_space<vmem>>, vector<16xi32>,
    %broadcast_in_dim3A_786 = arith.constant 0 : i32
    %broadcast_in_dim3A_787 = vector.broadcast %broadcast_in_dim3A_786 : i32 to vector<16xi32>
    %broadcast_in_dim3A_788 = arith.constant 0 : i32
    %broadcast_in_dim3A_789 = vector.broadcast %broadcast_in_dim3A_788 : i32 to vector<16xi32>
    %add3A_790 = vector.broadcast %add3A_719 : i32 to vector<16xi32>
    %add3A_791 = arith.addi %broadcast_in_dim3A_789, %add3A_790 : vector<16xi32>
    %add3A_792 = arith.constant 48 : i32
    %add3A_793 = arith.addi %while3A_701#0, %add3A_792 : i32
    %swap3A_794 = arith.index_cast %add3A_793 : i32 to index
    %swap3A_795 = tpu.vector_load %arg9[%swap3A_794] {strides = array<i32>} : memref<1344xi32, #tpu.memory_space<vmem>>, vector<16xi32>,
    tpu.vector_store %arg9[%swap3A_794], %broadcast_in_dim3A_787 {strides = array<i32>} : memref<1344xi32, #tpu.memory_space<vmem>>, vector<16xi32>,
    %add3A_796 = arith.constant 48 : i32
    %add3A_797 = arith.addi %while3A_701#0, %add3A_796 : i32
    %swap3A_798 = arith.index_cast %add3A_797 : i32 to index
    %swap3A_799 = tpu.vector_load %arg10[%swap3A_798] {strides = array<i32>} : memref<1344xi32, #tpu.memory_space<vmem>>, vector<16xi32>,
    tpu.vector_store %arg10[%swap3A_798], %add3A_791 {strides = array<i32>} : memref<1344xi32, #tpu.memory_space<vmem>>, vector<16xi32>,
    %add3A_800 = arith.constant 48 : i32
    %add3A_801 = arith.addi %while3A_701#1, %add3A_800 : i32
    %swap3A_802 = arith.index_cast %add3A_801 : i32 to index
    %swap3A_803 = tpu.vector_load %arg11[%swap3A_802] {strides = array<i32>} : memref<1344xi32, #tpu.memory_space<vmem>>, vector<16xi32>,
    tpu.vector_store %arg11[%swap3A_802], %broadcast_in_dim3A_787 {strides = array<i32>} : memref<1344xi32, #tpu.memory_space<vmem>>, vector<16xi32>,
    %add3A_804 = arith.constant 48 : i32
    %add3A_805 = arith.addi %while3A_701#1, %add3A_804 : i32
    %swap3A_806 = arith.index_cast %add3A_805 : i32 to index
    %swap3A_807 = tpu.vector_load %arg12[%swap3A_806] {strides = array<i32>} : memref<1344xi32, #tpu.memory_space<vmem>>, vector<16xi32>,
    tpu.vector_store %arg12[%swap3A_806], %add3A_791 {strides = array<i32>} : memref<1344xi32, #tpu.memory_space<vmem>>, vector<16xi32>,
    %add3A_808 = arith.constant 63 : i32
    %add3A_809 = arith.addi %while3A_701#0, %add3A_808 : i32
    %jit3A_810 = arith.constant 64 : i32
    %div3A_811 = arith.divsi %add3A_809, %jit3A_810 : i32
    %sign3A_812 = arith.constant 0 : i32
    %sign3A_813 = arith.cmpi sgt, %add3A_809, %sign3A_812 : i32
    %sign3A_814 = arith.extui %sign3A_813 : i1 to i32
    %sign3A_815 = arith.constant 0 : i32
    %sign3A_816 = arith.cmpi slt, %add3A_809, %sign3A_815 : i32
    %sign3A_817 = arith.extui %sign3A_816 : i1 to i32
    %sign3A_818 = arith.subi %sign3A_814, %sign3A_817 : i32
    %sign3A_819 = arith.constant 0 : i32
    %sign3A_820 = arith.cmpi sgt, %jit3A_810, %sign3A_819 : i32
    %sign3A_821 = arith.extui %sign3A_820 : i1 to i32
    %sign3A_822 = arith.constant 0 : i32
    %sign3A_823 = arith.cmpi slt, %jit3A_810, %sign3A_822 : i32
    %sign3A_824 = arith.extui %sign3A_823 : i1 to i32
    %sign3A_825 = arith.subi %sign3A_821, %sign3A_824 : i32
    %ne3A_826 = arith.cmpi ne, %sign3A_818, %sign3A_825 : i32
    %rem3A_827 = arith.remsi %add3A_809, %jit3A_810 : i32
    %ne3A_828 = arith.constant 0 : i32
    %ne3A_829 = arith.cmpi ne, %rem3A_827, %ne3A_828 : i32
    %and3A_830 = arith.andi %ne3A_826, %ne3A_829 : i1
    %sub3A_831 = arith.constant 1 : i32
    %sub3A_832 = arith.subi %div3A_811, %sub3A_831 : i32
    %select_n3A_833 = arith.select %and3A_830, %sub3A_832, %div3A_811 : i32
    %mul3A_834 = arith.constant 64 : i32
    %mul3A_835 = arith.muli %select_n3A_833, %mul3A_834 : i32
    %add3A_836 = arith.constant 63 : i32
    %add3A_837 = arith.addi %while3A_701#1, %add3A_836 : i32
    %jit3A_838 = arith.constant 64 : i32
    %div3A_839 = arith.divsi %add3A_837, %jit3A_838 : i32
    %sign3A_840 = arith.constant 0 : i32
    %sign3A_841 = arith.cmpi sgt, %add3A_837, %sign3A_840 : i32
    %sign3A_842 = arith.extui %sign3A_841 : i1 to i32
    %sign3A_843 = arith.constant 0 : i32
    %sign3A_844 = arith.cmpi slt, %add3A_837, %sign3A_843 : i32
    %sign3A_845 = arith.extui %sign3A_844 : i1 to i32
    %sign3A_846 = arith.subi %sign3A_842, %sign3A_845 : i32
    %sign3A_847 = arith.constant 0 : i32
    %sign3A_848 = arith.cmpi sgt, %jit3A_838, %sign3A_847 : i32
    %sign3A_849 = arith.extui %sign3A_848 : i1 to i32
    %sign3A_850 = arith.constant 0 : i32
    %sign3A_851 = arith.cmpi slt, %jit3A_838, %sign3A_850 : i32
    %sign3A_852 = arith.extui %sign3A_851 : i1 to i32
    %sign3A_853 = arith.subi %sign3A_849, %sign3A_852 : i32
    %ne3A_854 = arith.cmpi ne, %sign3A_846, %sign3A_853 : i32
    %rem3A_855 = arith.remsi %add3A_837, %jit3A_838 : i32
    %ne3A_856 = arith.constant 0 : i32
    %ne3A_857 = arith.cmpi ne, %rem3A_855, %ne3A_856 : i32
    %and3A_858 = arith.andi %ne3A_854, %ne3A_857 : i1
    %sub3A_859 = arith.constant 1 : i32
    %sub3A_860 = arith.subi %div3A_839, %sub3A_859 : i32
    %select_n3A_861 = arith.select %and3A_858, %sub3A_860, %div3A_839 : i32
    %mul3A_862 = arith.constant 64 : i32
    %mul3A_863 = arith.muli %select_n3A_861, %mul3A_862 : i32
    %sub3A_864 = arith.constant 20 : i32
    %sub3A_865 = arith.constant 0 : i32
    %sub3A_866 = arith.subi %sub3A_864, %sub3A_865 : i32
    %sub3A_867 = arith.constant 1 : i32
    %sub3A_868 = arith.constant 1 : i32
    %sub3A_869 = arith.subi %sub3A_867, %sub3A_868 : i32
    %add3A_870 = arith.addi %sub3A_866, %sub3A_869 : i32
    %div3A_871 = arith.constant 1 : i32
    %div3A_872 = arith.divsi %add3A_870, %div3A_871 : i32
    %while3A_873 = arith.constant 1 : i32
    %while3A_874 = arith.constant 0 : i32
    %while3A_875 = arith.constant 3 : i32
    %while3A_876 = arith.constant 0 : i32
    %while3A_877 = arith.subi %div3A_872, %while3A_876 : i32
    %while3A_878 = arith.addi %while3A_876, %while3A_877 : i32
    %while3A_879 = arith.constant 1 : i32
    %while3A_880 = arith.divsi %while3A_877, %while3A_879 : i32
    %while3A_881 = arith.muli %while3A_880, %while3A_879 : i32
    %while3A_882 = arith.addi %while3A_876, %while3A_881 : i32
    %while3A_883 = arith.constant 1 : i32
    scf.for %while3A_903 = %while3A_876 to %while3A_882 step %while3A_883  : i32 {
      %mul3A_904 = arith.muli %while3A_903, %while3A_873 : i32
      %add3A_905 = arith.addi %while3A_874, %mul3A_904 : i32
      %mul3A_906 = arith.constant 64 : i32
      %mul3A_907 = arith.muli %add3A_905, %mul3A_906 : i32
      %lt3A_908 = arith.cmpi slt, %mul3A_907, %mul3A_835 : i32
      %convert_element_type3A = arith.extui %lt3A_908 : i1 to i32
      %cond3A = arith.constant 0 : i32
      %cond3A_909 = arith.cmpi ne, %convert_element_type3A, %cond3A : i32
      scf.if %cond3A_909 {
        %mul3A_916 = arith.constant 64 : i32
        %mul3A_917 = arith.muli %add3A_905, %mul3A_916 : i32
        %run_scoped3A_918 = arith.constant 0 : i32
        "tpu.region"() ({
          %run_scoped3A_922 = tpu.sem_alloc : memref<!tpu.dma_semaphore, #tpu.memory_space<semaphore_mem>>
          %dma_start3A = tpu.memref_slice %arg9[%mul3A_917] : memref<1344xi32, #tpu.memory_space<vmem>> -> memref<64xi32, #tpu.memory_space<vmem>>
          %dma_start3A_923 = arith.constant 0 : i32
          %dma_start3A_924 = tpu.memref_slice %arg4[%while3A_875, %run_scoped3A_918, %add3A, %add3A_905, %dma_start3A_923] : memref<4x2x32x20x64xi32, #tpu.memory_space<hbm>> -> memref<1x1x1x1x64xi32, #tpu.memory_space<hbm>>
          %dma_start3A_925 = tpu.memref_squeeze %dma_start3A_924 : memref<1x1x1x1x64xi32, #tpu.memory_space<hbm>> -> memref<64xi32, #tpu.memory_space<hbm>>
          %dma_start3A_926 = arith.constant 0 : i32
          %dma_start3A_927 = tpu.memref_slice %arg4[%while3A_875, %run_scoped3A_918, %add3A, %add3A_905, %dma_start3A_926] : memref<4x2x32x20x64xi32, #tpu.memory_space<hbm>> -> memref<1x1x1x1x64xi32, #tpu.memory_space<hbm>>
          %dma_start3A_928 = tpu.memref_squeeze %dma_start3A_927 : memref<1x1x1x1x64xi32, #tpu.memory_space<hbm>> -> memref<64xi32, #tpu.memory_space<hbm>>
          %dma_start3A_929 = tpu.memref_slice %arg9[%mul3A_917] : memref<1344xi32, #tpu.memory_space<vmem>> -> memref<64xi32, #tpu.memory_space<vmem>>
          tpu.enqueue_dma source(%dma_start3A_929 : memref<64xi32, #tpu.memory_space<vmem>>) target(%dma_start3A_928 : memref<64xi32, #tpu.memory_space<hbm>>) target_semaphore(%run_scoped3A_922 : memref<!tpu.dma_semaphore, #tpu.memory_space<semaphore_mem>>)
          %dma_wait3A = tpu.memref_slice %arg9[%mul3A_917] : memref<1344xi32, #tpu.memory_space<vmem>> -> memref<64xi32, #tpu.memory_space<vmem>>
          %dma_wait3A_930 = arith.constant 0 : i32
          %dma_wait3A_931 = tpu.memref_slice %arg4[%while3A_875, %run_scoped3A_918, %add3A, %add3A_905, %dma_wait3A_930] : memref<4x2x32x20x64xi32, #tpu.memory_space<hbm>> -> memref<1x1x1x1x64xi32, #tpu.memory_space<hbm>>
          %dma_wait3A_932 = tpu.memref_squeeze %dma_wait3A_931 : memref<1x1x1x1x64xi32, #tpu.memory_space<hbm>> -> memref<64xi32, #tpu.memory_space<hbm>>
          %dma_wait3A_933 = arith.constant 0 : i32
          %dma_wait3A_934 = tpu.memref_slice %arg4[%while3A_875, %run_scoped3A_918, %add3A, %add3A_905, %dma_wait3A_933] : memref<4x2x32x20x64xi32, #tpu.memory_space<hbm>> -> memref<1x1x1x1x64xi32, #tpu.memory_space<hbm>>
          %dma_wait3A_935 = tpu.memref_squeeze %dma_wait3A_934 : memref<1x1x1x1x64xi32, #tpu.memory_space<hbm>> -> memref<64xi32, #tpu.memory_space<hbm>>
          %dma_wait3A_936 = tpu.memref_slice %arg9[%mul3A_917] : memref<1344xi32, #tpu.memory_space<vmem>> -> memref<64xi32, #tpu.memory_space<vmem>>
          tpu.wait_dma2 semaphore(%run_scoped3A_922 : memref<!tpu.dma_semaphore, #tpu.memory_space<semaphore_mem>>) src(%dma_wait3A_936 : memref<64xi32, #tpu.memory_space<vmem>>) dst(%dma_wait3A_935 : memref<64xi32, #tpu.memory_space<hbm>>)
          tpu.yield
        }) : () -> ()
        %mul3A_919 = arith.constant 64 : i32
        %mul3A_920 = arith.muli %add3A_905, %mul3A_919 : i32
        %run_scoped3A_921 = arith.constant 0 : i32
        "tpu.region"() ({
          %run_scoped3A_922 = tpu.sem_alloc : memref<!tpu.dma_semaphore, #tpu.memory_space<semaphore_mem>>
          %dma_start3A = tpu.memref_slice %arg10[%mul3A_920] : memref<1344xi32, #tpu.memory_space<vmem>> -> memref<64xi32, #tpu.memory_space<vmem>>
          %dma_start3A_923 = arith.constant 0 : i32
          %dma_start3A_924 = tpu.memref_slice %arg5[%while3A_875, %run_scoped3A_921, %add3A, %add3A_905, %dma_start3A_923] : memref<4x2x32x20x64xi32, #tpu.memory_space<hbm>> -> memref<1x1x1x1x64xi32, #tpu.memory_space<hbm>>
          %dma_start3A_925 = tpu.memref_squeeze %dma_start3A_924 : memref<1x1x1x1x64xi32, #tpu.memory_space<hbm>> -> memref<64xi32, #tpu.memory_space<hbm>>
          %dma_start3A_926 = arith.constant 0 : i32
          %dma_start3A_927 = tpu.memref_slice %arg5[%while3A_875, %run_scoped3A_921, %add3A, %add3A_905, %dma_start3A_926] : memref<4x2x32x20x64xi32, #tpu.memory_space<hbm>> -> memref<1x1x1x1x64xi32, #tpu.memory_space<hbm>>
          %dma_start3A_928 = tpu.memref_squeeze %dma_start3A_927 : memref<1x1x1x1x64xi32, #tpu.memory_space<hbm>> -> memref<64xi32, #tpu.memory_space<hbm>>
          %dma_start3A_929 = tpu.memref_slice %arg10[%mul3A_920] : memref<1344xi32, #tpu.memory_space<vmem>> -> memref<64xi32, #tpu.memory_space<vmem>>
          tpu.enqueue_dma source(%dma_start3A_929 : memref<64xi32, #tpu.memory_space<vmem>>) target(%dma_start3A_928 : memref<64xi32, #tpu.memory_space<hbm>>) target_semaphore(%run_scoped3A_922 : memref<!tpu.dma_semaphore, #tpu.memory_space<semaphore_mem>>)
          %dma_wait3A = tpu.memref_slice %arg10[%mul3A_920] : memref<1344xi32, #tpu.memory_space<vmem>> -> memref<64xi32, #tpu.memory_space<vmem>>
          %dma_wait3A_930 = arith.constant 0 : i32
          %dma_wait3A_931 = tpu.memref_slice %arg5[%while3A_875, %run_scoped3A_921, %add3A, %add3A_905, %dma_wait3A_930] : memref<4x2x32x20x64xi32, #tpu.memory_space<hbm>> -> memref<1x1x1x1x64xi32, #tpu.memory_space<hbm>>
          %dma_wait3A_932 = tpu.memref_squeeze %dma_wait3A_931 : memref<1x1x1x1x64xi32, #tpu.memory_space<hbm>> -> memref<64xi32, #tpu.memory_space<hbm>>
          %dma_wait3A_933 = arith.constant 0 : i32
          %dma_wait3A_934 = tpu.memref_slice %arg5[%while3A_875, %run_scoped3A_921, %add3A, %add3A_905, %dma_wait3A_933] : memref<4x2x32x20x64xi32, #tpu.memory_space<hbm>> -> memref<1x1x1x1x64xi32, #tpu.memory_space<hbm>>
          %dma_wait3A_935 = tpu.memref_squeeze %dma_wait3A_934 : memref<1x1x1x1x64xi32, #tpu.memory_space<hbm>> -> memref<64xi32, #tpu.memory_space<hbm>>
          %dma_wait3A_936 = tpu.memref_slice %arg10[%mul3A_920] : memref<1344xi32, #tpu.memory_space<vmem>> -> memref<64xi32, #tpu.memory_space<vmem>>
          tpu.wait_dma2 semaphore(%run_scoped3A_922 : memref<!tpu.dma_semaphore, #tpu.memory_space<semaphore_mem>>) src(%dma_wait3A_936 : memref<64xi32, #tpu.memory_space<vmem>>) dst(%dma_wait3A_935 : memref<64xi32, #tpu.memory_space<hbm>>)
          tpu.yield
        }) : () -> ()
      } else {
      }
      %mul3A_910 = arith.constant 64 : i32
      %mul3A_911 = arith.muli %add3A_905, %mul3A_910 : i32
      %lt3A_912 = arith.cmpi slt, %mul3A_911, %mul3A_863 : i32
      %convert_element_type3A_913 = arith.extui %lt3A_912 : i1 to i32
      %cond3A_914 = arith.constant 0 : i32
      %cond3A_915 = arith.cmpi ne, %convert_element_type3A_913, %cond3A_914 : i32
      scf.if %cond3A_915 {
        %mul3A_916 = arith.constant 64 : i32
        %mul3A_917 = arith.muli %add3A_905, %mul3A_916 : i32
        %run_scoped3A_918 = arith.constant 1 : i32
        "tpu.region"() ({
          %run_scoped3A_922 = tpu.sem_alloc : memref<!tpu.dma_semaphore, #tpu.memory_space<semaphore_mem>>
          %dma_start3A = tpu.memref_slice %arg11[%mul3A_917] : memref<1344xi32, #tpu.memory_space<vmem>> -> memref<64xi32, #tpu.memory_space<vmem>>
          %dma_start3A_923 = arith.constant 0 : i32
          %dma_start3A_924 = tpu.memref_slice %arg4[%while3A_875, %run_scoped3A_918, %add3A, %add3A_905, %dma_start3A_923] : memref<4x2x32x20x64xi32, #tpu.memory_space<hbm>> -> memref<1x1x1x1x64xi32, #tpu.memory_space<hbm>>
          %dma_start3A_925 = tpu.memref_squeeze %dma_start3A_924 : memref<1x1x1x1x64xi32, #tpu.memory_space<hbm>> -> memref<64xi32, #tpu.memory_space<hbm>>
          %dma_start3A_926 = arith.constant 0 : i32
          %dma_start3A_927 = tpu.memref_slice %arg4[%while3A_875, %run_scoped3A_918, %add3A, %add3A_905, %dma_start3A_926] : memref<4x2x32x20x64xi32, #tpu.memory_space<hbm>> -> memref<1x1x1x1x64xi32, #tpu.memory_space<hbm>>
          %dma_start3A_928 = tpu.memref_squeeze %dma_start3A_927 : memref<1x1x1x1x64xi32, #tpu.memory_space<hbm>> -> memref<64xi32, #tpu.memory_space<hbm>>
          %dma_start3A_929 = tpu.memref_slice %arg11[%mul3A_917] : memref<1344xi32, #tpu.memory_space<vmem>> -> memref<64xi32, #tpu.memory_space<vmem>>
          tpu.enqueue_dma source(%dma_start3A_929 : memref<64xi32, #tpu.memory_space<vmem>>) target(%dma_start3A_928 : memref<64xi32, #tpu.memory_space<hbm>>) target_semaphore(%run_scoped3A_922 : memref<!tpu.dma_semaphore, #tpu.memory_space<semaphore_mem>>)
          %dma_wait3A = tpu.memref_slice %arg11[%mul3A_917] : memref<1344xi32, #tpu.memory_space<vmem>> -> memref<64xi32, #tpu.memory_space<vmem>>
          %dma_wait3A_930 = arith.constant 0 : i32
          %dma_wait3A_931 = tpu.memref_slice %arg4[%while3A_875, %run_scoped3A_918, %add3A, %add3A_905, %dma_wait3A_930] : memref<4x2x32x20x64xi32, #tpu.memory_space<hbm>> -> memref<1x1x1x1x64xi32, #tpu.memory_space<hbm>>
          %dma_wait3A_932 = tpu.memref_squeeze %dma_wait3A_931 : memref<1x1x1x1x64xi32, #tpu.memory_space<hbm>> -> memref<64xi32, #tpu.memory_space<hbm>>
          %dma_wait3A_933 = arith.constant 0 : i32
          %dma_wait3A_934 = tpu.memref_slice %arg4[%while3A_875, %run_scoped3A_918, %add3A, %add3A_905, %dma_wait3A_933] : memref<4x2x32x20x64xi32, #tpu.memory_space<hbm>> -> memref<1x1x1x1x64xi32, #tpu.memory_space<hbm>>
          %dma_wait3A_935 = tpu.memref_squeeze %dma_wait3A_934 : memref<1x1x1x1x64xi32, #tpu.memory_space<hbm>> -> memref<64xi32, #tpu.memory_space<hbm>>
          %dma_wait3A_936 = tpu.memref_slice %arg11[%mul3A_917] : memref<1344xi32, #tpu.memory_space<vmem>> -> memref<64xi32, #tpu.memory_space<vmem>>
          tpu.wait_dma2 semaphore(%run_scoped3A_922 : memref<!tpu.dma_semaphore, #tpu.memory_space<semaphore_mem>>) src(%dma_wait3A_936 : memref<64xi32, #tpu.memory_space<vmem>>) dst(%dma_wait3A_935 : memref<64xi32, #tpu.memory_space<hbm>>)
          tpu.yield
        }) : () -> ()
        %mul3A_919 = arith.constant 64 : i32
        %mul3A_920 = arith.muli %add3A_905, %mul3A_919 : i32
        %run_scoped3A_921 = arith.constant 1 : i32
        "tpu.region"() ({
          %run_scoped3A_922 = tpu.sem_alloc : memref<!tpu.dma_semaphore, #tpu.memory_space<semaphore_mem>>
          %dma_start3A = tpu.memref_slice %arg12[%mul3A_920] : memref<1344xi32, #tpu.memory_space<vmem>> -> memref<64xi32, #tpu.memory_space<vmem>>
          %dma_start3A_923 = arith.constant 0 : i32
          %dma_start3A_924 = tpu.memref_slice %arg5[%while3A_875, %run_scoped3A_921, %add3A, %add3A_905, %dma_start3A_923] : memref<4x2x32x20x64xi32, #tpu.memory_space<hbm>> -> memref<1x1x1x1x64xi32, #tpu.memory_space<hbm>>
          %dma_start3A_925 = tpu.memref_squeeze %dma_start3A_924 : memref<1x1x1x1x64xi32, #tpu.memory_space<hbm>> -> memref<64xi32, #tpu.memory_space<hbm>>
          %dma_start3A_926 = arith.constant 0 : i32
          %dma_start3A_927 = tpu.memref_slice %arg5[%while3A_875, %run_scoped3A_921, %add3A, %add3A_905, %dma_start3A_926] : memref<4x2x32x20x64xi32, #tpu.memory_space<hbm>> -> memref<1x1x1x1x64xi32, #tpu.memory_space<hbm>>
          %dma_start3A_928 = tpu.memref_squeeze %dma_start3A_927 : memref<1x1x1x1x64xi32, #tpu.memory_space<hbm>> -> memref<64xi32, #tpu.memory_space<hbm>>
          %dma_start3A_929 = tpu.memref_slice %arg12[%mul3A_920] : memref<1344xi32, #tpu.memory_space<vmem>> -> memref<64xi32, #tpu.memory_space<vmem>>
          tpu.enqueue_dma source(%dma_start3A_929 : memref<64xi32, #tpu.memory_space<vmem>>) target(%dma_start3A_928 : memref<64xi32, #tpu.memory_space<hbm>>) target_semaphore(%run_scoped3A_922 : memref<!tpu.dma_semaphore, #tpu.memory_space<semaphore_mem>>)
          %dma_wait3A = tpu.memref_slice %arg12[%mul3A_920] : memref<1344xi32, #tpu.memory_space<vmem>> -> memref<64xi32, #tpu.memory_space<vmem>>
          %dma_wait3A_930 = arith.constant 0 : i32
          %dma_wait3A_931 = tpu.memref_slice %arg5[%while3A_875, %run_scoped3A_921, %add3A, %add3A_905, %dma_wait3A_930] : memref<4x2x32x20x64xi32, #tpu.memory_space<hbm>> -> memref<1x1x1x1x64xi32, #tpu.memory_space<hbm>>
          %dma_wait3A_932 = tpu.memref_squeeze %dma_wait3A_931 : memref<1x1x1x1x64xi32, #tpu.memory_space<hbm>> -> memref<64xi32, #tpu.memory_space<hbm>>
          %dma_wait3A_933 = arith.constant 0 : i32
          %dma_wait3A_934 = tpu.memref_slice %arg5[%while3A_875, %run_scoped3A_921, %add3A, %add3A_905, %dma_wait3A_933] : memref<4x2x32x20x64xi32, #tpu.memory_space<hbm>> -> memref<1x1x1x1x64xi32, #tpu.memory_space<hbm>>
          %dma_wait3A_935 = tpu.memref_squeeze %dma_wait3A_934 : memref<1x1x1x1x64xi32, #tpu.memory_space<hbm>> -> memref<64xi32, #tpu.memory_space<hbm>>
          %dma_wait3A_936 = tpu.memref_slice %arg12[%mul3A_920] : memref<1344xi32, #tpu.memory_space<vmem>> -> memref<64xi32, #tpu.memory_space<vmem>>
          tpu.wait_dma2 semaphore(%run_scoped3A_922 : memref<!tpu.dma_semaphore, #tpu.memory_space<semaphore_mem>>) src(%dma_wait3A_936 : memref<64xi32, #tpu.memory_space<vmem>>) dst(%dma_wait3A_935 : memref<64xi32, #tpu.memory_space<hbm>>)
          tpu.yield
        }) : () -> ()
      } else {
      }
    }
    %while3A_884 = arith.constant 1 : i32
    scf.for %while3A_903 = %while3A_882 to %while3A_878 step %while3A_884  : i32 {
      %mul3A_904 = arith.muli %while3A_903, %while3A_873 : i32
      %add3A_905 = arith.addi %while3A_874, %mul3A_904 : i32
      %mul3A_906 = arith.constant 64 : i32
      %mul3A_907 = arith.muli %add3A_905, %mul3A_906 : i32
      %lt3A_908 = arith.cmpi slt, %mul3A_907, %mul3A_835 : i32
      %convert_element_type3A = arith.extui %lt3A_908 : i1 to i32
      %cond3A = arith.constant 0 : i32
      %cond3A_909 = arith.cmpi ne, %convert_element_type3A, %cond3A : i32
      scf.if %cond3A_909 {
        %mul3A_916 = arith.constant 64 : i32
        %mul3A_917 = arith.muli %add3A_905, %mul3A_916 : i32
        %run_scoped3A_918 = arith.constant 0 : i32
        "tpu.region"() ({
          %run_scoped3A_922 = tpu.sem_alloc : memref<!tpu.dma_semaphore, #tpu.memory_space<semaphore_mem>>
          %dma_start3A = tpu.memref_slice %arg9[%mul3A_917] : memref<1344xi32, #tpu.memory_space<vmem>> -> memref<64xi32, #tpu.memory_space<vmem>>
          %dma_start3A_923 = arith.constant 0 : i32
          %dma_start3A_924 = tpu.memref_slice %arg4[%while3A_875, %run_scoped3A_918, %add3A, %add3A_905, %dma_start3A_923] : memref<4x2x32x20x64xi32, #tpu.memory_space<hbm>> -> memref<1x1x1x1x64xi32, #tpu.memory_space<hbm>>
          %dma_start3A_925 = tpu.memref_squeeze %dma_start3A_924 : memref<1x1x1x1x64xi32, #tpu.memory_space<hbm>> -> memref<64xi32, #tpu.memory_space<hbm>>
          %dma_start3A_926 = arith.constant 0 : i32
          %dma_start3A_927 = tpu.memref_slice %arg4[%while3A_875, %run_scoped3A_918, %add3A, %add3A_905, %dma_start3A_926] : memref<4x2x32x20x64xi32, #tpu.memory_space<hbm>> -> memref<1x1x1x1x64xi32, #tpu.memory_space<hbm>>
          %dma_start3A_928 = tpu.memref_squeeze %dma_start3A_927 : memref<1x1x1x1x64xi32, #tpu.memory_space<hbm>> -> memref<64xi32, #tpu.memory_space<hbm>>
          %dma_start3A_929 = tpu.memref_slice %arg9[%mul3A_917] : memref<1344xi32, #tpu.memory_space<vmem>> -> memref<64xi32, #tpu.memory_space<vmem>>
          tpu.enqueue_dma source(%dma_start3A_929 : memref<64xi32, #tpu.memory_space<vmem>>) target(%dma_start3A_928 : memref<64xi32, #tpu.memory_space<hbm>>) target_semaphore(%run_scoped3A_922 : memref<!tpu.dma_semaphore, #tpu.memory_space<semaphore_mem>>)
          %dma_wait3A = tpu.memref_slice %arg9[%mul3A_917] : memref<1344xi32, #tpu.memory_space<vmem>> -> memref<64xi32, #tpu.memory_space<vmem>>
          %dma_wait3A_930 = arith.constant 0 : i32
          %dma_wait3A_931 = tpu.memref_slice %arg4[%while3A_875, %run_scoped3A_918, %add3A, %add3A_905, %dma_wait3A_930] : memref<4x2x32x20x64xi32, #tpu.memory_space<hbm>> -> memref<1x1x1x1x64xi32, #tpu.memory_space<hbm>>
          %dma_wait3A_932 = tpu.memref_squeeze %dma_wait3A_931 : memref<1x1x1x1x64xi32, #tpu.memory_space<hbm>> -> memref<64xi32, #tpu.memory_space<hbm>>
          %dma_wait3A_933 = arith.constant 0 : i32
          %dma_wait3A_934 = tpu.memref_slice %arg4[%while3A_875, %run_scoped3A_918, %add3A, %add3A_905, %dma_wait3A_933] : memref<4x2x32x20x64xi32, #tpu.memory_space<hbm>> -> memref<1x1x1x1x64xi32, #tpu.memory_space<hbm>>
          %dma_wait3A_935 = tpu.memref_squeeze %dma_wait3A_934 : memref<1x1x1x1x64xi32, #tpu.memory_space<hbm>> -> memref<64xi32, #tpu.memory_space<hbm>>
          %dma_wait3A_936 = tpu.memref_slice %arg9[%mul3A_917] : memref<1344xi32, #tpu.memory_space<vmem>> -> memref<64xi32, #tpu.memory_space<vmem>>
          tpu.wait_dma2 semaphore(%run_scoped3A_922 : memref<!tpu.dma_semaphore, #tpu.memory_space<semaphore_mem>>) src(%dma_wait3A_936 : memref<64xi32, #tpu.memory_space<vmem>>) dst(%dma_wait3A_935 : memref<64xi32, #tpu.memory_space<hbm>>)
          tpu.yield
        }) : () -> ()
        %mul3A_919 = arith.constant 64 : i32
        %mul3A_920 = arith.muli %add3A_905, %mul3A_919 : i32
        %run_scoped3A_921 = arith.constant 0 : i32
        "tpu.region"() ({
          %run_scoped3A_922 = tpu.sem_alloc : memref<!tpu.dma_semaphore, #tpu.memory_space<semaphore_mem>>
          %dma_start3A = tpu.memref_slice %arg10[%mul3A_920] : memref<1344xi32, #tpu.memory_space<vmem>> -> memref<64xi32, #tpu.memory_space<vmem>>
          %dma_start3A_923 = arith.constant 0 : i32
          %dma_start3A_924 = tpu.memref_slice %arg5[%while3A_875, %run_scoped3A_921, %add3A, %add3A_905, %dma_start3A_923] : memref<4x2x32x20x64xi32, #tpu.memory_space<hbm>> -> memref<1x1x1x1x64xi32, #tpu.memory_space<hbm>>
          %dma_start3A_925 = tpu.memref_squeeze %dma_start3A_924 : memref<1x1x1x1x64xi32, #tpu.memory_space<hbm>> -> memref<64xi32, #tpu.memory_space<hbm>>
          %dma_start3A_926 = arith.constant 0 : i32
          %dma_start3A_927 = tpu.memref_slice %arg5[%while3A_875, %run_scoped3A_921, %add3A, %add3A_905, %dma_start3A_926] : memref<4x2x32x20x64xi32, #tpu.memory_space<hbm>> -> memref<1x1x1x1x64xi32, #tpu.memory_space<hbm>>
          %dma_start3A_928 = tpu.memref_squeeze %dma_start3A_927 : memref<1x1x1x1x64xi32, #tpu.memory_space<hbm>> -> memref<64xi32, #tpu.memory_space<hbm>>
          %dma_start3A_929 = tpu.memref_slice %arg10[%mul3A_920] : memref<1344xi32, #tpu.memory_space<vmem>> -> memref<64xi32, #tpu.memory_space<vmem>>
          tpu.enqueue_dma source(%dma_start3A_929 : memref<64xi32, #tpu.memory_space<vmem>>) target(%dma_start3A_928 : memref<64xi32, #tpu.memory_space<hbm>>) target_semaphore(%run_scoped3A_922 : memref<!tpu.dma_semaphore, #tpu.memory_space<semaphore_mem>>)
          %dma_wait3A = tpu.memref_slice %arg10[%mul3A_920] : memref<1344xi32, #tpu.memory_space<vmem>> -> memref<64xi32, #tpu.memory_space<vmem>>
          %dma_wait3A_930 = arith.constant 0 : i32
          %dma_wait3A_931 = tpu.memref_slice %arg5[%while3A_875, %run_scoped3A_921, %add3A, %add3A_905, %dma_wait3A_930] : memref<4x2x32x20x64xi32, #tpu.memory_space<hbm>> -> memref<1x1x1x1x64xi32, #tpu.memory_space<hbm>>
          %dma_wait3A_932 = tpu.memref_squeeze %dma_wait3A_931 : memref<1x1x1x1x64xi32, #tpu.memory_space<hbm>> -> memref<64xi32, #tpu.memory_space<hbm>>
          %dma_wait3A_933 = arith.constant 0 : i32
          %dma_wait3A_934 = tpu.memref_slice %arg5[%while3A_875, %run_scoped3A_921, %add3A, %add3A_905, %dma_wait3A_933] : memref<4x2x32x20x64xi32, #tpu.memory_space<hbm>> -> memref<1x1x1x1x64xi32, #tpu.memory_space<hbm>>
          %dma_wait3A_935 = tpu.memref_squeeze %dma_wait3A_934 : memref<1x1x1x1x64xi32, #tpu.memory_space<hbm>> -> memref<64xi32, #tpu.memory_space<hbm>>
          %dma_wait3A_936 = tpu.memref_slice %arg10[%mul3A_920] : memref<1344xi32, #tpu.memory_space<vmem>> -> memref<64xi32, #tpu.memory_space<vmem>>
          tpu.wait_dma2 semaphore(%run_scoped3A_922 : memref<!tpu.dma_semaphore, #tpu.memory_space<semaphore_mem>>) src(%dma_wait3A_936 : memref<64xi32, #tpu.memory_space<vmem>>) dst(%dma_wait3A_935 : memref<64xi32, #tpu.memory_space<hbm>>)
          tpu.yield
        }) : () -> ()
      } else {
      }
      %mul3A_910 = arith.constant 64 : i32
      %mul3A_911 = arith.muli %add3A_905, %mul3A_910 : i32
      %lt3A_912 = arith.cmpi slt, %mul3A_911, %mul3A_863 : i32
      %convert_element_type3A_913 = arith.extui %lt3A_912 : i1 to i32
      %cond3A_914 = arith.constant 0 : i32
      %cond3A_915 = arith.cmpi ne, %convert_element_type3A_913, %cond3A_914 : i32
      scf.if %cond3A_915 {
        %mul3A_916 = arith.constant 64 : i32
        %mul3A_917 = arith.muli %add3A_905, %mul3A_916 : i32
        %run_scoped3A_918 = arith.constant 1 : i32
        "tpu.region"() ({
          %run_scoped3A_922 = tpu.sem_alloc : memref<!tpu.dma_semaphore, #tpu.memory_space<semaphore_mem>>
          %dma_start3A = tpu.memref_slice %arg11[%mul3A_917] : memref<1344xi32, #tpu.memory_space<vmem>> -> memref<64xi32, #tpu.memory_space<vmem>>
          %dma_start3A_923 = arith.constant 0 : i32
          %dma_start3A_924 = tpu.memref_slice %arg4[%while3A_875, %run_scoped3A_918, %add3A, %add3A_905, %dma_start3A_923] : memref<4x2x32x20x64xi32, #tpu.memory_space<hbm>> -> memref<1x1x1x1x64xi32, #tpu.memory_space<hbm>>
          %dma_start3A_925 = tpu.memref_squeeze %dma_start3A_924 : memref<1x1x1x1x64xi32, #tpu.memory_space<hbm>> -> memref<64xi32, #tpu.memory_space<hbm>>
          %dma_start3A_926 = arith.constant 0 : i32
          %dma_start3A_927 = tpu.memref_slice %arg4[%while3A_875, %run_scoped3A_918, %add3A, %add3A_905, %dma_start3A_926] : memref<4x2x32x20x64xi32, #tpu.memory_space<hbm>> -> memref<1x1x1x1x64xi32, #tpu.memory_space<hbm>>
          %dma_start3A_928 = tpu.memref_squeeze %dma_start3A_927 : memref<1x1x1x1x64xi32, #tpu.memory_space<hbm>> -> memref<64xi32, #tpu.memory_space<hbm>>
          %dma_start3A_929 = tpu.memref_slice %arg11[%mul3A_917] : memref<1344xi32, #tpu.memory_space<vmem>> -> memref<64xi32, #tpu.memory_space<vmem>>
          tpu.enqueue_dma source(%dma_start3A_929 : memref<64xi32, #tpu.memory_space<vmem>>) target(%dma_start3A_928 : memref<64xi32, #tpu.memory_space<hbm>>) target_semaphore(%run_scoped3A_922 : memref<!tpu.dma_semaphore, #tpu.memory_space<semaphore_mem>>)
          %dma_wait3A = tpu.memref_slice %arg11[%mul3A_917] : memref<1344xi32, #tpu.memory_space<vmem>> -> memref<64xi32, #tpu.memory_space<vmem>>
          %dma_wait3A_930 = arith.constant 0 : i32
          %dma_wait3A_931 = tpu.memref_slice %arg4[%while3A_875, %run_scoped3A_918, %add3A, %add3A_905, %dma_wait3A_930] : memref<4x2x32x20x64xi32, #tpu.memory_space<hbm>> -> memref<1x1x1x1x64xi32, #tpu.memory_space<hbm>>
          %dma_wait3A_932 = tpu.memref_squeeze %dma_wait3A_931 : memref<1x1x1x1x64xi32, #tpu.memory_space<hbm>> -> memref<64xi32, #tpu.memory_space<hbm>>
          %dma_wait3A_933 = arith.constant 0 : i32
          %dma_wait3A_934 = tpu.memref_slice %arg4[%while3A_875, %run_scoped3A_918, %add3A, %add3A_905, %dma_wait3A_933] : memref<4x2x32x20x64xi32, #tpu.memory_space<hbm>> -> memref<1x1x1x1x64xi32, #tpu.memory_space<hbm>>
          %dma_wait3A_935 = tpu.memref_squeeze %dma_wait3A_934 : memref<1x1x1x1x64xi32, #tpu.memory_space<hbm>> -> memref<64xi32, #tpu.memory_space<hbm>>
          %dma_wait3A_936 = tpu.memref_slice %arg11[%mul3A_917] : memref<1344xi32, #tpu.memory_space<vmem>> -> memref<64xi32, #tpu.memory_space<vmem>>
          tpu.wait_dma2 semaphore(%run_scoped3A_922 : memref<!tpu.dma_semaphore, #tpu.memory_space<semaphore_mem>>) src(%dma_wait3A_936 : memref<64xi32, #tpu.memory_space<vmem>>) dst(%dma_wait3A_935 : memref<64xi32, #tpu.memory_space<hbm>>)
          tpu.yield
        }) : () -> ()
        %mul3A_919 = arith.constant 64 : i32
        %mul3A_920 = arith.muli %add3A_905, %mul3A_919 : i32
        %run_scoped3A_921 = arith.constant 1 : i32
        "tpu.region"() ({
          %run_scoped3A_922 = tpu.sem_alloc : memref<!tpu.dma_semaphore, #tpu.memory_space<semaphore_mem>>
          %dma_start3A = tpu.memref_slice %arg12[%mul3A_920] : memref<1344xi32, #tpu.memory_space<vmem>> -> memref<64xi32, #tpu.memory_space<vmem>>
          %dma_start3A_923 = arith.constant 0 : i32
          %dma_start3A_924 = tpu.memref_slice %arg5[%while3A_875, %run_scoped3A_921, %add3A, %add3A_905, %dma_start3A_923] : memref<4x2x32x20x64xi32, #tpu.memory_space<hbm>> -> memref<1x1x1x1x64xi32, #tpu.memory_space<hbm>>
          %dma_start3A_925 = tpu.memref_squeeze %dma_start3A_924 : memref<1x1x1x1x64xi32, #tpu.memory_space<hbm>> -> memref<64xi32, #tpu.memory_space<hbm>>
          %dma_start3A_926 = arith.constant 0 : i32
          %dma_start3A_927 = tpu.memref_slice %arg5[%while3A_875, %run_scoped3A_921, %add3A, %add3A_905, %dma_start3A_926] : memref<4x2x32x20x64xi32, #tpu.memory_space<hbm>> -> memref<1x1x1x1x64xi32, #tpu.memory_space<hbm>>
          %dma_start3A_928 = tpu.memref_squeeze %dma_start3A_927 : memref<1x1x1x1x64xi32, #tpu.memory_space<hbm>> -> memref<64xi32, #tpu.memory_space<hbm>>
          %dma_start3A_929 = tpu.memref_slice %arg12[%mul3A_920] : memref<1344xi32, #tpu.memory_space<vmem>> -> memref<64xi32, #tpu.memory_space<vmem>>
          tpu.enqueue_dma source(%dma_start3A_929 : memref<64xi32, #tpu.memory_space<vmem>>) target(%dma_start3A_928 : memref<64xi32, #tpu.memory_space<hbm>>) target_semaphore(%run_scoped3A_922 : memref<!tpu.dma_semaphore, #tpu.memory_space<semaphore_mem>>)
          %dma_wait3A = tpu.memref_slice %arg12[%mul3A_920] : memref<1344xi32, #tpu.memory_space<vmem>> -> memref<64xi32, #tpu.memory_space<vmem>>
          %dma_wait3A_930 = arith.constant 0 : i32
          %dma_wait3A_931 = tpu.memref_slice %arg5[%while3A_875, %run_scoped3A_921, %add3A, %add3A_905, %dma_wait3A_930] : memref<4x2x32x20x64xi32, #tpu.memory_space<hbm>> -> memref<1x1x1x1x64xi32, #tpu.memory_space<hbm>>
          %dma_wait3A_932 = tpu.memref_squeeze %dma_wait3A_931 : memref<1x1x1x1x64xi32, #tpu.memory_space<hbm>> -> memref<64xi32, #tpu.memory_space<hbm>>
          %dma_wait3A_933 = arith.constant 0 : i32
          %dma_wait3A_934 = tpu.memref_slice %arg5[%while3A_875, %run_scoped3A_921, %add3A, %add3A_905, %dma_wait3A_933] : memref<4x2x32x20x64xi32, #tpu.memory_space<hbm>> -> memref<1x1x1x1x64xi32, #tpu.memory_space<hbm>>
          %dma_wait3A_935 = tpu.memref_squeeze %dma_wait3A_934 : memref<1x1x1x1x64xi32, #tpu.memory_space<hbm>> -> memref<64xi32, #tpu.memory_space<hbm>>
          %dma_wait3A_936 = tpu.memref_slice %arg12[%mul3A_920] : memref<1344xi32, #tpu.memory_space<vmem>> -> memref<64xi32, #tpu.memory_space<vmem>>
          tpu.wait_dma2 semaphore(%run_scoped3A_922 : memref<!tpu.dma_semaphore, #tpu.memory_space<semaphore_mem>>) src(%dma_wait3A_936 : memref<64xi32, #tpu.memory_space<vmem>>) dst(%dma_wait3A_935 : memref<64xi32, #tpu.memory_space<hbm>>)
          tpu.yield
        }) : () -> ()
      } else {
      }
    }
    %broadcast_in_dim3A_885 = arith.constant 0 : i32
    %broadcast_in_dim3A_886 = vector.broadcast %broadcast_in_dim3A_885 : i32 to vector<16xi32>
    %add3A_887 = vector.broadcast %mul3A_835 : i32 to vector<16xi32>
    %add3A_888 = arith.addi %broadcast_in_dim3A_886, %add3A_887 : vector<16xi32>
    %swap3A_889 = arith.constant 0 : i32
    %swap3A_890 = arith.index_cast %swap3A_889 : i32 to index
    %swap3A_891 = tpu.vector_load %arg13[%swap3A_890] {strides = array<i32>} : memref<16xi32, #tpu.memory_space<vmem>>, vector<16xi32>,
    tpu.vector_store %arg13[%swap3A_890], %add3A_888 {strides = array<i32>} : memref<16xi32, #tpu.memory_space<vmem>>, vector<16xi32>,
    %run_scoped3A_892 = arith.constant 3 : i32
    %run_scoped3A_893 = arith.constant 0 : i32
    "tpu.region"() ({
      %run_scoped3A_903 = tpu.sem_alloc : memref<!tpu.dma_semaphore, #tpu.memory_space<semaphore_mem>>
      %dma_start3A = arith.constant 0 : i32
      %dma_start3A_904 = tpu.memref_slice %arg6[%run_scoped3A_892, %run_scoped3A_893, %add3A, %dma_start3A] : memref<4x2x32x16xi32, #tpu.memory_space<hbm>> -> memref<1x1x1x16xi32, #tpu.memory_space<hbm>>
      %dma_start3A_905 = tpu.memref_squeeze %dma_start3A_904 : memref<1x1x1x16xi32, #tpu.memory_space<hbm>> -> memref<16xi32, #tpu.memory_space<hbm>>
      %dma_start3A_906 = arith.constant 0 : i32
      %dma_start3A_907 = tpu.memref_slice %arg6[%run_scoped3A_892, %run_scoped3A_893, %add3A, %dma_start3A_906] : memref<4x2x32x16xi32, #tpu.memory_space<hbm>> -> memref<1x1x1x16xi32, #tpu.memory_space<hbm>>
      %dma_start3A_908 = tpu.memref_squeeze %dma_start3A_907 : memref<1x1x1x16xi32, #tpu.memory_space<hbm>> -> memref<16xi32, #tpu.memory_space<hbm>>
      tpu.enqueue_dma source(%arg13 : memref<16xi32, #tpu.memory_space<vmem>>) target(%dma_start3A_908 : memref<16xi32, #tpu.memory_space<hbm>>) target_semaphore(%run_scoped3A_903 : memref<!tpu.dma_semaphore, #tpu.memory_space<semaphore_mem>>)
      %dma_wait3A = arith.constant 0 : i32
      %dma_wait3A_909 = tpu.memref_slice %arg6[%run_scoped3A_892, %run_scoped3A_893, %add3A, %dma_wait3A] : memref<4x2x32x16xi32, #tpu.memory_space<hbm>> -> memref<1x1x1x16xi32, #tpu.memory_space<hbm>>
      %dma_wait3A_910 = tpu.memref_squeeze %dma_wait3A_909 : memref<1x1x1x16xi32, #tpu.memory_space<hbm>> -> memref<16xi32, #tpu.memory_space<hbm>>
      %dma_wait3A_911 = arith.constant 0 : i32
      %dma_wait3A_912 = tpu.memref_slice %arg6[%run_scoped3A_892, %run_scoped3A_893, %add3A, %dma_wait3A_911] : memref<4x2x32x16xi32, #tpu.memory_space<hbm>> -> memref<1x1x1x16xi32, #tpu.memory_space<hbm>>
      %dma_wait3A_913 = tpu.memref_squeeze %dma_wait3A_912 : memref<1x1x1x16xi32, #tpu.memory_space<hbm>> -> memref<16xi32, #tpu.memory_space<hbm>>
      tpu.wait_dma2 semaphore(%run_scoped3A_903 : memref<!tpu.dma_semaphore, #tpu.memory_space<semaphore_mem>>) src(%arg13 : memref<16xi32, #tpu.memory_space<vmem>>) dst(%dma_wait3A_913 : memref<16xi32, #tpu.memory_space<hbm>>)
      tpu.yield
    }) : () -> ()
    %broadcast_in_dim3A_894 = arith.constant 0 : i32
    %broadcast_in_dim3A_895 = vector.broadcast %broadcast_in_dim3A_894 : i32 to vector<16xi32>
    %add3A_896 = vector.broadcast %mul3A_863 : i32 to vector<16xi32>
    %add3A_897 = arith.addi %broadcast_in_dim3A_895, %add3A_896 : vector<16xi32>
    %swap3A_898 = arith.constant 0 : i32
    %swap3A_899 = arith.index_cast %swap3A_898 : i32 to index
    %swap3A_900 = tpu.vector_load %arg13[%swap3A_899] {strides = array<i32>} : memref<16xi32, #tpu.memory_space<vmem>>, vector<16xi32>,
    tpu.vector_store %arg13[%swap3A_899], %add3A_897 {strides = array<i32>} : memref<16xi32, #tpu.memory_space<vmem>>, vector<16xi32>,
    %run_scoped3A_901 = arith.constant 3 : i32
    %run_scoped3A_902 = arith.constant 1 : i32
    "tpu.region"() ({
      %run_scoped3A_903 = tpu.sem_alloc : memref<!tpu.dma_semaphore, #tpu.memory_space<semaphore_mem>>
      %dma_start3A = arith.constant 0 : i32
      %dma_start3A_904 = tpu.memref_slice %arg6[%run_scoped3A_901, %run_scoped3A_902, %add3A, %dma_start3A] : memref<4x2x32x16xi32, #tpu.memory_space<hbm>> -> memref<1x1x1x16xi32, #tpu.memory_space<hbm>>
      %dma_start3A_905 = tpu.memref_squeeze %dma_start3A_904 : memref<1x1x1x16xi32, #tpu.memory_space<hbm>> -> memref<16xi32, #tpu.memory_space<hbm>>
      %dma_start3A_906 = arith.constant 0 : i32
      %dma_start3A_907 = tpu.memref_slice %arg6[%run_scoped3A_901, %run_scoped3A_902, %add3A, %dma_start3A_906] : memref<4x2x32x16xi32, #tpu.memory_space<hbm>> -> memref<1x1x1x16xi32, #tpu.memory_space<hbm>>
      %dma_start3A_908 = tpu.memref_squeeze %dma_start3A_907 : memref<1x1x1x16xi32, #tpu.memory_space<hbm>> -> memref<16xi32, #tpu.memory_space<hbm>>
      tpu.enqueue_dma source(%arg13 : memref<16xi32, #tpu.memory_space<vmem>>) target(%dma_start3A_908 : memref<16xi32, #tpu.memory_space<hbm>>) target_semaphore(%run_scoped3A_903 : memref<!tpu.dma_semaphore, #tpu.memory_space<semaphore_mem>>)
      %dma_wait3A = arith.constant 0 : i32
      %dma_wait3A_909 = tpu.memref_slice %arg6[%run_scoped3A_901, %run_scoped3A_902, %add3A, %dma_wait3A] : memref<4x2x32x16xi32, #tpu.memory_space<hbm>> -> memref<1x1x1x16xi32, #tpu.memory_space<hbm>>
      %dma_wait3A_910 = tpu.memref_squeeze %dma_wait3A_909 : memref<1x1x1x16xi32, #tpu.memory_space<hbm>> -> memref<16xi32, #tpu.memory_space<hbm>>
      %dma_wait3A_911 = arith.constant 0 : i32
      %dma_wait3A_912 = tpu.memref_slice %arg6[%run_scoped3A_901, %run_scoped3A_902, %add3A, %dma_wait3A_911] : memref<4x2x32x16xi32, #tpu.memory_space<hbm>> -> memref<1x1x1x16xi32, #tpu.memory_space<hbm>>
      %dma_wait3A_913 = tpu.memref_squeeze %dma_wait3A_912 : memref<1x1x1x16xi32, #tpu.memory_space<hbm>> -> memref<16xi32, #tpu.memory_space<hbm>>
      tpu.wait_dma2 semaphore(%run_scoped3A_903 : memref<!tpu.dma_semaphore, #tpu.memory_space<semaphore_mem>>) src(%arg13 : memref<16xi32, #tpu.memory_space<vmem>>) dst(%dma_wait3A_913 : memref<16xi32, #tpu.memory_space<hbm>>)
      tpu.yield
    }) : () -> ()
    return
  }
}

</mosaic_0001>

<sc_bundles>
// kernel: _route.3.cloned.1.call-start
scs
__scs_entry_jumppad:
0x0: {  	(pc) =	sbr.rel $0x88, $3  }
0x1: {  	(tag) =	ssettag $0x0;
	lr =	simm.s32 $0x1  }
0x2: {  	[smem:$0x3F9F] =	sst lr;
	_ =	strace $0xD0000000  }
0x3: {  	_ = 	snop  }
0x4: {  	_ = 	snop  }
0x5: {  	_ = 	snop  }
0x6: {  	_ = 	snop  }
0x7: {  	_ = 	snop  }
__scs_overlays_trampoline_lowered:
0x8: {  	[smem:$0x3FAE] =	sst s0  }
0x9: {  	[smem:$0x3FAF] =	sst s1  }
0xa: {  	[smem:$0x3FB0] =	sst s2  }
0xb: {  	[smem:$0x3FB1] =	sst s3  }
0xc: {  	[smem:$0x3FB2] =	sst s4  }
0xd: {  	[smem:$0x3FB3] =	sst s5  }
0xe: {  	[smem:$0x3FB4] =	sst s6  }
0xf: {  	[smem:$0x3FB5] =	sst s7  }
0x10: {  	[smem:$0x3FB6] =	sst s8  }
0x11: {  	[smem:$0x3FB7] =	sst s9;
	s0 =	simm.s32 @!p0 $0x0  }
0x12: {  	s1 =	sld [smem:$0x3F9D];
	s0 =	simm.s32 @p0 $0x1  }
0x13: {  	[smem:$0x3FB8] =	sst s0;
	s0 =	simm.s32 @!p1 $0x0  }
0x14: {  	s2 =	sld [smem:$0x3F9C];
	s0 =	simm.s32 @p1 $0x1  }
0x15: {  	[smem:$0x3FB9] =	sst s0;
	s0 =	simm.s32 @!p2 $0x0  }
0x16: {  	s3 =	sld [smem:$0x3FDB];
	s0 =	simm.s32 @p2 $0x1  }
0x17: {  	s4 =	simm.s32 $0x1BF5;
	[smem:$0x3FBB] =	sst s0  }
0x18: {  	s0 =	sld [smem:$0x3F9E];
	_ =	swait.ge [sflag:s4], $0x0  }
0x19: {  	s7 =	sld [smem:$0x3F9F]  }
0x1a: {  	s8 =	sadd.s32 $0xFFFFE003, lr  }
0x1b: {  	s9 =	sadd.s32 $0xFFFFFEF7, lr;
	s5 =	simm.s32 $0xFFFFFFFF;
	p2 =	slt.u32 s8, $0xFFFFF086  }
0x1c: {  	p1 =	slt.u32 s9, $0xF7A;
	s5 =	simm.s32 @!p2 $0x0  }
0x1d: {  	s5 =	simm.s32 @p1 $0x1;
	p0 =	seq.s32 s7, s2  }
0x1e: {  	s7 =	smul.u32 @!p0 $0xF7A, s2;
	p2 =	seq.s32 @!p0 s5, $0x0  }
0x1f: {  	s9 =	smul.u32 $0xF7A, s1;
	s8 =	simm.s32 @!p0 $0x1BF5;
	p2 =	por !p2, p0  }
0x20: {  	[sflag:s8] =	ssyncset.s32 @!p0 $0xFFFFF086;
	s6 =	sadd.s32 @!p0 s3, s7;
	s7 =	simm.s32 @!p0 $0x108  }
0x21: {  	s3 =	sadd.s32 s3, s9;
	s6 =	sadd.s32 @!p0 $0x88, s6;
	s7 =	simm.s32 @p2 $0x1082  }
0x22: {  	[simem:s7], [sflag:s8] =	dma.local @!p0 [hbm:s6], $0xF7A  }
0x23: {  	s9 =	sor.u32 $0xD0000000, s2;
	s6 =	simm.s32 $0x108;
	_ =	swait.ge @!p0 [sflag:s8], $0x0  }
0x24: {  	s3 =	sadd.s32 $0x88, s3;
	s6 =	simm.s32 @!p1 $0x1082;
	[sflag:s4] =	ssyncset.s32 $0xFFFFF086  }
0x25: {  	[simem:s6], [sflag:s4] =	dma.local [hbm:s3], $0xF7A  }
0x26: {  	[smem:$0x3F9F] =	sst s1;
	(tag) =	ssettag s2;
	_ =	strace s9  }
0x27: {  	s1 =	sld [smem:$0x3FAF]  }
0x28: {  	s2 =	sld [smem:$0x3FB0]  }
0x29: {  	s4 =	sld [smem:$0x3FB2]  }
0x2a: {  	p0 =	seq.s32 s5, $0x0;
	s5 =	sld [smem:$0x3FB3]  }
0x2b: {  	s6 =	sld [smem:$0x3FB4]  }
0x2c: {  	s7 =	sld [smem:$0x3FB5]  }
0x2d: {  	s3 =	simm.s32 $0x108;
	s8 =	sld [smem:$0x3FB6]  }
0x2e: {  	s3 =	simm.s32 @!p0 $0x1082;
	s9 =	sld [smem:$0x3FB7]  }
0x2f: {  	lr =	sadd.s32 s0, s3;
	s0 =	sld [smem:$0x3FAE]  }
0x30: {  	s3 =	sld [smem:$0x3FB1]  }
0x31: {  	[smem:$0x3FBA] =	sst s10  }
0x32: {  	s10 =	sld [smem:$0x3FB8];
	_ =	sdelay $0x3  }
0x33: {  	p0 =	seq.s32 s10, $0x1;
	s10 =	sld [smem:$0x3FBA];
	_ =	sdelay $0x3  }
0x34: {  	[smem:$0x3FBA] =	sst s10  }
0x35: {  	s10 =	sld [smem:$0x3FB9];
	_ =	sdelay $0x3  }
0x36: {  	p1 =	seq.s32 s10, $0x1;
	s10 =	sld [smem:$0x3FBA];
	_ =	sdelay $0x3  }
0x37: {  	[smem:$0x3FBA] =	sst s10  }
0x38: {  	s10 =	sld [smem:$0x3FBB]  }
0x39: {  	_ = 	snop;
	(pc) =	sbr.ind lr, $3  }
0x3a: {  	_ = 	snop  }
0x3b: {  	_ = 	snop  }
0x3c: {  	p2 =	seq.s32 s10, $0x1;
	s10 =	sld [smem:$0x3FBA]  }
0x3d: {  	_ =	shalt  }
0x3e: {  	_ =	shalt  }
0x3f: {  	_ =	shalt  }
0x40: {  	_ =	shalt  }
0x41: {  	_ =	shalt  }
0x42: {  	_ =	shalt  }
0x43: {  	_ =	shalt  }
0x44: {  	_ =	shalt  }
0x45: {  	_ =	shalt  }
0x46: {  	_ =	shalt  }
0x47: {  	_ =	shalt  }
0x48: {  	_ =	shalt  }
0x49: {  	_ =	shalt  }
0x4a: {  	_ =	shalt  }
0x4b: {  	_ =	shalt  }
0x4c: {  	_ =	shalt  }
0x4d: {  	_ =	shalt  }
0x4e: {  	_ =	shalt  }
0x4f: {  	_ =	shalt  }
0x50: {  	_ =	shalt  }
0x51: {  	_ =	shalt  }
0x52: {  	_ =	shalt  }
0x53: {  	_ =	shalt  }
0x54: {  	_ =	shalt  }
0x55: {  	_ =	shalt  }
0x56: {  	_ =	shalt  }
0x57: {  	_ =	shalt  }
0x58: {  	_ =	shalt  }
0x59: {  	_ =	shalt  }
0x5a: {  	_ =	shalt  }
0x5b: {  	_ =	shalt  }
0x5c: {  	_ =	shalt  }
0x5d: {  	_ =	shalt  }
0x5e: {  	_ =	shalt  }
0x5f: {  	_ =	shalt  }
0x60: {  	_ =	shalt  }
0x61: {  	_ =	shalt  }
0x62: {  	_ =	shalt  }
0x63: {  	_ =	shalt  }
0x64: {  	_ =	shalt  }
0x65: {  	_ =	shalt  }
0x66: {  	_ =	shalt  }
0x67: {  	_ =	shalt  }
0x68: {  	_ =	shalt  }
0x69: {  	_ =	shalt  }
0x6a: {  	_ =	shalt  }
0x6b: {  	_ =	shalt  }
0x6c: {  	_ =	shalt  }
0x6d: {  	_ =	shalt  }
0x6e: {  	_ =	shalt  }
0x6f: {  	_ =	shalt  }
0x70: {  	_ =	shalt  }
0x71: {  	_ =	shalt  }
0x72: {  	_ =	shalt  }
0x73: {  	_ =	shalt  }
0x74: {  	_ =	shalt  }
0x75: {  	_ =	shalt  }
0x76: {  	_ =	shalt  }
0x77: {  	_ =	shalt  }
0x78: {  	_ =	shalt  }
0x79: {  	_ =	shalt  }
0x7a: {  	_ =	shalt  }
0x7b: {  	_ =	shalt  }
0x7c: {  	_ =	shalt  }
0x7d: {  	_ =	shalt  }
0x7e: {  	_ =	shalt  }
0x7f: {  	_ =	shalt  }
0x80: {  	_ =	shalt  }
0x81: {  	_ =	shalt  }
0x82: {  	_ =	shalt  }
0x83: {  	_ =	shalt  }
0x84: {  	_ =	shalt  }
0x85: {  	_ =	shalt  }
0x86: {  	_ =	shalt  }
0x87: {  	_ =	shalt  }
.Lfunc_end0:
.L_simem_size_0:
called_computation_lowered:
.L_overlay_start_0:
0x88: {  	s2 =	sld [smem:$0x3FD9]  }
0x89: {  	s3 =	sld [smem:$0x3FFE];
	_ =	sdelay $0x1  }
0x8a: {  	s1 =	srdreg.scid  }
0x8b: {  	s0 =	sand.u32 $0x1, s1  }
0x8c: {  	s14 =	sshll.u32 s0, $0xA;
	s2 =	sadd.s32 s3, s2  }
0x8d: {  	s2 =	sadd.s32 s2, s14  }
0x8e: {  	[smem:$0x3FC6] =	sst s2  }
0x8f: {  	_ = 	snop  }
0x90: {  	s2 =	sld [smem:$0x3FD0];
	_ =	sdelay $0x2  }
0x91: {  	s15 =	simm.s32 $0xA;
	s4 =	simm.s32 $0x10  }
0x92: {  	[smem:s4], [sflag:s15] =	dma.local [hbm:s2], $0x1  }
0x93: {  	_ =	swait.eq [sflag:s15], $0x1  }
0x94: {  	s16 =	sld [smem:$0x10];
	[sflag:s15] =	ssyncset.done $0x0  }
0x95: {  	s17 =	sld [smem:$0x11];
	[sflag:s15] =	ssyncadd.s32 $0xFFFFFFFF  }
0x96: {  	s18 =	sld [smem:$0x12];
	(tm) =	ssettm $0x1  }
0x97: {  	s5 =	sld [smem:$0x3FFB];
	_ =	sdelay $0x3  }
0x98: {  	_ =	strace s5  }
0x99: {  	s5 =	sld [smem:$0x3FFC];
	_ =	sdelay $0x3  }
0x9a: {  	_ =	strace s5  }
0x9b: {  	s5 =	sld [smem:$0x3FFD];
	_ =	sdelay $0x3  }
0x9c: {  	_ =	strace s5  }
0x9d: {  	_ =	strace $0x8FFFFFFF  }
0x9e: {  	s19 =	sld [smem:$0x3FDB];
	_ =	sdelay $0x1  }
0x9f: {  	s6 =	simm.s32 $_scs_section_size  }
0xa0: {  	s7 =	simm.s32 $_size__tile_overlayer_lowered;
	s8 =	simm.s32 $_tile_overlayer_lowered  }
0xa1: {  	s22 =	simm.s32 $0x1BFF;
	s21 =	sshll.u32 s8, $0x1;
	s5 =	sadd.s32 s6, s19  }
0xa2: {  	s9 =	simm.s32 $0x0;
	s20 =	sshll.u32 s7, $0x1;
	s7 =	sadd.s32 s21, s5  }
0xa3: {  	[timem:s9], [sflag:s22] =	dma.local [hbm:s7], s20  }
0xa4: {  	_ =	swait.ge [sflag:s22], s20  }
0xa5: {  	s6 =	ssub.s32 $0x0, s20;
	[sflag:s22] =	ssyncset.done $0x0  }
0xa6: {  	[sflag:s22] =	ssyncadd.s32 s6;
	_ =	sdelay $0x1  }
0xa7: {  	s23 =	simm.s32 $0x1B8B  }
0xa8: {  	_ =	swait.ge [sflag:s23], $0x1  }
0xa9: {  	[sflag:s23] =	ssyncset.done $0x0  }
0xaa: {  	s25 =	simm.s32 $0x1B8E;
	s24 =	sld [smem:$0x3FFE];
	[sflag:s23] =	ssyncadd.s32 $0xFFFFFFFF  }
0xab: {  	s26 =	simm.s32 $execute0_lowered;
	[smem:$0x3FD2] =	sst s25  }
0xac: {  	s7 =	sshll.u32 s26, $0x1;
	_ =	strace $0x80000046;
	[dreg:$0x1] =	wrdreg $0xFFFFFFFF  }
0xad: {  	s28 =	simm.s32 $_size_execute0_lowered;
	s5 =	sadd.s32 s5, s7;
	[dreg:$0x0] =	wrdreg $0x0  }
0xae: {  	s7 =	sshll.u32 s28, $0x1;
	[dreg:$0x2] =	wrdreg s5  }
0xaf: {  	[dreg:$0x3] =	wrdreg s7  }
0xb0: {  	[dreg:$0x4] =	wrdreg $0xC0  }
0xb1: {  	_ =	task [dreg:s9], $0x5FFFF  }
0xb2: {  	[dreg:$0x1] =	wrdreg $0xFFFFFFFF  }
0xb3: {  	[dreg:$0x0] =	wrdreg $0x60  }
0xb4: {  	[dreg:$0x2] =	wrdreg s16  }
0xb5: {  	[dreg:$0x3] =	wrdreg s24  }
0xb6: {  	[dreg:$0x4] =	wrdreg s17  }
0xb7: {  	[dreg:$0x5] =	wrdreg s18  }
0xb8: {  	[dreg:$0x6] =	wrdreg $0x9  }
0xb9: {  	_ =	task.clear_ibuf [dreg:s9], $0x7FFFF;
	_ =	strace $0x90000046  }
0xba: {  	s29 =	simm.s32 $0x9;
	_ =	strace $0x80000048  }
0xbb: {  	_ =	swait.ge [sflag:s29], $0x1  }
0xbc: {  	[sflag:s29] =	ssyncadd.s32 $0xFFFFFFFF  }
0xbd: {  	_ =	strace $0x90000048  }
0xbe: {  	_ =	sfence  }
0xbf: {  	s30 =	sld [smem:$0x0];
	_ =	sdelay $0x2  }
0xc0: {  	s31 =	sshll.u32 s1, $0xD;
	s1 =	sshrl.u32 s1, $0x2  }
0xc1: {  	s3 =	sand.u32 $0x4000, s31;
	s1 =	sadd.s32 s1, s30  }
0xc2: {  	s0 =	sor.u32 s3, s0;
	s1 =	sshll.u32 s1, $0x11  }
0xc3: {  	s0 =	sor.u32 s1, s0  }
0xc4: {  	s0 =	sadd.s32 $0x8F2B, s0  }
0xc5: {  	[sflag:s0] =	ssyncadd.remote.s32 $0x1  }
0xc6: {  	_ =	sfence.sel $0xFFFF  }
0xc7: {  	[dreg:$0x0] =	wrdreg $0xFFFFFFFF;
	(pc) =	sbr.abs _section_cstart, $3  }
0xc8: {  	[dreg:$0x1] =	wrdreg $0xFFFFFFFF  }
0xc9: {  	_ =	task.clear_ibuf [dreg:s9], $0x2FFFF;
	_ =	strace $0x9FFFFFFF  }
0xca: {  	(tm) =	ssettm $0x7FFFFFFF  }
0xcb: {  	_ =	shalt  }
tec
execute0_lowered:
.L_overlay_start_1:
0x0: {  	(tag) =	ssettag $0x1  }
0x1: {  	s0 =	rddreg [dreg:$0x0]  }
0x2: {  	s2 =	rddreg [dreg:$0x1]  }
0x3: {  	s1 =	srdreg.scid;
	s3 =	rddreg [dreg:$0x2]  }
0x4: {  	s11 =	stileid.u32;
	s5 =	rddreg [dreg:$0x3]  }
0x5: {  	s12 =	simm.s32 $0x0;
	s29 =	simm.s32 $0x19C0;
	s1 =	sand.u32 $0x1, s1  }
0x6: {  	[smem:$0x7FF] =	sst s12;
	s8 =	sadd.s32 $0xC00, s2;
	s10 =	smul.u32 $0x500, s11  }
0x7: {  	s4 =	sshll.u32 s1, $0x4;
	s6 =	ssub.s32 $0x2, s1;
	s1 =	smul.u32 $0x5000, s1  }
0x8: {  	s2 =	sadd.s32 $0x5C00, s2;
	s4 =	sor.u32 s11, s4;
	s9 =	sshrl.u32 s6, $0x1  }
0x9: {  	s7 =	smul.u32 $0x500, s4;
	s4 =	sshll.u32 s4, $0x1;
	s1 =	sadd.s32 s10, s1  }
0xa: {  	s6 =	ssub.s32 s6, s9;
	s13 =	sadd.s32 s5, s4;
	s14 =	sadd.s32 $0xA000, s1  }
0xb: {  	s18 =	sshrl.u32 s1, $0x3;
	s19 =	sadd.s32 $0x1E000, s1;
	s21 =	sadd.s32 $0x14000, s1  }
0xc: {  	s5 =	smax.u32 s6, $0x1;
	s6 =	sadd.s32 $0x1388, s11;
	s7 =	sshrl.u32 s7, $0x3  }
0xd: {  	s16 =	sshrl.u32 s14, $0x3;
	s14 =	sadd.s32 s18, s2;
	s23 =	sadd.s32 s0, s7  }
0xe: {  	s20 =	sshrl.u32 s19, $0x3;
	s24 =	sadd.s32 s8, s7;
	[dreg:$0x6] =	wrdreg s23  }
0xf: {  	s25 =	sadd.s32 $0x1400, s7;
	s17 =	sadd.s32 s16, s2;
	[dreg:$0x7] =	wrdreg s24  }
0x10: {  	s22 =	sshrl.u32 s21, $0x3;
	s26 =	sadd.s32 s0, s25;
	[dreg:$0x5] =	wrdreg s17  }
0x11: {  	s30 =	sadd.s32 $0x2800, s7;
	s31 =	sadd.s32 s8, s25;
	[dreg:$0x9] =	wrdreg s26  }
0x12: {  	s11 =	sadd.s32 $0x100, s13;
	s9 =	sadd.s32 s0, s30;
	[dreg:$0xa] =	wrdreg s31  }
0x13: {  	s10 =	sadd.s32 $0x3C00, s7;
	s4 =	sadd.s32 s8, s30;
	[dreg:$0xb] =	wrdreg s9  }
0x14: {  	s7 =	sadd.s32 s16, s3;
	s0 =	sadd.s32 s0, s10;
	[dreg:$0xc] =	wrdreg s4  }
0x15: {  	s16 =	sadd.s32 s20, s2;
	s15 =	sadd.s32 s8, s10;
	[dreg:$0xd] =	wrdreg s0  }
0x16: {  	s19 =	sadd.s32 s22, s3;
	s24 =	sadd.s32 s22, s2;
	[dreg:$0xe] =	wrdreg s15  }
0x17: {  	s17 =	sadd.s32 s20, s3;
	s23 =	sadd.s32 $0x32000, s1;
	[dreg:$0x13] =	wrdreg s24  }
0x18: {  	s8 =	sadd.s32 $0x40, s13;
	_ =	strace $0x80000047;
	[dreg:$0x15] =	wrdreg s5  }
0x19: {  	s25 =	sadd.s32 $0x28000, s1;
	s9 =	sadd.s32 $0x80, s13;
	[dreg:$0x16] =	wrdreg s8  }
0x1a: {  	s30 =	sadd.s32 $0x46000, s1;
	s10 =	sadd.s32 $0xC0, s13;
	[dreg:$0x17] =	wrdreg s9  }
0x1b: {  	s1 =	sadd.s32 $0x3C000, s1;
	s15 =	sadd.s32 s18, s3;
	[dreg:$0x18] =	wrdreg s10  }
0x1c: {  	s4 =	sshrl.u32 s23, $0x3;
	s23 =	sadd.s32 $0x140, s13;
	[dreg:$0x19] =	wrdreg s11  }
0x1d: {  	s31 =	sshrl.u32 s30, $0x3;
	s30 =	sadd.s32 $0x180, s13;
	[dreg:$0x1a] =	wrdreg s23  }
0x1e: {  	s26 =	sshrl.u32 s25, $0x3;
	s18 =	sadd.s32 s4, s2;
	[dreg:$0x1b] =	wrdreg s30  }
0x1f: {  	s20 =	sadd.s32 s4, s3;
	s21 =	sadd.s32 s26, s2;
	[dreg:$0x8] =	wrdreg s13  }
0x20: {  	s22 =	sadd.s32 s26, s3;
	s24 =	sadd.s32 s31, s2;
	[dreg:$0xf] =	wrdreg s7  }
0x21: {  	s25 =	sadd.s32 s31, s3;
	s4 =	sshrl.u32 s1, $0x3;
	[dreg:$0x10] =	wrdreg s14  }
0x22: {  	s31 =	sadd.s32 $0x1C0, s13;
	s1 =	simm.s32 $0x1;
	[dreg:$0x11] =	wrdreg s16  }
0x23: {  	s8 =	simm.s32 $0xA00;
	s9 =	simm.s32 $0xF40;
	[dreg:$0x12] =	wrdreg s17  }
0x24: {  	s10 =	simm.s32 $0x1480;
	s26 =	sadd.s32 s4, s2;
	[dreg:$0x1c] =	wrdreg s31  }
0x25: {  	v1 =	vimm.s32 $0x0;
	v0 =	vmov s6;
	s28 =	sadd.s32 s4, s3;
	s2 =	simm.s32 $0x0;
	[dreg:$0x14] =	wrdreg s18  }
.LBB2_1:
0x26: {  	[dreg:$0x1d] =	wrdreg s2  }
0x27: {  	s0 =	rddreg [dreg:$0x6]  }
0x28: {  	[tilespmem:s12], [sflag:$0x1] =	stream.linear.gather [hbm4b:s0+s12], $0x500, $0x38;
	[tilespmem:$0x1F10] =	vst v63  }
0x29: {  	_ =	swait.ge [sflag:s1], $0x500  }
0x2a: {  	[sflag:s1] =	ssyncset.done $0x0  }
0x2b: {  	s18 =	simm.s32 $0x500;
	s17 =	rddreg [dreg:$0x7];
	[sflag:s1] =	ssyncadd.s32 $0xFFFFFB00  }
0x2c: {  	[tilespmem:s18], [sflag:$0x1] =	stream.linear.gather [hbm4b:s17+s12], $0x500, $0x38;
	[tilespmem:$0x1F10] =	vst v63  }
0x2d: {  	_ =	swait.ge [sflag:s1], $0x500  }
0x2e: {  	[sflag:s1] =	ssyncset.done $0x0  }
0x2f: {  	s23 =	simm.s32 $0x0;
	[sflag:s1] =	ssyncadd.s32 $0xFFFFFB00  }
0x30: {  	v2 =	vld [tilespmem:s23+$0x500];
	_ =	sdelay $0x4  }
0x31: {  	vm0 =	vlt.s32 v2, $0x1388  }
0x32: {  	v3 =	vadd.s32 $0xFFFFEC78, v2;
	v4 =	vsel vm0, $0x1, v1  }
0x33: {  	vm1 =	vlt.u32 v3, $0x1388;
	(xrf0) =	vadd.scan.msk.s32 $0xffff, v4  }
0x34: {  	v5 =	vsel vm1, $0x1, v1  }
0x35: {  	(xrf0) =	vadd.scan.msk.s32 $0xffff, v5;
	_ =	sdelay $0x3  }
0x36: {  	v4, _, _ =	vpop (xrf0)  }
0x37: {  	v5 =	vxor.u32 $0x80000000, v4  }
0x38: {  	v6, _, _ =	vpop (xrf0);
	(xrf0) =	vmax.scan.msk.u32 $0xffff, v5;
	v5 =	vmov s12  }
0x39: {  	v7 =	vxor.u32 $0x80000000, v6;
	v5 =	vadd.s32 $0xFFFFFFFF, v5  }
0x3a: {  	(xrf0) =	vmax.scan.msk.u32 $0xffff, v7;
	v5 =	vbroadcast v5, $0x0;
	_ =	sdelay $0x1  }
0x3b: {  	v4 =	vadd.s32 v4, v5  }
0x3c: {  	vm2 =	vgt.s32 v4, $0x0  }
0x3d: {  	v62 =	vld [tilespmem:s23+$0x0];
	v5 =	vadd.s32 v6, v5;
	v4 =	vnsel vm2, $0x0, v4  }
0x3e: {  	v61, _, _ =	vpop (xrf0);
	vm2 =	vgt.s32 v5, $0x0  }
0x3f: {  	(v2sf) =	vpush v61, $0xF;
	v63, _, _ =	vpop (xrf0);
	v5 =	vnsel vm2, $0x0, v5  }
0x40: {  	(v2sf) =	vpush v63, $0xF;
	_ =	sdelay $0x1  }
0x41: {  	[tilespmem:v4+s8+$0x0] =	vst.idx.msk vm0, v62  }
0x42: {  	[tilespmem:v4+s9+$0x0] =	vst.idx.msk vm0, v2  }
0x43: {  	[tilespmem:v5+s10+$0x0] =	vst.idx.msk vm1, v62  }
0x44: {  	s23 =	simm.s32 $0x10;
	[tilespmem:v5+s29+$0x0] =	vst.idx.msk vm1, v3  }
0x45: {  	v2 =	vld [tilespmem:s23+$0x500];
	_ =	sdelay $0x4  }
0x46: {  	vm1 =	vlt.s32 v2, $0x1388;
	v3 =	vadd.s32 $0xFFFFEC78, v2  }
0x47: {  	vm0 =	vlt.u32 v3, $0x1388;
	v4 =	vsel vm1, $0x1, v1  }
0x48: {  	v5 =	vsel vm0, $0x1, v1;
	(xrf0) =	vadd.scan.msk.s32 $0xffff, v4  }
0x49: {  	s30 =	spop (v2sf);
	(xrf0) =	vadd.scan.msk.s32 $0xffff, v5  }
0x4a: {  	s0 =	sadd.s32 $0x0, s30;
	s31 =	spop (v2sf)  }
0x4b: {  	s2 =	simm.s32 $0x80;
	s0 =	sadd.s32 $0x80000000, s0;
	s1 =	sadd.s32 $0x0, s31  }
.LBB2_2:
0x4c: {  	p0 =	sne.s32 s2, $0x13C0  }
0x4d: {  	s3 =	sadd.s32 $0x80000000, s1;
	s1 =	smov.u32 s2;
	s2 =	sadd.s32 $0x40, s2  }
0x4e: {  	v4 =	vmov s0;
	v5 =	vmov s3;
	v6, _, _ =	vpop (xrf0)  }
0x4f: {  	v4 =	vadd.s32 $0xFFFFFFFF, v4;
	v5 =	vadd.s32 $0xFFFFFFFF, v5;
	v7 =	vxor.u32 $0x80000000, v6;
	v8, _, _ =	vpop (xrf0)  }
0x50: {  	v4 =	vbroadcast v4, $0x0;
	v5 =	vbroadcast v5, $0x0;
	v9 =	vxor.u32 $0x80000000, v8;
	(xrf0) =	vmax.scan.msk.u32 $0xffff, v7  }
0x51: {  	(xrf0) =	vmax.scan.msk.u32 $0xffff, v9  }
0x52: {  	v4 =	vadd.s32 v6, v4;
	v5 =	vadd.s32 v8, v5  }
0x53: {  	vm2 =	vgt.s32 v4, $0x0;
	vm3 =	vgt.s32 v5, $0x0  }
0x54: {  	v4 =	vnsel vm2, $0x0, v4;
	v6 =	vld [tilespmem:s23+$0x0];
	_ =	sdelay $0x1  }
0x55: {  	v5 =	vnsel vm3, $0x0, v5;
	v7, _, _ =	vpop (xrf0)  }
0x56: {  	(v2sf) =	vpush v7, $0xF;
	v7, _, _ =	vpop (xrf0)  }
0x57: {  	(v2sf) =	vpush v7, $0xF  }
0x58: {  	[tilespmem:v4+s8+$0x0] =	vst.idx.msk vm1, v6  }
0x59: {  	[tilespmem:v4+s9+$0x0] =	vst.idx.msk vm1, v2  }
0x5a: {  	[tilespmem:v5+s10+$0x0] =	vst.idx.msk vm0, v6  }
0x5b: {  	s23 =	sshra.s32 s1, $0x2;
	[tilespmem:v5+s29+$0x0] =	vst.idx.msk vm0, v3  }
0x5c: {  	v2 =	vld [tilespmem:s23+$0x500];
	_ =	sdelay $0x4  }
0x5d: {  	vm1 =	vlt.s32 v2, $0x1388;
	v3 =	vadd.s32 $0xFFFFEC78, v2  }
0x5e: {  	vm0 =	vlt.u32 v3, $0x1388;
	v4 =	vsel vm1, $0x1, v1  }
.Ltmp0:
0x5f: {  	v5 =	vsel vm0, $0x1, v1;
	(xrf0) =	vadd.scan.msk.s32 $0xffff, v4;
	(pc) =	sbr.rel @p0 .LBB2_2-.Ltmp0, $4  }
0x60: {  	(xrf0) =	vadd.scan.msk.s32 $0xffff, v5  }
0x61: {  	s1 =	spop (v2sf)  }
0x62: {  	s0 =	sadd.s32 s1, s0;
	s1 =	spop (v2sf)  }
0x63: {  	s0 =	sadd.s32 $0x80000000, s0;
	s1 =	sadd.s32 s1, s3  }
0x64: {  	_ = 	snop  }
0x65: {  	v4, _, _ =	vpop (xrf0)  }
0x66: {  	v5 =	vxor.u32 $0x80000000, v4  }
0x67: {  	v6, _, _ =	vpop (xrf0);
	(xrf0) =	vmax.scan.msk.u32 $0xffff, v5  }
0x68: {  	v58 =	vxor.u32 $0x80000000, v6  }
0x69: {  	(xrf0) =	vmax.scan.msk.u32 $0xffff, v58;
	_ =	sdelay $0x3  }
0x6a: {  	v59, _, _ =	vpop (xrf0)  }
0x6b: {  	(v2sf) =	vpush v59, $0xF  }
0x6c: {  	v60, _, _ =	vpop (xrf0)  }
0x6d: {  	(v2sf) =	vpush v60, $0xF  }
0x6e: {  	v61 =	vmov s0  }
0x6f: {  	s1 =	sadd.s32 $0x80000000, s1;
	v5 =	vadd.s32 $0xFFFFFFFF, v61  }
0x70: {  	v7 =	vmov s1;
	v5 =	vbroadcast v5, $0x0  }
0x71: {  	v7 =	vadd.s32 $0xFFFFFFFF, v7  }
0x72: {  	v7 =	vbroadcast v7, $0x0;
	v4 =	vadd.s32 v4, v5  }
0x73: {  	vm2 =	vgt.s32 v4, $0x0  }
0x74: {  	v63 =	vld [tilespmem:s23+$0x0];
	v62 =	vadd.s32 v6, v7;
	v4 =	vnsel vm2, $0x0, v4  }
0x75: {  	vm15 =	vgt.s32 v62, $0x0  }
0x76: {  	v5 =	vnsel vm15, $0x0, v62;
	_ =	sdelay $0x2  }
0x77: {  	[tilespmem:v4+s8+$0x0] =	vst.idx.msk vm1, v63  }
0x78: {  	[tilespmem:v4+s9+$0x0] =	vst.idx.msk vm1, v2;
	s2 =	spop (v2sf)  }
0x79: {  	[tilespmem:v5+s10+$0x0] =	vst.idx.msk vm0, v63;
	s5 =	sadd.s32 s2, s0  }
0x7a: {  	[tilespmem:v5+s29+$0x0] =	vst.idx.msk vm0, v3;
	s6 =	spop (v2sf);
	s0 =	sadd.s32 $0x80000000, s5  }
0x7b: {  	s1 =	sadd.s32 s6, s1;
	[tilespmem:s0+$0xA00] =	vst v1  }
0x7c: {  	s1 =	sadd.s32 $0x80000000, s1;
	[tilespmem:s0+$0xF40] =	vst v0  }
0x7d: {  	[tilespmem:s1+$0x1480] =	vst v1  }
0x7e: {  	[tilespmem:s1+$0x19C0] =	vst v0  }
0x7f: {  	[tilespmem:s0+$0xA10] =	vst v1  }
0x80: {  	s11 =	sadd.s32 $0x3F, s0;
	[tilespmem:s0+$0xF50] =	vst v0  }
0x81: {  	s30 =	simm.s32 $0x10;
	s3 =	sand.u32 $0x3F, s11;
	s4 =	sshra.s32 s11, $0x1F;
	[tilespmem:s1+$0x1490] =	vst v1  }
0x82: {  	p0 =	slt.s32 s11, $0x1;
	s13 =	sadd.s32 $0x3F, s1;
	p1 =	sne.s32 s3, $0x0;
	[tilespmem:s1+$0x19D0] =	vst v0  }
0x83: {  	s12 =	sshrl.u32 s4, $0x1A;
	s3 =	simm.s32 $0x1;
	s16 =	sshra.s32 s13, $0x1F;
	[tilespmem:s0+$0xA20] =	vst v1  }
0x84: {  	s5 =	sand.u32 $0x3F, s13;
	p5 =	slt.s32 s13, $0x1;
	p0 =	por !p0, !p1;
	[tilespmem:s0+$0xF60] =	vst v0  }
0x85: {  	s2 =	sadd.s32 s12, s11;
	p6 =	sne.s32 s5, $0x0;
	p0 =	por !p0, !p0;
	[tilespmem:s1+$0x14A0] =	vst v1  }
0x86: {  	s2 =	sshrl.u32 s2, $0x6;
	s3 =	simm.s32 @!p0 $0x0;
	[tilespmem:s1+$0x19E0] =	vst v0;
	p0 =	por !p5, !p6  }
0x87: {  	s2 =	ssub.s32 s2, s3;
	s3 =	sshrl.u32 s16, $0x1A;
	[tilespmem:s0+$0xA30] =	vst v1;
	p0 =	por !p0, !p0  }
0x88: {  	[tilespmem:s0+$0xF70] =	vst v0;
	s16 =	smov.u32 s7;
	s23 =	sshll.u32 s2, $0x6;
	s17 =	sadd.s32 s3, s13  }
0x89: {  	s2 =	simm.s32 $0x1;
	[tilespmem:s1+$0x14B0] =	vst v1;
	s3 =	simm.s32 $0xA00;
	p1 =	sle.s32 s23, $0x0  }
0x8a: {  	[tilespmem:s1+$0x19F0] =	vst v0;
	s1 =	sadd.s32 @!p1 $0x0, s15;
	s4 =	simm.s32 @!p1 $0x0;
	s5 =	simm.s32 @!p1 $0x2  }
0x8b: {  	[hbm4b:s1+s4] =	stream.linear.scatter @!p1 [tilespmem:s3], [sflag:$0x2], $0x40, $0x38;
	[tilespmem:$0x1F10] =	vst v63  }
0x8c: {  	s18 =	sshrl.u32 s17, $0x6;
	s2 =	simm.s32 @!p0 $0x0;
	_ =	swait.ge @!p1 [sflag:s5], $0x40  }
0x8d: {  	s0 =	ssub.s32 s18, s2;
	s2 =	sadd.s32 @!p1 $0x0, s14;
	[sflag:s5] =	ssyncset.done @!p1 $0x0  }
0x8e: {  	s0 =	sshll.u32 s0, $0x6;
	s1 =	simm.s32 $0xF40;
	[sflag:s5] =	ssyncadd.s32 @!p1 $0xFFFFFFC0  }
0x8f: {  	[hbm4b:s2+s4] =	stream.linear.scatter @!p1 [tilespmem:s1], [sflag:$0x2], $0x40, $0x38;
	[tilespmem:$0x1F10] =	vst v63  }
0x90: {  	s13 =	smov.u32 s15;
	p0 =	sle.s32 s0, $0x0;
	_ =	swait.ge @!p1 [sflag:s5], $0x40  }
0x91: {  	s3 =	simm.s32 @!p0 $0x0;
	s1 =	simm.s32 $0x1480;
	[sflag:s5] =	ssyncset.done @!p1 $0x0  }
0x92: {  	s2 =	sadd.s32 @!p0 $0x0, s7;
	s4 =	simm.s32 @!p0 $0x2;
	[sflag:s5] =	ssyncadd.s32 @!p1 $0xFFFFFFC0  }
0x93: {  	[hbm4b:s2+s3] =	stream.linear.scatter @!p0 [tilespmem:s1], [sflag:$0x2], $0x40, $0x38;
	[tilespmem:$0x1F10] =	vst v63  }
0x94: {  	s17 =	smov.u32 s14;
	s31 =	simm.s32 @!p0 $0x1;
	_ =	swait.ge @!p0 [sflag:s4], $0x40  }
0x95: {  	s5 =	simm.s32 $0xF80;
	[sflag:s4] =	ssyncset.done @!p0 $0x0;
	s6 =	rddreg [dreg:$0x5]  }
0x96: {  	s1 =	simm.s32 $0x19C0;
	s7 =	sadd.s32 @!p0 $0x0, s6;
	[sflag:s4] =	ssyncadd.s32 @!p0 $0xFFFFFFC0  }
0x97: {  	[hbm4b:s7+s3] =	stream.linear.scatter @!p0 [tilespmem:s1], [sflag:$0x1], $0x40, $0x38;
	[tilespmem:$0x1F10] =	vst v63  }
0x98: {  	s2 =	simm.s32 $0x8;
	s4 =	simm.s32 $0x14C0;
	s1 =	simm.s32 $0xA40  }
0x99: {  	s3 =	simm.s32 $0x1A00;
	s7 =	simm.s32 $0x40;
	_ =	swait.ge @!p0 [sflag:s31], $0x40  }
.LBB2_4:
0x9a: {  	p2 =	sge.s32 s7, s23;
	s6 =	smov.u32 s2  }
0x9b: {  	[sflag:s31] =	ssyncset.done @!p0 $0x0;
	s12 =	sadd.s32 @!p2 s6, s13  }
0x9c: {  	s13 =	simm.s32 @!p2 $0x0;
	s14 =	simm.s32 @!p2 $0x2;
	[sflag:s31] =	ssyncadd.s32 @!p0 $0xFFFFFFC0  }
0x9d: {  	[hbm4b:s12+s13] =	stream.linear.scatter @!p2 [tilespmem:s1], [sflag:$0x2], $0x40, $0x38;
	[tilespmem:$0x1F10] =	vst v63  }
0x9e: {  	s2 =	smov.u32 s30;
	_ =	swait.ge @!p2 [sflag:s14], $0x40  }
0x9f: {  	s30 =	sadd.s32 $0x8, s30;
	s11 =	smov.u32 s3;
	[sflag:s14] =	ssyncset.done @!p2 $0x0  }
0xa0: {  	s3 =	sadd.s32 $0x40, s3;
	s12 =	sadd.s32 @!p2 s6, s17;
	[sflag:s14] =	ssyncadd.s32 @!p2 $0xFFFFFFC0  }
0xa1: {  	[hbm4b:s12+s13] =	stream.linear.scatter @!p2 [tilespmem:s5], [sflag:$0x2], $0x40, $0x38;
	[tilespmem:$0x1F10] =	vst v63  }
0xa2: {  	p1 =	sne.s32 s30, $0xA0;
	p0 =	sge.s32 s7, s0;
	_ =	swait.ge @!p2 [sflag:s14], $0x40  }
0xa3: {  	s7 =	sadd.s32 $0x40, s7;
	s12 =	sadd.s32 @!p0 s6, s16;
	[sflag:s14] =	ssyncset.done @!p2 $0x0  }
0xa4: {  	s13 =	simm.s32 @!p0 $0x0;
	[sflag:s14] =	ssyncadd.s32 @!p2 $0xFFFFFFC0;
	s14 =	simm.s32 @!p0 $0x2  }
0xa5: {  	[hbm4b:s12+s13] =	stream.linear.scatter @!p0 [tilespmem:s4], [sflag:$0x2], $0x40, $0x38;
	[tilespmem:$0x1F10] =	vst v63  }
.Ltmp1:
0xa6: {  	s12 =	rddreg [dreg:$0x5];
	_ =	swait.ge @!p0 [sflag:s14], $0x40;
	(pc) =	sbr.rel @p1 .LBB2_4-.Ltmp1, $4  }
0xa7: {  	s1 =	sadd.s32 $0x40, s1;
	s31 =	simm.s32 @!p0 $0x1;
	[sflag:s14] =	ssyncset.done @!p0 $0x0  }
0xa8: {  	s5 =	sadd.s32 $0x40, s5;
	s6 =	sadd.s32 @!p0 s6, s12;
	[sflag:s14] =	ssyncadd.s32 @!p0 $0xFFFFFFC0  }
0xa9: {  	[hbm4b:s6+s13] =	stream.linear.scatter @!p0 [tilespmem:s11], [sflag:$0x1], $0x40, $0x38;
	[tilespmem:$0x1F10] =	vst v63  }
0xaa: {  	s4 =	sadd.s32 $0x40, s4;
	s13 =	smov.u32 s15;
	_ =	swait.ge @!p0 [sflag:s31], $0x40  }
0xab: {  	p1 =	sge.s32 s7, s23;
	[sflag:s31] =	ssyncset.done @!p0 $0x0  }
0xac: {  	s6 =	sadd.s32 @!p1 s2, s13;
	[sflag:s31] =	ssyncadd.s32 @!p0 $0xFFFFFFC0;
	s11 =	simm.s32 @!p1 $0x0  }
0xad: {  	[hbm4b:s6+s11] =	stream.linear.scatter @!p1 [tilespmem:s1], [sflag:$0x2], $0x40, $0x38;
	[tilespmem:$0x1F10] =	vst v63  }
0xae: {  	s1 =	simm.s32 @!p1 $0x2  }
0xaf: {  	_ =	swait.ge @!p1 [sflag:s1], $0x40  }
0xb0: {  	[sflag:s1] =	ssyncset.done @!p1 $0x0  }
0xb1: {  	s6 =	sadd.s32 @!p1 s2, s17;
	[sflag:s1] =	ssyncadd.s32 @!p1 $0xFFFFFFC0  }
0xb2: {  	[hbm4b:s6+s11] =	stream.linear.scatter @!p1 [tilespmem:s5], [sflag:$0x2], $0x40, $0x38;
	[tilespmem:$0x1F10] =	vst v63  }
0xb3: {  	_ =	swait.ge @!p1 [sflag:s1], $0x40  }
0xb4: {  	p0 =	sge.s32 s7, s0;
	[sflag:s1] =	ssyncset.done @!p1 $0x0  }
0xb5: {  	s5 =	sadd.s32 @!p0 s2, s16;
	[sflag:s1] =	ssyncadd.s32 @!p1 $0xFFFFFFC0;
	s1 =	simm.s32 @!p0 $0x0  }
0xb6: {  	[hbm4b:s5+s1] =	stream.linear.scatter @!p0 [tilespmem:s4], [sflag:$0x2], $0x40, $0x38;
	[tilespmem:$0x1F10] =	vst v63  }
0xb7: {  	s4 =	simm.s32 @!p0 $0x2  }
0xb8: {  	_ =	swait.ge @!p0 [sflag:s4], $0x40  }
0xb9: {  	[sflag:s4] =	ssyncset.done @!p0 $0x0  }
0xba: {  	s2 =	sadd.s32 @!p0 s2, s12;
	[sflag:s4] =	ssyncadd.s32 @!p0 $0xFFFFFFC0  }
0xbb: {  	[hbm4b:s2+s1] =	stream.linear.scatter @!p0 [tilespmem:s3], [sflag:$0x1], $0x40, $0x38;
	[tilespmem:$0x1F10] =	vst v63  }
0xbc: {  	s1 =	simm.s32 @!p0 $0x1  }
0xbd: {  	_ =	swait.ge @!p0 [sflag:s1], $0x40  }
0xbe: {  	[sflag:s1] =	ssyncset.done @!p0 $0x0  }
0xbf: {  	v2 =	vmov s23;
	s7 =	simm.s32 $0x0;
	[sflag:s1] =	ssyncadd.s32 @!p0 $0xFFFFFFC0  }
0xc0: {  	s13 =	simm.s32 $0x1;
	s12 =	simm.s32 $0x1F00;
	s11 =	rddreg [dreg:$0x8];
	[tilespmem:$0x1F00] =	vst v2  }
0xc1: {  	[hbm4b:s11+s7] =	stream.linear.scatter [tilespmem:s12], [sflag:$0x1], $0x10, $0x38;
	[tilespmem:$0x1F10] =	vst v63  }
0xc2: {  	_ =	swait.ge [sflag:s13], $0x10  }
0xc3: {  	[sflag:s13] =	ssyncset.done $0x0  }
0xc4: {  	v2 =	vmov s0;
	[sflag:s13] =	ssyncadd.s32 $0xFFFFFFF0  }
0xc5: {  	s14 =	rddreg [dreg:$0x16];
	[tilespmem:$0x1F00] =	vst v2  }
0xc6: {  	[hbm4b:s14+s7] =	stream.linear.scatter [tilespmem:s12], [sflag:$0x1], $0x10, $0x38;
	[tilespmem:$0x1F10] =	vst v63  }
0xc7: {  	_ =	swait.ge [sflag:s13], $0x10  }
0xc8: {  	[sflag:s13] =	ssyncset.done $0x0  }
0xc9: {  	s16 =	rddreg [dreg:$0x9];
	[sflag:s13] =	ssyncadd.s32 $0xFFFFFFF0  }
0xca: {  	[tilespmem:s7], [sflag:$0x1] =	stream.linear.gather [hbm4b:s16+s7], $0x500, $0x38;
	[tilespmem:$0x1F10] =	vst v63  }
0xcb: {  	_ =	swait.ge [sflag:s13], $0x500  }
0xcc: {  	[sflag:s13] =	ssyncset.done $0x0  }
0xcd: {  	s18 =	simm.s32 $0x500;
	s17 =	rddreg [dreg:$0xa];
	[sflag:s13] =	ssyncadd.s32 $0xFFFFFB00  }
0xce: {  	[tilespmem:s18], [sflag:$0x1] =	stream.linear.gather [hbm4b:s17+s7], $0x500, $0x38;
	[tilespmem:$0x1F10] =	vst v63  }
0xcf: {  	_ =	swait.ge [sflag:s13], $0x500  }
0xd0: {  	[sflag:s13] =	ssyncset.done $0x0  }
0xd1: {  	s23 =	simm.s32 $0x0;
	[sflag:s13] =	ssyncadd.s32 $0xFFFFFB00  }
0xd2: {  	v2 =	vld [tilespmem:s23+$0x500];
	_ =	sdelay $0x4  }
0xd3: {  	vm0 =	vlt.s32 v2, $0x1388  }
0xd4: {  	v3 =	vadd.s32 $0xFFFFEC78, v2;
	v4 =	vsel vm0, $0x1, v1  }
0xd5: {  	vm1 =	vlt.u32 v3, $0x1388;
	(xrf0) =	vadd.scan.msk.s32 $0xffff, v4  }
0xd6: {  	v5 =	vsel vm1, $0x1, v1  }
0xd7: {  	(xrf0) =	vadd.scan.msk.s32 $0xffff, v5;
	_ =	sdelay $0x3  }
0xd8: {  	v4, _, _ =	vpop (xrf0)  }
0xd9: {  	v5 =	vxor.u32 $0x80000000, v4  }
0xda: {  	v6, _, _ =	vpop (xrf0);
	(xrf0) =	vmax.scan.msk.u32 $0xffff, v5;
	v5 =	vmov s7  }
0xdb: {  	v7 =	vxor.u32 $0x80000000, v6;
	v5 =	vadd.s32 $0xFFFFFFFF, v5  }
0xdc: {  	(xrf0) =	vmax.scan.msk.u32 $0xffff, v7;
	v5 =	vbroadcast v5, $0x0;
	_ =	sdelay $0x1  }
0xdd: {  	v4 =	vadd.s32 v4, v5  }
0xde: {  	vm2 =	vgt.s32 v4, $0x0  }
0xdf: {  	v62 =	vld [tilespmem:s23+$0x0];
	v5 =	vadd.s32 v6, v5;
	v4 =	vnsel vm2, $0x0, v4  }
0xe0: {  	v61, _, _ =	vpop (xrf0);
	vm2 =	vgt.s32 v5, $0x0  }
0xe1: {  	(v2sf) =	vpush v61, $0xF;
	v63, _, _ =	vpop (xrf0);
	v5 =	vnsel vm2, $0x0, v5  }
0xe2: {  	(v2sf) =	vpush v63, $0xF;
	_ =	sdelay $0x1  }
0xe3: {  	[tilespmem:v4+s8+$0x0] =	vst.idx.msk vm0, v62  }
0xe4: {  	[tilespmem:v4+s9+$0x0] =	vst.idx.msk vm0, v2  }
0xe5: {  	[tilespmem:v5+s10+$0x0] =	vst.idx.msk vm1, v62  }
0xe6: {  	s23 =	simm.s32 $0x10;
	[tilespmem:v5+s29+$0x0] =	vst.idx.msk vm1, v3  }
0xe7: {  	v2 =	vld [tilespmem:s23+$0x500];
	_ =	sdelay $0x4  }
0xe8: {  	vm1 =	vlt.s32 v2, $0x1388;
	v3 =	vadd.s32 $0xFFFFEC78, v2  }
0xe9: {  	vm0 =	vlt.u32 v3, $0x1388;
	v4 =	vsel vm1, $0x1, v1  }
0xea: {  	v5 =	vsel vm0, $0x1, v1;
	(xrf0) =	vadd.scan.msk.s32 $0xffff, v4  }
0xeb: {  	s30 =	spop (v2sf);
	(xrf0) =	vadd.scan.msk.s32 $0xffff, v5  }
0xec: {  	s0 =	sadd.s32 $0x0, s30;
	s31 =	spop (v2sf)  }
0xed: {  	s2 =	simm.s32 $0x80;
	s0 =	sadd.s32 $0x80000000, s0;
	s1 =	sadd.s32 $0x0, s31  }
.LBB2_6:
0xee: {  	p0 =	sne.s32 s2, $0x13C0  }
0xef: {  	s3 =	sadd.s32 $0x80000000, s1;
	s1 =	smov.u32 s2;
	s2 =	sadd.s32 $0x40, s2  }
0xf0: {  	v4 =	vmov s0;
	v5 =	vmov s3;
	v6, _, _ =	vpop (xrf0)  }
0xf1: {  	v4 =	vadd.s32 $0xFFFFFFFF, v4;
	v5 =	vadd.s32 $0xFFFFFFFF, v5;
	v7 =	vxor.u32 $0x80000000, v6;
	v8, _, _ =	vpop (xrf0)  }
0xf2: {  	v4 =	vbroadcast v4, $0x0;
	v5 =	vbroadcast v5, $0x0;
	v9 =	vxor.u32 $0x80000000, v8;
	(xrf0) =	vmax.scan.msk.u32 $0xffff, v7  }
0xf3: {  	(xrf0) =	vmax.scan.msk.u32 $0xffff, v9  }
0xf4: {  	v4 =	vadd.s32 v6, v4;
	v5 =	vadd.s32 v8, v5  }
0xf5: {  	vm2 =	vgt.s32 v4, $0x0;
	vm3 =	vgt.s32 v5, $0x0  }
0xf6: {  	v4 =	vnsel vm2, $0x0, v4;
	v6 =	vld [tilespmem:s23+$0x0];
	_ =	sdelay $0x1  }
0xf7: {  	v5 =	vnsel vm3, $0x0, v5;
	v7, _, _ =	vpop (xrf0)  }
0xf8: {  	(v2sf) =	vpush v7, $0xF;
	v7, _, _ =	vpop (xrf0)  }
0xf9: {  	(v2sf) =	vpush v7, $0xF  }
0xfa: {  	[tilespmem:v4+s8+$0x0] =	vst.idx.msk vm1, v6  }
0xfb: {  	[tilespmem:v4+s9+$0x0] =	vst.idx.msk vm1, v2  }
0xfc: {  	[tilespmem:v5+s10+$0x0] =	vst.idx.msk vm0, v6  }
0xfd: {  	s23 =	sshra.s32 s1, $0x2;
	[tilespmem:v5+s29+$0x0] =	vst.idx.msk vm0, v3  }
0xfe: {  	v2 =	vld [tilespmem:s23+$0x500];
	_ =	sdelay $0x4  }
0xff: {  	vm1 =	vlt.s32 v2, $0x1388;
	v3 =	vadd.s32 $0xFFFFEC78, v2  }
0x100: {  	vm0 =	vlt.u32 v3, $0x1388;
	v4 =	vsel vm1, $0x1, v1  }
.Ltmp2:
0x101: {  	v5 =	vsel vm0, $0x1, v1;
	(xrf0) =	vadd.scan.msk.s32 $0xffff, v4;
	(pc) =	sbr.rel @p0 .LBB2_6-.Ltmp2, $4  }
0x102: {  	(xrf0) =	vadd.scan.msk.s32 $0xffff, v5  }
0x103: {  	s1 =	spop (v2sf)  }
0x104: {  	s0 =	sadd.s32 s1, s0;
	s1 =	spop (v2sf)  }
0x105: {  	s0 =	sadd.s32 $0x80000000, s0;
	s1 =	sadd.s32 s1, s3  }
0x106: {  	_ = 	snop  }
0x107: {  	v4, _, _ =	vpop (xrf0)  }
0x108: {  	v5 =	vxor.u32 $0x80000000, v4  }
0x109: {  	v6, _, _ =	vpop (xrf0);
	(xrf0) =	vmax.scan.msk.u32 $0xffff, v5  }
0x10a: {  	v58 =	vxor.u32 $0x80000000, v6  }
0x10b: {  	(xrf0) =	vmax.scan.msk.u32 $0xffff, v58;
	_ =	sdelay $0x3  }
0x10c: {  	v59, _, _ =	vpop (xrf0)  }
0x10d: {  	(v2sf) =	vpush v59, $0xF  }
0x10e: {  	v60, _, _ =	vpop (xrf0)  }
0x10f: {  	(v2sf) =	vpush v60, $0xF  }
0x110: {  	v61 =	vmov s0  }
0x111: {  	s1 =	sadd.s32 $0x80000000, s1;
	v5 =	vadd.s32 $0xFFFFFFFF, v61  }
0x112: {  	v7 =	vmov s1;
	v5 =	vbroadcast v5, $0x0  }
0x113: {  	v7 =	vadd.s32 $0xFFFFFFFF, v7  }
0x114: {  	v7 =	vbroadcast v7, $0x0;
	v4 =	vadd.s32 v4, v5  }
0x115: {  	vm2 =	vgt.s32 v4, $0x0  }
0x116: {  	v63 =	vld [tilespmem:s23+$0x0];
	v62 =	vadd.s32 v6, v7;
	v4 =	vnsel vm2, $0x0, v4  }
0x117: {  	vm15 =	vgt.s32 v62, $0x0  }
0x118: {  	v5 =	vnsel vm15, $0x0, v62;
	_ =	sdelay $0x2  }
0x119: {  	[tilespmem:v4+s8+$0x0] =	vst.idx.msk vm1, v63  }
0x11a: {  	[tilespmem:v4+s9+$0x0] =	vst.idx.msk vm1, v2;
	s2 =	spop (v2sf)  }
0x11b: {  	[tilespmem:v5+s10+$0x0] =	vst.idx.msk vm0, v63;
	s7 =	sadd.s32 s2, s0  }
0x11c: {  	[tilespmem:v5+s29+$0x0] =	vst.idx.msk vm0, v3;
	s11 =	spop (v2sf);
	s0 =	sadd.s32 $0x80000000, s7  }
0x11d: {  	s1 =	sadd.s32 s11, s1;
	[tilespmem:s0+$0xA00] =	vst v1  }
0x11e: {  	s1 =	sadd.s32 $0x80000000, s1;
	[tilespmem:s0+$0xF40] =	vst v0  }
0x11f: {  	[tilespmem:s1+$0x1480] =	vst v1  }
0x120: {  	[tilespmem:s1+$0x19C0] =	vst v0  }
0x121: {  	[tilespmem:s0+$0xA10] =	vst v1  }
0x122: {  	s12 =	sadd.s32 $0x3F, s0;
	[tilespmem:s0+$0xF50] =	vst v0  }
0x123: {  	s30 =	simm.s32 $0x10;
	s3 =	sand.u32 $0x3F, s12;
	[tilespmem:s1+$0x1490] =	vst v1  }
0x124: {  	s4 =	sshra.s32 s12, $0x1F;
	p0 =	slt.s32 s12, $0x1;
	s14 =	sadd.s32 $0x3F, s1;
	[tilespmem:s1+$0x19D0] =	vst v0  }
0x125: {  	p1 =	sne.s32 s3, $0x0;
	s13 =	sshrl.u32 s4, $0x1A;
	s3 =	simm.s32 $0x1;
	[tilespmem:s0+$0xA20] =	vst v1  }
0x126: {  	s16 =	sshra.s32 s14, $0x1F;
	s5 =	sand.u32 $0x3F, s14;
	p0 =	por !p0, !p1;
	[tilespmem:s0+$0xF60] =	vst v0  }
0x127: {  	p5 =	slt.s32 s14, $0x1;
	s2 =	sadd.s32 s13, s12;
	p0 =	por !p0, !p0;
	[tilespmem:s1+$0x14A0] =	vst v1  }
0x128: {  	p6 =	sne.s32 s5, $0x0;
	s2 =	sshrl.u32 s2, $0x6;
	s3 =	simm.s32 @!p0 $0x0;
	[tilespmem:s1+$0x19E0] =	vst v0  }
0x129: {  	p0 =	por !p5, !p6;
	s2 =	ssub.s32 s2, s3;
	s3 =	sshrl.u32 s16, $0x1A;
	[tilespmem:s0+$0xA30] =	vst v1  }
0x12a: {  	[tilespmem:s0+$0xF70] =	vst v0;
	p0 =	por !p0, !p0;
	s23 =	sshll.u32 s2, $0x6;
	s17 =	sadd.s32 s3, s14  }
0x12b: {  	s2 =	simm.s32 $0x1;
	[tilespmem:s1+$0x14B0] =	vst v1;
	s3 =	simm.s32 $0xA00;
	p1 =	sle.s32 s23, $0x0  }
0x12c: {  	[tilespmem:s1+$0x19F0] =	vst v0;
	s18 =	sshrl.u32 s17, $0x6;
	s2 =	simm.s32 @!p0 $0x0;
	s1 =	sadd.s32 @!p1 $0x0, s19  }
0x12d: {  	s4 =	simm.s32 @!p1 $0x0;
	s5 =	simm.s32 @!p1 $0x2;
	s0 =	ssub.s32 s18, s2  }
0x12e: {  	[hbm4b:s1+s4] =	stream.linear.scatter @!p1 [tilespmem:s3], [sflag:$0x2], $0x40, $0x38;
	[tilespmem:$0x1F10] =	vst v63  }
0x12f: {  	s7 =	simm.s32 $0x40;
	s0 =	sshll.u32 s0, $0x6;
	_ =	swait.ge @!p1 [sflag:s5], $0x40  }
0x130: {  	s1 =	simm.s32 $0xF40;
	[sflag:s5] =	ssyncset.done @!p1 $0x0;
	s18 =	rddreg [dreg:$0x13]  }
0x131: {  	p0 =	sle.s32 s0, $0x0;
	s2 =	sadd.s32 @!p1 $0x0, s18;
	[sflag:s5] =	ssyncadd.s32 @!p1 $0xFFFFFFC0  }
0x132: {  	[hbm4b:s2+s4] =	stream.linear.scatter @!p1 [tilespmem:s1], [sflag:$0x2], $0x40, $0x38;
	[tilespmem:$0x1F10] =	vst v63  }
0x133: {  	s3 =	simm.s32 @!p0 $0x0;
	s31 =	simm.s32 @!p0 $0x1;
	_ =	swait.ge @!p1 [sflag:s5], $0x40  }
0x134: {  	s1 =	simm.s32 $0x1480;
	[sflag:s5] =	ssyncset.done @!p1 $0x0;
	s17 =	rddreg [dreg:$0x12]  }
0x135: {  	s4 =	simm.s32 @!p0 $0x2;
	s2 =	sadd.s32 @!p0 $0x0, s17;
	[sflag:s5] =	ssyncadd.s32 @!p1 $0xFFFFFFC0  }
0x136: {  	[hbm4b:s2+s3] =	stream.linear.scatter @!p0 [tilespmem:s1], [sflag:$0x2], $0x40, $0x38;
	[tilespmem:$0x1F10] =	vst v63  }
0x137: {  	s5 =	simm.s32 $0xF80;
	s1 =	simm.s32 $0x19C0;
	_ =	swait.ge @!p0 [sflag:s4], $0x40  }
0x138: {  	s2 =	simm.s32 $0x8;
	[sflag:s4] =	ssyncset.done @!p0 $0x0;
	s16 =	rddreg [dreg:$0x11]  }
0x139: {  	s6 =	sadd.s32 @!p0 $0x0, s16;
	[sflag:s4] =	ssyncadd.s32 @!p0 $0xFFFFFFC0;
	s4 =	simm.s32 $0x14C0  }
0x13a: {  	[hbm4b:s6+s3] =	stream.linear.scatter @!p0 [tilespmem:s1], [sflag:$0x1], $0x40, $0x38;
	[tilespmem:$0x1F10] =	vst v63  }
0x13b: {  	s1 =	simm.s32 $0xA40;
	s3 =	simm.s32 $0x1A00;
	_ =	swait.ge @!p0 [sflag:s31], $0x40  }
.LBB2_8:
0x13c: {  	p2 =	sge.s32 s7, s23;
	[sflag:s31] =	ssyncset.done @!p0 $0x0;
	s6 =	smov.u32 s2  }
0x13d: {  	s2 =	smov.u32 s30;
	s30 =	sadd.s32 $0x8, s30;
	s11 =	smov.u32 s3  }
0x13e: {  	s12 =	sadd.s32 @!p2 s6, s19;
	s13 =	simm.s32 @!p2 $0x0;
	s14 =	simm.s32 @!p2 $0x2  }
0x13f: {  	p1 =	sne.s32 s30, $0xA0;
	[sflag:s31] =	ssyncadd.s32 @!p0 $0xFFFFFFC0  }
0x140: {  	[hbm4b:s12+s13] =	stream.linear.scatter @!p2 [tilespmem:s1], [sflag:$0x2], $0x40, $0x38;
	[tilespmem:$0x1F10] =	vst v63  }
0x141: {  	_ =	swait.ge @!p2 [sflag:s14], $0x40  }
0x142: {  	s12 =	sadd.s32 @!p2 s6, s18;
	[sflag:s14] =	ssyncset.done @!p2 $0x0  }
0x143: {  	[sflag:s14] =	ssyncadd.s32 @!p2 $0xFFFFFFC0  }
0x144: {  	[hbm4b:s12+s13] =	stream.linear.scatter @!p2 [tilespmem:s5], [sflag:$0x2], $0x40, $0x38;
	[tilespmem:$0x1F10] =	vst v63  }
0x145: {  	p0 =	sge.s32 s7, s0;
	_ =	swait.ge @!p2 [sflag:s14], $0x40  }
0x146: {  	s12 =	sadd.s32 @!p0 s6, s17;
	s13 =	simm.s32 @!p0 $0x0;
	[sflag:s14] =	ssyncset.done @!p2 $0x0  }
0x147: {  	[sflag:s14] =	ssyncadd.s32 @!p2 $0xFFFFFFC0;
	s14 =	simm.s32 @!p0 $0x2  }
0x148: {  	[hbm4b:s12+s13] =	stream.linear.scatter @!p0 [tilespmem:s4], [sflag:$0x2], $0x40, $0x38;
	[tilespmem:$0x1F10] =	vst v63  }
.Ltmp3:
0x149: {  	s5 =	sadd.s32 $0x40, s5;
	_ =	swait.ge @!p0 [sflag:s14], $0x40;
	(pc) =	sbr.rel @p1 .LBB2_8-.Ltmp3, $4  }
0x14a: {  	s1 =	sadd.s32 $0x40, s1;
	s6 =	sadd.s32 @!p0 s6, s16;
	[sflag:s14] =	ssyncset.done @!p0 $0x0  }
0x14b: {  	s3 =	sadd.s32 $0x40, s3;
	s31 =	simm.s32 @!p0 $0x1;
	[sflag:s14] =	ssyncadd.s32 @!p0 $0xFFFFFFC0  }
0x14c: {  	[hbm4b:s6+s13] =	stream.linear.scatter @!p0 [tilespmem:s11], [sflag:$0x1], $0x40, $0x38;
	[tilespmem:$0x1F10] =	vst v63  }
0x14d: {  	s7 =	sadd.s32 $0x40, s7;
	s4 =	sadd.s32 $0x40, s4;
	_ =	swait.ge @!p0 [sflag:s31], $0x40  }
0x14e: {  	p1 =	sge.s32 s7, s23;
	[sflag:s31] =	ssyncset.done @!p0 $0x0  }
0x14f: {  	s6 =	sadd.s32 @!p1 s2, s19;
	[sflag:s31] =	ssyncadd.s32 @!p0 $0xFFFFFFC0;
	s11 =	simm.s32 @!p1 $0x0  }
0x150: {  	[hbm4b:s6+s11] =	stream.linear.scatter @!p1 [tilespmem:s1], [sflag:$0x2], $0x40, $0x38;
	[tilespmem:$0x1F10] =	vst v63  }
0x151: {  	s1 =	simm.s32 @!p1 $0x2  }
0x152: {  	_ =	swait.ge @!p1 [sflag:s1], $0x40  }
0x153: {  	[sflag:s1] =	ssyncset.done @!p1 $0x0  }
0x154: {  	s6 =	sadd.s32 @!p1 s2, s18;
	[sflag:s1] =	ssyncadd.s32 @!p1 $0xFFFFFFC0  }
0x155: {  	[hbm4b:s6+s11] =	stream.linear.scatter @!p1 [tilespmem:s5], [sflag:$0x2], $0x40, $0x38;
	[tilespmem:$0x1F10] =	vst v63  }
0x156: {  	_ =	swait.ge @!p1 [sflag:s1], $0x40  }
0x157: {  	p0 =	sge.s32 s7, s0;
	[sflag:s1] =	ssyncset.done @!p1 $0x0  }
0x158: {  	s5 =	sadd.s32 @!p0 s2, s17;
	[sflag:s1] =	ssyncadd.s32 @!p1 $0xFFFFFFC0;
	s1 =	simm.s32 @!p0 $0x0  }
0x159: {  	[hbm4b:s5+s1] =	stream.linear.scatter @!p0 [tilespmem:s4], [sflag:$0x2], $0x40, $0x38;
	[tilespmem:$0x1F10] =	vst v63  }
0x15a: {  	s4 =	simm.s32 @!p0 $0x2  }
0x15b: {  	_ =	swait.ge @!p0 [sflag:s4], $0x40  }
0x15c: {  	[sflag:s4] =	ssyncset.done @!p0 $0x0  }
0x15d: {  	s2 =	sadd.s32 @!p0 s2, s16;
	[sflag:s4] =	ssyncadd.s32 @!p0 $0xFFFFFFC0  }
0x15e: {  	[hbm4b:s2+s1] =	stream.linear.scatter @!p0 [tilespmem:s3], [sflag:$0x1], $0x40, $0x38;
	[tilespmem:$0x1F10] =	vst v63  }
0x15f: {  	s1 =	simm.s32 @!p0 $0x1  }
0x160: {  	_ =	swait.ge @!p0 [sflag:s1], $0x40  }
0x161: {  	[sflag:s1] =	ssyncset.done @!p0 $0x0  }
0x162: {  	v2 =	vmov s23;
	s12 =	simm.s32 $0x1F00;
	[sflag:s1] =	ssyncadd.s32 @!p0 $0xFFFFFFC0  }
0x163: {  	s13 =	simm.s32 $0x1;
	s7 =	simm.s32 $0x0;
	s11 =	rddreg [dreg:$0x17];
	[tilespmem:$0x1F00] =	vst v2  }
0x164: {  	[hbm4b:s11+s7] =	stream.linear.scatter [tilespmem:s12], [sflag:$0x1], $0x10, $0x38;
	[tilespmem:$0x1F10] =	vst v63  }
0x165: {  	_ =	swait.ge [sflag:s13], $0x10  }
0x166: {  	[sflag:s13] =	ssyncset.done $0x0  }
0x167: {  	v2 =	vmov s0;
	[sflag:s13] =	ssyncadd.s32 $0xFFFFFFF0  }
0x168: {  	s14 =	rddreg [dreg:$0x18];
	[tilespmem:$0x1F00] =	vst v2  }
0x169: {  	[hbm4b:s14+s7] =	stream.linear.scatter [tilespmem:s12], [sflag:$0x1], $0x10, $0x38;
	[tilespmem:$0x1F10] =	vst v63  }
0x16a: {  	_ =	swait.ge [sflag:s13], $0x10  }
0x16b: {  	[sflag:s13] =	ssyncset.done $0x0  }
0x16c: {  	s16 =	rddreg [dreg:$0xb];
	[sflag:s13] =	ssyncadd.s32 $0xFFFFFFF0  }
0x16d: {  	[tilespmem:s7], [sflag:$0x1] =	stream.linear.gather [hbm4b:s16+s7], $0x500, $0x38;
	[tilespmem:$0x1F10] =	vst v63  }
0x16e: {  	_ =	swait.ge [sflag:s13], $0x500  }
0x16f: {  	[sflag:s13] =	ssyncset.done $0x0  }
0x170: {  	s18 =	simm.s32 $0x500;
	s17 =	rddreg [dreg:$0xc];
	[sflag:s13] =	ssyncadd.s32 $0xFFFFFB00  }
0x171: {  	[tilespmem:s18], [sflag:$0x1] =	stream.linear.gather [hbm4b:s17+s7], $0x500, $0x38;
	[tilespmem:$0x1F10] =	vst v63  }
0x172: {  	_ =	swait.ge [sflag:s13], $0x500  }
0x173: {  	[sflag:s13] =	ssyncset.done $0x0  }
0x174: {  	s23 =	simm.s32 $0x0;
	[sflag:s13] =	ssyncadd.s32 $0xFFFFFB00  }
0x175: {  	v2 =	vld [tilespmem:s23+$0x500];
	_ =	sdelay $0x4  }
0x176: {  	vm0 =	vlt.s32 v2, $0x1388  }
0x177: {  	v3 =	vadd.s32 $0xFFFFEC78, v2;
	v4 =	vsel vm0, $0x1, v1  }
0x178: {  	vm1 =	vlt.u32 v3, $0x1388;
	(xrf0) =	vadd.scan.msk.s32 $0xffff, v4  }
0x179: {  	v5 =	vsel vm1, $0x1, v1  }
0x17a: {  	(xrf0) =	vadd.scan.msk.s32 $0xffff, v5;
	_ =	sdelay $0x3  }
0x17b: {  	v4, _, _ =	vpop (xrf0)  }
0x17c: {  	v5 =	vxor.u32 $0x80000000, v4  }
0x17d: {  	v6, _, _ =	vpop (xrf0);
	(xrf0) =	vmax.scan.msk.u32 $0xffff, v5;
	v5 =	vmov s7  }
0x17e: {  	v7 =	vxor.u32 $0x80000000, v6;
	v5 =	vadd.s32 $0xFFFFFFFF, v5  }
0x17f: {  	(xrf0) =	vmax.scan.msk.u32 $0xffff, v7;
	v5 =	vbroadcast v5, $0x0;
	_ =	sdelay $0x1  }
0x180: {  	v4 =	vadd.s32 v4, v5  }
0x181: {  	vm2 =	vgt.s32 v4, $0x0  }
0x182: {  	v62 =	vld [tilespmem:s23+$0x0];
	v5 =	vadd.s32 v6, v5;
	v4 =	vnsel vm2, $0x0, v4  }
0x183: {  	v61, _, _ =	vpop (xrf0);
	vm2 =	vgt.s32 v5, $0x0  }
0x184: {  	(v2sf) =	vpush v61, $0xF;
	v63, _, _ =	vpop (xrf0);
	v5 =	vnsel vm2, $0x0, v5  }
0x185: {  	(v2sf) =	vpush v63, $0xF;
	_ =	sdelay $0x1  }
0x186: {  	[tilespmem:v4+s8+$0x0] =	vst.idx.msk vm0, v62  }
0x187: {  	[tilespmem:v4+s9+$0x0] =	vst.idx.msk vm0, v2  }
0x188: {  	[tilespmem:v5+s10+$0x0] =	vst.idx.msk vm1, v62  }
0x189: {  	s23 =	simm.s32 $0x10;
	[tilespmem:v5+s29+$0x0] =	vst.idx.msk vm1, v3  }
0x18a: {  	v2 =	vld [tilespmem:s23+$0x500];
	_ =	sdelay $0x4  }
0x18b: {  	vm1 =	vlt.s32 v2, $0x1388;
	v3 =	vadd.s32 $0xFFFFEC78, v2  }
0x18c: {  	vm0 =	vlt.u32 v3, $0x1388;
	v4 =	vsel vm1, $0x1, v1  }
0x18d: {  	v5 =	vsel vm0, $0x1, v1;
	(xrf0) =	vadd.scan.msk.s32 $0xffff, v4  }
0x18e: {  	s30 =	spop (v2sf);
	(xrf0) =	vadd.scan.msk.s32 $0xffff, v5  }
0x18f: {  	s0 =	sadd.s32 $0x0, s30;
	s31 =	spop (v2sf)  }
0x190: {  	s2 =	simm.s32 $0x80;
	s0 =	sadd.s32 $0x80000000, s0;
	s1 =	sadd.s32 $0x0, s31  }
.LBB2_10:
0x191: {  	p0 =	sne.s32 s2, $0x13C0  }
0x192: {  	s3 =	sadd.s32 $0x80000000, s1;
	s1 =	smov.u32 s2;
	s2 =	sadd.s32 $0x40, s2  }
0x193: {  	v4 =	vmov s0;
	v5 =	vmov s3;
	v6, _, _ =	vpop (xrf0)  }
0x194: {  	v4 =	vadd.s32 $0xFFFFFFFF, v4;
	v5 =	vadd.s32 $0xFFFFFFFF, v5;
	v7 =	vxor.u32 $0x80000000, v6;
	v8, _, _ =	vpop (xrf0)  }
0x195: {  	v4 =	vbroadcast v4, $0x0;
	v5 =	vbroadcast v5, $0x0;
	v9 =	vxor.u32 $0x80000000, v8;
	(xrf0) =	vmax.scan.msk.u32 $0xffff, v7  }
0x196: {  	(xrf0) =	vmax.scan.msk.u32 $0xffff, v9  }
0x197: {  	v4 =	vadd.s32 v6, v4;
	v5 =	vadd.s32 v8, v5  }
0x198: {  	vm2 =	vgt.s32 v4, $0x0;
	vm3 =	vgt.s32 v5, $0x0  }
0x199: {  	v4 =	vnsel vm2, $0x0, v4;
	v6 =	vld [tilespmem:s23+$0x0];
	_ =	sdelay $0x1  }
0x19a: {  	v5 =	vnsel vm3, $0x0, v5;
	v7, _, _ =	vpop (xrf0)  }
0x19b: {  	(v2sf) =	vpush v7, $0xF;
	v7, _, _ =	vpop (xrf0)  }
0x19c: {  	(v2sf) =	vpush v7, $0xF  }
0x19d: {  	[tilespmem:v4+s8+$0x0] =	vst.idx.msk vm1, v6  }
0x19e: {  	[tilespmem:v4+s9+$0x0] =	vst.idx.msk vm1, v2  }
0x19f: {  	[tilespmem:v5+s10+$0x0] =	vst.idx.msk vm0, v6  }
0x1a0: {  	s23 =	sshra.s32 s1, $0x2;
	[tilespmem:v5+s29+$0x0] =	vst.idx.msk vm0, v3  }
0x1a1: {  	v2 =	vld [tilespmem:s23+$0x500];
	_ =	sdelay $0x4  }
0x1a2: {  	vm1 =	vlt.s32 v2, $0x1388;
	v3 =	vadd.s32 $0xFFFFEC78, v2  }
0x1a3: {  	vm0 =	vlt.u32 v3, $0x1388;
	v4 =	vsel vm1, $0x1, v1  }
.Ltmp4:
0x1a4: {  	v5 =	vsel vm0, $0x1, v1;
	(xrf0) =	vadd.scan.msk.s32 $0xffff, v4;
	(pc) =	sbr.rel @p0 .LBB2_10-.Ltmp4, $4  }
0x1a5: {  	(xrf0) =	vadd.scan.msk.s32 $0xffff, v5  }
0x1a6: {  	s1 =	spop (v2sf)  }
0x1a7: {  	s0 =	sadd.s32 s1, s0;
	s1 =	spop (v2sf)  }
0x1a8: {  	s0 =	sadd.s32 $0x80000000, s0;
	s1 =	sadd.s32 s1, s3  }
0x1a9: {  	_ = 	snop  }
0x1aa: {  	v4, _, _ =	vpop (xrf0)  }
0x1ab: {  	v5 =	vxor.u32 $0x80000000, v4  }
0x1ac: {  	v6, _, _ =	vpop (xrf0);
	(xrf0) =	vmax.scan.msk.u32 $0xffff, v5  }
0x1ad: {  	v58 =	vxor.u32 $0x80000000, v6  }
0x1ae: {  	(xrf0) =	vmax.scan.msk.u32 $0xffff, v58;
	_ =	sdelay $0x3  }
0x1af: {  	v59, _, _ =	vpop (xrf0)  }
0x1b0: {  	(v2sf) =	vpush v59, $0xF  }
0x1b1: {  	v60, _, _ =	vpop (xrf0)  }
0x1b2: {  	(v2sf) =	vpush v60, $0xF  }
0x1b3: {  	v61 =	vmov s0  }
0x1b4: {  	s1 =	sadd.s32 $0x80000000, s1;
	v5 =	vadd.s32 $0xFFFFFFFF, v61  }
0x1b5: {  	v7 =	vmov s1;
	v5 =	vbroadcast v5, $0x0  }
0x1b6: {  	v7 =	vadd.s32 $0xFFFFFFFF, v7  }
0x1b7: {  	v7 =	vbroadcast v7, $0x0;
	v4 =	vadd.s32 v4, v5  }
0x1b8: {  	vm2 =	vgt.s32 v4, $0x0  }
0x1b9: {  	v63 =	vld [tilespmem:s23+$0x0];
	v62 =	vadd.s32 v6, v7;
	v4 =	vnsel vm2, $0x0, v4  }
0x1ba: {  	vm15 =	vgt.s32 v62, $0x0  }
0x1bb: {  	v5 =	vnsel vm15, $0x0, v62;
	_ =	sdelay $0x2  }
0x1bc: {  	[tilespmem:v4+s8+$0x0] =	vst.idx.msk vm1, v63  }
0x1bd: {  	[tilespmem:v4+s9+$0x0] =	vst.idx.msk vm1, v2;
	s2 =	spop (v2sf)  }
0x1be: {  	[tilespmem:v5+s10+$0x0] =	vst.idx.msk vm0, v63;
	s7 =	sadd.s32 s2, s0  }
0x1bf: {  	[tilespmem:v5+s29+$0x0] =	vst.idx.msk vm0, v3;
	s11 =	spop (v2sf);
	s0 =	sadd.s32 $0x80000000, s7  }
0x1c0: {  	s1 =	sadd.s32 s11, s1;
	[tilespmem:s0+$0xA00] =	vst v1  }
0x1c1: {  	s1 =	sadd.s32 $0x80000000, s1;
	[tilespmem:s0+$0xF40] =	vst v0  }
0x1c2: {  	[tilespmem:s1+$0x1480] =	vst v1  }
0x1c3: {  	[tilespmem:s1+$0x19C0] =	vst v0  }
0x1c4: {  	[tilespmem:s0+$0xA10] =	vst v1  }
0x1c5: {  	s12 =	sadd.s32 $0x3F, s0;
	[tilespmem:s0+$0xF50] =	vst v0  }
0x1c6: {  	s3 =	sand.u32 $0x3F, s12;
	s4 =	sshra.s32 s12, $0x1F;
	p0 =	slt.s32 s12, $0x1;
	[tilespmem:s1+$0x1490] =	vst v1  }
0x1c7: {  	s14 =	sadd.s32 $0x3F, s1;
	p1 =	sne.s32 s3, $0x0;
	s13 =	sshrl.u32 s4, $0x1A;
	[tilespmem:s1+$0x19D0] =	vst v0  }
0x1c8: {  	s3 =	simm.s32 $0x1;
	s5 =	sand.u32 $0x3F, s14;
	p0 =	por !p0, !p1;
	[tilespmem:s0+$0xA20] =	vst v1  }
0x1c9: {  	p5 =	slt.s32 s14, $0x1;
	s2 =	sadd.s32 s13, s12;
	p0 =	por !p0, !p0;
	[tilespmem:s0+$0xF60] =	vst v0  }
0x1ca: {  	p6 =	sne.s32 s5, $0x0;
	s2 =	sshrl.u32 s2, $0x6;
	s3 =	simm.s32 @!p0 $0x0;
	[tilespmem:s1+$0x14A0] =	vst v1  }
0x1cb: {  	s16 =	sshra.s32 s14, $0x1F;
	[tilespmem:s1+$0x19E0] =	vst v0;
	p0 =	por !p5, !p6;
	s2 =	ssub.s32 s2, s3  }
0x1cc: {  	s3 =	sshrl.u32 s16, $0x1A;
	[tilespmem:s0+$0xA30] =	vst v1;
	p0 =	por !p0, !p0;
	s23 =	sshll.u32 s2, $0x6  }
0x1cd: {  	[tilespmem:s0+$0xF70] =	vst v0;
	s17 =	sadd.s32 s3, s14;
	s2 =	simm.s32 $0x1;
	s3 =	simm.s32 $0xA00  }
0x1ce: {  	[tilespmem:s1+$0x14B0] =	vst v1;
	s18 =	sshrl.u32 s17, $0x6;
	s2 =	simm.s32 @!p0 $0x0;
	p1 =	sle.s32 s23, $0x0  }
0x1cf: {  	[tilespmem:s1+$0x19F0] =	vst v0;
	s1 =	sadd.s32 @!p1 $0x0, s22;
	s4 =	simm.s32 @!p1 $0x0;
	s5 =	simm.s32 @!p1 $0x2  }
0x1d0: {  	[hbm4b:s1+s4] =	stream.linear.scatter @!p1 [tilespmem:s3], [sflag:$0x2], $0x40, $0x38;
	[tilespmem:$0x1F10] =	vst v63  }
0x1d1: {  	s30 =	simm.s32 $0x10;
	s0 =	ssub.s32 s18, s2;
	_ =	swait.ge @!p1 [sflag:s5], $0x40  }
0x1d2: {  	s2 =	sadd.s32 @!p1 $0x0, s21;
	s0 =	sshll.u32 s0, $0x6;
	[sflag:s5] =	ssyncset.done @!p1 $0x0  }
0x1d3: {  	s1 =	simm.s32 $0xF40;
	p0 =	sle.s32 s0, $0x0;
	[sflag:s5] =	ssyncadd.s32 @!p1 $0xFFFFFFC0  }
0x1d4: {  	[hbm4b:s2+s4] =	stream.linear.scatter @!p1 [tilespmem:s1], [sflag:$0x2], $0x40, $0x38;
	[tilespmem:$0x1F10] =	vst v63  }
0x1d5: {  	s7 =	simm.s32 $0x40;
	s3 =	simm.s32 @!p0 $0x0;
	_ =	swait.ge @!p1 [sflag:s5], $0x40  }
0x1d6: {  	s31 =	simm.s32 @!p0 $0x1;
	s1 =	simm.s32 $0x1480;
	[sflag:s5] =	ssyncset.done @!p1 $0x0  }
0x1d7: {  	s2 =	sadd.s32 @!p0 $0x0, s20;
	s4 =	simm.s32 @!p0 $0x2;
	[sflag:s5] =	ssyncadd.s32 @!p1 $0xFFFFFFC0  }
0x1d8: {  	[hbm4b:s2+s3] =	stream.linear.scatter @!p0 [tilespmem:s1], [sflag:$0x2], $0x40, $0x38;
	[tilespmem:$0x1F10] =	vst v63  }
0x1d9: {  	s5 =	simm.s32 $0xF80;
	s1 =	simm.s32 $0x19C0;
	_ =	swait.ge @!p0 [sflag:s4], $0x40  }
0x1da: {  	s2 =	simm.s32 $0x8;
	[sflag:s4] =	ssyncset.done @!p0 $0x0;
	s18 =	rddreg [dreg:$0x14]  }
0x1db: {  	s6 =	sadd.s32 @!p0 $0x0, s18;
	[sflag:s4] =	ssyncadd.s32 @!p0 $0xFFFFFFC0;
	s4 =	simm.s32 $0x14C0  }
0x1dc: {  	[hbm4b:s6+s3] =	stream.linear.scatter @!p0 [tilespmem:s1], [sflag:$0x1], $0x40, $0x38;
	[tilespmem:$0x1F10] =	vst v63  }
0x1dd: {  	s1 =	simm.s32 $0xA40;
	s3 =	simm.s32 $0x1A00;
	_ =	swait.ge @!p0 [sflag:s31], $0x40  }
.LBB2_12:
0x1de: {  	p2 =	sge.s32 s7, s23;
	[sflag:s31] =	ssyncset.done @!p0 $0x0;
	s6 =	smov.u32 s2  }
0x1df: {  	s2 =	smov.u32 s30;
	s30 =	sadd.s32 $0x8, s30;
	s11 =	smov.u32 s3  }
0x1e0: {  	s12 =	sadd.s32 @!p2 s6, s22;
	s13 =	simm.s32 @!p2 $0x0;
	s14 =	simm.s32 @!p2 $0x2  }
0x1e1: {  	p1 =	sne.s32 s30, $0xA0;
	[sflag:s31] =	ssyncadd.s32 @!p0 $0xFFFFFFC0  }
0x1e2: {  	[hbm4b:s12+s13] =	stream.linear.scatter @!p2 [tilespmem:s1], [sflag:$0x2], $0x40, $0x38;
	[tilespmem:$0x1F10] =	vst v63  }
0x1e3: {  	_ =	swait.ge @!p2 [sflag:s14], $0x40  }
0x1e4: {  	s12 =	sadd.s32 @!p2 s6, s21;
	[sflag:s14] =	ssyncset.done @!p2 $0x0  }
0x1e5: {  	[sflag:s14] =	ssyncadd.s32 @!p2 $0xFFFFFFC0  }
0x1e6: {  	[hbm4b:s12+s13] =	stream.linear.scatter @!p2 [tilespmem:s5], [sflag:$0x2], $0x40, $0x38;
	[tilespmem:$0x1F10] =	vst v63  }
0x1e7: {  	p0 =	sge.s32 s7, s0;
	_ =	swait.ge @!p2 [sflag:s14], $0x40  }
0x1e8: {  	s12 =	sadd.s32 @!p0 s6, s20;
	s13 =	simm.s32 @!p0 $0x0;
	[sflag:s14] =	ssyncset.done @!p2 $0x0  }
0x1e9: {  	[sflag:s14] =	ssyncadd.s32 @!p2 $0xFFFFFFC0;
	s14 =	simm.s32 @!p0 $0x2  }
0x1ea: {  	[hbm4b:s12+s13] =	stream.linear.scatter @!p0 [tilespmem:s4], [sflag:$0x2], $0x40, $0x38;
	[tilespmem:$0x1F10] =	vst v63  }
.Ltmp5:
0x1eb: {  	s5 =	sadd.s32 $0x40, s5;
	_ =	swait.ge @!p0 [sflag:s14], $0x40;
	(pc) =	sbr.rel @p1 .LBB2_12-.Ltmp5, $4  }
0x1ec: {  	s1 =	sadd.s32 $0x40, s1;
	s6 =	sadd.s32 @!p0 s6, s18;
	[sflag:s14] =	ssyncset.done @!p0 $0x0  }
0x1ed: {  	s3 =	sadd.s32 $0x40, s3;
	s31 =	simm.s32 @!p0 $0x1;
	[sflag:s14] =	ssyncadd.s32 @!p0 $0xFFFFFFC0  }
0x1ee: {  	[hbm4b:s6+s13] =	stream.linear.scatter @!p0 [tilespmem:s11], [sflag:$0x1], $0x40, $0x38;
	[tilespmem:$0x1F10] =	vst v63  }
0x1ef: {  	s7 =	sadd.s32 $0x40, s7;
	s4 =	sadd.s32 $0x40, s4;
	_ =	swait.ge @!p0 [sflag:s31], $0x40  }
0x1f0: {  	p1 =	sge.s32 s7, s23;
	[sflag:s31] =	ssyncset.done @!p0 $0x0  }
0x1f1: {  	s6 =	sadd.s32 @!p1 s2, s22;
	[sflag:s31] =	ssyncadd.s32 @!p0 $0xFFFFFFC0;
	s11 =	simm.s32 @!p1 $0x0  }
0x1f2: {  	[hbm4b:s6+s11] =	stream.linear.scatter @!p1 [tilespmem:s1], [sflag:$0x2], $0x40, $0x38;
	[tilespmem:$0x1F10] =	vst v63  }
0x1f3: {  	s1 =	simm.s32 @!p1 $0x2  }
0x1f4: {  	_ =	swait.ge @!p1 [sflag:s1], $0x40  }
0x1f5: {  	[sflag:s1] =	ssyncset.done @!p1 $0x0  }
0x1f6: {  	s6 =	sadd.s32 @!p1 s2, s21;
	[sflag:s1] =	ssyncadd.s32 @!p1 $0xFFFFFFC0  }
0x1f7: {  	[hbm4b:s6+s11] =	stream.linear.scatter @!p1 [tilespmem:s5], [sflag:$0x2], $0x40, $0x38;
	[tilespmem:$0x1F10] =	vst v63  }
0x1f8: {  	_ =	swait.ge @!p1 [sflag:s1], $0x40  }
0x1f9: {  	p0 =	sge.s32 s7, s0;
	[sflag:s1] =	ssyncset.done @!p1 $0x0  }
0x1fa: {  	s5 =	sadd.s32 @!p0 s2, s20;
	[sflag:s1] =	ssyncadd.s32 @!p1 $0xFFFFFFC0;
	s1 =	simm.s32 @!p0 $0x0  }
0x1fb: {  	[hbm4b:s5+s1] =	stream.linear.scatter @!p0 [tilespmem:s4], [sflag:$0x2], $0x40, $0x38;
	[tilespmem:$0x1F10] =	vst v63  }
0x1fc: {  	s4 =	simm.s32 @!p0 $0x2  }
0x1fd: {  	_ =	swait.ge @!p0 [sflag:s4], $0x40  }
0x1fe: {  	[sflag:s4] =	ssyncset.done @!p0 $0x0  }
0x1ff: {  	s2 =	sadd.s32 @!p0 s2, s18;
	[sflag:s4] =	ssyncadd.s32 @!p0 $0xFFFFFFC0  }
0x200: {  	[hbm4b:s2+s1] =	stream.linear.scatter @!p0 [tilespmem:s3], [sflag:$0x1], $0x40, $0x38;
	[tilespmem:$0x1F10] =	vst v63  }
0x201: {  	s1 =	simm.s32 @!p0 $0x1  }
0x202: {  	_ =	swait.ge @!p0 [sflag:s1], $0x40  }
0x203: {  	[sflag:s1] =	ssyncset.done @!p0 $0x0  }
0x204: {  	v2 =	vmov s23;
	s12 =	simm.s32 $0x1F00;
	[sflag:s1] =	ssyncadd.s32 @!p0 $0xFFFFFFC0  }
0x205: {  	s13 =	simm.s32 $0x1;
	s7 =	simm.s32 $0x0;
	s11 =	rddreg [dreg:$0x19];
	[tilespmem:$0x1F00] =	vst v2  }
0x206: {  	[hbm4b:s11+s7] =	stream.linear.scatter [tilespmem:s12], [sflag:$0x1], $0x10, $0x38;
	[tilespmem:$0x1F10] =	vst v63  }
0x207: {  	_ =	swait.ge [sflag:s13], $0x10  }
0x208: {  	[sflag:s13] =	ssyncset.done $0x0  }
0x209: {  	v2 =	vmov s0;
	[sflag:s13] =	ssyncadd.s32 $0xFFFFFFF0  }
0x20a: {  	s14 =	rddreg [dreg:$0x1a];
	[tilespmem:$0x1F00] =	vst v2  }
0x20b: {  	[hbm4b:s14+s7] =	stream.linear.scatter [tilespmem:s12], [sflag:$0x1], $0x10, $0x38;
	[tilespmem:$0x1F10] =	vst v63  }
0x20c: {  	_ =	swait.ge [sflag:s13], $0x10  }
0x20d: {  	[sflag:s13] =	ssyncset.done $0x0  }
0x20e: {  	s16 =	rddreg [dreg:$0xd];
	[sflag:s13] =	ssyncadd.s32 $0xFFFFFFF0  }
0x20f: {  	[tilespmem:s7], [sflag:$0x1] =	stream.linear.gather [hbm4b:s16+s7], $0x500, $0x38;
	[tilespmem:$0x1F10] =	vst v63  }
0x210: {  	_ =	swait.ge [sflag:s13], $0x500  }
0x211: {  	[sflag:s13] =	ssyncset.done $0x0  }
0x212: {  	s18 =	simm.s32 $0x500;
	s17 =	rddreg [dreg:$0xe];
	[sflag:s13] =	ssyncadd.s32 $0xFFFFFB00  }
0x213: {  	[tilespmem:s18], [sflag:$0x1] =	stream.linear.gather [hbm4b:s17+s7], $0x500, $0x38;
	[tilespmem:$0x1F10] =	vst v63  }
0x214: {  	_ =	swait.ge [sflag:s13], $0x500  }
0x215: {  	[sflag:s13] =	ssyncset.done $0x0  }
0x216: {  	s23 =	simm.s32 $0x0;
	[sflag:s13] =	ssyncadd.s32 $0xFFFFFB00  }
0x217: {  	v2 =	vld [tilespmem:s23+$0x500];
	_ =	sdelay $0x4  }
0x218: {  	vm0 =	vlt.s32 v2, $0x1388  }
0x219: {  	v3 =	vadd.s32 $0xFFFFEC78, v2;
	v4 =	vsel vm0, $0x1, v1  }
0x21a: {  	vm1 =	vlt.u32 v3, $0x1388;
	(xrf0) =	vadd.scan.msk.s32 $0xffff, v4  }
0x21b: {  	v5 =	vsel vm1, $0x1, v1  }
0x21c: {  	(xrf0) =	vadd.scan.msk.s32 $0xffff, v5;
	_ =	sdelay $0x3  }
0x21d: {  	v4, _, _ =	vpop (xrf0)  }
0x21e: {  	v5 =	vxor.u32 $0x80000000, v4  }
0x21f: {  	v6, _, _ =	vpop (xrf0);
	(xrf0) =	vmax.scan.msk.u32 $0xffff, v5;
	v5 =	vmov s7  }
0x220: {  	v7 =	vxor.u32 $0x80000000, v6;
	v5 =	vadd.s32 $0xFFFFFFFF, v5  }
0x221: {  	(xrf0) =	vmax.scan.msk.u32 $0xffff, v7;
	v5 =	vbroadcast v5, $0x0;
	_ =	sdelay $0x1  }
0x222: {  	v4 =	vadd.s32 v4, v5  }
0x223: {  	vm2 =	vgt.s32 v4, $0x0  }
0x224: {  	v62 =	vld [tilespmem:s23+$0x0];
	v5 =	vadd.s32 v6, v5;
	v4 =	vnsel vm2, $0x0, v4  }
0x225: {  	v61, _, _ =	vpop (xrf0);
	vm2 =	vgt.s32 v5, $0x0  }
0x226: {  	(v2sf) =	vpush v61, $0xF;
	v63, _, _ =	vpop (xrf0);
	v5 =	vnsel vm2, $0x0, v5  }
0x227: {  	(v2sf) =	vpush v63, $0xF;
	_ =	sdelay $0x1  }
0x228: {  	[tilespmem:v4+s8+$0x0] =	vst.idx.msk vm0, v62  }
0x229: {  	[tilespmem:v4+s9+$0x0] =	vst.idx.msk vm0, v2  }
0x22a: {  	[tilespmem:v5+s10+$0x0] =	vst.idx.msk vm1, v62  }
0x22b: {  	s23 =	simm.s32 $0x10;
	[tilespmem:v5+s29+$0x0] =	vst.idx.msk vm1, v3  }
0x22c: {  	v2 =	vld [tilespmem:s23+$0x500];
	_ =	sdelay $0x4  }
0x22d: {  	vm1 =	vlt.s32 v2, $0x1388;
	v3 =	vadd.s32 $0xFFFFEC78, v2  }
0x22e: {  	vm0 =	vlt.u32 v3, $0x1388;
	v4 =	vsel vm1, $0x1, v1  }
0x22f: {  	v5 =	vsel vm0, $0x1, v1;
	(xrf0) =	vadd.scan.msk.s32 $0xffff, v4  }
0x230: {  	s30 =	spop (v2sf);
	(xrf0) =	vadd.scan.msk.s32 $0xffff, v5  }
0x231: {  	s0 =	sadd.s32 $0x0, s30;
	s31 =	spop (v2sf)  }
0x232: {  	s2 =	simm.s32 $0x80;
	s0 =	sadd.s32 $0x80000000, s0;
	s1 =	sadd.s32 $0x0, s31  }
.LBB2_14:
0x233: {  	p0 =	sne.s32 s2, $0x13C0  }
0x234: {  	s3 =	sadd.s32 $0x80000000, s1;
	s1 =	smov.u32 s2;
	s2 =	sadd.s32 $0x40, s2  }
0x235: {  	v4 =	vmov s0;
	v5 =	vmov s3;
	v6, _, _ =	vpop (xrf0)  }
0x236: {  	v4 =	vadd.s32 $0xFFFFFFFF, v4;
	v5 =	vadd.s32 $0xFFFFFFFF, v5;
	v7 =	vxor.u32 $0x80000000, v6;
	v8, _, _ =	vpop (xrf0)  }
0x237: {  	v4 =	vbroadcast v4, $0x0;
	v5 =	vbroadcast v5, $0x0;
	v9 =	vxor.u32 $0x80000000, v8;
	(xrf0) =	vmax.scan.msk.u32 $0xffff, v7  }
0x238: {  	(xrf0) =	vmax.scan.msk.u32 $0xffff, v9  }
0x239: {  	v4 =	vadd.s32 v6, v4;
	v5 =	vadd.s32 v8, v5  }
0x23a: {  	vm2 =	vgt.s32 v4, $0x0;
	vm3 =	vgt.s32 v5, $0x0  }
0x23b: {  	v4 =	vnsel vm2, $0x0, v4;
	v6 =	vld [tilespmem:s23+$0x0];
	_ =	sdelay $0x1  }
0x23c: {  	v5 =	vnsel vm3, $0x0, v5;
	v7, _, _ =	vpop (xrf0)  }
0x23d: {  	(v2sf) =	vpush v7, $0xF;
	v7, _, _ =	vpop (xrf0)  }
0x23e: {  	(v2sf) =	vpush v7, $0xF  }
0x23f: {  	[tilespmem:v4+s8+$0x0] =	vst.idx.msk vm1, v6  }
0x240: {  	[tilespmem:v4+s9+$0x0] =	vst.idx.msk vm1, v2  }
0x241: {  	[tilespmem:v5+s10+$0x0] =	vst.idx.msk vm0, v6  }
0x242: {  	s23 =	sshra.s32 s1, $0x2;
	[tilespmem:v5+s29+$0x0] =	vst.idx.msk vm0, v3  }
0x243: {  	v2 =	vld [tilespmem:s23+$0x500];
	_ =	sdelay $0x4  }
0x244: {  	vm1 =	vlt.s32 v2, $0x1388;
	v3 =	vadd.s32 $0xFFFFEC78, v2  }
0x245: {  	vm0 =	vlt.u32 v3, $0x1388;
	v4 =	vsel vm1, $0x1, v1  }
.Ltmp6:
0x246: {  	v5 =	vsel vm0, $0x1, v1;
	(xrf0) =	vadd.scan.msk.s32 $0xffff, v4;
	(pc) =	sbr.rel @p0 .LBB2_14-.Ltmp6, $4  }
0x247: {  	(xrf0) =	vadd.scan.msk.s32 $0xffff, v5  }
0x248: {  	s1 =	spop (v2sf)  }
0x249: {  	s0 =	sadd.s32 s1, s0;
	s1 =	spop (v2sf)  }
0x24a: {  	s0 =	sadd.s32 $0x80000000, s0;
	s1 =	sadd.s32 s1, s3  }
0x24b: {  	_ = 	snop  }
0x24c: {  	v4, _, _ =	vpop (xrf0)  }
0x24d: {  	v5 =	vxor.u32 $0x80000000, v4  }
0x24e: {  	v6, _, _ =	vpop (xrf0);
	(xrf0) =	vmax.scan.msk.u32 $0xffff, v5  }
0x24f: {  	v58 =	vxor.u32 $0x80000000, v6  }
0x250: {  	(xrf0) =	vmax.scan.msk.u32 $0xffff, v58;
	_ =	sdelay $0x3  }
0x251: {  	v59, _, _ =	vpop (xrf0)  }
0x252: {  	(v2sf) =	vpush v59, $0xF  }
0x253: {  	v60, _, _ =	vpop (xrf0)  }
0x254: {  	(v2sf) =	vpush v60, $0xF  }
0x255: {  	v61 =	vmov s0  }
0x256: {  	s1 =	sadd.s32 $0x80000000, s1;
	v5 =	vadd.s32 $0xFFFFFFFF, v61  }
0x257: {  	v7 =	vmov s1;
	v5 =	vbroadcast v5, $0x0  }
0x258: {  	v7 =	vadd.s32 $0xFFFFFFFF, v7  }
0x259: {  	v7 =	vbroadcast v7, $0x0;
	v4 =	vadd.s32 v4, v5  }
0x25a: {  	vm2 =	vgt.s32 v4, $0x0  }
0x25b: {  	v63 =	vld [tilespmem:s23+$0x0];
	v62 =	vadd.s32 v6, v7;
	v4 =	vnsel vm2, $0x0, v4  }
0x25c: {  	vm15 =	vgt.s32 v62, $0x0  }
0x25d: {  	v5 =	vnsel vm15, $0x0, v62;
	_ =	sdelay $0x2  }
0x25e: {  	[tilespmem:v4+s8+$0x0] =	vst.idx.msk vm1, v63  }
0x25f: {  	[tilespmem:v4+s9+$0x0] =	vst.idx.msk vm1, v2;
	s2 =	spop (v2sf)  }
0x260: {  	[tilespmem:v5+s10+$0x0] =	vst.idx.msk vm0, v63;
	s7 =	sadd.s32 s2, s0  }
0x261: {  	[tilespmem:v5+s29+$0x0] =	vst.idx.msk vm0, v3;
	s11 =	spop (v2sf);
	s0 =	sadd.s32 $0x80000000, s7  }
0x262: {  	s1 =	sadd.s32 s11, s1;
	[tilespmem:s0+$0xA00] =	vst v1  }
0x263: {  	s1 =	sadd.s32 $0x80000000, s1;
	[tilespmem:s0+$0xF40] =	vst v0  }
0x264: {  	[tilespmem:s1+$0x1480] =	vst v1  }
0x265: {  	[tilespmem:s1+$0x19C0] =	vst v0  }
0x266: {  	[tilespmem:s0+$0xA10] =	vst v1  }
0x267: {  	s12 =	sadd.s32 $0x3F, s0;
	[tilespmem:s0+$0xF50] =	vst v0  }
0x268: {  	s30 =	simm.s32 $0x10;
	s3 =	sand.u32 $0x3F, s12;
	[tilespmem:s1+$0x1490] =	vst v1  }
0x269: {  	s4 =	sshra.s32 s12, $0x1F;
	p0 =	slt.s32 s12, $0x1;
	s14 =	sadd.s32 $0x3F, s1;
	[tilespmem:s1+$0x19D0] =	vst v0  }
0x26a: {  	p1 =	sne.s32 s3, $0x0;
	s13 =	sshrl.u32 s4, $0x1A;
	s3 =	simm.s32 $0x1;
	[tilespmem:s0+$0xA20] =	vst v1  }
0x26b: {  	s16 =	sshra.s32 s14, $0x1F;
	s5 =	sand.u32 $0x3F, s14;
	p0 =	por !p0, !p1;
	[tilespmem:s0+$0xF60] =	vst v0  }
0x26c: {  	p5 =	slt.s32 s14, $0x1;
	s2 =	sadd.s32 s13, s12;
	p0 =	por !p0, !p0;
	[tilespmem:s1+$0x14A0] =	vst v1  }
0x26d: {  	p6 =	sne.s32 s5, $0x0;
	s2 =	sshrl.u32 s2, $0x6;
	s3 =	simm.s32 @!p0 $0x0;
	[tilespmem:s1+$0x19E0] =	vst v0  }
0x26e: {  	p0 =	por !p5, !p6;
	s2 =	ssub.s32 s2, s3;
	s3 =	sshrl.u32 s16, $0x1A;
	[tilespmem:s0+$0xA30] =	vst v1  }
0x26f: {  	[tilespmem:s0+$0xF70] =	vst v0;
	p0 =	por !p0, !p0;
	s23 =	sshll.u32 s2, $0x6;
	s17 =	sadd.s32 s3, s14  }
0x270: {  	s2 =	simm.s32 $0x1;
	[tilespmem:s1+$0x14B0] =	vst v1;
	s3 =	simm.s32 $0xA00;
	p1 =	sle.s32 s23, $0x0  }
0x271: {  	[tilespmem:s1+$0x19F0] =	vst v0;
	s1 =	sadd.s32 @!p1 $0x0, s28;
	s4 =	simm.s32 @!p1 $0x0;
	s5 =	simm.s32 @!p1 $0x2  }
0x272: {  	[hbm4b:s1+s4] =	stream.linear.scatter @!p1 [tilespmem:s3], [sflag:$0x2], $0x40, $0x38;
	[tilespmem:$0x1F10] =	vst v63  }
0x273: {  	s18 =	sshrl.u32 s17, $0x6;
	s2 =	simm.s32 @!p0 $0x0;
	_ =	swait.ge @!p1 [sflag:s5], $0x40  }
0x274: {  	s0 =	ssub.s32 s18, s2;
	s2 =	sadd.s32 @!p1 $0x0, s26;
	[sflag:s5] =	ssyncset.done @!p1 $0x0  }
0x275: {  	s0 =	sshll.u32 s0, $0x6;
	s1 =	simm.s32 $0xF40;
	[sflag:s5] =	ssyncadd.s32 @!p1 $0xFFFFFFC0  }
0x276: {  	[hbm4b:s2+s4] =	stream.linear.scatter @!p1 [tilespmem:s1], [sflag:$0x2], $0x40, $0x38;
	[tilespmem:$0x1F10] =	vst v63  }
0x277: {  	s7 =	simm.s32 $0x40;
	p0 =	sle.s32 s0, $0x0;
	_ =	swait.ge @!p1 [sflag:s5], $0x40  }
0x278: {  	s3 =	simm.s32 @!p0 $0x0;
	s1 =	simm.s32 $0x1480;
	[sflag:s5] =	ssyncset.done @!p1 $0x0  }
0x279: {  	s2 =	sadd.s32 @!p0 $0x0, s25;
	s4 =	simm.s32 @!p0 $0x2;
	[sflag:s5] =	ssyncadd.s32 @!p1 $0xFFFFFFC0  }
0x27a: {  	[hbm4b:s2+s3] =	stream.linear.scatter @!p0 [tilespmem:s1], [sflag:$0x2], $0x40, $0x38;
	[tilespmem:$0x1F10] =	vst v63  }
0x27b: {  	s6 =	sadd.s32 @!p0 $0x0, s24;
	s31 =	simm.s32 @!p0 $0x1;
	_ =	swait.ge @!p0 [sflag:s4], $0x40  }
0x27c: {  	s5 =	simm.s32 $0xF80;
	s1 =	simm.s32 $0x19C0;
	[sflag:s4] =	ssyncset.done @!p0 $0x0  }
0x27d: {  	s2 =	simm.s32 $0x8;
	[sflag:s4] =	ssyncadd.s32 @!p0 $0xFFFFFFC0;
	s4 =	simm.s32 $0x14C0  }
0x27e: {  	[hbm4b:s6+s3] =	stream.linear.scatter @!p0 [tilespmem:s1], [sflag:$0x1], $0x40, $0x38;
	[tilespmem:$0x1F10] =	vst v63  }
0x27f: {  	s1 =	simm.s32 $0xA40;
	s3 =	simm.s32 $0x1A00;
	_ =	swait.ge @!p0 [sflag:s31], $0x40  }
.LBB2_16:
0x280: {  	p2 =	sge.s32 s7, s23;
	[sflag:s31] =	ssyncset.done @!p0 $0x0;
	s6 =	smov.u32 s2  }
0x281: {  	s2 =	smov.u32 s30;
	s30 =	sadd.s32 $0x8, s30;
	s11 =	smov.u32 s3  }
0x282: {  	s12 =	sadd.s32 @!p2 s6, s28;
	s13 =	simm.s32 @!p2 $0x0;
	s14 =	simm.s32 @!p2 $0x2  }
0x283: {  	p1 =	sne.s32 s30, $0xA0;
	[sflag:s31] =	ssyncadd.s32 @!p0 $0xFFFFFFC0  }
0x284: {  	[hbm4b:s12+s13] =	stream.linear.scatter @!p2 [tilespmem:s1], [sflag:$0x2], $0x40, $0x38;
	[tilespmem:$0x1F10] =	vst v63  }
0x285: {  	_ =	swait.ge @!p2 [sflag:s14], $0x40  }
0x286: {  	s12 =	sadd.s32 @!p2 s6, s26;
	[sflag:s14] =	ssyncset.done @!p2 $0x0  }
0x287: {  	[sflag:s14] =	ssyncadd.s32 @!p2 $0xFFFFFFC0  }
0x288: {  	[hbm4b:s12+s13] =	stream.linear.scatter @!p2 [tilespmem:s5], [sflag:$0x2], $0x40, $0x38;
	[tilespmem:$0x1F10] =	vst v63  }
0x289: {  	p0 =	sge.s32 s7, s0;
	_ =	swait.ge @!p2 [sflag:s14], $0x40  }
0x28a: {  	s12 =	sadd.s32 @!p0 s6, s25;
	s13 =	simm.s32 @!p0 $0x0;
	[sflag:s14] =	ssyncset.done @!p2 $0x0  }
0x28b: {  	[sflag:s14] =	ssyncadd.s32 @!p2 $0xFFFFFFC0;
	s14 =	simm.s32 @!p0 $0x2  }
0x28c: {  	[hbm4b:s12+s13] =	stream.linear.scatter @!p0 [tilespmem:s4], [sflag:$0x2], $0x40, $0x38;
	[tilespmem:$0x1F10] =	vst v63  }
.Ltmp7:
0x28d: {  	s5 =	sadd.s32 $0x40, s5;
	_ =	swait.ge @!p0 [sflag:s14], $0x40;
	(pc) =	sbr.rel @p1 .LBB2_16-.Ltmp7, $4  }
0x28e: {  	s1 =	sadd.s32 $0x40, s1;
	s6 =	sadd.s32 @!p0 s6, s24;
	[sflag:s14] =	ssyncset.done @!p0 $0x0  }
0x28f: {  	s3 =	sadd.s32 $0x40, s3;
	s31 =	simm.s32 @!p0 $0x1;
	[sflag:s14] =	ssyncadd.s32 @!p0 $0xFFFFFFC0  }
0x290: {  	[hbm4b:s6+s13] =	stream.linear.scatter @!p0 [tilespmem:s11], [sflag:$0x1], $0x40, $0x38;
	[tilespmem:$0x1F10] =	vst v63  }
0x291: {  	s7 =	sadd.s32 $0x40, s7;
	s4 =	sadd.s32 $0x40, s4;
	_ =	swait.ge @!p0 [sflag:s31], $0x40  }
0x292: {  	p1 =	sge.s32 s7, s23  }
0x293: {  	[sflag:s31] =	ssyncset.done @!p0 $0x0;
	s6 =	sadd.s32 @!p1 s2, s28  }
0x294: {  	s11 =	simm.s32 @!p1 $0x0;
	s12 =	simm.s32 @!p1 $0x2;
	[sflag:s31] =	ssyncadd.s32 @!p0 $0xFFFFFFC0  }
0x295: {  	[hbm4b:s6+s11] =	stream.linear.scatter @!p1 [tilespmem:s1], [sflag:$0x2], $0x40, $0x38;
	[tilespmem:$0x1F10] =	vst v63  }
0x296: {  	_ =	swait.ge @!p1 [sflag:s12], $0x40  }
0x297: {  	[sflag:s12] =	ssyncset.done @!p1 $0x0  }
0x298: {  	s1 =	sadd.s32 @!p1 s2, s26;
	[sflag:s12] =	ssyncadd.s32 @!p1 $0xFFFFFFC0  }
0x299: {  	[hbm4b:s1+s11] =	stream.linear.scatter @!p1 [tilespmem:s5], [sflag:$0x2], $0x40, $0x38;
	[tilespmem:$0x1F10] =	vst v63  }
0x29a: {  	p0 =	sge.s32 s7, s0;
	_ =	swait.ge @!p1 [sflag:s12], $0x40  }
0x29b: {  	s6 =	simm.s32 @!p0 $0x2;
	[sflag:s12] =	ssyncset.done @!p1 $0x0  }
0x29c: {  	s1 =	sadd.s32 @!p0 s2, s25;
	s5 =	simm.s32 @!p0 $0x0;
	[sflag:s12] =	ssyncadd.s32 @!p1 $0xFFFFFFC0  }
0x29d: {  	[hbm4b:s1+s5] =	stream.linear.scatter @!p0 [tilespmem:s4], [sflag:$0x2], $0x40, $0x38;
	[tilespmem:$0x1F10] =	vst v63  }
0x29e: {  	_ =	swait.ge @!p0 [sflag:s6], $0x40  }
0x29f: {  	[sflag:s6] =	ssyncset.done @!p0 $0x0  }
0x2a0: {  	s1 =	sadd.s32 @!p0 s2, s24;
	s2 =	simm.s32 @!p0 $0x1;
	[sflag:s6] =	ssyncadd.s32 @!p0 $0xFFFFFFC0  }
0x2a1: {  	[hbm4b:s1+s5] =	stream.linear.scatter @!p0 [tilespmem:s3], [sflag:$0x1], $0x40, $0x38;
	[tilespmem:$0x1F10] =	vst v63  }
0x2a2: {  	_ =	swait.ge @!p0 [sflag:s2], $0x40  }
0x2a3: {  	[sflag:s2] =	ssyncset.done @!p0 $0x0  }
0x2a4: {  	v2 =	vmov s23;
	s18 =	simm.s32 $0x1F00;
	[sflag:s2] =	ssyncadd.s32 @!p0 $0xFFFFFFC0  }
0x2a5: {  	s12 =	simm.s32 $0x0;
	s1 =	simm.s32 $0x1;
	s17 =	rddreg [dreg:$0x1b];
	[tilespmem:$0x1F00] =	vst v2  }
0x2a6: {  	[hbm4b:s17+s12] =	stream.linear.scatter [tilespmem:s18], [sflag:$0x1], $0x10, $0x38;
	[tilespmem:$0x1F10] =	vst v63  }
0x2a7: {  	_ =	swait.ge [sflag:s1], $0x10  }
0x2a8: {  	[sflag:s1] =	ssyncset.done $0x0  }
0x2a9: {  	v2 =	vmov s0;
	[sflag:s1] =	ssyncadd.s32 $0xFFFFFFF0  }
0x2aa: {  	s23 =	rddreg [dreg:$0x1c];
	[tilespmem:$0x1F00] =	vst v2  }
0x2ab: {  	[hbm4b:s23+s12] =	stream.linear.scatter [tilespmem:s18], [sflag:$0x1], $0x10, $0x38;
	[tilespmem:$0x1F10] =	vst v63  }
0x2ac: {  	_ =	swait.ge [sflag:s1], $0x10  }
0x2ad: {  	s30 =	rddreg [dreg:$0x1d]  }
0x2ae: {  	s31 =	rddreg [dreg:$0x15];
	s2 =	sadd.s32 $0x1, s30  }
0x2af: {  	p0 =	sne.s32 s2, s31  }
.Ltmp8:
0x2b0: {  	_ = 	snop;
	(pc) =	sbr.rel @p0 .LBB2_1-.Ltmp8, $3  }
0x2b1: {  	_ =	sdelay $0x1  }
0x2b2: {  	[sflag:s1] =	ssyncset.done $0x0;
	s7 =	rddreg [dreg:$0xf]  }
0x2b3: {  	s14 =	rddreg [dreg:$0x10];
	[sflag:s1] =	ssyncadd.s32 $0xFFFFFFF0  }
0x2b4: {  	_ =	sfence.sel $0x180000  }
0x2b5: {  	[bflag:$0x0] =	sbarrier.arrive $0xFFFF  }
0x2b6: {  	_ =	strace $0x90000047  }
0x2b7: {  	s0 =	stileid.u32;
	[bflag:$0x2] =	sbarrier.arrive $0xFFFF  }
0x2b8: {  	p0 =	sne.s32 s0, $0x0;
	s0 =	rddreg [dreg:$0x4]  }
0x2b9: {  	s0 =	sadd.s32 @!p0 $0x100000, s0  }
0x2ba: {  	[sflag:s0] =	ssyncadd.tile.s32 @!p0 $0x1;
	_ =	shalt  }
.Lfunc_end2:
_tile_overlayer_lowered:
.L_overlay_start_2:
0x2bb: {  	(tag) =	ssettag $0x2  }
0x2bc: {  	s0 =	rddreg [dreg:$0x0];
	s2 =	stileid.u32  }
0x2bd: {  	s1 =	rddreg [dreg:$0x1];
	p0 =	sne.s32 s2, $0x0  }
0x2be: {  	s3 =	rddreg [dreg:$0x2];
	[bflag:$0x3] =	sbarrier.arrive $0xFFFF;
	s2 =	simm.s32 @!p0 $0x1C01  }
0x2bf: {  	[timem:s3], [sflag:s2] =	dma.local @!p0 [hbm:s0], s1  }
0x2c0: {  	s0 =	simm.s32 @!p0 $0x1  }
0x2c1: {  	_ =	swait.ge @!p0 [sflag:s0], s1  }
0x2c2: {  	s1 =	ssub.s32 @!p0 $0x0, s1;
	[sflag:s0] =	ssyncset.done @!p0 $0x0  }
0x2c3: {  	[sflag:s0] =	ssyncadd.s32 @!p0 s1  }
0x2c4: {  	[bflag:$0x3] =	sbarrier.arrive $0xFFFF  }
0x2c5: {  	_ =	shalt  }

</sc_bundles>
